<compile_context>
chip_gen: v7x
topology: tpu7x:2x2x1
jax: 0.10.2.dev20260603
libtpu: 0.0.44.dev20260713+nightly
codegen_flags: <defaults>
</compile_context>

<pallas_src>
import functools

import jax
import jax.numpy as jnp
import numpy as np
from jax import lax
from jax.experimental import pallas as pl
from jax.experimental.pallas import tpu as pltpu
from jax.experimental.pallas import tpu_sc as plsc

N = 10000
E = 320000
D = 128
NC, NS = 2, 16
NW = NC * NS
CH = 128
NCH = 80
EPW = NCH * CH
E_PAD = NW * EPW
N_ACC = 10016
RPS = 632
RPS_LAST = N_ACC - (NS - 1) * RPS


G = 8
GD = 4
NGRP = NCH // G
NBUF = 3


def _init_slices(body_fn, s):
    base = s * RPS

    @pl.when(s < NS - 1)
    def _full():
        for k in range(RPS // CH):
            body_fn(base + k * CH, CH)
        body_fn(base + (RPS // CH) * CH, RPS - (RPS // CH) * CH)

    @pl.when(s == NS - 1)
    def _last():
        for k in range(RPS_LAST // CH):
            body_fn(base + k * CH, CH)
        body_fn(base + (RPS_LAST // CH) * CH,
                RPS_LAST - (RPS_LAST // CH) * CH)


def _mesh():
    return plsc.VectorSubcoreMesh(core_axis_name="c", subcore_axis_name="s",
                                  num_cores=NC, num_subcores=NS)


def _sc_agg_body(T, SRC, DST, P, src_v, dst_v, buf0, buf1, buf2, acc,
                 sem0, sem1, sem2, ssem0, ssem1, ssem2):
    c = lax.axis_index("c")
    s = lax.axis_index("s")
    w = s * NC + c
    bufs = (buf0, buf1, buf2)
    sems = (sem0, sem1, sem2)
    ssems = (ssem0, ssem1, ssem2)
    zv = jnp.zeros((16,), jnp.float32)

    def zrow(i, _):
        for k in range(D // 16):
            buf0[i, pl.ds(k * 16, 16)] = zv
        return 0
    lax.fori_loop(0, CH, zrow, 0)

    base = s * RPS
    _init_slices(
        lambda off, n: pltpu.sync_copy(buf0.at[pl.ds(0, n)],
                                       acc.at[pl.ds(off, n)]), s)

    plsc.subcore_barrier()

    def group(g, _):
        pltpu.sync_copy(SRC.at[w, pl.ds(g * G, G)], src_v)
        for j in range(min(NBUF, G)):
            pltpu.async_copy(T.at[src_v.at[j]], bufs[j % NBUF], sems[j % NBUF])
        for j in range(G):
            if j > 0:
                jp = j - 1
                pltpu.make_async_copy(
                    bufs[jp % NBUF], acc.at[dst_v.at[jp % GD]],
                    ssems[jp % NBUF]).wait()
                if jp + NBUF < G:
                    pltpu.async_copy(T.at[src_v.at[jp + NBUF]],
                                     bufs[jp % NBUF], sems[jp % NBUF])
            if j % GD == 0:
                pltpu.sync_copy(DST.at[w, pl.ds(g * G + j, GD)], dst_v)
            pltpu.make_async_copy(T.at[src_v.at[j]],
                                  bufs[j % NBUF], sems[j % NBUF]).wait()
            pltpu.async_copy(bufs[j % NBUF], acc.at[dst_v.at[j % GD]],
                             ssems[j % NBUF], add=True)
        jl = G - 1
        pltpu.make_async_copy(bufs[jl % NBUF], acc.at[dst_v.at[jl % GD]],
                              ssems[jl % NBUF]).wait()
        return 0

    lax.fori_loop(0, NGRP, group, 0)

    plsc.subcore_barrier()

    @pl.when(s < NS - 1)
    def _out_full():
        pltpu.sync_copy(acc.at[pl.ds(base, RPS)], P.at[c, pl.ds(base, RPS)])

    @pl.when(s == NS - 1)
    def _out_last():
        pltpu.sync_copy(acc.at[pl.ds(base, RPS_LAST)],
                        P.at[c, pl.ds(base, RPS_LAST)])


_sc_agg = pl.kernel(
    _sc_agg_body,
    out_type=[jax.ShapeDtypeStruct((NC, N_ACC, D), jnp.float32)],
    mesh=_mesh(),
    scratch_types=[
        pltpu.VMEM((G, CH), jnp.int32),
        pltpu.VMEM((GD, CH), jnp.int32),
        pltpu.VMEM((CH, D), jnp.float32),
        pltpu.VMEM((CH, D), jnp.float32),
        pltpu.VMEM((CH, D), jnp.float32),
        pltpu.VMEM_SHARED((N_ACC, D), jnp.float32),
        pltpu.SemaphoreType.DMA,
        pltpu.SemaphoreType.DMA,
        pltpu.SemaphoreType.DMA,
        pltpu.SemaphoreType.DMA,
        pltpu.SemaphoreType.DMA,
        pltpu.SemaphoreType.DMA,
    ],
)


def _sc_deg_body(DST, DEGOUT, dst_v, ones_v, degsh):
    c = lax.axis_index("c")
    s = lax.axis_index("s")
    w = s * NC + c
    zv = jnp.zeros((16,), jnp.float32)
    ov = jnp.ones((16,), jnp.float32)

    def zrow(i, _):
        for k in range(D // 16):
            ones_v[i, pl.ds(k * 16, 16)] = zv
        return 0
    lax.fori_loop(0, CH, zrow, 0)

    base = s * RPS
    _init_slices(
        lambda off, n: pltpu.sync_copy(ones_v.at[pl.ds(0, n)],
                                       degsh.at[pl.ds(off, n)]), s)

    def orow(i, _):
        for k in range(D // 16):
            ones_v[i, pl.ds(k * 16, 16)] = ov
        return 0
    lax.fori_loop(0, CH, orow, 0)

    plsc.subcore_barrier()

    def group(g, _):
        pltpu.sync_copy(DST.at[w, pl.ds(g * G, G)], dst_v)
        for j in range(G):
            pltpu.sync_copy(ones_v, degsh.at[dst_v.at[j]], add=True)
        return 0

    lax.fori_loop(0, NGRP, group, 0)

    plsc.subcore_barrier()

    @pl.when(s < NS - 1)
    def _out_full():
        pltpu.sync_copy(degsh.at[pl.ds(base, RPS)],
                        DEGOUT.at[c, pl.ds(base, RPS)])

    @pl.when(s == NS - 1)
    def _out_last():
        pltpu.sync_copy(degsh.at[pl.ds(base, RPS_LAST)],
                        DEGOUT.at[c, pl.ds(base, RPS_LAST)])


_sc_deg = pl.kernel(
    _sc_deg_body,
    out_type=[jax.ShapeDtypeStruct((NC, N_ACC, D), jnp.float32)],
    mesh=_mesh(),
    scratch_types=[
        pltpu.VMEM((G, CH), jnp.int32),
        pltpu.VMEM((CH, D), jnp.float32),
        pltpu.VMEM_SHARED((N_ACC, D), jnp.float32),
    ],
)


def _make_combine(relu):
    BM = 2000

    def body(x_ref, p0, p1, d0, d1, ws, wn, b, o_ref):
        xb = x_ref[...]
        deg = d0[:, 0:1] + d1[:, 0:1] + 1.0
        mean = (p0[...] + p1[...] + xb) / deg
        out = jnp.dot(xb, ws[...], preferred_element_type=jnp.float32)
        out = out + jnp.dot(mean, wn[...], preferred_element_type=jnp.float32)
        out = out + b[...]
        if relu:
            out = jnp.maximum(out, 0.0)
        o_ref[...] = out

    row = lambda i: (i, 0)
    fixed = lambda i: (0, 0)
    return pl.pallas_call(
        body,
        grid=(N // BM,),
        in_specs=[
            pl.BlockSpec((BM, D), row),
            pl.BlockSpec((BM, D), row),
            pl.BlockSpec((BM, D), row),
            pl.BlockSpec((BM, D), row),
            pl.BlockSpec((BM, D), row),
            pl.BlockSpec((D, D), fixed),
            pl.BlockSpec((D, D), fixed),
            pl.BlockSpec((1, D), fixed),
        ],
        out_specs=pl.BlockSpec((BM, D), row),
        out_shape=jax.ShapeDtypeStruct((N, D), jnp.float32),
    )


_combine_relu = _make_combine(True)
_combine_lin = _make_combine(False)


def kernel(x, edge_index, W_self1, W_neigh1, b1, W_self2, W_neigh2, b2):
    ei = edge_index.astype(jnp.int32)
    npad = E_PAD - E
    pad_src = (jnp.arange(npad, dtype=jnp.int32) * 97) % N
    src_p = jnp.concatenate([ei[0], pad_src]).reshape(NW, NCH, CH)
    dst_p = jnp.concatenate(
        [ei[1], N + (jnp.arange(npad, dtype=jnp.int32) % (N_ACC - N))]
    ).reshape(NW, NCH, CH)

    (DEG,) = _sc_deg(dst_p)
    (P,) = _sc_agg(x, src_p, dst_p)
    h = _combine_relu(x, P[0], P[1], DEG[0], DEG[1],
                      W_self1, W_neigh1, b1.reshape(1, D))
    (Q,) = _sc_agg(h, src_p, dst_p)
    out = _combine_lin(h, Q[0], Q[1], DEG[0], DEG[1],
                       W_self2, W_neigh2, b2.reshape(1, D))
    return out

# --- scband reference (transcript-rebuilt; emitter-appended) ---
"""Pipeline reference for scband-sage-24773371363586 (READ-ONLY COPY).

The authoritative reference and input builder live on the scoring server;
editing this copy changes nothing except your own understanding.
"""

import jax, jax.numpy as jnp
import numpy as np

N_NODES = 10000
N_EDGES = 320000
IN_FEATS = 128
HID_FEATS = 128
OUT_FEATS = 128


def setup_inputs(seed: int = 0) -> dict:
    key = jax.random.key(seed)
    k = jax.random.split(key, 9)
    x = jax.random.normal(k[0], (N_NODES, IN_FEATS), dtype=jnp.float32)
    edge_index = jax.random.randint(k[1], (2, N_EDGES), 0, N_NODES, dtype=jnp.int64)
    s1 = 1.0 / np.sqrt(IN_FEATS)
    s2 = 1.0 / np.sqrt(HID_FEATS)
    W_self1 = jax.random.normal(k[2], (IN_FEATS, HID_FEATS), dtype=jnp.float32) * s1
    W_neigh1 = jax.random.normal(k[3], (IN_FEATS, HID_FEATS), dtype=jnp.float32) * s1
    b1 = jnp.zeros((HID_FEATS,), dtype=jnp.float32)
    W_self2 = jax.random.normal(k[4], (HID_FEATS, OUT_FEATS), dtype=jnp.float32) * s2
    W_neigh2 = jax.random.normal(k[5], (HID_FEATS, OUT_FEATS), dtype=jnp.float32) * s2
    b2 = jnp.zeros((OUT_FEATS,), dtype=jnp.float32)
    return {"x": x, "edge_index": edge_index,
            "W_self1": W_self1, "W_neigh1": W_neigh1, "b1": b1,
            "W_self2": W_self2, "W_neigh2": W_neigh2, "b2": b2}


def _sage_conv(h, src, dst, n, W_self, W_neigh, b):
    # DGL SAGEConv with aggregator_type='mean':
    #   h_neigh = mean_{u in N(v)} h_u ; out = fc_self(h_v) + fc_neigh(h_neigh) + bias
    gathered = h[src]
    agg = jax.ops.segment_sum(gathered, dst, num_segments=n)
    deg = jax.ops.segment_sum(jnp.ones((src.shape[0],), dtype=h.dtype), dst, num_segments=n)
    mean = agg / deg[:, None]  # deg >= 1 because self-loops are added
    return h @ W_self + mean @ W_neigh + b


def reference(x, edge_index, W_self1, W_neigh1, b1, W_self2, W_neigh2, b2):
    n = x.shape[0]
    # dgl.add_self_loop(graph)
    loop = jnp.arange(n, dtype=edge_index.dtype)
    src = jnp.concatenate([edge_index[0], loop])
    dst = jnp.concatenate([edge_index[1], loop])
    h = _sage_conv(x, src, dst, n, W_self1, W_neigh1, b1)
    h = jax.nn.relu(h)
    out = _sage_conv(h, src, dst, n, W_self2, W_neigh2, b2)
    return out

if __name__ == "__main__":
    import jax
    _d = setup_inputs()
    print(jax.jit(kernel)(*tuple(_d.values())))

</pallas_src>

<mosaic_0001>
#map = affine_map<(d0, d1) -> (0, 0)>
#map1 = affine_map<(d0, d1) -> (0, 0, 0)>
module attributes {stable_mosaic.version = 14 : i64} {
  func.func @_sc_agg_body(%arg0: i32, %arg1: i32, %arg2: memref<10000x128xf32, #tpu.memory_space<hbm>>, %arg3: memref<32x80x128xi32, #tpu.memory_space<hbm>>, %arg4: memref<32x80x128xi32, #tpu.memory_space<hbm>>, %arg5: memref<2x10016x128xf32, #tpu.memory_space<hbm>>, %arg6: memref<8x128xi32, #tpu.memory_space<vmem>>, %arg7: memref<4x128xi32, #tpu.memory_space<vmem>>, %arg8: memref<128x128xf32, #tpu.memory_space<vmem>>, %arg9: memref<128x128xf32, #tpu.memory_space<vmem>>, %arg10: memref<128x128xf32, #tpu.memory_space<vmem>>, %arg11: memref<10016x128xf32, #tpu.memory_space<vmem_shared>>, %arg12: memref<!tpu.dma_semaphore, #tpu.memory_space<semaphore_mem>>, %arg13: memref<!tpu.dma_semaphore, #tpu.memory_space<semaphore_mem>>, %arg14: memref<!tpu.dma_semaphore, #tpu.memory_space<semaphore_mem>>, %arg15: memref<!tpu.dma_semaphore, #tpu.memory_space<semaphore_mem>>, %arg16: memref<!tpu.dma_semaphore, #tpu.memory_space<semaphore_mem>>, %arg17: memref<!tpu.dma_semaphore, #tpu.memory_space<semaphore_mem>>) attributes {dimension_semantics = [#tpu.dimension_semantics<core_parallel>, #tpu.dimension_semantics<subcore_parallel>], iteration_bounds = array<i64: 2, 16>, scalar_prefetch = 0 : i64, scratch_operands = 12 : i64, tpu.core_type = #tpu.core_type<sc_vector_subcore>, window_params = [{transform_indices = #map}, {transform_indices = #map1}, {transform_indices = #map1}, {transform_indices = #map1}]} {
    %mul3A = arith.constant 2 : i32
    %mul3A_0 = arith.muli %arg1, %mul3A : i32
    %add3A = arith.addi %mul3A_0, %arg0 : i32
    %broadcast_in_dim3A = arith.constant 0.000000e+00 : f32
    %broadcast_in_dim3A_1 = vector.broadcast %broadcast_in_dim3A : f32 to vector<16xf32>
    %scan3A = arith.constant 0 : i32
    %scan3A_2 = arith.constant 0 : i32
    %scan3A_3 = arith.constant 128 : i32
    %scan3A_4 = arith.addi %scan3A_2, %scan3A_3 : i32
    %scan3A_5 = arith.constant 1 : i32
    %scan3A_6 = scf.for %scan3A_36 = %scan3A_2 to %scan3A_4 step %scan3A_5 iter_args(%scan3A_37 = %scan3A) -> (i32)  : i32 {
      %swap3A = arith.index_cast %scan3A_36 : i32 to index
      %swap3A_38 = arith.constant 0 : index
      %swap3A_39 = tpu.vector_load %arg8[%swap3A, %swap3A_38] {strides = array<i32>} : memref<128x128xf32, #tpu.memory_space<vmem>>, vector<1x16xf32>,
      %swap3A_40 = vector.shape_cast %swap3A_39 : vector<1x16xf32> to vector<16xf32>
      %swap3A_41 = vector.shape_cast %broadcast_in_dim3A_1 : vector<16xf32> to vector<1x16xf32>
      tpu.vector_store %arg8[%swap3A, %swap3A_38], %swap3A_41 {strides = array<i32>} : memref<128x128xf32, #tpu.memory_space<vmem>>, vector<1x16xf32>,
      %swap3A_42 = arith.index_cast %scan3A_36 : i32 to index
      %swap3A_43 = arith.constant 16 : index
      %swap3A_44 = tpu.vector_load %arg8[%swap3A_42, %swap3A_43] {strides = array<i32>} : memref<128x128xf32, #tpu.memory_space<vmem>>, vector<1x16xf32>,
      %swap3A_45 = vector.shape_cast %swap3A_44 : vector<1x16xf32> to vector<16xf32>
      %swap3A_46 = vector.shape_cast %broadcast_in_dim3A_1 : vector<16xf32> to vector<1x16xf32>
      tpu.vector_store %arg8[%swap3A_42, %swap3A_43], %swap3A_46 {strides = array<i32>} : memref<128x128xf32, #tpu.memory_space<vmem>>, vector<1x16xf32>,
      %swap3A_47 = arith.index_cast %scan3A_36 : i32 to index
      %swap3A_48 = arith.constant 32 : index
      %swap3A_49 = tpu.vector_load %arg8[%swap3A_47, %swap3A_48] {strides = array<i32>} : memref<128x128xf32, #tpu.memory_space<vmem>>, vector<1x16xf32>,
      %swap3A_50 = vector.shape_cast %swap3A_49 : vector<1x16xf32> to vector<16xf32>
      %swap3A_51 = vector.shape_cast %broadcast_in_dim3A_1 : vector<16xf32> to vector<1x16xf32>
      tpu.vector_store %arg8[%swap3A_47, %swap3A_48], %swap3A_51 {strides = array<i32>} : memref<128x128xf32, #tpu.memory_space<vmem>>, vector<1x16xf32>,
      %swap3A_52 = arith.index_cast %scan3A_36 : i32 to index
      %swap3A_53 = arith.constant 48 : index
      %swap3A_54 = tpu.vector_load %arg8[%swap3A_52, %swap3A_53] {strides = array<i32>} : memref<128x128xf32, #tpu.memory_space<vmem>>, vector<1x16xf32>,
      %swap3A_55 = vector.shape_cast %swap3A_54 : vector<1x16xf32> to vector<16xf32>
      %swap3A_56 = vector.shape_cast %broadcast_in_dim3A_1 : vector<16xf32> to vector<1x16xf32>
      tpu.vector_store %arg8[%swap3A_52, %swap3A_53], %swap3A_56 {strides = array<i32>} : memref<128x128xf32, #tpu.memory_space<vmem>>, vector<1x16xf32>,
      %swap3A_57 = arith.index_cast %scan3A_36 : i32 to index
      %swap3A_58 = arith.constant 64 : index
      %swap3A_59 = tpu.vector_load %arg8[%swap3A_57, %swap3A_58] {strides = array<i32>} : memref<128x128xf32, #tpu.memory_space<vmem>>, vector<1x16xf32>,
      %swap3A_60 = vector.shape_cast %swap3A_59 : vector<1x16xf32> to vector<16xf32>
      %swap3A_61 = vector.shape_cast %broadcast_in_dim3A_1 : vector<16xf32> to vector<1x16xf32>
      tpu.vector_store %arg8[%swap3A_57, %swap3A_58], %swap3A_61 {strides = array<i32>} : memref<128x128xf32, #tpu.memory_space<vmem>>, vector<1x16xf32>,
      %swap3A_62 = arith.index_cast %scan3A_36 : i32 to index
      %swap3A_63 = arith.constant 80 : index
      %swap3A_64 = tpu.vector_load %arg8[%swap3A_62, %swap3A_63] {strides = array<i32>} : memref<128x128xf32, #tpu.memory_space<vmem>>, vector<1x16xf32>,
      %swap3A_65 = vector.shape_cast %swap3A_64 : vector<1x16xf32> to vector<16xf32>
      %swap3A_66 = vector.shape_cast %broadcast_in_dim3A_1 : vector<16xf32> to vector<1x16xf32>
      tpu.vector_store %arg8[%swap3A_62, %swap3A_63], %swap3A_66 {strides = array<i32>} : memref<128x128xf32, #tpu.memory_space<vmem>>, vector<1x16xf32>,
      %swap3A_67 = arith.index_cast %scan3A_36 : i32 to index
      %swap3A_68 = arith.constant 96 : index
      %swap3A_69 = tpu.vector_load %arg8[%swap3A_67, %swap3A_68] {strides = array<i32>} : memref<128x128xf32, #tpu.memory_space<vmem>>, vector<1x16xf32>,
      %swap3A_70 = vector.shape_cast %swap3A_69 : vector<1x16xf32> to vector<16xf32>
      %swap3A_71 = vector.shape_cast %broadcast_in_dim3A_1 : vector<16xf32> to vector<1x16xf32>
      tpu.vector_store %arg8[%swap3A_67, %swap3A_68], %swap3A_71 {strides = array<i32>} : memref<128x128xf32, #tpu.memory_space<vmem>>, vector<1x16xf32>,
      %swap3A_72 = arith.index_cast %scan3A_36 : i32 to index
      %swap3A_73 = arith.constant 112 : index
      %swap3A_74 = tpu.vector_load %arg8[%swap3A_72, %swap3A_73] {strides = array<i32>} : memref<128x128xf32, #tpu.memory_space<vmem>>, vector<1x16xf32>,
      %swap3A_75 = vector.shape_cast %swap3A_74 : vector<1x16xf32> to vector<16xf32>
      %swap3A_76 = vector.shape_cast %broadcast_in_dim3A_1 : vector<16xf32> to vector<1x16xf32>
      tpu.vector_store %arg8[%swap3A_72, %swap3A_73], %swap3A_76 {strides = array<i32>} : memref<128x128xf32, #tpu.memory_space<vmem>>, vector<1x16xf32>,
      %scan3A_77 = arith.constant 0 : i32
      scf.yield %scan3A_77 : i32
    }
    %scan3A_7 = arith.constant 128 : i32
    %mul3A_8 = arith.constant 632 : i32
    %mul3A_9 = arith.muli %arg1, %mul3A_8 : i32
    %mul3A_10 = arith.constant 632 : i32
    %mul3A_11 = arith.muli %arg1, %mul3A_10 : i32
    %lt3A = arith.constant 15 : i32
    %lt3A_12 = arith.cmpi slt, %arg1, %lt3A : i32
    %convert_element_type3A = arith.extui %lt3A_12 : i1 to i32
    %cond3A = arith.constant 0 : i32
    %cond3A_13 = arith.cmpi ne, %convert_element_type3A, %cond3A : i32
    scf.if %cond3A_13 {
      %add3A_36 = arith.constant 0 : i32
      %add3A_37 = arith.addi %mul3A_11, %add3A_36 : i32
      "tpu.region"() ({
        %run_scoped3A = tpu.sem_alloc : memref<!tpu.dma_semaphore, #tpu.memory_space<semaphore_mem>>
        %dma_start3A = arith.constant 0 : i32
        %dma_start3A_46 = arith.constant 0 : i32
        %dma_start3A_47 = tpu.memref_slice %arg8[%dma_start3A, %dma_start3A_46] : memref<128x128xf32, #tpu.memory_space<vmem>> -> memref<128x128xf32, #tpu.memory_space<vmem>>
        %dma_start3A_48 = arith.constant 0 : i32
        %dma_start3A_49 = tpu.memref_slice %arg11[%add3A_37, %dma_start3A_48] : memref<10016x128xf32, #tpu.memory_space<vmem_shared>> -> memref<128x128xf32, #tpu.memory_space<vmem_shared>>
        %dma_start3A_50 = arith.constant 0 : i32
        %dma_start3A_51 = tpu.memref_slice %arg11[%add3A_37, %dma_start3A_50] : memref<10016x128xf32, #tpu.memory_space<vmem_shared>> -> memref<128x128xf32, #tpu.memory_space<vmem_shared>>
        %dma_start3A_52 = arith.constant 0 : i32
        %dma_start3A_53 = arith.constant 0 : i32
        %dma_start3A_54 = tpu.memref_slice %arg8[%dma_start3A_52, %dma_start3A_53] : memref<128x128xf32, #tpu.memory_space<vmem>> -> memref<128x128xf32, #tpu.memory_space<vmem>>
        tpu.enqueue_dma source(%dma_start3A_54 : memref<128x128xf32, #tpu.memory_space<vmem>>) target(%dma_start3A_51 : memref<128x128xf32, #tpu.memory_space<vmem_shared>>) target_semaphore(%run_scoped3A : memref<!tpu.dma_semaphore, #tpu.memory_space<semaphore_mem>>)
        %dma_wait3A = arith.constant 0 : i32
        %dma_wait3A_55 = arith.constant 0 : i32
        %dma_wait3A_56 = tpu.memref_slice %arg8[%dma_wait3A, %dma_wait3A_55] : memref<128x128xf32, #tpu.memory_space<vmem>> -> memref<128x128xf32, #tpu.memory_space<vmem>>
        %dma_wait3A_57 = arith.constant 0 : i32
        %dma_wait3A_58 = tpu.memref_slice %arg11[%add3A_37, %dma_wait3A_57] : memref<10016x128xf32, #tpu.memory_space<vmem_shared>> -> memref<128x128xf32, #tpu.memory_space<vmem_shared>>
        %dma_wait3A_59 = arith.constant 0 : i32
        %dma_wait3A_60 = tpu.memref_slice %arg11[%add3A_37, %dma_wait3A_59] : memref<10016x128xf32, #tpu.memory_space<vmem_shared>> -> memref<128x128xf32, #tpu.memory_space<vmem_shared>>
        %dma_wait3A_61 = arith.constant 0 : i32
        %dma_wait3A_62 = arith.constant 0 : i32
        %dma_wait3A_63 = tpu.memref_slice %arg8[%dma_wait3A_61, %dma_wait3A_62] : memref<128x128xf32, #tpu.memory_space<vmem>> -> memref<128x128xf32, #tpu.memory_space<vmem>>
        tpu.wait_dma2 semaphore(%run_scoped3A : memref<!tpu.dma_semaphore, #tpu.memory_space<semaphore_mem>>) src(%dma_wait3A_63 : memref<128x128xf32, #tpu.memory_space<vmem>>) dst(%dma_wait3A_60 : memref<128x128xf32, #tpu.memory_space<vmem_shared>>)
        tpu.yield
      }) : () -> ()
      %add3A_38 = arith.constant 128 : i32
      %add3A_39 = arith.addi %mul3A_11, %add3A_38 : i32
      "tpu.region"() ({
        %run_scoped3A = tpu.sem_alloc : memref<!tpu.dma_semaphore, #tpu.memory_space<semaphore_mem>>
        %dma_start3A = arith.constant 0 : i32
        %dma_start3A_46 = arith.constant 0 : i32
        %dma_start3A_47 = tpu.memref_slice %arg8[%dma_start3A, %dma_start3A_46] : memref<128x128xf32, #tpu.memory_space<vmem>> -> memref<128x128xf32, #tpu.memory_space<vmem>>
        %dma_start3A_48 = arith.constant 0 : i32
        %dma_start3A_49 = tpu.memref_slice %arg11[%add3A_39, %dma_start3A_48] : memref<10016x128xf32, #tpu.memory_space<vmem_shared>> -> memref<128x128xf32, #tpu.memory_space<vmem_shared>>
        %dma_start3A_50 = arith.constant 0 : i32
        %dma_start3A_51 = tpu.memref_slice %arg11[%add3A_39, %dma_start3A_50] : memref<10016x128xf32, #tpu.memory_space<vmem_shared>> -> memref<128x128xf32, #tpu.memory_space<vmem_shared>>
        %dma_start3A_52 = arith.constant 0 : i32
        %dma_start3A_53 = arith.constant 0 : i32
        %dma_start3A_54 = tpu.memref_slice %arg8[%dma_start3A_52, %dma_start3A_53] : memref<128x128xf32, #tpu.memory_space<vmem>> -> memref<128x128xf32, #tpu.memory_space<vmem>>
        tpu.enqueue_dma source(%dma_start3A_54 : memref<128x128xf32, #tpu.memory_space<vmem>>) target(%dma_start3A_51 : memref<128x128xf32, #tpu.memory_space<vmem_shared>>) target_semaphore(%run_scoped3A : memref<!tpu.dma_semaphore, #tpu.memory_space<semaphore_mem>>)
        %dma_wait3A = arith.constant 0 : i32
        %dma_wait3A_55 = arith.constant 0 : i32
        %dma_wait3A_56 = tpu.memref_slice %arg8[%dma_wait3A, %dma_wait3A_55] : memref<128x128xf32, #tpu.memory_space<vmem>> -> memref<128x128xf32, #tpu.memory_space<vmem>>
        %dma_wait3A_57 = arith.constant 0 : i32
        %dma_wait3A_58 = tpu.memref_slice %arg11[%add3A_39, %dma_wait3A_57] : memref<10016x128xf32, #tpu.memory_space<vmem_shared>> -> memref<128x128xf32, #tpu.memory_space<vmem_shared>>
        %dma_wait3A_59 = arith.constant 0 : i32
        %dma_wait3A_60 = tpu.memref_slice %arg11[%add3A_39, %dma_wait3A_59] : memref<10016x128xf32, #tpu.memory_space<vmem_shared>> -> memref<128x128xf32, #tpu.memory_space<vmem_shared>>
        %dma_wait3A_61 = arith.constant 0 : i32
        %dma_wait3A_62 = arith.constant 0 : i32
        %dma_wait3A_63 = tpu.memref_slice %arg8[%dma_wait3A_61, %dma_wait3A_62] : memref<128x128xf32, #tpu.memory_space<vmem>> -> memref<128x128xf32, #tpu.memory_space<vmem>>
        tpu.wait_dma2 semaphore(%run_scoped3A : memref<!tpu.dma_semaphore, #tpu.memory_space<semaphore_mem>>) src(%dma_wait3A_63 : memref<128x128xf32, #tpu.memory_space<vmem>>) dst(%dma_wait3A_60 : memref<128x128xf32, #tpu.memory_space<vmem_shared>>)
        tpu.yield
      }) : () -> ()
      %add3A_40 = arith.constant 256 : i32
      %add3A_41 = arith.addi %mul3A_11, %add3A_40 : i32
      "tpu.region"() ({
        %run_scoped3A = tpu.sem_alloc : memref<!tpu.dma_semaphore, #tpu.memory_space<semaphore_mem>>
        %dma_start3A = arith.constant 0 : i32
        %dma_start3A_46 = arith.constant 0 : i32
        %dma_start3A_47 = tpu.memref_slice %arg8[%dma_start3A, %dma_start3A_46] : memref<128x128xf32, #tpu.memory_space<vmem>> -> memref<128x128xf32, #tpu.memory_space<vmem>>
        %dma_start3A_48 = arith.constant 0 : i32
        %dma_start3A_49 = tpu.memref_slice %arg11[%add3A_41, %dma_start3A_48] : memref<10016x128xf32, #tpu.memory_space<vmem_shared>> -> memref<128x128xf32, #tpu.memory_space<vmem_shared>>
        %dma_start3A_50 = arith.constant 0 : i32
        %dma_start3A_51 = tpu.memref_slice %arg11[%add3A_41, %dma_start3A_50] : memref<10016x128xf32, #tpu.memory_space<vmem_shared>> -> memref<128x128xf32, #tpu.memory_space<vmem_shared>>
        %dma_start3A_52 = arith.constant 0 : i32
        %dma_start3A_53 = arith.constant 0 : i32
        %dma_start3A_54 = tpu.memref_slice %arg8[%dma_start3A_52, %dma_start3A_53] : memref<128x128xf32, #tpu.memory_space<vmem>> -> memref<128x128xf32, #tpu.memory_space<vmem>>
        tpu.enqueue_dma source(%dma_start3A_54 : memref<128x128xf32, #tpu.memory_space<vmem>>) target(%dma_start3A_51 : memref<128x128xf32, #tpu.memory_space<vmem_shared>>) target_semaphore(%run_scoped3A : memref<!tpu.dma_semaphore, #tpu.memory_space<semaphore_mem>>)
        %dma_wait3A = arith.constant 0 : i32
        %dma_wait3A_55 = arith.constant 0 : i32
        %dma_wait3A_56 = tpu.memref_slice %arg8[%dma_wait3A, %dma_wait3A_55] : memref<128x128xf32, #tpu.memory_space<vmem>> -> memref<128x128xf32, #tpu.memory_space<vmem>>
        %dma_wait3A_57 = arith.constant 0 : i32
        %dma_wait3A_58 = tpu.memref_slice %arg11[%add3A_41, %dma_wait3A_57] : memref<10016x128xf32, #tpu.memory_space<vmem_shared>> -> memref<128x128xf32, #tpu.memory_space<vmem_shared>>
        %dma_wait3A_59 = arith.constant 0 : i32
        %dma_wait3A_60 = tpu.memref_slice %arg11[%add3A_41, %dma_wait3A_59] : memref<10016x128xf32, #tpu.memory_space<vmem_shared>> -> memref<128x128xf32, #tpu.memory_space<vmem_shared>>
        %dma_wait3A_61 = arith.constant 0 : i32
        %dma_wait3A_62 = arith.constant 0 : i32
        %dma_wait3A_63 = tpu.memref_slice %arg8[%dma_wait3A_61, %dma_wait3A_62] : memref<128x128xf32, #tpu.memory_space<vmem>> -> memref<128x128xf32, #tpu.memory_space<vmem>>
        tpu.wait_dma2 semaphore(%run_scoped3A : memref<!tpu.dma_semaphore, #tpu.memory_space<semaphore_mem>>) src(%dma_wait3A_63 : memref<128x128xf32, #tpu.memory_space<vmem>>) dst(%dma_wait3A_60 : memref<128x128xf32, #tpu.memory_space<vmem_shared>>)
        tpu.yield
      }) : () -> ()
      %add3A_42 = arith.constant 384 : i32
      %add3A_43 = arith.addi %mul3A_11, %add3A_42 : i32
      "tpu.region"() ({
        %run_scoped3A = tpu.sem_alloc : memref<!tpu.dma_semaphore, #tpu.memory_space<semaphore_mem>>
        %dma_start3A = arith.constant 0 : i32
        %dma_start3A_46 = arith.constant 0 : i32
        %dma_start3A_47 = tpu.memref_slice %arg8[%dma_start3A, %dma_start3A_46] : memref<128x128xf32, #tpu.memory_space<vmem>> -> memref<128x128xf32, #tpu.memory_space<vmem>>
        %dma_start3A_48 = arith.constant 0 : i32
        %dma_start3A_49 = tpu.memref_slice %arg11[%add3A_43, %dma_start3A_48] : memref<10016x128xf32, #tpu.memory_space<vmem_shared>> -> memref<128x128xf32, #tpu.memory_space<vmem_shared>>
        %dma_start3A_50 = arith.constant 0 : i32
        %dma_start3A_51 = tpu.memref_slice %arg11[%add3A_43, %dma_start3A_50] : memref<10016x128xf32, #tpu.memory_space<vmem_shared>> -> memref<128x128xf32, #tpu.memory_space<vmem_shared>>
        %dma_start3A_52 = arith.constant 0 : i32
        %dma_start3A_53 = arith.constant 0 : i32
        %dma_start3A_54 = tpu.memref_slice %arg8[%dma_start3A_52, %dma_start3A_53] : memref<128x128xf32, #tpu.memory_space<vmem>> -> memref<128x128xf32, #tpu.memory_space<vmem>>
        tpu.enqueue_dma source(%dma_start3A_54 : memref<128x128xf32, #tpu.memory_space<vmem>>) target(%dma_start3A_51 : memref<128x128xf32, #tpu.memory_space<vmem_shared>>) target_semaphore(%run_scoped3A : memref<!tpu.dma_semaphore, #tpu.memory_space<semaphore_mem>>)
        %dma_wait3A = arith.constant 0 : i32
        %dma_wait3A_55 = arith.constant 0 : i32
        %dma_wait3A_56 = tpu.memref_slice %arg8[%dma_wait3A, %dma_wait3A_55] : memref<128x128xf32, #tpu.memory_space<vmem>> -> memref<128x128xf32, #tpu.memory_space<vmem>>
        %dma_wait3A_57 = arith.constant 0 : i32
        %dma_wait3A_58 = tpu.memref_slice %arg11[%add3A_43, %dma_wait3A_57] : memref<10016x128xf32, #tpu.memory_space<vmem_shared>> -> memref<128x128xf32, #tpu.memory_space<vmem_shared>>
        %dma_wait3A_59 = arith.constant 0 : i32
        %dma_wait3A_60 = tpu.memref_slice %arg11[%add3A_43, %dma_wait3A_59] : memref<10016x128xf32, #tpu.memory_space<vmem_shared>> -> memref<128x128xf32, #tpu.memory_space<vmem_shared>>
        %dma_wait3A_61 = arith.constant 0 : i32
        %dma_wait3A_62 = arith.constant 0 : i32
        %dma_wait3A_63 = tpu.memref_slice %arg8[%dma_wait3A_61, %dma_wait3A_62] : memref<128x128xf32, #tpu.memory_space<vmem>> -> memref<128x128xf32, #tpu.memory_space<vmem>>
        tpu.wait_dma2 semaphore(%run_scoped3A : memref<!tpu.dma_semaphore, #tpu.memory_space<semaphore_mem>>) src(%dma_wait3A_63 : memref<128x128xf32, #tpu.memory_space<vmem>>) dst(%dma_wait3A_60 : memref<128x128xf32, #tpu.memory_space<vmem_shared>>)
        tpu.yield
      }) : () -> ()
      %add3A_44 = arith.constant 512 : i32
      %add3A_45 = arith.addi %mul3A_11, %add3A_44 : i32
      "tpu.region"() ({
        %run_scoped3A = tpu.sem_alloc : memref<!tpu.dma_semaphore, #tpu.memory_space<semaphore_mem>>
        %dma_start3A = arith.constant 0 : i32
        %dma_start3A_46 = arith.constant 0 : i32
        %dma_start3A_47 = tpu.memref_slice %arg8[%dma_start3A, %dma_start3A_46] : memref<128x128xf32, #tpu.memory_space<vmem>> -> memref<120x128xf32, #tpu.memory_space<vmem>>
        %dma_start3A_48 = arith.constant 0 : i32
        %dma_start3A_49 = tpu.memref_slice %arg11[%add3A_45, %dma_start3A_48] : memref<10016x128xf32, #tpu.memory_space<vmem_shared>> -> memref<120x128xf32, #tpu.memory_space<vmem_shared>>
        %dma_start3A_50 = arith.constant 0 : i32
        %dma_start3A_51 = tpu.memref_slice %arg11[%add3A_45, %dma_start3A_50] : memref<10016x128xf32, #tpu.memory_space<vmem_shared>> -> memref<120x128xf32, #tpu.memory_space<vmem_shared>>
        %dma_start3A_52 = arith.constant 0 : i32
        %dma_start3A_53 = arith.constant 0 : i32
        %dma_start3A_54 = tpu.memref_slice %arg8[%dma_start3A_52, %dma_start3A_53] : memref<128x128xf32, #tpu.memory_space<vmem>> -> memref<120x128xf32, #tpu.memory_space<vmem>>
        tpu.enqueue_dma source(%dma_start3A_54 : memref<120x128xf32, #tpu.memory_space<vmem>>) target(%dma_start3A_51 : memref<120x128xf32, #tpu.memory_space<vmem_shared>>) target_semaphore(%run_scoped3A : memref<!tpu.dma_semaphore, #tpu.memory_space<semaphore_mem>>)
        %dma_wait3A = arith.constant 0 : i32
        %dma_wait3A_55 = arith.constant 0 : i32
        %dma_wait3A_56 = tpu.memref_slice %arg8[%dma_wait3A, %dma_wait3A_55] : memref<128x128xf32, #tpu.memory_space<vmem>> -> memref<120x128xf32, #tpu.memory_space<vmem>>
        %dma_wait3A_57 = arith.constant 0 : i32
        %dma_wait3A_58 = tpu.memref_slice %arg11[%add3A_45, %dma_wait3A_57] : memref<10016x128xf32, #tpu.memory_space<vmem_shared>> -> memref<120x128xf32, #tpu.memory_space<vmem_shared>>
        %dma_wait3A_59 = arith.constant 0 : i32
        %dma_wait3A_60 = tpu.memref_slice %arg11[%add3A_45, %dma_wait3A_59] : memref<10016x128xf32, #tpu.memory_space<vmem_shared>> -> memref<120x128xf32, #tpu.memory_space<vmem_shared>>
        %dma_wait3A_61 = arith.constant 0 : i32
        %dma_wait3A_62 = arith.constant 0 : i32
        %dma_wait3A_63 = tpu.memref_slice %arg8[%dma_wait3A_61, %dma_wait3A_62] : memref<128x128xf32, #tpu.memory_space<vmem>> -> memref<120x128xf32, #tpu.memory_space<vmem>>
        tpu.wait_dma2 semaphore(%run_scoped3A : memref<!tpu.dma_semaphore, #tpu.memory_space<semaphore_mem>>) src(%dma_wait3A_63 : memref<120x128xf32, #tpu.memory_space<vmem>>) dst(%dma_wait3A_60 : memref<120x128xf32, #tpu.memory_space<vmem_shared>>)
        tpu.yield
      }) : () -> ()
    } else {
    }
    %eq3A = arith.constant 15 : i32
    %eq3A_14 = arith.cmpi eq, %arg1, %eq3A : i32
    %convert_element_type3A_15 = arith.extui %eq3A_14 : i1 to i32
    %cond3A_16 = arith.constant 0 : i32
    %cond3A_17 = arith.cmpi ne, %convert_element_type3A_15, %cond3A_16 : i32
    scf.if %cond3A_17 {
      %add3A_36 = arith.constant 0 : i32
      %add3A_37 = arith.addi %mul3A_11, %add3A_36 : i32
      "tpu.region"() ({
        %run_scoped3A = tpu.sem_alloc : memref<!tpu.dma_semaphore, #tpu.memory_space<semaphore_mem>>
        %dma_start3A = arith.constant 0 : i32
        %dma_start3A_46 = arith.constant 0 : i32
        %dma_start3A_47 = tpu.memref_slice %arg8[%dma_start3A, %dma_start3A_46] : memref<128x128xf32, #tpu.memory_space<vmem>> -> memref<128x128xf32, #tpu.memory_space<vmem>>
        %dma_start3A_48 = arith.constant 0 : i32
        %dma_start3A_49 = tpu.memref_slice %arg11[%add3A_37, %dma_start3A_48] : memref<10016x128xf32, #tpu.memory_space<vmem_shared>> -> memref<128x128xf32, #tpu.memory_space<vmem_shared>>
        %dma_start3A_50 = arith.constant 0 : i32
        %dma_start3A_51 = tpu.memref_slice %arg11[%add3A_37, %dma_start3A_50] : memref<10016x128xf32, #tpu.memory_space<vmem_shared>> -> memref<128x128xf32, #tpu.memory_space<vmem_shared>>
        %dma_start3A_52 = arith.constant 0 : i32
        %dma_start3A_53 = arith.constant 0 : i32
        %dma_start3A_54 = tpu.memref_slice %arg8[%dma_start3A_52, %dma_start3A_53] : memref<128x128xf32, #tpu.memory_space<vmem>> -> memref<128x128xf32, #tpu.memory_space<vmem>>
        tpu.enqueue_dma source(%dma_start3A_54 : memref<128x128xf32, #tpu.memory_space<vmem>>) target(%dma_start3A_51 : memref<128x128xf32, #tpu.memory_space<vmem_shared>>) target_semaphore(%run_scoped3A : memref<!tpu.dma_semaphore, #tpu.memory_space<semaphore_mem>>)
        %dma_wait3A = arith.constant 0 : i32
        %dma_wait3A_55 = arith.constant 0 : i32
        %dma_wait3A_56 = tpu.memref_slice %arg8[%dma_wait3A, %dma_wait3A_55] : memref<128x128xf32, #tpu.memory_space<vmem>> -> memref<128x128xf32, #tpu.memory_space<vmem>>
        %dma_wait3A_57 = arith.constant 0 : i32
        %dma_wait3A_58 = tpu.memref_slice %arg11[%add3A_37, %dma_wait3A_57] : memref<10016x128xf32, #tpu.memory_space<vmem_shared>> -> memref<128x128xf32, #tpu.memory_space<vmem_shared>>
        %dma_wait3A_59 = arith.constant 0 : i32
        %dma_wait3A_60 = tpu.memref_slice %arg11[%add3A_37, %dma_wait3A_59] : memref<10016x128xf32, #tpu.memory_space<vmem_shared>> -> memref<128x128xf32, #tpu.memory_space<vmem_shared>>
        %dma_wait3A_61 = arith.constant 0 : i32
        %dma_wait3A_62 = arith.constant 0 : i32
        %dma_wait3A_63 = tpu.memref_slice %arg8[%dma_wait3A_61, %dma_wait3A_62] : memref<128x128xf32, #tpu.memory_space<vmem>> -> memref<128x128xf32, #tpu.memory_space<vmem>>
        tpu.wait_dma2 semaphore(%run_scoped3A : memref<!tpu.dma_semaphore, #tpu.memory_space<semaphore_mem>>) src(%dma_wait3A_63 : memref<128x128xf32, #tpu.memory_space<vmem>>) dst(%dma_wait3A_60 : memref<128x128xf32, #tpu.memory_space<vmem_shared>>)
        tpu.yield
      }) : () -> ()
      %add3A_38 = arith.constant 128 : i32
      %add3A_39 = arith.addi %mul3A_11, %add3A_38 : i32
      "tpu.region"() ({
        %run_scoped3A = tpu.sem_alloc : memref<!tpu.dma_semaphore, #tpu.memory_space<semaphore_mem>>
        %dma_start3A = arith.constant 0 : i32
        %dma_start3A_46 = arith.constant 0 : i32
        %dma_start3A_47 = tpu.memref_slice %arg8[%dma_start3A, %dma_start3A_46] : memref<128x128xf32, #tpu.memory_space<vmem>> -> memref<128x128xf32, #tpu.memory_space<vmem>>
        %dma_start3A_48 = arith.constant 0 : i32
        %dma_start3A_49 = tpu.memref_slice %arg11[%add3A_39, %dma_start3A_48] : memref<10016x128xf32, #tpu.memory_space<vmem_shared>> -> memref<128x128xf32, #tpu.memory_space<vmem_shared>>
        %dma_start3A_50 = arith.constant 0 : i32
        %dma_start3A_51 = tpu.memref_slice %arg11[%add3A_39, %dma_start3A_50] : memref<10016x128xf32, #tpu.memory_space<vmem_shared>> -> memref<128x128xf32, #tpu.memory_space<vmem_shared>>
        %dma_start3A_52 = arith.constant 0 : i32
        %dma_start3A_53 = arith.constant 0 : i32
        %dma_start3A_54 = tpu.memref_slice %arg8[%dma_start3A_52, %dma_start3A_53] : memref<128x128xf32, #tpu.memory_space<vmem>> -> memref<128x128xf32, #tpu.memory_space<vmem>>
        tpu.enqueue_dma source(%dma_start3A_54 : memref<128x128xf32, #tpu.memory_space<vmem>>) target(%dma_start3A_51 : memref<128x128xf32, #tpu.memory_space<vmem_shared>>) target_semaphore(%run_scoped3A : memref<!tpu.dma_semaphore, #tpu.memory_space<semaphore_mem>>)
        %dma_wait3A = arith.constant 0 : i32
        %dma_wait3A_55 = arith.constant 0 : i32
        %dma_wait3A_56 = tpu.memref_slice %arg8[%dma_wait3A, %dma_wait3A_55] : memref<128x128xf32, #tpu.memory_space<vmem>> -> memref<128x128xf32, #tpu.memory_space<vmem>>
        %dma_wait3A_57 = arith.constant 0 : i32
        %dma_wait3A_58 = tpu.memref_slice %arg11[%add3A_39, %dma_wait3A_57] : memref<10016x128xf32, #tpu.memory_space<vmem_shared>> -> memref<128x128xf32, #tpu.memory_space<vmem_shared>>
        %dma_wait3A_59 = arith.constant 0 : i32
        %dma_wait3A_60 = tpu.memref_slice %arg11[%add3A_39, %dma_wait3A_59] : memref<10016x128xf32, #tpu.memory_space<vmem_shared>> -> memref<128x128xf32, #tpu.memory_space<vmem_shared>>
        %dma_wait3A_61 = arith.constant 0 : i32
        %dma_wait3A_62 = arith.constant 0 : i32
        %dma_wait3A_63 = tpu.memref_slice %arg8[%dma_wait3A_61, %dma_wait3A_62] : memref<128x128xf32, #tpu.memory_space<vmem>> -> memref<128x128xf32, #tpu.memory_space<vmem>>
        tpu.wait_dma2 semaphore(%run_scoped3A : memref<!tpu.dma_semaphore, #tpu.memory_space<semaphore_mem>>) src(%dma_wait3A_63 : memref<128x128xf32, #tpu.memory_space<vmem>>) dst(%dma_wait3A_60 : memref<128x128xf32, #tpu.memory_space<vmem_shared>>)
        tpu.yield
      }) : () -> ()
      %add3A_40 = arith.constant 256 : i32
      %add3A_41 = arith.addi %mul3A_11, %add3A_40 : i32
      "tpu.region"() ({
        %run_scoped3A = tpu.sem_alloc : memref<!tpu.dma_semaphore, #tpu.memory_space<semaphore_mem>>
        %dma_start3A = arith.constant 0 : i32
        %dma_start3A_46 = arith.constant 0 : i32
        %dma_start3A_47 = tpu.memref_slice %arg8[%dma_start3A, %dma_start3A_46] : memref<128x128xf32, #tpu.memory_space<vmem>> -> memref<128x128xf32, #tpu.memory_space<vmem>>
        %dma_start3A_48 = arith.constant 0 : i32
        %dma_start3A_49 = tpu.memref_slice %arg11[%add3A_41, %dma_start3A_48] : memref<10016x128xf32, #tpu.memory_space<vmem_shared>> -> memref<128x128xf32, #tpu.memory_space<vmem_shared>>
        %dma_start3A_50 = arith.constant 0 : i32
        %dma_start3A_51 = tpu.memref_slice %arg11[%add3A_41, %dma_start3A_50] : memref<10016x128xf32, #tpu.memory_space<vmem_shared>> -> memref<128x128xf32, #tpu.memory_space<vmem_shared>>
        %dma_start3A_52 = arith.constant 0 : i32
        %dma_start3A_53 = arith.constant 0 : i32
        %dma_start3A_54 = tpu.memref_slice %arg8[%dma_start3A_52, %dma_start3A_53] : memref<128x128xf32, #tpu.memory_space<vmem>> -> memref<128x128xf32, #tpu.memory_space<vmem>>
        tpu.enqueue_dma source(%dma_start3A_54 : memref<128x128xf32, #tpu.memory_space<vmem>>) target(%dma_start3A_51 : memref<128x128xf32, #tpu.memory_space<vmem_shared>>) target_semaphore(%run_scoped3A : memref<!tpu.dma_semaphore, #tpu.memory_space<semaphore_mem>>)
        %dma_wait3A = arith.constant 0 : i32
        %dma_wait3A_55 = arith.constant 0 : i32
        %dma_wait3A_56 = tpu.memref_slice %arg8[%dma_wait3A, %dma_wait3A_55] : memref<128x128xf32, #tpu.memory_space<vmem>> -> memref<128x128xf32, #tpu.memory_space<vmem>>
        %dma_wait3A_57 = arith.constant 0 : i32
        %dma_wait3A_58 = tpu.memref_slice %arg11[%add3A_41, %dma_wait3A_57] : memref<10016x128xf32, #tpu.memory_space<vmem_shared>> -> memref<128x128xf32, #tpu.memory_space<vmem_shared>>
        %dma_wait3A_59 = arith.constant 0 : i32
        %dma_wait3A_60 = tpu.memref_slice %arg11[%add3A_41, %dma_wait3A_59] : memref<10016x128xf32, #tpu.memory_space<vmem_shared>> -> memref<128x128xf32, #tpu.memory_space<vmem_shared>>
        %dma_wait3A_61 = arith.constant 0 : i32
        %dma_wait3A_62 = arith.constant 0 : i32
        %dma_wait3A_63 = tpu.memref_slice %arg8[%dma_wait3A_61, %dma_wait3A_62] : memref<128x128xf32, #tpu.memory_space<vmem>> -> memref<128x128xf32, #tpu.memory_space<vmem>>
        tpu.wait_dma2 semaphore(%run_scoped3A : memref<!tpu.dma_semaphore, #tpu.memory_space<semaphore_mem>>) src(%dma_wait3A_63 : memref<128x128xf32, #tpu.memory_space<vmem>>) dst(%dma_wait3A_60 : memref<128x128xf32, #tpu.memory_space<vmem_shared>>)
        tpu.yield
      }) : () -> ()
      %add3A_42 = arith.constant 384 : i32
      %add3A_43 = arith.addi %mul3A_11, %add3A_42 : i32
      "tpu.region"() ({
        %run_scoped3A = tpu.sem_alloc : memref<!tpu.dma_semaphore, #tpu.memory_space<semaphore_mem>>
        %dma_start3A = arith.constant 0 : i32
        %dma_start3A_46 = arith.constant 0 : i32
        %dma_start3A_47 = tpu.memref_slice %arg8[%dma_start3A, %dma_start3A_46] : memref<128x128xf32, #tpu.memory_space<vmem>> -> memref<128x128xf32, #tpu.memory_space<vmem>>
        %dma_start3A_48 = arith.constant 0 : i32
        %dma_start3A_49 = tpu.memref_slice %arg11[%add3A_43, %dma_start3A_48] : memref<10016x128xf32, #tpu.memory_space<vmem_shared>> -> memref<128x128xf32, #tpu.memory_space<vmem_shared>>
        %dma_start3A_50 = arith.constant 0 : i32
        %dma_start3A_51 = tpu.memref_slice %arg11[%add3A_43, %dma_start3A_50] : memref<10016x128xf32, #tpu.memory_space<vmem_shared>> -> memref<128x128xf32, #tpu.memory_space<vmem_shared>>
        %dma_start3A_52 = arith.constant 0 : i32
        %dma_start3A_53 = arith.constant 0 : i32
        %dma_start3A_54 = tpu.memref_slice %arg8[%dma_start3A_52, %dma_start3A_53] : memref<128x128xf32, #tpu.memory_space<vmem>> -> memref<128x128xf32, #tpu.memory_space<vmem>>
        tpu.enqueue_dma source(%dma_start3A_54 : memref<128x128xf32, #tpu.memory_space<vmem>>) target(%dma_start3A_51 : memref<128x128xf32, #tpu.memory_space<vmem_shared>>) target_semaphore(%run_scoped3A : memref<!tpu.dma_semaphore, #tpu.memory_space<semaphore_mem>>)
        %dma_wait3A = arith.constant 0 : i32
        %dma_wait3A_55 = arith.constant 0 : i32
        %dma_wait3A_56 = tpu.memref_slice %arg8[%dma_wait3A, %dma_wait3A_55] : memref<128x128xf32, #tpu.memory_space<vmem>> -> memref<128x128xf32, #tpu.memory_space<vmem>>
        %dma_wait3A_57 = arith.constant 0 : i32
        %dma_wait3A_58 = tpu.memref_slice %arg11[%add3A_43, %dma_wait3A_57] : memref<10016x128xf32, #tpu.memory_space<vmem_shared>> -> memref<128x128xf32, #tpu.memory_space<vmem_shared>>
        %dma_wait3A_59 = arith.constant 0 : i32
        %dma_wait3A_60 = tpu.memref_slice %arg11[%add3A_43, %dma_wait3A_59] : memref<10016x128xf32, #tpu.memory_space<vmem_shared>> -> memref<128x128xf32, #tpu.memory_space<vmem_shared>>
        %dma_wait3A_61 = arith.constant 0 : i32
        %dma_wait3A_62 = arith.constant 0 : i32
        %dma_wait3A_63 = tpu.memref_slice %arg8[%dma_wait3A_61, %dma_wait3A_62] : memref<128x128xf32, #tpu.memory_space<vmem>> -> memref<128x128xf32, #tpu.memory_space<vmem>>
        tpu.wait_dma2 semaphore(%run_scoped3A : memref<!tpu.dma_semaphore, #tpu.memory_space<semaphore_mem>>) src(%dma_wait3A_63 : memref<128x128xf32, #tpu.memory_space<vmem>>) dst(%dma_wait3A_60 : memref<128x128xf32, #tpu.memory_space<vmem_shared>>)
        tpu.yield
      }) : () -> ()
      %add3A_44 = arith.constant 512 : i32
      %add3A_45 = arith.addi %mul3A_11, %add3A_44 : i32
      "tpu.region"() ({
        %run_scoped3A = tpu.sem_alloc : memref<!tpu.dma_semaphore, #tpu.memory_space<semaphore_mem>>
        %dma_start3A = arith.constant 0 : i32
        %dma_start3A_46 = arith.constant 0 : i32
        %dma_start3A_47 = tpu.memref_slice %arg8[%dma_start3A, %dma_start3A_46] : memref<128x128xf32, #tpu.memory_space<vmem>> -> memref<24x128xf32, #tpu.memory_space<vmem>>
        %dma_start3A_48 = arith.constant 0 : i32
        %dma_start3A_49 = tpu.memref_slice %arg11[%add3A_45, %dma_start3A_48] : memref<10016x128xf32, #tpu.memory_space<vmem_shared>> -> memref<24x128xf32, #tpu.memory_space<vmem_shared>>
        %dma_start3A_50 = arith.constant 0 : i32
        %dma_start3A_51 = tpu.memref_slice %arg11[%add3A_45, %dma_start3A_50] : memref<10016x128xf32, #tpu.memory_space<vmem_shared>> -> memref<24x128xf32, #tpu.memory_space<vmem_shared>>
        %dma_start3A_52 = arith.constant 0 : i32
        %dma_start3A_53 = arith.constant 0 : i32
        %dma_start3A_54 = tpu.memref_slice %arg8[%dma_start3A_52, %dma_start3A_53] : memref<128x128xf32, #tpu.memory_space<vmem>> -> memref<24x128xf32, #tpu.memory_space<vmem>>
        tpu.enqueue_dma source(%dma_start3A_54 : memref<24x128xf32, #tpu.memory_space<vmem>>) target(%dma_start3A_51 : memref<24x128xf32, #tpu.memory_space<vmem_shared>>) target_semaphore(%run_scoped3A : memref<!tpu.dma_semaphore, #tpu.memory_space<semaphore_mem>>)
        %dma_wait3A = arith.constant 0 : i32
        %dma_wait3A_55 = arith.constant 0 : i32
        %dma_wait3A_56 = tpu.memref_slice %arg8[%dma_wait3A, %dma_wait3A_55] : memref<128x128xf32, #tpu.memory_space<vmem>> -> memref<24x128xf32, #tpu.memory_space<vmem>>
        %dma_wait3A_57 = arith.constant 0 : i32
        %dma_wait3A_58 = tpu.memref_slice %arg11[%add3A_45, %dma_wait3A_57] : memref<10016x128xf32, #tpu.memory_space<vmem_shared>> -> memref<24x128xf32, #tpu.memory_space<vmem_shared>>
        %dma_wait3A_59 = arith.constant 0 : i32
        %dma_wait3A_60 = tpu.memref_slice %arg11[%add3A_45, %dma_wait3A_59] : memref<10016x128xf32, #tpu.memory_space<vmem_shared>> -> memref<24x128xf32, #tpu.memory_space<vmem_shared>>
        %dma_wait3A_61 = arith.constant 0 : i32
        %dma_wait3A_62 = arith.constant 0 : i32
        %dma_wait3A_63 = tpu.memref_slice %arg8[%dma_wait3A_61, %dma_wait3A_62] : memref<128x128xf32, #tpu.memory_space<vmem>> -> memref<24x128xf32, #tpu.memory_space<vmem>>
        tpu.wait_dma2 semaphore(%run_scoped3A : memref<!tpu.dma_semaphore, #tpu.memory_space<semaphore_mem>>) src(%dma_wait3A_63 : memref<24x128xf32, #tpu.memory_space<vmem>>) dst(%dma_wait3A_60 : memref<24x128xf32, #tpu.memory_space<vmem_shared>>)
        tpu.yield
      }) : () -> ()
    } else {
    }
    %barrier3A = arith.constant 0 : index
    tpu.barrier barrier_id(%barrier3A)
    %scan3A_18 = arith.constant 0 : i32
    %scan3A_19 = arith.constant 0 : i32
    %scan3A_20 = arith.constant 10 : i32
    %scan3A_21 = arith.addi %scan3A_19, %scan3A_20 : i32
    %scan3A_22 = arith.constant 1 : i32
    %scan3A_23 = scf.for %scan3A_36 = %scan3A_19 to %scan3A_21 step %scan3A_22 iter_args(%scan3A_37 = %scan3A_18) -> (i32)  : i32 {
      %mul3A_38 = arith.constant 8 : i32
      %mul3A_39 = arith.muli %scan3A_36, %mul3A_38 : i32
      "tpu.region"() ({
        %run_scoped3A = tpu.sem_alloc : memref<!tpu.dma_semaphore, #tpu.memory_space<semaphore_mem>>
        %dma_start3A_271 = arith.constant 0 : i32
        %dma_start3A_272 = tpu.memref_slice %arg3[%add3A, %mul3A_39, %dma_start3A_271] : memref<32x80x128xi32, #tpu.memory_space<hbm>> -> memref<1x8x128xi32, #tpu.memory_space<hbm>>
        %dma_start3A_273 = tpu.memref_squeeze %dma_start3A_272 : memref<1x8x128xi32, #tpu.memory_space<hbm>> -> memref<8x128xi32, #tpu.memory_space<hbm>>
        %dma_start3A_274 = arith.constant 0 : i32
        %dma_start3A_275 = tpu.memref_slice %arg3[%add3A, %mul3A_39, %dma_start3A_274] : memref<32x80x128xi32, #tpu.memory_space<hbm>> -> memref<1x8x128xi32, #tpu.memory_space<hbm>>
        %dma_start3A_276 = tpu.memref_squeeze %dma_start3A_275 : memref<1x8x128xi32, #tpu.memory_space<hbm>> -> memref<8x128xi32, #tpu.memory_space<hbm>>
        tpu.enqueue_dma source(%dma_start3A_276 : memref<8x128xi32, #tpu.memory_space<hbm>>) target(%arg6 : memref<8x128xi32, #tpu.memory_space<vmem>>) target_semaphore(%run_scoped3A : memref<!tpu.dma_semaphore, #tpu.memory_space<semaphore_mem>>)
        %dma_wait3A_277 = arith.constant 0 : i32
        %dma_wait3A_278 = tpu.memref_slice %arg3[%add3A, %mul3A_39, %dma_wait3A_277] : memref<32x80x128xi32, #tpu.memory_space<hbm>> -> memref<1x8x128xi32, #tpu.memory_space<hbm>>
        %dma_wait3A_279 = tpu.memref_squeeze %dma_wait3A_278 : memref<1x8x128xi32, #tpu.memory_space<hbm>> -> memref<8x128xi32, #tpu.memory_space<hbm>>
        %dma_wait3A_280 = arith.constant 0 : i32
        %dma_wait3A_281 = tpu.memref_slice %arg3[%add3A, %mul3A_39, %dma_wait3A_280] : memref<32x80x128xi32, #tpu.memory_space<hbm>> -> memref<1x8x128xi32, #tpu.memory_space<hbm>>
        %dma_wait3A_282 = tpu.memref_squeeze %dma_wait3A_281 : memref<1x8x128xi32, #tpu.memory_space<hbm>> -> memref<8x128xi32, #tpu.memory_space<hbm>>
        tpu.wait_dma2 semaphore(%run_scoped3A : memref<!tpu.dma_semaphore, #tpu.memory_space<semaphore_mem>>) src(%dma_wait3A_282 : memref<8x128xi32, #tpu.memory_space<hbm>>) dst(%arg6 : memref<8x128xi32, #tpu.memory_space<vmem>>)
        tpu.yield
      }) : () -> ()
      %dma_start3A = arith.constant 0 : i32
      %dma_start3A_40 = arith.constant 0 : i32
      %dma_start3A_41 = tpu.memref_slice %arg6[%dma_start3A, %dma_start3A_40] : memref<8x128xi32, #tpu.memory_space<vmem>> -> memref<1x128xi32, #tpu.memory_space<vmem>>
      %dma_start3A_42 = tpu.memref_squeeze %dma_start3A_41 : memref<1x128xi32, #tpu.memory_space<vmem>> -> memref<128xi32, #tpu.memory_space<vmem>>
      %dma_start3A_43 = arith.constant 0 : i32
      %dma_start3A_44 = arith.constant 0 : i32
      %dma_start3A_45 = tpu.memref_slice %arg2[%dma_start3A_43, %dma_start3A_44] : memref<10000x128xf32, #tpu.memory_space<hbm>> -> memref<10000x128xf32, #tpu.memory_space<hbm>>
      tpu.enqueue_indirect_dma source(%dma_start3A_45 : memref<10000x128xf32, #tpu.memory_space<hbm>>) target(%arg8 : memref<128x128xf32, #tpu.memory_space<vmem>>) offsets(%dma_start3A_42 : memref<128xi32, #tpu.memory_space<vmem>>) semaphore(%arg12 : memref<!tpu.dma_semaphore, #tpu.memory_space<semaphore_mem>>)
      %dma_start3A_46 = arith.constant 1 : i32
      %dma_start3A_47 = arith.constant 0 : i32
      %dma_start3A_48 = tpu.memref_slice %arg6[%dma_start3A_46, %dma_start3A_47] : memref<8x128xi32, #tpu.memory_space<vmem>> -> memref<1x128xi32, #tpu.memory_space<vmem>>
      %dma_start3A_49 = tpu.memref_squeeze %dma_start3A_48 : memref<1x128xi32, #tpu.memory_space<vmem>> -> memref<128xi32, #tpu.memory_space<vmem>>
      %dma_start3A_50 = arith.constant 0 : i32
      %dma_start3A_51 = arith.constant 0 : i32
      %dma_start3A_52 = tpu.memref_slice %arg2[%dma_start3A_50, %dma_start3A_51] : memref<10000x128xf32, #tpu.memory_space<hbm>> -> memref<10000x128xf32, #tpu.memory_space<hbm>>
      tpu.enqueue_indirect_dma source(%dma_start3A_52 : memref<10000x128xf32, #tpu.memory_space<hbm>>) target(%arg9 : memref<128x128xf32, #tpu.memory_space<vmem>>) offsets(%dma_start3A_49 : memref<128xi32, #tpu.memory_space<vmem>>) semaphore(%arg13 : memref<!tpu.dma_semaphore, #tpu.memory_space<semaphore_mem>>)
      %dma_start3A_53 = arith.constant 2 : i32
      %dma_start3A_54 = arith.constant 0 : i32
      %dma_start3A_55 = tpu.memref_slice %arg6[%dma_start3A_53, %dma_start3A_54] : memref<8x128xi32, #tpu.memory_space<vmem>> -> memref<1x128xi32, #tpu.memory_space<vmem>>
      %dma_start3A_56 = tpu.memref_squeeze %dma_start3A_55 : memref<1x128xi32, #tpu.memory_space<vmem>> -> memref<128xi32, #tpu.memory_space<vmem>>
      %dma_start3A_57 = arith.constant 0 : i32
      %dma_start3A_58 = arith.constant 0 : i32
      %dma_start3A_59 = tpu.memref_slice %arg2[%dma_start3A_57, %dma_start3A_58] : memref<10000x128xf32, #tpu.memory_space<hbm>> -> memref<10000x128xf32, #tpu.memory_space<hbm>>
      tpu.enqueue_indirect_dma source(%dma_start3A_59 : memref<10000x128xf32, #tpu.memory_space<hbm>>) target(%arg10 : memref<128x128xf32, #tpu.memory_space<vmem>>) offsets(%dma_start3A_56 : memref<128xi32, #tpu.memory_space<vmem>>) semaphore(%arg14 : memref<!tpu.dma_semaphore, #tpu.memory_space<semaphore_mem>>)
      %mul3A_60 = arith.constant 8 : i32
      %mul3A_61 = arith.muli %scan3A_36, %mul3A_60 : i32
      %add3A_62 = arith.constant 0 : i32
      %add3A_63 = arith.addi %mul3A_61, %add3A_62 : i32
      "tpu.region"() ({
        %run_scoped3A = tpu.sem_alloc : memref<!tpu.dma_semaphore, #tpu.memory_space<semaphore_mem>>
        %dma_start3A_271 = arith.constant 0 : i32
        %dma_start3A_272 = tpu.memref_slice %arg4[%add3A, %add3A_63, %dma_start3A_271] : memref<32x80x128xi32, #tpu.memory_space<hbm>> -> memref<1x4x128xi32, #tpu.memory_space<hbm>>
        %dma_start3A_273 = tpu.memref_squeeze %dma_start3A_272 : memref<1x4x128xi32, #tpu.memory_space<hbm>> -> memref<4x128xi32, #tpu.memory_space<hbm>>
        %dma_start3A_274 = arith.constant 0 : i32
        %dma_start3A_275 = tpu.memref_slice %arg4[%add3A, %add3A_63, %dma_start3A_274] : memref<32x80x128xi32, #tpu.memory_space<hbm>> -> memref<1x4x128xi32, #tpu.memory_space<hbm>>
        %dma_start3A_276 = tpu.memref_squeeze %dma_start3A_275 : memref<1x4x128xi32, #tpu.memory_space<hbm>> -> memref<4x128xi32, #tpu.memory_space<hbm>>
        tpu.enqueue_dma source(%dma_start3A_276 : memref<4x128xi32, #tpu.memory_space<hbm>>) target(%arg7 : memref<4x128xi32, #tpu.memory_space<vmem>>) target_semaphore(%run_scoped3A : memref<!tpu.dma_semaphore, #tpu.memory_space<semaphore_mem>>)
        %dma_wait3A_277 = arith.constant 0 : i32
        %dma_wait3A_278 = tpu.memref_slice %arg4[%add3A, %add3A_63, %dma_wait3A_277] : memref<32x80x128xi32, #tpu.memory_space<hbm>> -> memref<1x4x128xi32, #tpu.memory_space<hbm>>
        %dma_wait3A_279 = tpu.memref_squeeze %dma_wait3A_278 : memref<1x4x128xi32, #tpu.memory_space<hbm>> -> memref<4x128xi32, #tpu.memory_space<hbm>>
        %dma_wait3A_280 = arith.constant 0 : i32
        %dma_wait3A_281 = tpu.memref_slice %arg4[%add3A, %add3A_63, %dma_wait3A_280] : memref<32x80x128xi32, #tpu.memory_space<hbm>> -> memref<1x4x128xi32, #tpu.memory_space<hbm>>
        %dma_wait3A_282 = tpu.memref_squeeze %dma_wait3A_281 : memref<1x4x128xi32, #tpu.memory_space<hbm>> -> memref<4x128xi32, #tpu.memory_space<hbm>>
        tpu.wait_dma2 semaphore(%run_scoped3A : memref<!tpu.dma_semaphore, #tpu.memory_space<semaphore_mem>>) src(%dma_wait3A_282 : memref<4x128xi32, #tpu.memory_space<hbm>>) dst(%arg7 : memref<4x128xi32, #tpu.memory_space<vmem>>)
        tpu.yield
      }) : () -> ()
      %dma_wait3A = arith.constant 0 : i32
      %dma_wait3A_64 = arith.constant 0 : i32
      %dma_wait3A_65 = tpu.memref_slice %arg6[%dma_wait3A, %dma_wait3A_64] : memref<8x128xi32, #tpu.memory_space<vmem>> -> memref<1x128xi32, #tpu.memory_space<vmem>>
      %dma_wait3A_66 = tpu.memref_squeeze %dma_wait3A_65 : memref<1x128xi32, #tpu.memory_space<vmem>> -> memref<128xi32, #tpu.memory_space<vmem>>
      %dma_wait3A_67 = arith.constant 0 : i32
      %dma_wait3A_68 = arith.constant 0 : i32
      %dma_wait3A_69 = tpu.memref_slice %arg2[%dma_wait3A_67, %dma_wait3A_68] : memref<10000x128xf32, #tpu.memory_space<hbm>> -> memref<10000x128xf32, #tpu.memory_space<hbm>>
      tpu.wait_indirect_dma semaphore(%arg12 : memref<!tpu.dma_semaphore, #tpu.memory_space<semaphore_mem>>) src(%dma_wait3A_69 : memref<10000x128xf32, #tpu.memory_space<hbm>>) dst(%arg8 : memref<128x128xf32, #tpu.memory_space<vmem>>)
      %dma_start3A_70 = arith.constant 0 : i32
      %dma_start3A_71 = arith.constant 0 : i32
      %dma_start3A_72 = tpu.memref_slice %arg7[%dma_start3A_70, %dma_start3A_71] : memref<4x128xi32, #tpu.memory_space<vmem>> -> memref<1x128xi32, #tpu.memory_space<vmem>>
      %dma_start3A_73 = tpu.memref_squeeze %dma_start3A_72 : memref<1x128xi32, #tpu.memory_space<vmem>> -> memref<128xi32, #tpu.memory_space<vmem>>
      %dma_start3A_74 = arith.constant 0 : i32
      %dma_start3A_75 = arith.constant 0 : i32
      %dma_start3A_76 = tpu.memref_slice %arg11[%dma_start3A_74, %dma_start3A_75] : memref<10016x128xf32, #tpu.memory_space<vmem_shared>> -> memref<10016x128xf32, #tpu.memory_space<vmem_shared>>
      tpu.enqueue_indirect_dma source(%arg8 : memref<128x128xf32, #tpu.memory_space<vmem>>) target(%dma_start3A_76 : memref<10016x128xf32, #tpu.memory_space<vmem_shared>>) offsets(%dma_start3A_73 : memref<128xi32, #tpu.memory_space<vmem>>) semaphore(%arg15 : memref<!tpu.dma_semaphore, #tpu.memory_space<semaphore_mem>>) {add = true}
      %dma_wait3A_77 = arith.constant 0 : i32
      %dma_wait3A_78 = arith.constant 0 : i32
      %dma_wait3A_79 = tpu.memref_slice %arg7[%dma_wait3A_77, %dma_wait3A_78] : memref<4x128xi32, #tpu.memory_space<vmem>> -> memref<1x128xi32, #tpu.memory_space<vmem>>
      %dma_wait3A_80 = tpu.memref_squeeze %dma_wait3A_79 : memref<1x128xi32, #tpu.memory_space<vmem>> -> memref<128xi32, #tpu.memory_space<vmem>>
      %dma_wait3A_81 = arith.constant 0 : i32
      %dma_wait3A_82 = arith.constant 0 : i32
      %dma_wait3A_83 = tpu.memref_slice %arg11[%dma_wait3A_81, %dma_wait3A_82] : memref<10016x128xf32, #tpu.memory_space<vmem_shared>> -> memref<10016x128xf32, #tpu.memory_space<vmem_shared>>
      tpu.wait_indirect_dma semaphore(%arg15 : memref<!tpu.dma_semaphore, #tpu.memory_space<semaphore_mem>>) src(%arg8 : memref<128x128xf32, #tpu.memory_space<vmem>>) dst(%dma_wait3A_83 : memref<10016x128xf32, #tpu.memory_space<vmem_shared>>)
      %dma_start3A_84 = arith.constant 3 : i32
      %dma_start3A_85 = arith.constant 0 : i32
      %dma_start3A_86 = tpu.memref_slice %arg6[%dma_start3A_84, %dma_start3A_85] : memref<8x128xi32, #tpu.memory_space<vmem>> -> memref<1x128xi32, #tpu.memory_space<vmem>>
      %dma_start3A_87 = tpu.memref_squeeze %dma_start3A_86 : memref<1x128xi32, #tpu.memory_space<vmem>> -> memref<128xi32, #tpu.memory_space<vmem>>
      %dma_start3A_88 = arith.constant 0 : i32
      %dma_start3A_89 = arith.constant 0 : i32
      %dma_start3A_90 = tpu.memref_slice %arg2[%dma_start3A_88, %dma_start3A_89] : memref<10000x128xf32, #tpu.memory_space<hbm>> -> memref<10000x128xf32, #tpu.memory_space<hbm>>
      tpu.enqueue_indirect_dma source(%dma_start3A_90 : memref<10000x128xf32, #tpu.memory_space<hbm>>) target(%arg8 : memref<128x128xf32, #tpu.memory_space<vmem>>) offsets(%dma_start3A_87 : memref<128xi32, #tpu.memory_space<vmem>>) semaphore(%arg12 : memref<!tpu.dma_semaphore, #tpu.memory_space<semaphore_mem>>)
      %dma_wait3A_91 = arith.constant 1 : i32
      %dma_wait3A_92 = arith.constant 0 : i32
      %dma_wait3A_93 = tpu.memref_slice %arg6[%dma_wait3A_91, %dma_wait3A_92] : memref<8x128xi32, #tpu.memory_space<vmem>> -> memref<1x128xi32, #tpu.memory_space<vmem>>
      %dma_wait3A_94 = tpu.memref_squeeze %dma_wait3A_93 : memref<1x128xi32, #tpu.memory_space<vmem>> -> memref<128xi32, #tpu.memory_space<vmem>>
      %dma_wait3A_95 = arith.constant 0 : i32
      %dma_wait3A_96 = arith.constant 0 : i32
      %dma_wait3A_97 = tpu.memref_slice %arg2[%dma_wait3A_95, %dma_wait3A_96] : memref<10000x128xf32, #tpu.memory_space<hbm>> -> memref<10000x128xf32, #tpu.memory_space<hbm>>
      tpu.wait_indirect_dma semaphore(%arg13 : memref<!tpu.dma_semaphore, #tpu.memory_space<semaphore_mem>>) src(%dma_wait3A_97 : memref<10000x128xf32, #tpu.memory_space<hbm>>) dst(%arg9 : memref<128x128xf32, #tpu.memory_space<vmem>>)
      %dma_start3A_98 = arith.constant 1 : i32
      %dma_start3A_99 = arith.constant 0 : i32
      %dma_start3A_100 = tpu.memref_slice %arg7[%dma_start3A_98, %dma_start3A_99] : memref<4x128xi32, #tpu.memory_space<vmem>> -> memref<1x128xi32, #tpu.memory_space<vmem>>
      %dma_start3A_101 = tpu.memref_squeeze %dma_start3A_100 : memref<1x128xi32, #tpu.memory_space<vmem>> -> memref<128xi32, #tpu.memory_space<vmem>>
      %dma_start3A_102 = arith.constant 0 : i32
      %dma_start3A_103 = arith.constant 0 : i32
      %dma_start3A_104 = tpu.memref_slice %arg11[%dma_start3A_102, %dma_start3A_103] : memref<10016x128xf32, #tpu.memory_space<vmem_shared>> -> memref<10016x128xf32, #tpu.memory_space<vmem_shared>>
      tpu.enqueue_indirect_dma source(%arg9 : memref<128x128xf32, #tpu.memory_space<vmem>>) target(%dma_start3A_104 : memref<10016x128xf32, #tpu.memory_space<vmem_shared>>) offsets(%dma_start3A_101 : memref<128xi32, #tpu.memory_space<vmem>>) semaphore(%arg16 : memref<!tpu.dma_semaphore, #tpu.memory_space<semaphore_mem>>) {add = true}
      %dma_wait3A_105 = arith.constant 1 : i32
      %dma_wait3A_106 = arith.constant 0 : i32
      %dma_wait3A_107 = tpu.memref_slice %arg7[%dma_wait3A_105, %dma_wait3A_106] : memref<4x128xi32, #tpu.memory_space<vmem>> -> memref<1x128xi32, #tpu.memory_space<vmem>>
      %dma_wait3A_108 = tpu.memref_squeeze %dma_wait3A_107 : memref<1x128xi32, #tpu.memory_space<vmem>> -> memref<128xi32, #tpu.memory_space<vmem>>
      %dma_wait3A_109 = arith.constant 0 : i32
      %dma_wait3A_110 = arith.constant 0 : i32
      %dma_wait3A_111 = tpu.memref_slice %arg11[%dma_wait3A_109, %dma_wait3A_110] : memref<10016x128xf32, #tpu.memory_space<vmem_shared>> -> memref<10016x128xf32, #tpu.memory_space<vmem_shared>>
      tpu.wait_indirect_dma semaphore(%arg16 : memref<!tpu.dma_semaphore, #tpu.memory_space<semaphore_mem>>) src(%arg9 : memref<128x128xf32, #tpu.memory_space<vmem>>) dst(%dma_wait3A_111 : memref<10016x128xf32, #tpu.memory_space<vmem_shared>>)
      %dma_start3A_112 = arith.constant 4 : i32
      %dma_start3A_113 = arith.constant 0 : i32
      %dma_start3A_114 = tpu.memref_slice %arg6[%dma_start3A_112, %dma_start3A_113] : memref<8x128xi32, #tpu.memory_space<vmem>> -> memref<1x128xi32, #tpu.memory_space<vmem>>
      %dma_start3A_115 = tpu.memref_squeeze %dma_start3A_114 : memref<1x128xi32, #tpu.memory_space<vmem>> -> memref<128xi32, #tpu.memory_space<vmem>>
      %dma_start3A_116 = arith.constant 0 : i32
      %dma_start3A_117 = arith.constant 0 : i32
      %dma_start3A_118 = tpu.memref_slice %arg2[%dma_start3A_116, %dma_start3A_117] : memref<10000x128xf32, #tpu.memory_space<hbm>> -> memref<10000x128xf32, #tpu.memory_space<hbm>>
      tpu.enqueue_indirect_dma source(%dma_start3A_118 : memref<10000x128xf32, #tpu.memory_space<hbm>>) target(%arg9 : memref<128x128xf32, #tpu.memory_space<vmem>>) offsets(%dma_start3A_115 : memref<128xi32, #tpu.memory_space<vmem>>) semaphore(%arg13 : memref<!tpu.dma_semaphore, #tpu.memory_space<semaphore_mem>>)
      %dma_wait3A_119 = arith.constant 2 : i32
      %dma_wait3A_120 = arith.constant 0 : i32
      %dma_wait3A_121 = tpu.memref_slice %arg6[%dma_wait3A_119, %dma_wait3A_120] : memref<8x128xi32, #tpu.memory_space<vmem>> -> memref<1x128xi32, #tpu.memory_space<vmem>>
      %dma_wait3A_122 = tpu.memref_squeeze %dma_wait3A_121 : memref<1x128xi32, #tpu.memory_space<vmem>> -> memref<128xi32, #tpu.memory_space<vmem>>
      %dma_wait3A_123 = arith.constant 0 : i32
      %dma_wait3A_124 = arith.constant 0 : i32
      %dma_wait3A_125 = tpu.memref_slice %arg2[%dma_wait3A_123, %dma_wait3A_124] : memref<10000x128xf32, #tpu.memory_space<hbm>> -> memref<10000x128xf32, #tpu.memory_space<hbm>>
      tpu.wait_indirect_dma semaphore(%arg14 : memref<!tpu.dma_semaphore, #tpu.memory_space<semaphore_mem>>) src(%dma_wait3A_125 : memref<10000x128xf32, #tpu.memory_space<hbm>>) dst(%arg10 : memref<128x128xf32, #tpu.memory_space<vmem>>)
      %dma_start3A_126 = arith.constant 2 : i32
      %dma_start3A_127 = arith.constant 0 : i32
      %dma_start3A_128 = tpu.memref_slice %arg7[%dma_start3A_126, %dma_start3A_127] : memref<4x128xi32, #tpu.memory_space<vmem>> -> memref<1x128xi32, #tpu.memory_space<vmem>>
      %dma_start3A_129 = tpu.memref_squeeze %dma_start3A_128 : memref<1x128xi32, #tpu.memory_space<vmem>> -> memref<128xi32, #tpu.memory_space<vmem>>
      %dma_start3A_130 = arith.constant 0 : i32
      %dma_start3A_131 = arith.constant 0 : i32
      %dma_start3A_132 = tpu.memref_slice %arg11[%dma_start3A_130, %dma_start3A_131] : memref<10016x128xf32, #tpu.memory_space<vmem_shared>> -> memref<10016x128xf32, #tpu.memory_space<vmem_shared>>
      tpu.enqueue_indirect_dma source(%arg10 : memref<128x128xf32, #tpu.memory_space<vmem>>) target(%dma_start3A_132 : memref<10016x128xf32, #tpu.memory_space<vmem_shared>>) offsets(%dma_start3A_129 : memref<128xi32, #tpu.memory_space<vmem>>) semaphore(%arg17 : memref<!tpu.dma_semaphore, #tpu.memory_space<semaphore_mem>>) {add = true}
      %dma_wait3A_133 = arith.constant 2 : i32
      %dma_wait3A_134 = arith.constant 0 : i32
      %dma_wait3A_135 = tpu.memref_slice %arg7[%dma_wait3A_133, %dma_wait3A_134] : memref<4x128xi32, #tpu.memory_space<vmem>> -> memref<1x128xi32, #tpu.memory_space<vmem>>
      %dma_wait3A_136 = tpu.memref_squeeze %dma_wait3A_135 : memref<1x128xi32, #tpu.memory_space<vmem>> -> memref<128xi32, #tpu.memory_space<vmem>>
      %dma_wait3A_137 = arith.constant 0 : i32
      %dma_wait3A_138 = arith.constant 0 : i32
      %dma_wait3A_139 = tpu.memref_slice %arg11[%dma_wait3A_137, %dma_wait3A_138] : memref<10016x128xf32, #tpu.memory_space<vmem_shared>> -> memref<10016x128xf32, #tpu.memory_space<vmem_shared>>
      tpu.wait_indirect_dma semaphore(%arg17 : memref<!tpu.dma_semaphore, #tpu.memory_space<semaphore_mem>>) src(%arg10 : memref<128x128xf32, #tpu.memory_space<vmem>>) dst(%dma_wait3A_139 : memref<10016x128xf32, #tpu.memory_space<vmem_shared>>)
      %dma_start3A_140 = arith.constant 5 : i32
      %dma_start3A_141 = arith.constant 0 : i32
      %dma_start3A_142 = tpu.memref_slice %arg6[%dma_start3A_140, %dma_start3A_141] : memref<8x128xi32, #tpu.memory_space<vmem>> -> memref<1x128xi32, #tpu.memory_space<vmem>>
      %dma_start3A_143 = tpu.memref_squeeze %dma_start3A_142 : memref<1x128xi32, #tpu.memory_space<vmem>> -> memref<128xi32, #tpu.memory_space<vmem>>
      %dma_start3A_144 = arith.constant 0 : i32
      %dma_start3A_145 = arith.constant 0 : i32
      %dma_start3A_146 = tpu.memref_slice %arg2[%dma_start3A_144, %dma_start3A_145] : memref<10000x128xf32, #tpu.memory_space<hbm>> -> memref<10000x128xf32, #tpu.memory_space<hbm>>
      tpu.enqueue_indirect_dma source(%dma_start3A_146 : memref<10000x128xf32, #tpu.memory_space<hbm>>) target(%arg10 : memref<128x128xf32, #tpu.memory_space<vmem>>) offsets(%dma_start3A_143 : memref<128xi32, #tpu.memory_space<vmem>>) semaphore(%arg14 : memref<!tpu.dma_semaphore, #tpu.memory_space<semaphore_mem>>)
      %dma_wait3A_147 = arith.constant 3 : i32
      %dma_wait3A_148 = arith.constant 0 : i32
      %dma_wait3A_149 = tpu.memref_slice %arg6[%dma_wait3A_147, %dma_wait3A_148] : memref<8x128xi32, #tpu.memory_space<vmem>> -> memref<1x128xi32, #tpu.memory_space<vmem>>
      %dma_wait3A_150 = tpu.memref_squeeze %dma_wait3A_149 : memref<1x128xi32, #tpu.memory_space<vmem>> -> memref<128xi32, #tpu.memory_space<vmem>>
      %dma_wait3A_151 = arith.constant 0 : i32
      %dma_wait3A_152 = arith.constant 0 : i32
      %dma_wait3A_153 = tpu.memref_slice %arg2[%dma_wait3A_151, %dma_wait3A_152] : memref<10000x128xf32, #tpu.memory_space<hbm>> -> memref<10000x128xf32, #tpu.memory_space<hbm>>
      tpu.wait_indirect_dma semaphore(%arg12 : memref<!tpu.dma_semaphore, #tpu.memory_space<semaphore_mem>>) src(%dma_wait3A_153 : memref<10000x128xf32, #tpu.memory_space<hbm>>) dst(%arg8 : memref<128x128xf32, #tpu.memory_space<vmem>>)
      %dma_start3A_154 = arith.constant 3 : i32
      %dma_start3A_155 = arith.constant 0 : i32
      %dma_start3A_156 = tpu.memref_slice %arg7[%dma_start3A_154, %dma_start3A_155] : memref<4x128xi32, #tpu.memory_space<vmem>> -> memref<1x128xi32, #tpu.memory_space<vmem>>
      %dma_start3A_157 = tpu.memref_squeeze %dma_start3A_156 : memref<1x128xi32, #tpu.memory_space<vmem>> -> memref<128xi32, #tpu.memory_space<vmem>>
      %dma_start3A_158 = arith.constant 0 : i32
      %dma_start3A_159 = arith.constant 0 : i32
      %dma_start3A_160 = tpu.memref_slice %arg11[%dma_start3A_158, %dma_start3A_159] : memref<10016x128xf32, #tpu.memory_space<vmem_shared>> -> memref<10016x128xf32, #tpu.memory_space<vmem_shared>>
      tpu.enqueue_indirect_dma source(%arg8 : memref<128x128xf32, #tpu.memory_space<vmem>>) target(%dma_start3A_160 : memref<10016x128xf32, #tpu.memory_space<vmem_shared>>) offsets(%dma_start3A_157 : memref<128xi32, #tpu.memory_space<vmem>>) semaphore(%arg15 : memref<!tpu.dma_semaphore, #tpu.memory_space<semaphore_mem>>) {add = true}
      %dma_wait3A_161 = arith.constant 3 : i32
      %dma_wait3A_162 = arith.constant 0 : i32
      %dma_wait3A_163 = tpu.memref_slice %arg7[%dma_wait3A_161, %dma_wait3A_162] : memref<4x128xi32, #tpu.memory_space<vmem>> -> memref<1x128xi32, #tpu.memory_space<vmem>>
      %dma_wait3A_164 = tpu.memref_squeeze %dma_wait3A_163 : memref<1x128xi32, #tpu.memory_space<vmem>> -> memref<128xi32, #tpu.memory_space<vmem>>
      %dma_wait3A_165 = arith.constant 0 : i32
      %dma_wait3A_166 = arith.constant 0 : i32
      %dma_wait3A_167 = tpu.memref_slice %arg11[%dma_wait3A_165, %dma_wait3A_166] : memref<10016x128xf32, #tpu.memory_space<vmem_shared>> -> memref<10016x128xf32, #tpu.memory_space<vmem_shared>>
      tpu.wait_indirect_dma semaphore(%arg15 : memref<!tpu.dma_semaphore, #tpu.memory_space<semaphore_mem>>) src(%arg8 : memref<128x128xf32, #tpu.memory_space<vmem>>) dst(%dma_wait3A_167 : memref<10016x128xf32, #tpu.memory_space<vmem_shared>>)
      %dma_start3A_168 = arith.constant 6 : i32
      %dma_start3A_169 = arith.constant 0 : i32
      %dma_start3A_170 = tpu.memref_slice %arg6[%dma_start3A_168, %dma_start3A_169] : memref<8x128xi32, #tpu.memory_space<vmem>> -> memref<1x128xi32, #tpu.memory_space<vmem>>
      %dma_start3A_171 = tpu.memref_squeeze %dma_start3A_170 : memref<1x128xi32, #tpu.memory_space<vmem>> -> memref<128xi32, #tpu.memory_space<vmem>>
      %dma_start3A_172 = arith.constant 0 : i32
      %dma_start3A_173 = arith.constant 0 : i32
      %dma_start3A_174 = tpu.memref_slice %arg2[%dma_start3A_172, %dma_start3A_173] : memref<10000x128xf32, #tpu.memory_space<hbm>> -> memref<10000x128xf32, #tpu.memory_space<hbm>>
      tpu.enqueue_indirect_dma source(%dma_start3A_174 : memref<10000x128xf32, #tpu.memory_space<hbm>>) target(%arg8 : memref<128x128xf32, #tpu.memory_space<vmem>>) offsets(%dma_start3A_171 : memref<128xi32, #tpu.memory_space<vmem>>) semaphore(%arg12 : memref<!tpu.dma_semaphore, #tpu.memory_space<semaphore_mem>>)
      %mul3A_175 = arith.constant 8 : i32
      %mul3A_176 = arith.muli %scan3A_36, %mul3A_175 : i32
      %add3A_177 = arith.constant 4 : i32
      %add3A_178 = arith.addi %mul3A_176, %add3A_177 : i32
      "tpu.region"() ({
        %run_scoped3A = tpu.sem_alloc : memref<!tpu.dma_semaphore, #tpu.memory_space<semaphore_mem>>
        %dma_start3A_271 = arith.constant 0 : i32
        %dma_start3A_272 = tpu.memref_slice %arg4[%add3A, %add3A_178, %dma_start3A_271] : memref<32x80x128xi32, #tpu.memory_space<hbm>> -> memref<1x4x128xi32, #tpu.memory_space<hbm>>
        %dma_start3A_273 = tpu.memref_squeeze %dma_start3A_272 : memref<1x4x128xi32, #tpu.memory_space<hbm>> -> memref<4x128xi32, #tpu.memory_space<hbm>>
        %dma_start3A_274 = arith.constant 0 : i32
        %dma_start3A_275 = tpu.memref_slice %arg4[%add3A, %add3A_178, %dma_start3A_274] : memref<32x80x128xi32, #tpu.memory_space<hbm>> -> memref<1x4x128xi32, #tpu.memory_space<hbm>>
        %dma_start3A_276 = tpu.memref_squeeze %dma_start3A_275 : memref<1x4x128xi32, #tpu.memory_space<hbm>> -> memref<4x128xi32, #tpu.memory_space<hbm>>
        tpu.enqueue_dma source(%dma_start3A_276 : memref<4x128xi32, #tpu.memory_space<hbm>>) target(%arg7 : memref<4x128xi32, #tpu.memory_space<vmem>>) target_semaphore(%run_scoped3A : memref<!tpu.dma_semaphore, #tpu.memory_space<semaphore_mem>>)
        %dma_wait3A_277 = arith.constant 0 : i32
        %dma_wait3A_278 = tpu.memref_slice %arg4[%add3A, %add3A_178, %dma_wait3A_277] : memref<32x80x128xi32, #tpu.memory_space<hbm>> -> memref<1x4x128xi32, #tpu.memory_space<hbm>>
        %dma_wait3A_279 = tpu.memref_squeeze %dma_wait3A_278 : memref<1x4x128xi32, #tpu.memory_space<hbm>> -> memref<4x128xi32, #tpu.memory_space<hbm>>
        %dma_wait3A_280 = arith.constant 0 : i32
        %dma_wait3A_281 = tpu.memref_slice %arg4[%add3A, %add3A_178, %dma_wait3A_280] : memref<32x80x128xi32, #tpu.memory_space<hbm>> -> memref<1x4x128xi32, #tpu.memory_space<hbm>>
        %dma_wait3A_282 = tpu.memref_squeeze %dma_wait3A_281 : memref<1x4x128xi32, #tpu.memory_space<hbm>> -> memref<4x128xi32, #tpu.memory_space<hbm>>
        tpu.wait_dma2 semaphore(%run_scoped3A : memref<!tpu.dma_semaphore, #tpu.memory_space<semaphore_mem>>) src(%dma_wait3A_282 : memref<4x128xi32, #tpu.memory_space<hbm>>) dst(%arg7 : memref<4x128xi32, #tpu.memory_space<vmem>>)
        tpu.yield
      }) : () -> ()
      %dma_wait3A_179 = arith.constant 4 : i32
      %dma_wait3A_180 = arith.constant 0 : i32
      %dma_wait3A_181 = tpu.memref_slice %arg6[%dma_wait3A_179, %dma_wait3A_180] : memref<8x128xi32, #tpu.memory_space<vmem>> -> memref<1x128xi32, #tpu.memory_space<vmem>>
      %dma_wait3A_182 = tpu.memref_squeeze %dma_wait3A_181 : memref<1x128xi32, #tpu.memory_space<vmem>> -> memref<128xi32, #tpu.memory_space<vmem>>
      %dma_wait3A_183 = arith.constant 0 : i32
      %dma_wait3A_184 = arith.constant 0 : i32
      %dma_wait3A_185 = tpu.memref_slice %arg2[%dma_wait3A_183, %dma_wait3A_184] : memref<10000x128xf32, #tpu.memory_space<hbm>> -> memref<10000x128xf32, #tpu.memory_space<hbm>>
      tpu.wait_indirect_dma semaphore(%arg13 : memref<!tpu.dma_semaphore, #tpu.memory_space<semaphore_mem>>) src(%dma_wait3A_185 : memref<10000x128xf32, #tpu.memory_space<hbm>>) dst(%arg9 : memref<128x128xf32, #tpu.memory_space<vmem>>)
      %dma_start3A_186 = arith.constant 0 : i32
      %dma_start3A_187 = arith.constant 0 : i32
      %dma_start3A_188 = tpu.memref_slice %arg7[%dma_start3A_186, %dma_start3A_187] : memref<4x128xi32, #tpu.memory_space<vmem>> -> memref<1x128xi32, #tpu.memory_space<vmem>>
      %dma_start3A_189 = tpu.memref_squeeze %dma_start3A_188 : memref<1x128xi32, #tpu.memory_space<vmem>> -> memref<128xi32, #tpu.memory_space<vmem>>
      %dma_start3A_190 = arith.constant 0 : i32
      %dma_start3A_191 = arith.constant 0 : i32
      %dma_start3A_192 = tpu.memref_slice %arg11[%dma_start3A_190, %dma_start3A_191] : memref<10016x128xf32, #tpu.memory_space<vmem_shared>> -> memref<10016x128xf32, #tpu.memory_space<vmem_shared>>
      tpu.enqueue_indirect_dma source(%arg9 : memref<128x128xf32, #tpu.memory_space<vmem>>) target(%dma_start3A_192 : memref<10016x128xf32, #tpu.memory_space<vmem_shared>>) offsets(%dma_start3A_189 : memref<128xi32, #tpu.memory_space<vmem>>) semaphore(%arg16 : memref<!tpu.dma_semaphore, #tpu.memory_space<semaphore_mem>>) {add = true}
      %dma_wait3A_193 = arith.constant 0 : i32
      %dma_wait3A_194 = arith.constant 0 : i32
      %dma_wait3A_195 = tpu.memref_slice %arg7[%dma_wait3A_193, %dma_wait3A_194] : memref<4x128xi32, #tpu.memory_space<vmem>> -> memref<1x128xi32, #tpu.memory_space<vmem>>
      %dma_wait3A_196 = tpu.memref_squeeze %dma_wait3A_195 : memref<1x128xi32, #tpu.memory_space<vmem>> -> memref<128xi32, #tpu.memory_space<vmem>>
      %dma_wait3A_197 = arith.constant 0 : i32
      %dma_wait3A_198 = arith.constant 0 : i32
      %dma_wait3A_199 = tpu.memref_slice %arg11[%dma_wait3A_197, %dma_wait3A_198] : memref<10016x128xf32, #tpu.memory_space<vmem_shared>> -> memref<10016x128xf32, #tpu.memory_space<vmem_shared>>
      tpu.wait_indirect_dma semaphore(%arg16 : memref<!tpu.dma_semaphore, #tpu.memory_space<semaphore_mem>>) src(%arg9 : memref<128x128xf32, #tpu.memory_space<vmem>>) dst(%dma_wait3A_199 : memref<10016x128xf32, #tpu.memory_space<vmem_shared>>)
      %dma_start3A_200 = arith.constant 7 : i32
      %dma_start3A_201 = arith.constant 0 : i32
      %dma_start3A_202 = tpu.memref_slice %arg6[%dma_start3A_200, %dma_start3A_201] : memref<8x128xi32, #tpu.memory_space<vmem>> -> memref<1x128xi32, #tpu.memory_space<vmem>>
      %dma_start3A_203 = tpu.memref_squeeze %dma_start3A_202 : memref<1x128xi32, #tpu.memory_space<vmem>> -> memref<128xi32, #tpu.memory_space<vmem>>
      %dma_start3A_204 = arith.constant 0 : i32
      %dma_start3A_205 = arith.constant 0 : i32
      %dma_start3A_206 = tpu.memref_slice %arg2[%dma_start3A_204, %dma_start3A_205] : memref<10000x128xf32, #tpu.memory_space<hbm>> -> memref<10000x128xf32, #tpu.memory_space<hbm>>
      tpu.enqueue_indirect_dma source(%dma_start3A_206 : memref<10000x128xf32, #tpu.memory_space<hbm>>) target(%arg9 : memref<128x128xf32, #tpu.memory_space<vmem>>) offsets(%dma_start3A_203 : memref<128xi32, #tpu.memory_space<vmem>>) semaphore(%arg13 : memref<!tpu.dma_semaphore, #tpu.memory_space<semaphore_mem>>)
      %dma_wait3A_207 = arith.constant 5 : i32
      %dma_wait3A_208 = arith.constant 0 : i32
      %dma_wait3A_209 = tpu.memref_slice %arg6[%dma_wait3A_207, %dma_wait3A_208] : memref<8x128xi32, #tpu.memory_space<vmem>> -> memref<1x128xi32, #tpu.memory_space<vmem>>
      %dma_wait3A_210 = tpu.memref_squeeze %dma_wait3A_209 : memref<1x128xi32, #tpu.memory_space<vmem>> -> memref<128xi32, #tpu.memory_space<vmem>>
      %dma_wait3A_211 = arith.constant 0 : i32
      %dma_wait3A_212 = arith.constant 0 : i32
      %dma_wait3A_213 = tpu.memref_slice %arg2[%dma_wait3A_211, %dma_wait3A_212] : memref<10000x128xf32, #tpu.memory_space<hbm>> -> memref<10000x128xf32, #tpu.memory_space<hbm>>
      tpu.wait_indirect_dma semaphore(%arg14 : memref<!tpu.dma_semaphore, #tpu.memory_space<semaphore_mem>>) src(%dma_wait3A_213 : memref<10000x128xf32, #tpu.memory_space<hbm>>) dst(%arg10 : memref<128x128xf32, #tpu.memory_space<vmem>>)
      %dma_start3A_214 = arith.constant 1 : i32
      %dma_start3A_215 = arith.constant 0 : i32
      %dma_start3A_216 = tpu.memref_slice %arg7[%dma_start3A_214, %dma_start3A_215] : memref<4x128xi32, #tpu.memory_space<vmem>> -> memref<1x128xi32, #tpu.memory_space<vmem>>
      %dma_start3A_217 = tpu.memref_squeeze %dma_start3A_216 : memref<1x128xi32, #tpu.memory_space<vmem>> -> memref<128xi32, #tpu.memory_space<vmem>>
      %dma_start3A_218 = arith.constant 0 : i32
      %dma_start3A_219 = arith.constant 0 : i32
      %dma_start3A_220 = tpu.memref_slice %arg11[%dma_start3A_218, %dma_start3A_219] : memref<10016x128xf32, #tpu.memory_space<vmem_shared>> -> memref<10016x128xf32, #tpu.memory_space<vmem_shared>>
      tpu.enqueue_indirect_dma source(%arg10 : memref<128x128xf32, #tpu.memory_space<vmem>>) target(%dma_start3A_220 : memref<10016x128xf32, #tpu.memory_space<vmem_shared>>) offsets(%dma_start3A_217 : memref<128xi32, #tpu.memory_space<vmem>>) semaphore(%arg17 : memref<!tpu.dma_semaphore, #tpu.memory_space<semaphore_mem>>) {add = true}
      %dma_wait3A_221 = arith.constant 1 : i32
      %dma_wait3A_222 = arith.constant 0 : i32
      %dma_wait3A_223 = tpu.memref_slice %arg7[%dma_wait3A_221, %dma_wait3A_222] : memref<4x128xi32, #tpu.memory_space<vmem>> -> memref<1x128xi32, #tpu.memory_space<vmem>>
      %dma_wait3A_224 = tpu.memref_squeeze %dma_wait3A_223 : memref<1x128xi32, #tpu.memory_space<vmem>> -> memref<128xi32, #tpu.memory_space<vmem>>
      %dma_wait3A_225 = arith.constant 0 : i32
      %dma_wait3A_226 = arith.constant 0 : i32
      %dma_wait3A_227 = tpu.memref_slice %arg11[%dma_wait3A_225, %dma_wait3A_226] : memref<10016x128xf32, #tpu.memory_space<vmem_shared>> -> memref<10016x128xf32, #tpu.memory_space<vmem_shared>>
      tpu.wait_indirect_dma semaphore(%arg17 : memref<!tpu.dma_semaphore, #tpu.memory_space<semaphore_mem>>) src(%arg10 : memref<128x128xf32, #tpu.memory_space<vmem>>) dst(%dma_wait3A_227 : memref<10016x128xf32, #tpu.memory_space<vmem_shared>>)
      %dma_wait3A_228 = arith.constant 6 : i32
      %dma_wait3A_229 = arith.constant 0 : i32
      %dma_wait3A_230 = tpu.memref_slice %arg6[%dma_wait3A_228, %dma_wait3A_229] : memref<8x128xi32, #tpu.memory_space<vmem>> -> memref<1x128xi32, #tpu.memory_space<vmem>>
      %dma_wait3A_231 = tpu.memref_squeeze %dma_wait3A_230 : memref<1x128xi32, #tpu.memory_space<vmem>> -> memref<128xi32, #tpu.memory_space<vmem>>
      %dma_wait3A_232 = arith.constant 0 : i32
      %dma_wait3A_233 = arith.constant 0 : i32
      %dma_wait3A_234 = tpu.memref_slice %arg2[%dma_wait3A_232, %dma_wait3A_233] : memref<10000x128xf32, #tpu.memory_space<hbm>> -> memref<10000x128xf32, #tpu.memory_space<hbm>>
      tpu.wait_indirect_dma semaphore(%arg12 : memref<!tpu.dma_semaphore, #tpu.memory_space<semaphore_mem>>) src(%dma_wait3A_234 : memref<10000x128xf32, #tpu.memory_space<hbm>>) dst(%arg8 : memref<128x128xf32, #tpu.memory_space<vmem>>)
      %dma_start3A_235 = arith.constant 2 : i32
      %dma_start3A_236 = arith.constant 0 : i32
      %dma_start3A_237 = tpu.memref_slice %arg7[%dma_start3A_235, %dma_start3A_236] : memref<4x128xi32, #tpu.memory_space<vmem>> -> memref<1x128xi32, #tpu.memory_space<vmem>>
      %dma_start3A_238 = tpu.memref_squeeze %dma_start3A_237 : memref<1x128xi32, #tpu.memory_space<vmem>> -> memref<128xi32, #tpu.memory_space<vmem>>
      %dma_start3A_239 = arith.constant 0 : i32
      %dma_start3A_240 = arith.constant 0 : i32
      %dma_start3A_241 = tpu.memref_slice %arg11[%dma_start3A_239, %dma_start3A_240] : memref<10016x128xf32, #tpu.memory_space<vmem_shared>> -> memref<10016x128xf32, #tpu.memory_space<vmem_shared>>
      tpu.enqueue_indirect_dma source(%arg8 : memref<128x128xf32, #tpu.memory_space<vmem>>) target(%dma_start3A_241 : memref<10016x128xf32, #tpu.memory_space<vmem_shared>>) offsets(%dma_start3A_238 : memref<128xi32, #tpu.memory_space<vmem>>) semaphore(%arg15 : memref<!tpu.dma_semaphore, #tpu.memory_space<semaphore_mem>>) {add = true}
      %dma_wait3A_242 = arith.constant 2 : i32
      %dma_wait3A_243 = arith.constant 0 : i32
      %dma_wait3A_244 = tpu.memref_slice %arg7[%dma_wait3A_242, %dma_wait3A_243] : memref<4x128xi32, #tpu.memory_space<vmem>> -> memref<1x128xi32, #tpu.memory_space<vmem>>
      %dma_wait3A_245 = tpu.memref_squeeze %dma_wait3A_244 : memref<1x128xi32, #tpu.memory_space<vmem>> -> memref<128xi32, #tpu.memory_space<vmem>>
      %dma_wait3A_246 = arith.constant 0 : i32
      %dma_wait3A_247 = arith.constant 0 : i32
      %dma_wait3A_248 = tpu.memref_slice %arg11[%dma_wait3A_246, %dma_wait3A_247] : memref<10016x128xf32, #tpu.memory_space<vmem_shared>> -> memref<10016x128xf32, #tpu.memory_space<vmem_shared>>
      tpu.wait_indirect_dma semaphore(%arg15 : memref<!tpu.dma_semaphore, #tpu.memory_space<semaphore_mem>>) src(%arg8 : memref<128x128xf32, #tpu.memory_space<vmem>>) dst(%dma_wait3A_248 : memref<10016x128xf32, #tpu.memory_space<vmem_shared>>)
      %dma_wait3A_249 = arith.constant 7 : i32
      %dma_wait3A_250 = arith.constant 0 : i32
      %dma_wait3A_251 = tpu.memref_slice %arg6[%dma_wait3A_249, %dma_wait3A_250] : memref<8x128xi32, #tpu.memory_space<vmem>> -> memref<1x128xi32, #tpu.memory_space<vmem>>
      %dma_wait3A_252 = tpu.memref_squeeze %dma_wait3A_251 : memref<1x128xi32, #tpu.memory_space<vmem>> -> memref<128xi32, #tpu.memory_space<vmem>>
      %dma_wait3A_253 = arith.constant 0 : i32
      %dma_wait3A_254 = arith.constant 0 : i32
      %dma_wait3A_255 = tpu.memref_slice %arg2[%dma_wait3A_253, %dma_wait3A_254] : memref<10000x128xf32, #tpu.memory_space<hbm>> -> memref<10000x128xf32, #tpu.memory_space<hbm>>
      tpu.wait_indirect_dma semaphore(%arg13 : memref<!tpu.dma_semaphore, #tpu.memory_space<semaphore_mem>>) src(%dma_wait3A_255 : memref<10000x128xf32, #tpu.memory_space<hbm>>) dst(%arg9 : memref<128x128xf32, #tpu.memory_space<vmem>>)
      %dma_start3A_256 = arith.constant 3 : i32
      %dma_start3A_257 = arith.constant 0 : i32
      %dma_start3A_258 = tpu.memref_slice %arg7[%dma_start3A_256, %dma_start3A_257] : memref<4x128xi32, #tpu.memory_space<vmem>> -> memref<1x128xi32, #tpu.memory_space<vmem>>
      %dma_start3A_259 = tpu.memref_squeeze %dma_start3A_258 : memref<1x128xi32, #tpu.memory_space<vmem>> -> memref<128xi32, #tpu.memory_space<vmem>>
      %dma_start3A_260 = arith.constant 0 : i32
      %dma_start3A_261 = arith.constant 0 : i32
      %dma_start3A_262 = tpu.memref_slice %arg11[%dma_start3A_260, %dma_start3A_261] : memref<10016x128xf32, #tpu.memory_space<vmem_shared>> -> memref<10016x128xf32, #tpu.memory_space<vmem_shared>>
      tpu.enqueue_indirect_dma source(%arg9 : memref<128x128xf32, #tpu.memory_space<vmem>>) target(%dma_start3A_262 : memref<10016x128xf32, #tpu.memory_space<vmem_shared>>) offsets(%dma_start3A_259 : memref<128xi32, #tpu.memory_space<vmem>>) semaphore(%arg16 : memref<!tpu.dma_semaphore, #tpu.memory_space<semaphore_mem>>) {add = true}
      %dma_wait3A_263 = arith.constant 3 : i32
      %dma_wait3A_264 = arith.constant 0 : i32
      %dma_wait3A_265 = tpu.memref_slice %arg7[%dma_wait3A_263, %dma_wait3A_264] : memref<4x128xi32, #tpu.memory_space<vmem>> -> memref<1x128xi32, #tpu.memory_space<vmem>>
      %dma_wait3A_266 = tpu.memref_squeeze %dma_wait3A_265 : memref<1x128xi32, #tpu.memory_space<vmem>> -> memref<128xi32, #tpu.memory_space<vmem>>
      %dma_wait3A_267 = arith.constant 0 : i32
      %dma_wait3A_268 = arith.constant 0 : i32
      %dma_wait3A_269 = tpu.memref_slice %arg11[%dma_wait3A_267, %dma_wait3A_268] : memref<10016x128xf32, #tpu.memory_space<vmem_shared>> -> memref<10016x128xf32, #tpu.memory_space<vmem_shared>>
      tpu.wait_indirect_dma semaphore(%arg16 : memref<!tpu.dma_semaphore, #tpu.memory_space<semaphore_mem>>) src(%arg9 : memref<128x128xf32, #tpu.memory_space<vmem>>) dst(%dma_wait3A_269 : memref<10016x128xf32, #tpu.memory_space<vmem_shared>>)
      %scan3A_270 = arith.constant 0 : i32
      scf.yield %scan3A_270 : i32
    }
    %scan3A_24 = arith.constant 10 : i32
    %barrier3A_25 = arith.constant 0 : index
    tpu.barrier barrier_id(%barrier3A_25)
    %lt3A_26 = arith.constant 15 : i32
    %lt3A_27 = arith.cmpi slt, %arg1, %lt3A_26 : i32
    %convert_element_type3A_28 = arith.extui %lt3A_27 : i1 to i32
    %cond3A_29 = arith.constant 0 : i32
    %cond3A_30 = arith.cmpi ne, %convert_element_type3A_28, %cond3A_29 : i32
    scf.if %cond3A_30 {
      "tpu.region"() ({
        %run_scoped3A = tpu.sem_alloc : memref<!tpu.dma_semaphore, #tpu.memory_space<semaphore_mem>>
        %dma_start3A = arith.constant 0 : i32
        %dma_start3A_36 = tpu.memref_slice %arg5[%arg0, %mul3A_9, %dma_start3A] : memref<2x10016x128xf32, #tpu.memory_space<hbm>> -> memref<1x632x128xf32, #tpu.memory_space<hbm>>
        %dma_start3A_37 = tpu.memref_squeeze %dma_start3A_36 : memref<1x632x128xf32, #tpu.memory_space<hbm>> -> memref<632x128xf32, #tpu.memory_space<hbm>>
        %dma_start3A_38 = arith.constant 0 : i32
        %dma_start3A_39 = tpu.memref_slice %arg11[%mul3A_9, %dma_start3A_38] : memref<10016x128xf32, #tpu.memory_space<vmem_shared>> -> memref<632x128xf32, #tpu.memory_space<vmem_shared>>
        tpu.enqueue_dma source(%dma_start3A_39 : memref<632x128xf32, #tpu.memory_space<vmem_shared>>) target(%dma_start3A_37 : memref<632x128xf32, #tpu.memory_space<hbm>>) target_semaphore(%run_scoped3A : memref<!tpu.dma_semaphore, #tpu.memory_space<semaphore_mem>>)
        %dma_wait3A = arith.constant 0 : i32
        %dma_wait3A_40 = tpu.memref_slice %arg5[%arg0, %mul3A_9, %dma_wait3A] : memref<2x10016x128xf32, #tpu.memory_space<hbm>> -> memref<1x632x128xf32, #tpu.memory_space<hbm>>
        %dma_wait3A_41 = tpu.memref_squeeze %dma_wait3A_40 : memref<1x632x128xf32, #tpu.memory_space<hbm>> -> memref<632x128xf32, #tpu.memory_space<hbm>>
        %dma_wait3A_42 = arith.constant 0 : i32
        %dma_wait3A_43 = tpu.memref_slice %arg11[%mul3A_9, %dma_wait3A_42] : memref<10016x128xf32, #tpu.memory_space<vmem_shared>> -> memref<632x128xf32, #tpu.memory_space<vmem_shared>>
        tpu.wait_dma2 semaphore(%run_scoped3A : memref<!tpu.dma_semaphore, #tpu.memory_space<semaphore_mem>>) src(%dma_wait3A_43 : memref<632x128xf32, #tpu.memory_space<vmem_shared>>) dst(%dma_wait3A_41 : memref<632x128xf32, #tpu.memory_space<hbm>>)
        tpu.yield
      }) : () -> ()
    } else {
    }
    %eq3A_31 = arith.constant 15 : i32
    %eq3A_32 = arith.cmpi eq, %arg1, %eq3A_31 : i32
    %convert_element_type3A_33 = arith.extui %eq3A_32 : i1 to i32
    %cond3A_34 = arith.constant 0 : i32
    %cond3A_35 = arith.cmpi ne, %convert_element_type3A_33, %cond3A_34 : i32
    scf.if %cond3A_35 {
      "tpu.region"() ({
        %run_scoped3A = tpu.sem_alloc : memref<!tpu.dma_semaphore, #tpu.memory_space<semaphore_mem>>
        %dma_start3A = arith.constant 0 : i32
        %dma_start3A_36 = tpu.memref_slice %arg5[%arg0, %mul3A_9, %dma_start3A] : memref<2x10016x128xf32, #tpu.memory_space<hbm>> -> memref<1x536x128xf32, #tpu.memory_space<hbm>>
        %dma_start3A_37 = tpu.memref_squeeze %dma_start3A_36 : memref<1x536x128xf32, #tpu.memory_space<hbm>> -> memref<536x128xf32, #tpu.memory_space<hbm>>
        %dma_start3A_38 = arith.constant 0 : i32
        %dma_start3A_39 = tpu.memref_slice %arg11[%mul3A_9, %dma_start3A_38] : memref<10016x128xf32, #tpu.memory_space<vmem_shared>> -> memref<536x128xf32, #tpu.memory_space<vmem_shared>>
        tpu.enqueue_dma source(%dma_start3A_39 : memref<536x128xf32, #tpu.memory_space<vmem_shared>>) target(%dma_start3A_37 : memref<536x128xf32, #tpu.memory_space<hbm>>) target_semaphore(%run_scoped3A : memref<!tpu.dma_semaphore, #tpu.memory_space<semaphore_mem>>)
        %dma_wait3A = arith.constant 0 : i32
        %dma_wait3A_40 = tpu.memref_slice %arg5[%arg0, %mul3A_9, %dma_wait3A] : memref<2x10016x128xf32, #tpu.memory_space<hbm>> -> memref<1x536x128xf32, #tpu.memory_space<hbm>>
        %dma_wait3A_41 = tpu.memref_squeeze %dma_wait3A_40 : memref<1x536x128xf32, #tpu.memory_space<hbm>> -> memref<536x128xf32, #tpu.memory_space<hbm>>
        %dma_wait3A_42 = arith.constant 0 : i32
        %dma_wait3A_43 = tpu.memref_slice %arg11[%mul3A_9, %dma_wait3A_42] : memref<10016x128xf32, #tpu.memory_space<vmem_shared>> -> memref<536x128xf32, #tpu.memory_space<vmem_shared>>
        tpu.wait_dma2 semaphore(%run_scoped3A : memref<!tpu.dma_semaphore, #tpu.memory_space<semaphore_mem>>) src(%dma_wait3A_43 : memref<536x128xf32, #tpu.memory_space<vmem_shared>>) dst(%dma_wait3A_41 : memref<536x128xf32, #tpu.memory_space<hbm>>)
        tpu.yield
      }) : () -> ()
    } else {
    }
    return
  }
}

#map = affine_map<(d0, d1) -> (0, 0, 0)>
module attributes {stable_mosaic.version = 14 : i64} {
  func.func @_sc_deg_body(%arg0: i32, %arg1: i32, %arg2: memref<32x80x128xi32, #tpu.memory_space<hbm>>, %arg3: memref<2x10016x128xf32, #tpu.memory_space<hbm>>, %arg4: memref<8x128xi32, #tpu.memory_space<vmem>>, %arg5: memref<128x128xf32, #tpu.memory_space<vmem>>, %arg6: memref<10016x128xf32, #tpu.memory_space<vmem_shared>>) attributes {dimension_semantics = [#tpu.dimension_semantics<core_parallel>, #tpu.dimension_semantics<subcore_parallel>], iteration_bounds = array<i64: 2, 16>, scalar_prefetch = 0 : i64, scratch_operands = 3 : i64, tpu.core_type = #tpu.core_type<sc_vector_subcore>, window_params = [{transform_indices = #map}, {transform_indices = #map}]} {
    %mul3A = arith.constant 2 : i32
    %mul3A_0 = arith.muli %arg1, %mul3A : i32
    %add3A = arith.addi %mul3A_0, %arg0 : i32
    %broadcast_in_dim3A = arith.constant 0.000000e+00 : f32
    %broadcast_in_dim3A_1 = vector.broadcast %broadcast_in_dim3A : f32 to vector<16xf32>
    %broadcast_in_dim3A_2 = arith.constant 1.000000e+00 : f32
    %broadcast_in_dim3A_3 = vector.broadcast %broadcast_in_dim3A_2 : f32 to vector<16xf32>
    %scan3A = arith.constant 0 : i32
    %scan3A_4 = arith.constant 0 : i32
    %scan3A_5 = arith.constant 128 : i32
    %scan3A_6 = arith.addi %scan3A_4, %scan3A_5 : i32
    %scan3A_7 = arith.constant 1 : i32
    %scan3A_8 = scf.for %scan3A_45 = %scan3A_4 to %scan3A_6 step %scan3A_7 iter_args(%scan3A_46 = %scan3A) -> (i32)  : i32 {
      %swap3A = arith.index_cast %scan3A_45 : i32 to index
      %swap3A_47 = arith.constant 0 : index
      %swap3A_48 = tpu.vector_load %arg5[%swap3A, %swap3A_47] {strides = array<i32>} : memref<128x128xf32, #tpu.memory_space<vmem>>, vector<1x16xf32>,
      %swap3A_49 = vector.shape_cast %swap3A_48 : vector<1x16xf32> to vector<16xf32>
      %swap3A_50 = vector.shape_cast %broadcast_in_dim3A_1 : vector<16xf32> to vector<1x16xf32>
      tpu.vector_store %arg5[%swap3A, %swap3A_47], %swap3A_50 {strides = array<i32>} : memref<128x128xf32, #tpu.memory_space<vmem>>, vector<1x16xf32>,
      %swap3A_51 = arith.index_cast %scan3A_45 : i32 to index
      %swap3A_52 = arith.constant 16 : index
      %swap3A_53 = tpu.vector_load %arg5[%swap3A_51, %swap3A_52] {strides = array<i32>} : memref<128x128xf32, #tpu.memory_space<vmem>>, vector<1x16xf32>,
      %swap3A_54 = vector.shape_cast %swap3A_53 : vector<1x16xf32> to vector<16xf32>
      %swap3A_55 = vector.shape_cast %broadcast_in_dim3A_1 : vector<16xf32> to vector<1x16xf32>
      tpu.vector_store %arg5[%swap3A_51, %swap3A_52], %swap3A_55 {strides = array<i32>} : memref<128x128xf32, #tpu.memory_space<vmem>>, vector<1x16xf32>,
      %swap3A_56 = arith.index_cast %scan3A_45 : i32 to index
      %swap3A_57 = arith.constant 32 : index
      %swap3A_58 = tpu.vector_load %arg5[%swap3A_56, %swap3A_57] {strides = array<i32>} : memref<128x128xf32, #tpu.memory_space<vmem>>, vector<1x16xf32>,
      %swap3A_59 = vector.shape_cast %swap3A_58 : vector<1x16xf32> to vector<16xf32>
      %swap3A_60 = vector.shape_cast %broadcast_in_dim3A_1 : vector<16xf32> to vector<1x16xf32>
      tpu.vector_store %arg5[%swap3A_56, %swap3A_57], %swap3A_60 {strides = array<i32>} : memref<128x128xf32, #tpu.memory_space<vmem>>, vector<1x16xf32>,
      %swap3A_61 = arith.index_cast %scan3A_45 : i32 to index
      %swap3A_62 = arith.constant 48 : index
      %swap3A_63 = tpu.vector_load %arg5[%swap3A_61, %swap3A_62] {strides = array<i32>} : memref<128x128xf32, #tpu.memory_space<vmem>>, vector<1x16xf32>,
      %swap3A_64 = vector.shape_cast %swap3A_63 : vector<1x16xf32> to vector<16xf32>
      %swap3A_65 = vector.shape_cast %broadcast_in_dim3A_1 : vector<16xf32> to vector<1x16xf32>
      tpu.vector_store %arg5[%swap3A_61, %swap3A_62], %swap3A_65 {strides = array<i32>} : memref<128x128xf32, #tpu.memory_space<vmem>>, vector<1x16xf32>,
      %swap3A_66 = arith.index_cast %scan3A_45 : i32 to index
      %swap3A_67 = arith.constant 64 : index
      %swap3A_68 = tpu.vector_load %arg5[%swap3A_66, %swap3A_67] {strides = array<i32>} : memref<128x128xf32, #tpu.memory_space<vmem>>, vector<1x16xf32>,
      %swap3A_69 = vector.shape_cast %swap3A_68 : vector<1x16xf32> to vector<16xf32>
      %swap3A_70 = vector.shape_cast %broadcast_in_dim3A_1 : vector<16xf32> to vector<1x16xf32>
      tpu.vector_store %arg5[%swap3A_66, %swap3A_67], %swap3A_70 {strides = array<i32>} : memref<128x128xf32, #tpu.memory_space<vmem>>, vector<1x16xf32>,
      %swap3A_71 = arith.index_cast %scan3A_45 : i32 to index
      %swap3A_72 = arith.constant 80 : index
      %swap3A_73 = tpu.vector_load %arg5[%swap3A_71, %swap3A_72] {strides = array<i32>} : memref<128x128xf32, #tpu.memory_space<vmem>>, vector<1x16xf32>,
      %swap3A_74 = vector.shape_cast %swap3A_73 : vector<1x16xf32> to vector<16xf32>
      %swap3A_75 = vector.shape_cast %broadcast_in_dim3A_1 : vector<16xf32> to vector<1x16xf32>
      tpu.vector_store %arg5[%swap3A_71, %swap3A_72], %swap3A_75 {strides = array<i32>} : memref<128x128xf32, #tpu.memory_space<vmem>>, vector<1x16xf32>,
      %swap3A_76 = arith.index_cast %scan3A_45 : i32 to index
      %swap3A_77 = arith.constant 96 : index
      %swap3A_78 = tpu.vector_load %arg5[%swap3A_76, %swap3A_77] {strides = array<i32>} : memref<128x128xf32, #tpu.memory_space<vmem>>, vector<1x16xf32>,
      %swap3A_79 = vector.shape_cast %swap3A_78 : vector<1x16xf32> to vector<16xf32>
      %swap3A_80 = vector.shape_cast %broadcast_in_dim3A_1 : vector<16xf32> to vector<1x16xf32>
      tpu.vector_store %arg5[%swap3A_76, %swap3A_77], %swap3A_80 {strides = array<i32>} : memref<128x128xf32, #tpu.memory_space<vmem>>, vector<1x16xf32>,
      %swap3A_81 = arith.index_cast %scan3A_45 : i32 to index
      %swap3A_82 = arith.constant 112 : index
      %swap3A_83 = tpu.vector_load %arg5[%swap3A_81, %swap3A_82] {strides = array<i32>} : memref<128x128xf32, #tpu.memory_space<vmem>>, vector<1x16xf32>,
      %swap3A_84 = vector.shape_cast %swap3A_83 : vector<1x16xf32> to vector<16xf32>
      %swap3A_85 = vector.shape_cast %broadcast_in_dim3A_1 : vector<16xf32> to vector<1x16xf32>
      tpu.vector_store %arg5[%swap3A_81, %swap3A_82], %swap3A_85 {strides = array<i32>} : memref<128x128xf32, #tpu.memory_space<vmem>>, vector<1x16xf32>,
      %scan3A_86 = arith.constant 0 : i32
      scf.yield %scan3A_86 : i32
    }
    %scan3A_9 = arith.constant 128 : i32
    %mul3A_10 = arith.constant 632 : i32
    %mul3A_11 = arith.muli %arg1, %mul3A_10 : i32
    %mul3A_12 = arith.constant 632 : i32
    %mul3A_13 = arith.muli %arg1, %mul3A_12 : i32
    %lt3A = arith.constant 15 : i32
    %lt3A_14 = arith.cmpi slt, %arg1, %lt3A : i32
    %convert_element_type3A = arith.extui %lt3A_14 : i1 to i32
    %cond3A = arith.constant 0 : i32
    %cond3A_15 = arith.cmpi ne, %convert_element_type3A, %cond3A : i32
    scf.if %cond3A_15 {
      %add3A_45 = arith.constant 0 : i32
      %add3A_46 = arith.addi %mul3A_13, %add3A_45 : i32
      "tpu.region"() ({
        %run_scoped3A = tpu.sem_alloc : memref<!tpu.dma_semaphore, #tpu.memory_space<semaphore_mem>>
        %dma_start3A = arith.constant 0 : i32
        %dma_start3A_55 = arith.constant 0 : i32
        %dma_start3A_56 = tpu.memref_slice %arg5[%dma_start3A, %dma_start3A_55] : memref<128x128xf32, #tpu.memory_space<vmem>> -> memref<128x128xf32, #tpu.memory_space<vmem>>
        %dma_start3A_57 = arith.constant 0 : i32
        %dma_start3A_58 = tpu.memref_slice %arg6[%add3A_46, %dma_start3A_57] : memref<10016x128xf32, #tpu.memory_space<vmem_shared>> -> memref<128x128xf32, #tpu.memory_space<vmem_shared>>
        %dma_start3A_59 = arith.constant 0 : i32
        %dma_start3A_60 = tpu.memref_slice %arg6[%add3A_46, %dma_start3A_59] : memref<10016x128xf32, #tpu.memory_space<vmem_shared>> -> memref<128x128xf32, #tpu.memory_space<vmem_shared>>
        %dma_start3A_61 = arith.constant 0 : i32
        %dma_start3A_62 = arith.constant 0 : i32
        %dma_start3A_63 = tpu.memref_slice %arg5[%dma_start3A_61, %dma_start3A_62] : memref<128x128xf32, #tpu.memory_space<vmem>> -> memref<128x128xf32, #tpu.memory_space<vmem>>
        tpu.enqueue_dma source(%dma_start3A_63 : memref<128x128xf32, #tpu.memory_space<vmem>>) target(%dma_start3A_60 : memref<128x128xf32, #tpu.memory_space<vmem_shared>>) target_semaphore(%run_scoped3A : memref<!tpu.dma_semaphore, #tpu.memory_space<semaphore_mem>>)
        %dma_wait3A = arith.constant 0 : i32
        %dma_wait3A_64 = arith.constant 0 : i32
        %dma_wait3A_65 = tpu.memref_slice %arg5[%dma_wait3A, %dma_wait3A_64] : memref<128x128xf32, #tpu.memory_space<vmem>> -> memref<128x128xf32, #tpu.memory_space<vmem>>
        %dma_wait3A_66 = arith.constant 0 : i32
        %dma_wait3A_67 = tpu.memref_slice %arg6[%add3A_46, %dma_wait3A_66] : memref<10016x128xf32, #tpu.memory_space<vmem_shared>> -> memref<128x128xf32, #tpu.memory_space<vmem_shared>>
        %dma_wait3A_68 = arith.constant 0 : i32
        %dma_wait3A_69 = tpu.memref_slice %arg6[%add3A_46, %dma_wait3A_68] : memref<10016x128xf32, #tpu.memory_space<vmem_shared>> -> memref<128x128xf32, #tpu.memory_space<vmem_shared>>
        %dma_wait3A_70 = arith.constant 0 : i32
        %dma_wait3A_71 = arith.constant 0 : i32
        %dma_wait3A_72 = tpu.memref_slice %arg5[%dma_wait3A_70, %dma_wait3A_71] : memref<128x128xf32, #tpu.memory_space<vmem>> -> memref<128x128xf32, #tpu.memory_space<vmem>>
        tpu.wait_dma2 semaphore(%run_scoped3A : memref<!tpu.dma_semaphore, #tpu.memory_space<semaphore_mem>>) src(%dma_wait3A_72 : memref<128x128xf32, #tpu.memory_space<vmem>>) dst(%dma_wait3A_69 : memref<128x128xf32, #tpu.memory_space<vmem_shared>>)
        tpu.yield
      }) : () -> ()
      %add3A_47 = arith.constant 128 : i32
      %add3A_48 = arith.addi %mul3A_13, %add3A_47 : i32
      "tpu.region"() ({
        %run_scoped3A = tpu.sem_alloc : memref<!tpu.dma_semaphore, #tpu.memory_space<semaphore_mem>>
        %dma_start3A = arith.constant 0 : i32
        %dma_start3A_55 = arith.constant 0 : i32
        %dma_start3A_56 = tpu.memref_slice %arg5[%dma_start3A, %dma_start3A_55] : memref<128x128xf32, #tpu.memory_space<vmem>> -> memref<128x128xf32, #tpu.memory_space<vmem>>
        %dma_start3A_57 = arith.constant 0 : i32
        %dma_start3A_58 = tpu.memref_slice %arg6[%add3A_48, %dma_start3A_57] : memref<10016x128xf32, #tpu.memory_space<vmem_shared>> -> memref<128x128xf32, #tpu.memory_space<vmem_shared>>
        %dma_start3A_59 = arith.constant 0 : i32
        %dma_start3A_60 = tpu.memref_slice %arg6[%add3A_48, %dma_start3A_59] : memref<10016x128xf32, #tpu.memory_space<vmem_shared>> -> memref<128x128xf32, #tpu.memory_space<vmem_shared>>
        %dma_start3A_61 = arith.constant 0 : i32
        %dma_start3A_62 = arith.constant 0 : i32
        %dma_start3A_63 = tpu.memref_slice %arg5[%dma_start3A_61, %dma_start3A_62] : memref<128x128xf32, #tpu.memory_space<vmem>> -> memref<128x128xf32, #tpu.memory_space<vmem>>
        tpu.enqueue_dma source(%dma_start3A_63 : memref<128x128xf32, #tpu.memory_space<vmem>>) target(%dma_start3A_60 : memref<128x128xf32, #tpu.memory_space<vmem_shared>>) target_semaphore(%run_scoped3A : memref<!tpu.dma_semaphore, #tpu.memory_space<semaphore_mem>>)
        %dma_wait3A = arith.constant 0 : i32
        %dma_wait3A_64 = arith.constant 0 : i32
        %dma_wait3A_65 = tpu.memref_slice %arg5[%dma_wait3A, %dma_wait3A_64] : memref<128x128xf32, #tpu.memory_space<vmem>> -> memref<128x128xf32, #tpu.memory_space<vmem>>
        %dma_wait3A_66 = arith.constant 0 : i32
        %dma_wait3A_67 = tpu.memref_slice %arg6[%add3A_48, %dma_wait3A_66] : memref<10016x128xf32, #tpu.memory_space<vmem_shared>> -> memref<128x128xf32, #tpu.memory_space<vmem_shared>>
        %dma_wait3A_68 = arith.constant 0 : i32
        %dma_wait3A_69 = tpu.memref_slice %arg6[%add3A_48, %dma_wait3A_68] : memref<10016x128xf32, #tpu.memory_space<vmem_shared>> -> memref<128x128xf32, #tpu.memory_space<vmem_shared>>
        %dma_wait3A_70 = arith.constant 0 : i32
        %dma_wait3A_71 = arith.constant 0 : i32
        %dma_wait3A_72 = tpu.memref_slice %arg5[%dma_wait3A_70, %dma_wait3A_71] : memref<128x128xf32, #tpu.memory_space<vmem>> -> memref<128x128xf32, #tpu.memory_space<vmem>>
        tpu.wait_dma2 semaphore(%run_scoped3A : memref<!tpu.dma_semaphore, #tpu.memory_space<semaphore_mem>>) src(%dma_wait3A_72 : memref<128x128xf32, #tpu.memory_space<vmem>>) dst(%dma_wait3A_69 : memref<128x128xf32, #tpu.memory_space<vmem_shared>>)
        tpu.yield
      }) : () -> ()
      %add3A_49 = arith.constant 256 : i32
      %add3A_50 = arith.addi %mul3A_13, %add3A_49 : i32
      "tpu.region"() ({
        %run_scoped3A = tpu.sem_alloc : memref<!tpu.dma_semaphore, #tpu.memory_space<semaphore_mem>>
        %dma_start3A = arith.constant 0 : i32
        %dma_start3A_55 = arith.constant 0 : i32
        %dma_start3A_56 = tpu.memref_slice %arg5[%dma_start3A, %dma_start3A_55] : memref<128x128xf32, #tpu.memory_space<vmem>> -> memref<128x128xf32, #tpu.memory_space<vmem>>
        %dma_start3A_57 = arith.constant 0 : i32
        %dma_start3A_58 = tpu.memref_slice %arg6[%add3A_50, %dma_start3A_57] : memref<10016x128xf32, #tpu.memory_space<vmem_shared>> -> memref<128x128xf32, #tpu.memory_space<vmem_shared>>
        %dma_start3A_59 = arith.constant 0 : i32
        %dma_start3A_60 = tpu.memref_slice %arg6[%add3A_50, %dma_start3A_59] : memref<10016x128xf32, #tpu.memory_space<vmem_shared>> -> memref<128x128xf32, #tpu.memory_space<vmem_shared>>
        %dma_start3A_61 = arith.constant 0 : i32
        %dma_start3A_62 = arith.constant 0 : i32
        %dma_start3A_63 = tpu.memref_slice %arg5[%dma_start3A_61, %dma_start3A_62] : memref<128x128xf32, #tpu.memory_space<vmem>> -> memref<128x128xf32, #tpu.memory_space<vmem>>
        tpu.enqueue_dma source(%dma_start3A_63 : memref<128x128xf32, #tpu.memory_space<vmem>>) target(%dma_start3A_60 : memref<128x128xf32, #tpu.memory_space<vmem_shared>>) target_semaphore(%run_scoped3A : memref<!tpu.dma_semaphore, #tpu.memory_space<semaphore_mem>>)
        %dma_wait3A = arith.constant 0 : i32
        %dma_wait3A_64 = arith.constant 0 : i32
        %dma_wait3A_65 = tpu.memref_slice %arg5[%dma_wait3A, %dma_wait3A_64] : memref<128x128xf32, #tpu.memory_space<vmem>> -> memref<128x128xf32, #tpu.memory_space<vmem>>
        %dma_wait3A_66 = arith.constant 0 : i32
        %dma_wait3A_67 = tpu.memref_slice %arg6[%add3A_50, %dma_wait3A_66] : memref<10016x128xf32, #tpu.memory_space<vmem_shared>> -> memref<128x128xf32, #tpu.memory_space<vmem_shared>>
        %dma_wait3A_68 = arith.constant 0 : i32
        %dma_wait3A_69 = tpu.memref_slice %arg6[%add3A_50, %dma_wait3A_68] : memref<10016x128xf32, #tpu.memory_space<vmem_shared>> -> memref<128x128xf32, #tpu.memory_space<vmem_shared>>
        %dma_wait3A_70 = arith.constant 0 : i32
        %dma_wait3A_71 = arith.constant 0 : i32
        %dma_wait3A_72 = tpu.memref_slice %arg5[%dma_wait3A_70, %dma_wait3A_71] : memref<128x128xf32, #tpu.memory_space<vmem>> -> memref<128x128xf32, #tpu.memory_space<vmem>>
        tpu.wait_dma2 semaphore(%run_scoped3A : memref<!tpu.dma_semaphore, #tpu.memory_space<semaphore_mem>>) src(%dma_wait3A_72 : memref<128x128xf32, #tpu.memory_space<vmem>>) dst(%dma_wait3A_69 : memref<128x128xf32, #tpu.memory_space<vmem_shared>>)
        tpu.yield
      }) : () -> ()
      %add3A_51 = arith.constant 384 : i32
      %add3A_52 = arith.addi %mul3A_13, %add3A_51 : i32
      "tpu.region"() ({
        %run_scoped3A = tpu.sem_alloc : memref<!tpu.dma_semaphore, #tpu.memory_space<semaphore_mem>>
        %dma_start3A = arith.constant 0 : i32
        %dma_start3A_55 = arith.constant 0 : i32
        %dma_start3A_56 = tpu.memref_slice %arg5[%dma_start3A, %dma_start3A_55] : memref<128x128xf32, #tpu.memory_space<vmem>> -> memref<128x128xf32, #tpu.memory_space<vmem>>
        %dma_start3A_57 = arith.constant 0 : i32
        %dma_start3A_58 = tpu.memref_slice %arg6[%add3A_52, %dma_start3A_57] : memref<10016x128xf32, #tpu.memory_space<vmem_shared>> -> memref<128x128xf32, #tpu.memory_space<vmem_shared>>
        %dma_start3A_59 = arith.constant 0 : i32
        %dma_start3A_60 = tpu.memref_slice %arg6[%add3A_52, %dma_start3A_59] : memref<10016x128xf32, #tpu.memory_space<vmem_shared>> -> memref<128x128xf32, #tpu.memory_space<vmem_shared>>
        %dma_start3A_61 = arith.constant 0 : i32
        %dma_start3A_62 = arith.constant 0 : i32
        %dma_start3A_63 = tpu.memref_slice %arg5[%dma_start3A_61, %dma_start3A_62] : memref<128x128xf32, #tpu.memory_space<vmem>> -> memref<128x128xf32, #tpu.memory_space<vmem>>
        tpu.enqueue_dma source(%dma_start3A_63 : memref<128x128xf32, #tpu.memory_space<vmem>>) target(%dma_start3A_60 : memref<128x128xf32, #tpu.memory_space<vmem_shared>>) target_semaphore(%run_scoped3A : memref<!tpu.dma_semaphore, #tpu.memory_space<semaphore_mem>>)
        %dma_wait3A = arith.constant 0 : i32
        %dma_wait3A_64 = arith.constant 0 : i32
        %dma_wait3A_65 = tpu.memref_slice %arg5[%dma_wait3A, %dma_wait3A_64] : memref<128x128xf32, #tpu.memory_space<vmem>> -> memref<128x128xf32, #tpu.memory_space<vmem>>
        %dma_wait3A_66 = arith.constant 0 : i32
        %dma_wait3A_67 = tpu.memref_slice %arg6[%add3A_52, %dma_wait3A_66] : memref<10016x128xf32, #tpu.memory_space<vmem_shared>> -> memref<128x128xf32, #tpu.memory_space<vmem_shared>>
        %dma_wait3A_68 = arith.constant 0 : i32
        %dma_wait3A_69 = tpu.memref_slice %arg6[%add3A_52, %dma_wait3A_68] : memref<10016x128xf32, #tpu.memory_space<vmem_shared>> -> memref<128x128xf32, #tpu.memory_space<vmem_shared>>
        %dma_wait3A_70 = arith.constant 0 : i32
        %dma_wait3A_71 = arith.constant 0 : i32
        %dma_wait3A_72 = tpu.memref_slice %arg5[%dma_wait3A_70, %dma_wait3A_71] : memref<128x128xf32, #tpu.memory_space<vmem>> -> memref<128x128xf32, #tpu.memory_space<vmem>>
        tpu.wait_dma2 semaphore(%run_scoped3A : memref<!tpu.dma_semaphore, #tpu.memory_space<semaphore_mem>>) src(%dma_wait3A_72 : memref<128x128xf32, #tpu.memory_space<vmem>>) dst(%dma_wait3A_69 : memref<128x128xf32, #tpu.memory_space<vmem_shared>>)
        tpu.yield
      }) : () -> ()
      %add3A_53 = arith.constant 512 : i32
      %add3A_54 = arith.addi %mul3A_13, %add3A_53 : i32
      "tpu.region"() ({
        %run_scoped3A = tpu.sem_alloc : memref<!tpu.dma_semaphore, #tpu.memory_space<semaphore_mem>>
        %dma_start3A = arith.constant 0 : i32
        %dma_start3A_55 = arith.constant 0 : i32
        %dma_start3A_56 = tpu.memref_slice %arg5[%dma_start3A, %dma_start3A_55] : memref<128x128xf32, #tpu.memory_space<vmem>> -> memref<120x128xf32, #tpu.memory_space<vmem>>
        %dma_start3A_57 = arith.constant 0 : i32
        %dma_start3A_58 = tpu.memref_slice %arg6[%add3A_54, %dma_start3A_57] : memref<10016x128xf32, #tpu.memory_space<vmem_shared>> -> memref<120x128xf32, #tpu.memory_space<vmem_shared>>
        %dma_start3A_59 = arith.constant 0 : i32
        %dma_start3A_60 = tpu.memref_slice %arg6[%add3A_54, %dma_start3A_59] : memref<10016x128xf32, #tpu.memory_space<vmem_shared>> -> memref<120x128xf32, #tpu.memory_space<vmem_shared>>
        %dma_start3A_61 = arith.constant 0 : i32
        %dma_start3A_62 = arith.constant 0 : i32
        %dma_start3A_63 = tpu.memref_slice %arg5[%dma_start3A_61, %dma_start3A_62] : memref<128x128xf32, #tpu.memory_space<vmem>> -> memref<120x128xf32, #tpu.memory_space<vmem>>
        tpu.enqueue_dma source(%dma_start3A_63 : memref<120x128xf32, #tpu.memory_space<vmem>>) target(%dma_start3A_60 : memref<120x128xf32, #tpu.memory_space<vmem_shared>>) target_semaphore(%run_scoped3A : memref<!tpu.dma_semaphore, #tpu.memory_space<semaphore_mem>>)
        %dma_wait3A = arith.constant 0 : i32
        %dma_wait3A_64 = arith.constant 0 : i32
        %dma_wait3A_65 = tpu.memref_slice %arg5[%dma_wait3A, %dma_wait3A_64] : memref<128x128xf32, #tpu.memory_space<vmem>> -> memref<120x128xf32, #tpu.memory_space<vmem>>
        %dma_wait3A_66 = arith.constant 0 : i32
        %dma_wait3A_67 = tpu.memref_slice %arg6[%add3A_54, %dma_wait3A_66] : memref<10016x128xf32, #tpu.memory_space<vmem_shared>> -> memref<120x128xf32, #tpu.memory_space<vmem_shared>>
        %dma_wait3A_68 = arith.constant 0 : i32
        %dma_wait3A_69 = tpu.memref_slice %arg6[%add3A_54, %dma_wait3A_68] : memref<10016x128xf32, #tpu.memory_space<vmem_shared>> -> memref<120x128xf32, #tpu.memory_space<vmem_shared>>
        %dma_wait3A_70 = arith.constant 0 : i32
        %dma_wait3A_71 = arith.constant 0 : i32
        %dma_wait3A_72 = tpu.memref_slice %arg5[%dma_wait3A_70, %dma_wait3A_71] : memref<128x128xf32, #tpu.memory_space<vmem>> -> memref<120x128xf32, #tpu.memory_space<vmem>>
        tpu.wait_dma2 semaphore(%run_scoped3A : memref<!tpu.dma_semaphore, #tpu.memory_space<semaphore_mem>>) src(%dma_wait3A_72 : memref<120x128xf32, #tpu.memory_space<vmem>>) dst(%dma_wait3A_69 : memref<120x128xf32, #tpu.memory_space<vmem_shared>>)
        tpu.yield
      }) : () -> ()
    } else {
    }
    %eq3A = arith.constant 15 : i32
    %eq3A_16 = arith.cmpi eq, %arg1, %eq3A : i32
    %convert_element_type3A_17 = arith.extui %eq3A_16 : i1 to i32
    %cond3A_18 = arith.constant 0 : i32
    %cond3A_19 = arith.cmpi ne, %convert_element_type3A_17, %cond3A_18 : i32
    scf.if %cond3A_19 {
      %add3A_45 = arith.constant 0 : i32
      %add3A_46 = arith.addi %mul3A_13, %add3A_45 : i32
      "tpu.region"() ({
        %run_scoped3A = tpu.sem_alloc : memref<!tpu.dma_semaphore, #tpu.memory_space<semaphore_mem>>
        %dma_start3A = arith.constant 0 : i32
        %dma_start3A_55 = arith.constant 0 : i32
        %dma_start3A_56 = tpu.memref_slice %arg5[%dma_start3A, %dma_start3A_55] : memref<128x128xf32, #tpu.memory_space<vmem>> -> memref<128x128xf32, #tpu.memory_space<vmem>>
        %dma_start3A_57 = arith.constant 0 : i32
        %dma_start3A_58 = tpu.memref_slice %arg6[%add3A_46, %dma_start3A_57] : memref<10016x128xf32, #tpu.memory_space<vmem_shared>> -> memref<128x128xf32, #tpu.memory_space<vmem_shared>>
        %dma_start3A_59 = arith.constant 0 : i32
        %dma_start3A_60 = tpu.memref_slice %arg6[%add3A_46, %dma_start3A_59] : memref<10016x128xf32, #tpu.memory_space<vmem_shared>> -> memref<128x128xf32, #tpu.memory_space<vmem_shared>>
        %dma_start3A_61 = arith.constant 0 : i32
        %dma_start3A_62 = arith.constant 0 : i32
        %dma_start3A_63 = tpu.memref_slice %arg5[%dma_start3A_61, %dma_start3A_62] : memref<128x128xf32, #tpu.memory_space<vmem>> -> memref<128x128xf32, #tpu.memory_space<vmem>>
        tpu.enqueue_dma source(%dma_start3A_63 : memref<128x128xf32, #tpu.memory_space<vmem>>) target(%dma_start3A_60 : memref<128x128xf32, #tpu.memory_space<vmem_shared>>) target_semaphore(%run_scoped3A : memref<!tpu.dma_semaphore, #tpu.memory_space<semaphore_mem>>)
        %dma_wait3A = arith.constant 0 : i32
        %dma_wait3A_64 = arith.constant 0 : i32
        %dma_wait3A_65 = tpu.memref_slice %arg5[%dma_wait3A, %dma_wait3A_64] : memref<128x128xf32, #tpu.memory_space<vmem>> -> memref<128x128xf32, #tpu.memory_space<vmem>>
        %dma_wait3A_66 = arith.constant 0 : i32
        %dma_wait3A_67 = tpu.memref_slice %arg6[%add3A_46, %dma_wait3A_66] : memref<10016x128xf32, #tpu.memory_space<vmem_shared>> -> memref<128x128xf32, #tpu.memory_space<vmem_shared>>
        %dma_wait3A_68 = arith.constant 0 : i32
        %dma_wait3A_69 = tpu.memref_slice %arg6[%add3A_46, %dma_wait3A_68] : memref<10016x128xf32, #tpu.memory_space<vmem_shared>> -> memref<128x128xf32, #tpu.memory_space<vmem_shared>>
        %dma_wait3A_70 = arith.constant 0 : i32
        %dma_wait3A_71 = arith.constant 0 : i32
        %dma_wait3A_72 = tpu.memref_slice %arg5[%dma_wait3A_70, %dma_wait3A_71] : memref<128x128xf32, #tpu.memory_space<vmem>> -> memref<128x128xf32, #tpu.memory_space<vmem>>
        tpu.wait_dma2 semaphore(%run_scoped3A : memref<!tpu.dma_semaphore, #tpu.memory_space<semaphore_mem>>) src(%dma_wait3A_72 : memref<128x128xf32, #tpu.memory_space<vmem>>) dst(%dma_wait3A_69 : memref<128x128xf32, #tpu.memory_space<vmem_shared>>)
        tpu.yield
      }) : () -> ()
      %add3A_47 = arith.constant 128 : i32
      %add3A_48 = arith.addi %mul3A_13, %add3A_47 : i32
      "tpu.region"() ({
        %run_scoped3A = tpu.sem_alloc : memref<!tpu.dma_semaphore, #tpu.memory_space<semaphore_mem>>
        %dma_start3A = arith.constant 0 : i32
        %dma_start3A_55 = arith.constant 0 : i32
        %dma_start3A_56 = tpu.memref_slice %arg5[%dma_start3A, %dma_start3A_55] : memref<128x128xf32, #tpu.memory_space<vmem>> -> memref<128x128xf32, #tpu.memory_space<vmem>>
        %dma_start3A_57 = arith.constant 0 : i32
        %dma_start3A_58 = tpu.memref_slice %arg6[%add3A_48, %dma_start3A_57] : memref<10016x128xf32, #tpu.memory_space<vmem_shared>> -> memref<128x128xf32, #tpu.memory_space<vmem_shared>>
        %dma_start3A_59 = arith.constant 0 : i32
        %dma_start3A_60 = tpu.memref_slice %arg6[%add3A_48, %dma_start3A_59] : memref<10016x128xf32, #tpu.memory_space<vmem_shared>> -> memref<128x128xf32, #tpu.memory_space<vmem_shared>>
        %dma_start3A_61 = arith.constant 0 : i32
        %dma_start3A_62 = arith.constant 0 : i32
        %dma_start3A_63 = tpu.memref_slice %arg5[%dma_start3A_61, %dma_start3A_62] : memref<128x128xf32, #tpu.memory_space<vmem>> -> memref<128x128xf32, #tpu.memory_space<vmem>>
        tpu.enqueue_dma source(%dma_start3A_63 : memref<128x128xf32, #tpu.memory_space<vmem>>) target(%dma_start3A_60 : memref<128x128xf32, #tpu.memory_space<vmem_shared>>) target_semaphore(%run_scoped3A : memref<!tpu.dma_semaphore, #tpu.memory_space<semaphore_mem>>)
        %dma_wait3A = arith.constant 0 : i32
        %dma_wait3A_64 = arith.constant 0 : i32
        %dma_wait3A_65 = tpu.memref_slice %arg5[%dma_wait3A, %dma_wait3A_64] : memref<128x128xf32, #tpu.memory_space<vmem>> -> memref<128x128xf32, #tpu.memory_space<vmem>>
        %dma_wait3A_66 = arith.constant 0 : i32
        %dma_wait3A_67 = tpu.memref_slice %arg6[%add3A_48, %dma_wait3A_66] : memref<10016x128xf32, #tpu.memory_space<vmem_shared>> -> memref<128x128xf32, #tpu.memory_space<vmem_shared>>
        %dma_wait3A_68 = arith.constant 0 : i32
        %dma_wait3A_69 = tpu.memref_slice %arg6[%add3A_48, %dma_wait3A_68] : memref<10016x128xf32, #tpu.memory_space<vmem_shared>> -> memref<128x128xf32, #tpu.memory_space<vmem_shared>>
        %dma_wait3A_70 = arith.constant 0 : i32
        %dma_wait3A_71 = arith.constant 0 : i32
        %dma_wait3A_72 = tpu.memref_slice %arg5[%dma_wait3A_70, %dma_wait3A_71] : memref<128x128xf32, #tpu.memory_space<vmem>> -> memref<128x128xf32, #tpu.memory_space<vmem>>
        tpu.wait_dma2 semaphore(%run_scoped3A : memref<!tpu.dma_semaphore, #tpu.memory_space<semaphore_mem>>) src(%dma_wait3A_72 : memref<128x128xf32, #tpu.memory_space<vmem>>) dst(%dma_wait3A_69 : memref<128x128xf32, #tpu.memory_space<vmem_shared>>)
        tpu.yield
      }) : () -> ()
      %add3A_49 = arith.constant 256 : i32
      %add3A_50 = arith.addi %mul3A_13, %add3A_49 : i32
      "tpu.region"() ({
        %run_scoped3A = tpu.sem_alloc : memref<!tpu.dma_semaphore, #tpu.memory_space<semaphore_mem>>
        %dma_start3A = arith.constant 0 : i32
        %dma_start3A_55 = arith.constant 0 : i32
        %dma_start3A_56 = tpu.memref_slice %arg5[%dma_start3A, %dma_start3A_55] : memref<128x128xf32, #tpu.memory_space<vmem>> -> memref<128x128xf32, #tpu.memory_space<vmem>>
        %dma_start3A_57 = arith.constant 0 : i32
        %dma_start3A_58 = tpu.memref_slice %arg6[%add3A_50, %dma_start3A_57] : memref<10016x128xf32, #tpu.memory_space<vmem_shared>> -> memref<128x128xf32, #tpu.memory_space<vmem_shared>>
        %dma_start3A_59 = arith.constant 0 : i32
        %dma_start3A_60 = tpu.memref_slice %arg6[%add3A_50, %dma_start3A_59] : memref<10016x128xf32, #tpu.memory_space<vmem_shared>> -> memref<128x128xf32, #tpu.memory_space<vmem_shared>>
        %dma_start3A_61 = arith.constant 0 : i32
        %dma_start3A_62 = arith.constant 0 : i32
        %dma_start3A_63 = tpu.memref_slice %arg5[%dma_start3A_61, %dma_start3A_62] : memref<128x128xf32, #tpu.memory_space<vmem>> -> memref<128x128xf32, #tpu.memory_space<vmem>>
        tpu.enqueue_dma source(%dma_start3A_63 : memref<128x128xf32, #tpu.memory_space<vmem>>) target(%dma_start3A_60 : memref<128x128xf32, #tpu.memory_space<vmem_shared>>) target_semaphore(%run_scoped3A : memref<!tpu.dma_semaphore, #tpu.memory_space<semaphore_mem>>)
        %dma_wait3A = arith.constant 0 : i32
        %dma_wait3A_64 = arith.constant 0 : i32
        %dma_wait3A_65 = tpu.memref_slice %arg5[%dma_wait3A, %dma_wait3A_64] : memref<128x128xf32, #tpu.memory_space<vmem>> -> memref<128x128xf32, #tpu.memory_space<vmem>>
        %dma_wait3A_66 = arith.constant 0 : i32
        %dma_wait3A_67 = tpu.memref_slice %arg6[%add3A_50, %dma_wait3A_66] : memref<10016x128xf32, #tpu.memory_space<vmem_shared>> -> memref<128x128xf32, #tpu.memory_space<vmem_shared>>
        %dma_wait3A_68 = arith.constant 0 : i32
        %dma_wait3A_69 = tpu.memref_slice %arg6[%add3A_50, %dma_wait3A_68] : memref<10016x128xf32, #tpu.memory_space<vmem_shared>> -> memref<128x128xf32, #tpu.memory_space<vmem_shared>>
        %dma_wait3A_70 = arith.constant 0 : i32
        %dma_wait3A_71 = arith.constant 0 : i32
        %dma_wait3A_72 = tpu.memref_slice %arg5[%dma_wait3A_70, %dma_wait3A_71] : memref<128x128xf32, #tpu.memory_space<vmem>> -> memref<128x128xf32, #tpu.memory_space<vmem>>
        tpu.wait_dma2 semaphore(%run_scoped3A : memref<!tpu.dma_semaphore, #tpu.memory_space<semaphore_mem>>) src(%dma_wait3A_72 : memref<128x128xf32, #tpu.memory_space<vmem>>) dst(%dma_wait3A_69 : memref<128x128xf32, #tpu.memory_space<vmem_shared>>)
        tpu.yield
      }) : () -> ()
      %add3A_51 = arith.constant 384 : i32
      %add3A_52 = arith.addi %mul3A_13, %add3A_51 : i32
      "tpu.region"() ({
        %run_scoped3A = tpu.sem_alloc : memref<!tpu.dma_semaphore, #tpu.memory_space<semaphore_mem>>
        %dma_start3A = arith.constant 0 : i32
        %dma_start3A_55 = arith.constant 0 : i32
        %dma_start3A_56 = tpu.memref_slice %arg5[%dma_start3A, %dma_start3A_55] : memref<128x128xf32, #tpu.memory_space<vmem>> -> memref<128x128xf32, #tpu.memory_space<vmem>>
        %dma_start3A_57 = arith.constant 0 : i32
        %dma_start3A_58 = tpu.memref_slice %arg6[%add3A_52, %dma_start3A_57] : memref<10016x128xf32, #tpu.memory_space<vmem_shared>> -> memref<128x128xf32, #tpu.memory_space<vmem_shared>>
        %dma_start3A_59 = arith.constant 0 : i32
        %dma_start3A_60 = tpu.memref_slice %arg6[%add3A_52, %dma_start3A_59] : memref<10016x128xf32, #tpu.memory_space<vmem_shared>> -> memref<128x128xf32, #tpu.memory_space<vmem_shared>>
        %dma_start3A_61 = arith.constant 0 : i32
        %dma_start3A_62 = arith.constant 0 : i32
        %dma_start3A_63 = tpu.memref_slice %arg5[%dma_start3A_61, %dma_start3A_62] : memref<128x128xf32, #tpu.memory_space<vmem>> -> memref<128x128xf32, #tpu.memory_space<vmem>>
        tpu.enqueue_dma source(%dma_start3A_63 : memref<128x128xf32, #tpu.memory_space<vmem>>) target(%dma_start3A_60 : memref<128x128xf32, #tpu.memory_space<vmem_shared>>) target_semaphore(%run_scoped3A : memref<!tpu.dma_semaphore, #tpu.memory_space<semaphore_mem>>)
        %dma_wait3A = arith.constant 0 : i32
        %dma_wait3A_64 = arith.constant 0 : i32
        %dma_wait3A_65 = tpu.memref_slice %arg5[%dma_wait3A, %dma_wait3A_64] : memref<128x128xf32, #tpu.memory_space<vmem>> -> memref<128x128xf32, #tpu.memory_space<vmem>>
        %dma_wait3A_66 = arith.constant 0 : i32
        %dma_wait3A_67 = tpu.memref_slice %arg6[%add3A_52, %dma_wait3A_66] : memref<10016x128xf32, #tpu.memory_space<vmem_shared>> -> memref<128x128xf32, #tpu.memory_space<vmem_shared>>
        %dma_wait3A_68 = arith.constant 0 : i32
        %dma_wait3A_69 = tpu.memref_slice %arg6[%add3A_52, %dma_wait3A_68] : memref<10016x128xf32, #tpu.memory_space<vmem_shared>> -> memref<128x128xf32, #tpu.memory_space<vmem_shared>>
        %dma_wait3A_70 = arith.constant 0 : i32
        %dma_wait3A_71 = arith.constant 0 : i32
        %dma_wait3A_72 = tpu.memref_slice %arg5[%dma_wait3A_70, %dma_wait3A_71] : memref<128x128xf32, #tpu.memory_space<vmem>> -> memref<128x128xf32, #tpu.memory_space<vmem>>
        tpu.wait_dma2 semaphore(%run_scoped3A : memref<!tpu.dma_semaphore, #tpu.memory_space<semaphore_mem>>) src(%dma_wait3A_72 : memref<128x128xf32, #tpu.memory_space<vmem>>) dst(%dma_wait3A_69 : memref<128x128xf32, #tpu.memory_space<vmem_shared>>)
        tpu.yield
      }) : () -> ()
      %add3A_53 = arith.constant 512 : i32
      %add3A_54 = arith.addi %mul3A_13, %add3A_53 : i32
      "tpu.region"() ({
        %run_scoped3A = tpu.sem_alloc : memref<!tpu.dma_semaphore, #tpu.memory_space<semaphore_mem>>
        %dma_start3A = arith.constant 0 : i32
        %dma_start3A_55 = arith.constant 0 : i32
        %dma_start3A_56 = tpu.memref_slice %arg5[%dma_start3A, %dma_start3A_55] : memref<128x128xf32, #tpu.memory_space<vmem>> -> memref<24x128xf32, #tpu.memory_space<vmem>>
        %dma_start3A_57 = arith.constant 0 : i32
        %dma_start3A_58 = tpu.memref_slice %arg6[%add3A_54, %dma_start3A_57] : memref<10016x128xf32, #tpu.memory_space<vmem_shared>> -> memref<24x128xf32, #tpu.memory_space<vmem_shared>>
        %dma_start3A_59 = arith.constant 0 : i32
        %dma_start3A_60 = tpu.memref_slice %arg6[%add3A_54, %dma_start3A_59] : memref<10016x128xf32, #tpu.memory_space<vmem_shared>> -> memref<24x128xf32, #tpu.memory_space<vmem_shared>>
        %dma_start3A_61 = arith.constant 0 : i32
        %dma_start3A_62 = arith.constant 0 : i32
        %dma_start3A_63 = tpu.memref_slice %arg5[%dma_start3A_61, %dma_start3A_62] : memref<128x128xf32, #tpu.memory_space<vmem>> -> memref<24x128xf32, #tpu.memory_space<vmem>>
        tpu.enqueue_dma source(%dma_start3A_63 : memref<24x128xf32, #tpu.memory_space<vmem>>) target(%dma_start3A_60 : memref<24x128xf32, #tpu.memory_space<vmem_shared>>) target_semaphore(%run_scoped3A : memref<!tpu.dma_semaphore, #tpu.memory_space<semaphore_mem>>)
        %dma_wait3A = arith.constant 0 : i32
        %dma_wait3A_64 = arith.constant 0 : i32
        %dma_wait3A_65 = tpu.memref_slice %arg5[%dma_wait3A, %dma_wait3A_64] : memref<128x128xf32, #tpu.memory_space<vmem>> -> memref<24x128xf32, #tpu.memory_space<vmem>>
        %dma_wait3A_66 = arith.constant 0 : i32
        %dma_wait3A_67 = tpu.memref_slice %arg6[%add3A_54, %dma_wait3A_66] : memref<10016x128xf32, #tpu.memory_space<vmem_shared>> -> memref<24x128xf32, #tpu.memory_space<vmem_shared>>
        %dma_wait3A_68 = arith.constant 0 : i32
        %dma_wait3A_69 = tpu.memref_slice %arg6[%add3A_54, %dma_wait3A_68] : memref<10016x128xf32, #tpu.memory_space<vmem_shared>> -> memref<24x128xf32, #tpu.memory_space<vmem_shared>>
        %dma_wait3A_70 = arith.constant 0 : i32
        %dma_wait3A_71 = arith.constant 0 : i32
        %dma_wait3A_72 = tpu.memref_slice %arg5[%dma_wait3A_70, %dma_wait3A_71] : memref<128x128xf32, #tpu.memory_space<vmem>> -> memref<24x128xf32, #tpu.memory_space<vmem>>
        tpu.wait_dma2 semaphore(%run_scoped3A : memref<!tpu.dma_semaphore, #tpu.memory_space<semaphore_mem>>) src(%dma_wait3A_72 : memref<24x128xf32, #tpu.memory_space<vmem>>) dst(%dma_wait3A_69 : memref<24x128xf32, #tpu.memory_space<vmem_shared>>)
        tpu.yield
      }) : () -> ()
    } else {
    }
    %scan3A_20 = arith.constant 0 : i32
    %scan3A_21 = arith.constant 0 : i32
    %scan3A_22 = arith.constant 128 : i32
    %scan3A_23 = arith.addi %scan3A_21, %scan3A_22 : i32
    %scan3A_24 = arith.constant 1 : i32
    %scan3A_25 = scf.for %scan3A_45 = %scan3A_21 to %scan3A_23 step %scan3A_24 iter_args(%scan3A_46 = %scan3A_20) -> (i32)  : i32 {
      %swap3A = arith.index_cast %scan3A_45 : i32 to index
      %swap3A_47 = arith.constant 0 : index
      %swap3A_48 = tpu.vector_load %arg5[%swap3A, %swap3A_47] {strides = array<i32>} : memref<128x128xf32, #tpu.memory_space<vmem>>, vector<1x16xf32>,
      %swap3A_49 = vector.shape_cast %swap3A_48 : vector<1x16xf32> to vector<16xf32>
      %swap3A_50 = vector.shape_cast %broadcast_in_dim3A_3 : vector<16xf32> to vector<1x16xf32>
      tpu.vector_store %arg5[%swap3A, %swap3A_47], %swap3A_50 {strides = array<i32>} : memref<128x128xf32, #tpu.memory_space<vmem>>, vector<1x16xf32>,
      %swap3A_51 = arith.index_cast %scan3A_45 : i32 to index
      %swap3A_52 = arith.constant 16 : index
      %swap3A_53 = tpu.vector_load %arg5[%swap3A_51, %swap3A_52] {strides = array<i32>} : memref<128x128xf32, #tpu.memory_space<vmem>>, vector<1x16xf32>,
      %swap3A_54 = vector.shape_cast %swap3A_53 : vector<1x16xf32> to vector<16xf32>
      %swap3A_55 = vector.shape_cast %broadcast_in_dim3A_3 : vector<16xf32> to vector<1x16xf32>
      tpu.vector_store %arg5[%swap3A_51, %swap3A_52], %swap3A_55 {strides = array<i32>} : memref<128x128xf32, #tpu.memory_space<vmem>>, vector<1x16xf32>,
      %swap3A_56 = arith.index_cast %scan3A_45 : i32 to index
      %swap3A_57 = arith.constant 32 : index
      %swap3A_58 = tpu.vector_load %arg5[%swap3A_56, %swap3A_57] {strides = array<i32>} : memref<128x128xf32, #tpu.memory_space<vmem>>, vector<1x16xf32>,
      %swap3A_59 = vector.shape_cast %swap3A_58 : vector<1x16xf32> to vector<16xf32>
      %swap3A_60 = vector.shape_cast %broadcast_in_dim3A_3 : vector<16xf32> to vector<1x16xf32>
      tpu.vector_store %arg5[%swap3A_56, %swap3A_57], %swap3A_60 {strides = array<i32>} : memref<128x128xf32, #tpu.memory_space<vmem>>, vector<1x16xf32>,
      %swap3A_61 = arith.index_cast %scan3A_45 : i32 to index
      %swap3A_62 = arith.constant 48 : index
      %swap3A_63 = tpu.vector_load %arg5[%swap3A_61, %swap3A_62] {strides = array<i32>} : memref<128x128xf32, #tpu.memory_space<vmem>>, vector<1x16xf32>,
      %swap3A_64 = vector.shape_cast %swap3A_63 : vector<1x16xf32> to vector<16xf32>
      %swap3A_65 = vector.shape_cast %broadcast_in_dim3A_3 : vector<16xf32> to vector<1x16xf32>
      tpu.vector_store %arg5[%swap3A_61, %swap3A_62], %swap3A_65 {strides = array<i32>} : memref<128x128xf32, #tpu.memory_space<vmem>>, vector<1x16xf32>,
      %swap3A_66 = arith.index_cast %scan3A_45 : i32 to index
      %swap3A_67 = arith.constant 64 : index
      %swap3A_68 = tpu.vector_load %arg5[%swap3A_66, %swap3A_67] {strides = array<i32>} : memref<128x128xf32, #tpu.memory_space<vmem>>, vector<1x16xf32>,
      %swap3A_69 = vector.shape_cast %swap3A_68 : vector<1x16xf32> to vector<16xf32>
      %swap3A_70 = vector.shape_cast %broadcast_in_dim3A_3 : vector<16xf32> to vector<1x16xf32>
      tpu.vector_store %arg5[%swap3A_66, %swap3A_67], %swap3A_70 {strides = array<i32>} : memref<128x128xf32, #tpu.memory_space<vmem>>, vector<1x16xf32>,
      %swap3A_71 = arith.index_cast %scan3A_45 : i32 to index
      %swap3A_72 = arith.constant 80 : index
      %swap3A_73 = tpu.vector_load %arg5[%swap3A_71, %swap3A_72] {strides = array<i32>} : memref<128x128xf32, #tpu.memory_space<vmem>>, vector<1x16xf32>,
      %swap3A_74 = vector.shape_cast %swap3A_73 : vector<1x16xf32> to vector<16xf32>
      %swap3A_75 = vector.shape_cast %broadcast_in_dim3A_3 : vector<16xf32> to vector<1x16xf32>
      tpu.vector_store %arg5[%swap3A_71, %swap3A_72], %swap3A_75 {strides = array<i32>} : memref<128x128xf32, #tpu.memory_space<vmem>>, vector<1x16xf32>,
      %swap3A_76 = arith.index_cast %scan3A_45 : i32 to index
      %swap3A_77 = arith.constant 96 : index
      %swap3A_78 = tpu.vector_load %arg5[%swap3A_76, %swap3A_77] {strides = array<i32>} : memref<128x128xf32, #tpu.memory_space<vmem>>, vector<1x16xf32>,
      %swap3A_79 = vector.shape_cast %swap3A_78 : vector<1x16xf32> to vector<16xf32>
      %swap3A_80 = vector.shape_cast %broadcast_in_dim3A_3 : vector<16xf32> to vector<1x16xf32>
      tpu.vector_store %arg5[%swap3A_76, %swap3A_77], %swap3A_80 {strides = array<i32>} : memref<128x128xf32, #tpu.memory_space<vmem>>, vector<1x16xf32>,
      %swap3A_81 = arith.index_cast %scan3A_45 : i32 to index
      %swap3A_82 = arith.constant 112 : index
      %swap3A_83 = tpu.vector_load %arg5[%swap3A_81, %swap3A_82] {strides = array<i32>} : memref<128x128xf32, #tpu.memory_space<vmem>>, vector<1x16xf32>,
      %swap3A_84 = vector.shape_cast %swap3A_83 : vector<1x16xf32> to vector<16xf32>
      %swap3A_85 = vector.shape_cast %broadcast_in_dim3A_3 : vector<16xf32> to vector<1x16xf32>
      tpu.vector_store %arg5[%swap3A_81, %swap3A_82], %swap3A_85 {strides = array<i32>} : memref<128x128xf32, #tpu.memory_space<vmem>>, vector<1x16xf32>,
      %scan3A_86 = arith.constant 0 : i32
      scf.yield %scan3A_86 : i32
    }
    %scan3A_26 = arith.constant 128 : i32
    %barrier3A = arith.constant 0 : index
    tpu.barrier barrier_id(%barrier3A)
    %scan3A_27 = arith.constant 0 : i32
    %scan3A_28 = arith.constant 0 : i32
    %scan3A_29 = arith.constant 10 : i32
    %scan3A_30 = arith.addi %scan3A_28, %scan3A_29 : i32
    %scan3A_31 = arith.constant 1 : i32
    %scan3A_32 = scf.for %scan3A_45 = %scan3A_28 to %scan3A_30 step %scan3A_31 iter_args(%scan3A_46 = %scan3A_27) -> (i32)  : i32 {
      %mul3A_47 = arith.constant 8 : i32
      %mul3A_48 = arith.muli %scan3A_45, %mul3A_47 : i32
      "tpu.region"() ({
        %run_scoped3A_57 = tpu.sem_alloc : memref<!tpu.dma_semaphore, #tpu.memory_space<semaphore_mem>>
        %dma_start3A = arith.constant 0 : i32
        %dma_start3A_58 = tpu.memref_slice %arg2[%add3A, %mul3A_48, %dma_start3A] : memref<32x80x128xi32, #tpu.memory_space<hbm>> -> memref<1x8x128xi32, #tpu.memory_space<hbm>>
        %dma_start3A_59 = tpu.memref_squeeze %dma_start3A_58 : memref<1x8x128xi32, #tpu.memory_space<hbm>> -> memref<8x128xi32, #tpu.memory_space<hbm>>
        %dma_start3A_60 = arith.constant 0 : i32
        %dma_start3A_61 = tpu.memref_slice %arg2[%add3A, %mul3A_48, %dma_start3A_60] : memref<32x80x128xi32, #tpu.memory_space<hbm>> -> memref<1x8x128xi32, #tpu.memory_space<hbm>>
        %dma_start3A_62 = tpu.memref_squeeze %dma_start3A_61 : memref<1x8x128xi32, #tpu.memory_space<hbm>> -> memref<8x128xi32, #tpu.memory_space<hbm>>
        tpu.enqueue_dma source(%dma_start3A_62 : memref<8x128xi32, #tpu.memory_space<hbm>>) target(%arg4 : memref<8x128xi32, #tpu.memory_space<vmem>>) target_semaphore(%run_scoped3A_57 : memref<!tpu.dma_semaphore, #tpu.memory_space<semaphore_mem>>)
        %dma_wait3A = arith.constant 0 : i32
        %dma_wait3A_63 = tpu.memref_slice %arg2[%add3A, %mul3A_48, %dma_wait3A] : memref<32x80x128xi32, #tpu.memory_space<hbm>> -> memref<1x8x128xi32, #tpu.memory_space<hbm>>
        %dma_wait3A_64 = tpu.memref_squeeze %dma_wait3A_63 : memref<1x8x128xi32, #tpu.memory_space<hbm>> -> memref<8x128xi32, #tpu.memory_space<hbm>>
        %dma_wait3A_65 = arith.constant 0 : i32
        %dma_wait3A_66 = tpu.memref_slice %arg2[%add3A, %mul3A_48, %dma_wait3A_65] : memref<32x80x128xi32, #tpu.memory_space<hbm>> -> memref<1x8x128xi32, #tpu.memory_space<hbm>>
        %dma_wait3A_67 = tpu.memref_squeeze %dma_wait3A_66 : memref<1x8x128xi32, #tpu.memory_space<hbm>> -> memref<8x128xi32, #tpu.memory_space<hbm>>
        tpu.wait_dma2 semaphore(%run_scoped3A_57 : memref<!tpu.dma_semaphore, #tpu.memory_space<semaphore_mem>>) src(%dma_wait3A_67 : memref<8x128xi32, #tpu.memory_space<hbm>>) dst(%arg4 : memref<8x128xi32, #tpu.memory_space<vmem>>)
        tpu.yield
      }) : () -> ()
      %run_scoped3A = arith.constant 0 : i32
      "tpu.region"() ({
        %run_scoped3A_57 = tpu.sem_alloc : memref<!tpu.dma_semaphore, #tpu.memory_space<semaphore_mem>>
        %dma_start3A = arith.constant 0 : i32
        %dma_start3A_58 = tpu.memref_slice %arg4[%run_scoped3A, %dma_start3A] : memref<8x128xi32, #tpu.memory_space<vmem>> -> memref<1x128xi32, #tpu.memory_space<vmem>>
        %dma_start3A_59 = tpu.memref_squeeze %dma_start3A_58 : memref<1x128xi32, #tpu.memory_space<vmem>> -> memref<128xi32, #tpu.memory_space<vmem>>
        %dma_start3A_60 = arith.constant 0 : i32
        %dma_start3A_61 = arith.constant 0 : i32
        %dma_start3A_62 = tpu.memref_slice %arg6[%dma_start3A_60, %dma_start3A_61] : memref<10016x128xf32, #tpu.memory_space<vmem_shared>> -> memref<10016x128xf32, #tpu.memory_space<vmem_shared>>
        tpu.enqueue_indirect_dma source(%arg5 : memref<128x128xf32, #tpu.memory_space<vmem>>) target(%dma_start3A_62 : memref<10016x128xf32, #tpu.memory_space<vmem_shared>>) offsets(%dma_start3A_59 : memref<128xi32, #tpu.memory_space<vmem>>) semaphore(%run_scoped3A_57 : memref<!tpu.dma_semaphore, #tpu.memory_space<semaphore_mem>>) {add = true}
        %dma_wait3A = arith.constant 0 : i32
        %dma_wait3A_63 = tpu.memref_slice %arg4[%run_scoped3A, %dma_wait3A] : memref<8x128xi32, #tpu.memory_space<vmem>> -> memref<1x128xi32, #tpu.memory_space<vmem>>
        %dma_wait3A_64 = tpu.memref_squeeze %dma_wait3A_63 : memref<1x128xi32, #tpu.memory_space<vmem>> -> memref<128xi32, #tpu.memory_space<vmem>>
        %dma_wait3A_65 = arith.constant 0 : i32
        %dma_wait3A_66 = arith.constant 0 : i32
        %dma_wait3A_67 = tpu.memref_slice %arg6[%dma_wait3A_65, %dma_wait3A_66] : memref<10016x128xf32, #tpu.memory_space<vmem_shared>> -> memref<10016x128xf32, #tpu.memory_space<vmem_shared>>
        tpu.wait_indirect_dma semaphore(%run_scoped3A_57 : memref<!tpu.dma_semaphore, #tpu.memory_space<semaphore_mem>>) src(%arg5 : memref<128x128xf32, #tpu.memory_space<vmem>>) dst(%dma_wait3A_67 : memref<10016x128xf32, #tpu.memory_space<vmem_shared>>)
        tpu.yield
      }) : () -> ()
      %run_scoped3A_49 = arith.constant 1 : i32
      "tpu.region"() ({
        %run_scoped3A_57 = tpu.sem_alloc : memref<!tpu.dma_semaphore, #tpu.memory_space<semaphore_mem>>
        %dma_start3A = arith.constant 0 : i32
        %dma_start3A_58 = tpu.memref_slice %arg4[%run_scoped3A_49, %dma_start3A] : memref<8x128xi32, #tpu.memory_space<vmem>> -> memref<1x128xi32, #tpu.memory_space<vmem>>
        %dma_start3A_59 = tpu.memref_squeeze %dma_start3A_58 : memref<1x128xi32, #tpu.memory_space<vmem>> -> memref<128xi32, #tpu.memory_space<vmem>>
        %dma_start3A_60 = arith.constant 0 : i32
        %dma_start3A_61 = arith.constant 0 : i32
        %dma_start3A_62 = tpu.memref_slice %arg6[%dma_start3A_60, %dma_start3A_61] : memref<10016x128xf32, #tpu.memory_space<vmem_shared>> -> memref<10016x128xf32, #tpu.memory_space<vmem_shared>>
        tpu.enqueue_indirect_dma source(%arg5 : memref<128x128xf32, #tpu.memory_space<vmem>>) target(%dma_start3A_62 : memref<10016x128xf32, #tpu.memory_space<vmem_shared>>) offsets(%dma_start3A_59 : memref<128xi32, #tpu.memory_space<vmem>>) semaphore(%run_scoped3A_57 : memref<!tpu.dma_semaphore, #tpu.memory_space<semaphore_mem>>) {add = true}
        %dma_wait3A = arith.constant 0 : i32
        %dma_wait3A_63 = tpu.memref_slice %arg4[%run_scoped3A_49, %dma_wait3A] : memref<8x128xi32, #tpu.memory_space<vmem>> -> memref<1x128xi32, #tpu.memory_space<vmem>>
        %dma_wait3A_64 = tpu.memref_squeeze %dma_wait3A_63 : memref<1x128xi32, #tpu.memory_space<vmem>> -> memref<128xi32, #tpu.memory_space<vmem>>
        %dma_wait3A_65 = arith.constant 0 : i32
        %dma_wait3A_66 = arith.constant 0 : i32
        %dma_wait3A_67 = tpu.memref_slice %arg6[%dma_wait3A_65, %dma_wait3A_66] : memref<10016x128xf32, #tpu.memory_space<vmem_shared>> -> memref<10016x128xf32, #tpu.memory_space<vmem_shared>>
        tpu.wait_indirect_dma semaphore(%run_scoped3A_57 : memref<!tpu.dma_semaphore, #tpu.memory_space<semaphore_mem>>) src(%arg5 : memref<128x128xf32, #tpu.memory_space<vmem>>) dst(%dma_wait3A_67 : memref<10016x128xf32, #tpu.memory_space<vmem_shared>>)
        tpu.yield
      }) : () -> ()
      %run_scoped3A_50 = arith.constant 2 : i32
      "tpu.region"() ({
        %run_scoped3A_57 = tpu.sem_alloc : memref<!tpu.dma_semaphore, #tpu.memory_space<semaphore_mem>>
        %dma_start3A = arith.constant 0 : i32
        %dma_start3A_58 = tpu.memref_slice %arg4[%run_scoped3A_50, %dma_start3A] : memref<8x128xi32, #tpu.memory_space<vmem>> -> memref<1x128xi32, #tpu.memory_space<vmem>>
        %dma_start3A_59 = tpu.memref_squeeze %dma_start3A_58 : memref<1x128xi32, #tpu.memory_space<vmem>> -> memref<128xi32, #tpu.memory_space<vmem>>
        %dma_start3A_60 = arith.constant 0 : i32
        %dma_start3A_61 = arith.constant 0 : i32
        %dma_start3A_62 = tpu.memref_slice %arg6[%dma_start3A_60, %dma_start3A_61] : memref<10016x128xf32, #tpu.memory_space<vmem_shared>> -> memref<10016x128xf32, #tpu.memory_space<vmem_shared>>
        tpu.enqueue_indirect_dma source(%arg5 : memref<128x128xf32, #tpu.memory_space<vmem>>) target(%dma_start3A_62 : memref<10016x128xf32, #tpu.memory_space<vmem_shared>>) offsets(%dma_start3A_59 : memref<128xi32, #tpu.memory_space<vmem>>) semaphore(%run_scoped3A_57 : memref<!tpu.dma_semaphore, #tpu.memory_space<semaphore_mem>>) {add = true}
        %dma_wait3A = arith.constant 0 : i32
        %dma_wait3A_63 = tpu.memref_slice %arg4[%run_scoped3A_50, %dma_wait3A] : memref<8x128xi32, #tpu.memory_space<vmem>> -> memref<1x128xi32, #tpu.memory_space<vmem>>
        %dma_wait3A_64 = tpu.memref_squeeze %dma_wait3A_63 : memref<1x128xi32, #tpu.memory_space<vmem>> -> memref<128xi32, #tpu.memory_space<vmem>>
        %dma_wait3A_65 = arith.constant 0 : i32
        %dma_wait3A_66 = arith.constant 0 : i32
        %dma_wait3A_67 = tpu.memref_slice %arg6[%dma_wait3A_65, %dma_wait3A_66] : memref<10016x128xf32, #tpu.memory_space<vmem_shared>> -> memref<10016x128xf32, #tpu.memory_space<vmem_shared>>
        tpu.wait_indirect_dma semaphore(%run_scoped3A_57 : memref<!tpu.dma_semaphore, #tpu.memory_space<semaphore_mem>>) src(%arg5 : memref<128x128xf32, #tpu.memory_space<vmem>>) dst(%dma_wait3A_67 : memref<10016x128xf32, #tpu.memory_space<vmem_shared>>)
        tpu.yield
      }) : () -> ()
      %run_scoped3A_51 = arith.constant 3 : i32
      "tpu.region"() ({
        %run_scoped3A_57 = tpu.sem_alloc : memref<!tpu.dma_semaphore, #tpu.memory_space<semaphore_mem>>
        %dma_start3A = arith.constant 0 : i32
        %dma_start3A_58 = tpu.memref_slice %arg4[%run_scoped3A_51, %dma_start3A] : memref<8x128xi32, #tpu.memory_space<vmem>> -> memref<1x128xi32, #tpu.memory_space<vmem>>
        %dma_start3A_59 = tpu.memref_squeeze %dma_start3A_58 : memref<1x128xi32, #tpu.memory_space<vmem>> -> memref<128xi32, #tpu.memory_space<vmem>>
        %dma_start3A_60 = arith.constant 0 : i32
        %dma_start3A_61 = arith.constant 0 : i32
        %dma_start3A_62 = tpu.memref_slice %arg6[%dma_start3A_60, %dma_start3A_61] : memref<10016x128xf32, #tpu.memory_space<vmem_shared>> -> memref<10016x128xf32, #tpu.memory_space<vmem_shared>>
        tpu.enqueue_indirect_dma source(%arg5 : memref<128x128xf32, #tpu.memory_space<vmem>>) target(%dma_start3A_62 : memref<10016x128xf32, #tpu.memory_space<vmem_shared>>) offsets(%dma_start3A_59 : memref<128xi32, #tpu.memory_space<vmem>>) semaphore(%run_scoped3A_57 : memref<!tpu.dma_semaphore, #tpu.memory_space<semaphore_mem>>) {add = true}
        %dma_wait3A = arith.constant 0 : i32
        %dma_wait3A_63 = tpu.memref_slice %arg4[%run_scoped3A_51, %dma_wait3A] : memref<8x128xi32, #tpu.memory_space<vmem>> -> memref<1x128xi32, #tpu.memory_space<vmem>>
        %dma_wait3A_64 = tpu.memref_squeeze %dma_wait3A_63 : memref<1x128xi32, #tpu.memory_space<vmem>> -> memref<128xi32, #tpu.memory_space<vmem>>
        %dma_wait3A_65 = arith.constant 0 : i32
        %dma_wait3A_66 = arith.constant 0 : i32
        %dma_wait3A_67 = tpu.memref_slice %arg6[%dma_wait3A_65, %dma_wait3A_66] : memref<10016x128xf32, #tpu.memory_space<vmem_shared>> -> memref<10016x128xf32, #tpu.memory_space<vmem_shared>>
        tpu.wait_indirect_dma semaphore(%run_scoped3A_57 : memref<!tpu.dma_semaphore, #tpu.memory_space<semaphore_mem>>) src(%arg5 : memref<128x128xf32, #tpu.memory_space<vmem>>) dst(%dma_wait3A_67 : memref<10016x128xf32, #tpu.memory_space<vmem_shared>>)
        tpu.yield
      }) : () -> ()
      %run_scoped3A_52 = arith.constant 4 : i32
      "tpu.region"() ({
        %run_scoped3A_57 = tpu.sem_alloc : memref<!tpu.dma_semaphore, #tpu.memory_space<semaphore_mem>>
        %dma_start3A = arith.constant 0 : i32
        %dma_start3A_58 = tpu.memref_slice %arg4[%run_scoped3A_52, %dma_start3A] : memref<8x128xi32, #tpu.memory_space<vmem>> -> memref<1x128xi32, #tpu.memory_space<vmem>>
        %dma_start3A_59 = tpu.memref_squeeze %dma_start3A_58 : memref<1x128xi32, #tpu.memory_space<vmem>> -> memref<128xi32, #tpu.memory_space<vmem>>
        %dma_start3A_60 = arith.constant 0 : i32
        %dma_start3A_61 = arith.constant 0 : i32
        %dma_start3A_62 = tpu.memref_slice %arg6[%dma_start3A_60, %dma_start3A_61] : memref<10016x128xf32, #tpu.memory_space<vmem_shared>> -> memref<10016x128xf32, #tpu.memory_space<vmem_shared>>
        tpu.enqueue_indirect_dma source(%arg5 : memref<128x128xf32, #tpu.memory_space<vmem>>) target(%dma_start3A_62 : memref<10016x128xf32, #tpu.memory_space<vmem_shared>>) offsets(%dma_start3A_59 : memref<128xi32, #tpu.memory_space<vmem>>) semaphore(%run_scoped3A_57 : memref<!tpu.dma_semaphore, #tpu.memory_space<semaphore_mem>>) {add = true}
        %dma_wait3A = arith.constant 0 : i32
        %dma_wait3A_63 = tpu.memref_slice %arg4[%run_scoped3A_52, %dma_wait3A] : memref<8x128xi32, #tpu.memory_space<vmem>> -> memref<1x128xi32, #tpu.memory_space<vmem>>
        %dma_wait3A_64 = tpu.memref_squeeze %dma_wait3A_63 : memref<1x128xi32, #tpu.memory_space<vmem>> -> memref<128xi32, #tpu.memory_space<vmem>>
        %dma_wait3A_65 = arith.constant 0 : i32
        %dma_wait3A_66 = arith.constant 0 : i32
        %dma_wait3A_67 = tpu.memref_slice %arg6[%dma_wait3A_65, %dma_wait3A_66] : memref<10016x128xf32, #tpu.memory_space<vmem_shared>> -> memref<10016x128xf32, #tpu.memory_space<vmem_shared>>
        tpu.wait_indirect_dma semaphore(%run_scoped3A_57 : memref<!tpu.dma_semaphore, #tpu.memory_space<semaphore_mem>>) src(%arg5 : memref<128x128xf32, #tpu.memory_space<vmem>>) dst(%dma_wait3A_67 : memref<10016x128xf32, #tpu.memory_space<vmem_shared>>)
        tpu.yield
      }) : () -> ()
      %run_scoped3A_53 = arith.constant 5 : i32
      "tpu.region"() ({
        %run_scoped3A_57 = tpu.sem_alloc : memref<!tpu.dma_semaphore, #tpu.memory_space<semaphore_mem>>
        %dma_start3A = arith.constant 0 : i32
        %dma_start3A_58 = tpu.memref_slice %arg4[%run_scoped3A_53, %dma_start3A] : memref<8x128xi32, #tpu.memory_space<vmem>> -> memref<1x128xi32, #tpu.memory_space<vmem>>
        %dma_start3A_59 = tpu.memref_squeeze %dma_start3A_58 : memref<1x128xi32, #tpu.memory_space<vmem>> -> memref<128xi32, #tpu.memory_space<vmem>>
        %dma_start3A_60 = arith.constant 0 : i32
        %dma_start3A_61 = arith.constant 0 : i32
        %dma_start3A_62 = tpu.memref_slice %arg6[%dma_start3A_60, %dma_start3A_61] : memref<10016x128xf32, #tpu.memory_space<vmem_shared>> -> memref<10016x128xf32, #tpu.memory_space<vmem_shared>>
        tpu.enqueue_indirect_dma source(%arg5 : memref<128x128xf32, #tpu.memory_space<vmem>>) target(%dma_start3A_62 : memref<10016x128xf32, #tpu.memory_space<vmem_shared>>) offsets(%dma_start3A_59 : memref<128xi32, #tpu.memory_space<vmem>>) semaphore(%run_scoped3A_57 : memref<!tpu.dma_semaphore, #tpu.memory_space<semaphore_mem>>) {add = true}
        %dma_wait3A = arith.constant 0 : i32
        %dma_wait3A_63 = tpu.memref_slice %arg4[%run_scoped3A_53, %dma_wait3A] : memref<8x128xi32, #tpu.memory_space<vmem>> -> memref<1x128xi32, #tpu.memory_space<vmem>>
        %dma_wait3A_64 = tpu.memref_squeeze %dma_wait3A_63 : memref<1x128xi32, #tpu.memory_space<vmem>> -> memref<128xi32, #tpu.memory_space<vmem>>
        %dma_wait3A_65 = arith.constant 0 : i32
        %dma_wait3A_66 = arith.constant 0 : i32
        %dma_wait3A_67 = tpu.memref_slice %arg6[%dma_wait3A_65, %dma_wait3A_66] : memref<10016x128xf32, #tpu.memory_space<vmem_shared>> -> memref<10016x128xf32, #tpu.memory_space<vmem_shared>>
        tpu.wait_indirect_dma semaphore(%run_scoped3A_57 : memref<!tpu.dma_semaphore, #tpu.memory_space<semaphore_mem>>) src(%arg5 : memref<128x128xf32, #tpu.memory_space<vmem>>) dst(%dma_wait3A_67 : memref<10016x128xf32, #tpu.memory_space<vmem_shared>>)
        tpu.yield
      }) : () -> ()
      %run_scoped3A_54 = arith.constant 6 : i32
      "tpu.region"() ({
        %run_scoped3A_57 = tpu.sem_alloc : memref<!tpu.dma_semaphore, #tpu.memory_space<semaphore_mem>>
        %dma_start3A = arith.constant 0 : i32
        %dma_start3A_58 = tpu.memref_slice %arg4[%run_scoped3A_54, %dma_start3A] : memref<8x128xi32, #tpu.memory_space<vmem>> -> memref<1x128xi32, #tpu.memory_space<vmem>>
        %dma_start3A_59 = tpu.memref_squeeze %dma_start3A_58 : memref<1x128xi32, #tpu.memory_space<vmem>> -> memref<128xi32, #tpu.memory_space<vmem>>
        %dma_start3A_60 = arith.constant 0 : i32
        %dma_start3A_61 = arith.constant 0 : i32
        %dma_start3A_62 = tpu.memref_slice %arg6[%dma_start3A_60, %dma_start3A_61] : memref<10016x128xf32, #tpu.memory_space<vmem_shared>> -> memref<10016x128xf32, #tpu.memory_space<vmem_shared>>
        tpu.enqueue_indirect_dma source(%arg5 : memref<128x128xf32, #tpu.memory_space<vmem>>) target(%dma_start3A_62 : memref<10016x128xf32, #tpu.memory_space<vmem_shared>>) offsets(%dma_start3A_59 : memref<128xi32, #tpu.memory_space<vmem>>) semaphore(%run_scoped3A_57 : memref<!tpu.dma_semaphore, #tpu.memory_space<semaphore_mem>>) {add = true}
        %dma_wait3A = arith.constant 0 : i32
        %dma_wait3A_63 = tpu.memref_slice %arg4[%run_scoped3A_54, %dma_wait3A] : memref<8x128xi32, #tpu.memory_space<vmem>> -> memref<1x128xi32, #tpu.memory_space<vmem>>
        %dma_wait3A_64 = tpu.memref_squeeze %dma_wait3A_63 : memref<1x128xi32, #tpu.memory_space<vmem>> -> memref<128xi32, #tpu.memory_space<vmem>>
        %dma_wait3A_65 = arith.constant 0 : i32
        %dma_wait3A_66 = arith.constant 0 : i32
        %dma_wait3A_67 = tpu.memref_slice %arg6[%dma_wait3A_65, %dma_wait3A_66] : memref<10016x128xf32, #tpu.memory_space<vmem_shared>> -> memref<10016x128xf32, #tpu.memory_space<vmem_shared>>
        tpu.wait_indirect_dma semaphore(%run_scoped3A_57 : memref<!tpu.dma_semaphore, #tpu.memory_space<semaphore_mem>>) src(%arg5 : memref<128x128xf32, #tpu.memory_space<vmem>>) dst(%dma_wait3A_67 : memref<10016x128xf32, #tpu.memory_space<vmem_shared>>)
        tpu.yield
      }) : () -> ()
      %run_scoped3A_55 = arith.constant 7 : i32
      "tpu.region"() ({
        %run_scoped3A_57 = tpu.sem_alloc : memref<!tpu.dma_semaphore, #tpu.memory_space<semaphore_mem>>
        %dma_start3A = arith.constant 0 : i32
        %dma_start3A_58 = tpu.memref_slice %arg4[%run_scoped3A_55, %dma_start3A] : memref<8x128xi32, #tpu.memory_space<vmem>> -> memref<1x128xi32, #tpu.memory_space<vmem>>
        %dma_start3A_59 = tpu.memref_squeeze %dma_start3A_58 : memref<1x128xi32, #tpu.memory_space<vmem>> -> memref<128xi32, #tpu.memory_space<vmem>>
        %dma_start3A_60 = arith.constant 0 : i32
        %dma_start3A_61 = arith.constant 0 : i32
        %dma_start3A_62 = tpu.memref_slice %arg6[%dma_start3A_60, %dma_start3A_61] : memref<10016x128xf32, #tpu.memory_space<vmem_shared>> -> memref<10016x128xf32, #tpu.memory_space<vmem_shared>>
        tpu.enqueue_indirect_dma source(%arg5 : memref<128x128xf32, #tpu.memory_space<vmem>>) target(%dma_start3A_62 : memref<10016x128xf32, #tpu.memory_space<vmem_shared>>) offsets(%dma_start3A_59 : memref<128xi32, #tpu.memory_space<vmem>>) semaphore(%run_scoped3A_57 : memref<!tpu.dma_semaphore, #tpu.memory_space<semaphore_mem>>) {add = true}
        %dma_wait3A = arith.constant 0 : i32
        %dma_wait3A_63 = tpu.memref_slice %arg4[%run_scoped3A_55, %dma_wait3A] : memref<8x128xi32, #tpu.memory_space<vmem>> -> memref<1x128xi32, #tpu.memory_space<vmem>>
        %dma_wait3A_64 = tpu.memref_squeeze %dma_wait3A_63 : memref<1x128xi32, #tpu.memory_space<vmem>> -> memref<128xi32, #tpu.memory_space<vmem>>
        %dma_wait3A_65 = arith.constant 0 : i32
        %dma_wait3A_66 = arith.constant 0 : i32
        %dma_wait3A_67 = tpu.memref_slice %arg6[%dma_wait3A_65, %dma_wait3A_66] : memref<10016x128xf32, #tpu.memory_space<vmem_shared>> -> memref<10016x128xf32, #tpu.memory_space<vmem_shared>>
        tpu.wait_indirect_dma semaphore(%run_scoped3A_57 : memref<!tpu.dma_semaphore, #tpu.memory_space<semaphore_mem>>) src(%arg5 : memref<128x128xf32, #tpu.memory_space<vmem>>) dst(%dma_wait3A_67 : memref<10016x128xf32, #tpu.memory_space<vmem_shared>>)
        tpu.yield
      }) : () -> ()
      %scan3A_56 = arith.constant 0 : i32
      scf.yield %scan3A_56 : i32
    }
    %scan3A_33 = arith.constant 10 : i32
    %barrier3A_34 = arith.constant 0 : index
    tpu.barrier barrier_id(%barrier3A_34)
    %lt3A_35 = arith.constant 15 : i32
    %lt3A_36 = arith.cmpi slt, %arg1, %lt3A_35 : i32
    %convert_element_type3A_37 = arith.extui %lt3A_36 : i1 to i32
    %cond3A_38 = arith.constant 0 : i32
    %cond3A_39 = arith.cmpi ne, %convert_element_type3A_37, %cond3A_38 : i32
    scf.if %cond3A_39 {
      "tpu.region"() ({
        %run_scoped3A = tpu.sem_alloc : memref<!tpu.dma_semaphore, #tpu.memory_space<semaphore_mem>>
        %dma_start3A = arith.constant 0 : i32
        %dma_start3A_45 = tpu.memref_slice %arg3[%arg0, %mul3A_11, %dma_start3A] : memref<2x10016x128xf32, #tpu.memory_space<hbm>> -> memref<1x632x128xf32, #tpu.memory_space<hbm>>
        %dma_start3A_46 = tpu.memref_squeeze %dma_start3A_45 : memref<1x632x128xf32, #tpu.memory_space<hbm>> -> memref<632x128xf32, #tpu.memory_space<hbm>>
        %dma_start3A_47 = arith.constant 0 : i32
        %dma_start3A_48 = tpu.memref_slice %arg6[%mul3A_11, %dma_start3A_47] : memref<10016x128xf32, #tpu.memory_space<vmem_shared>> -> memref<632x128xf32, #tpu.memory_space<vmem_shared>>
        tpu.enqueue_dma source(%dma_start3A_48 : memref<632x128xf32, #tpu.memory_space<vmem_shared>>) target(%dma_start3A_46 : memref<632x128xf32, #tpu.memory_space<hbm>>) target_semaphore(%run_scoped3A : memref<!tpu.dma_semaphore, #tpu.memory_space<semaphore_mem>>)
        %dma_wait3A = arith.constant 0 : i32
        %dma_wait3A_49 = tpu.memref_slice %arg3[%arg0, %mul3A_11, %dma_wait3A] : memref<2x10016x128xf32, #tpu.memory_space<hbm>> -> memref<1x632x128xf32, #tpu.memory_space<hbm>>
        %dma_wait3A_50 = tpu.memref_squeeze %dma_wait3A_49 : memref<1x632x128xf32, #tpu.memory_space<hbm>> -> memref<632x128xf32, #tpu.memory_space<hbm>>
        %dma_wait3A_51 = arith.constant 0 : i32
        %dma_wait3A_52 = tpu.memref_slice %arg6[%mul3A_11, %dma_wait3A_51] : memref<10016x128xf32, #tpu.memory_space<vmem_shared>> -> memref<632x128xf32, #tpu.memory_space<vmem_shared>>
        tpu.wait_dma2 semaphore(%run_scoped3A : memref<!tpu.dma_semaphore, #tpu.memory_space<semaphore_mem>>) src(%dma_wait3A_52 : memref<632x128xf32, #tpu.memory_space<vmem_shared>>) dst(%dma_wait3A_50 : memref<632x128xf32, #tpu.memory_space<hbm>>)
        tpu.yield
      }) : () -> ()
    } else {
    }
    %eq3A_40 = arith.constant 15 : i32
    %eq3A_41 = arith.cmpi eq, %arg1, %eq3A_40 : i32
    %convert_element_type3A_42 = arith.extui %eq3A_41 : i1 to i32
    %cond3A_43 = arith.constant 0 : i32
    %cond3A_44 = arith.cmpi ne, %convert_element_type3A_42, %cond3A_43 : i32
    scf.if %cond3A_44 {
      "tpu.region"() ({
        %run_scoped3A = tpu.sem_alloc : memref<!tpu.dma_semaphore, #tpu.memory_space<semaphore_mem>>
        %dma_start3A = arith.constant 0 : i32
        %dma_start3A_45 = tpu.memref_slice %arg3[%arg0, %mul3A_11, %dma_start3A] : memref<2x10016x128xf32, #tpu.memory_space<hbm>> -> memref<1x536x128xf32, #tpu.memory_space<hbm>>
        %dma_start3A_46 = tpu.memref_squeeze %dma_start3A_45 : memref<1x536x128xf32, #tpu.memory_space<hbm>> -> memref<536x128xf32, #tpu.memory_space<hbm>>
        %dma_start3A_47 = arith.constant 0 : i32
        %dma_start3A_48 = tpu.memref_slice %arg6[%mul3A_11, %dma_start3A_47] : memref<10016x128xf32, #tpu.memory_space<vmem_shared>> -> memref<536x128xf32, #tpu.memory_space<vmem_shared>>
        tpu.enqueue_dma source(%dma_start3A_48 : memref<536x128xf32, #tpu.memory_space<vmem_shared>>) target(%dma_start3A_46 : memref<536x128xf32, #tpu.memory_space<hbm>>) target_semaphore(%run_scoped3A : memref<!tpu.dma_semaphore, #tpu.memory_space<semaphore_mem>>)
        %dma_wait3A = arith.constant 0 : i32
        %dma_wait3A_49 = tpu.memref_slice %arg3[%arg0, %mul3A_11, %dma_wait3A] : memref<2x10016x128xf32, #tpu.memory_space<hbm>> -> memref<1x536x128xf32, #tpu.memory_space<hbm>>
        %dma_wait3A_50 = tpu.memref_squeeze %dma_wait3A_49 : memref<1x536x128xf32, #tpu.memory_space<hbm>> -> memref<536x128xf32, #tpu.memory_space<hbm>>
        %dma_wait3A_51 = arith.constant 0 : i32
        %dma_wait3A_52 = tpu.memref_slice %arg6[%mul3A_11, %dma_wait3A_51] : memref<10016x128xf32, #tpu.memory_space<vmem_shared>> -> memref<536x128xf32, #tpu.memory_space<vmem_shared>>
        tpu.wait_dma2 semaphore(%run_scoped3A : memref<!tpu.dma_semaphore, #tpu.memory_space<semaphore_mem>>) src(%dma_wait3A_52 : memref<536x128xf32, #tpu.memory_space<vmem_shared>>) dst(%dma_wait3A_50 : memref<536x128xf32, #tpu.memory_space<hbm>>)
        tpu.yield
      }) : () -> ()
    } else {
    }
    return
  }
}

#map = affine_map<(d0, d1) -> (0, 0)>
#map1 = affine_map<(d0, d1) -> (0, 0, 0)>
module attributes {stable_mosaic.version = 14 : i64} {
  func.func @_sc_agg_body(%arg0: i32, %arg1: i32, %arg2: memref<10000x128xf32, #tpu.memory_space<hbm>>, %arg3: memref<32x80x128xi32, #tpu.memory_space<hbm>>, %arg4: memref<32x80x128xi32, #tpu.memory_space<hbm>>, %arg5: memref<2x10016x128xf32, #tpu.memory_space<hbm>>, %arg6: memref<8x128xi32, #tpu.memory_space<vmem>>, %arg7: memref<4x128xi32, #tpu.memory_space<vmem>>, %arg8: memref<128x128xf32, #tpu.memory_space<vmem>>, %arg9: memref<128x128xf32, #tpu.memory_space<vmem>>, %arg10: memref<128x128xf32, #tpu.memory_space<vmem>>, %arg11: memref<10016x128xf32, #tpu.memory_space<vmem_shared>>, %arg12: memref<!tpu.dma_semaphore, #tpu.memory_space<semaphore_mem>>, %arg13: memref<!tpu.dma_semaphore, #tpu.memory_space<semaphore_mem>>, %arg14: memref<!tpu.dma_semaphore, #tpu.memory_space<semaphore_mem>>, %arg15: memref<!tpu.dma_semaphore, #tpu.memory_space<semaphore_mem>>, %arg16: memref<!tpu.dma_semaphore, #tpu.memory_space<semaphore_mem>>, %arg17: memref<!tpu.dma_semaphore, #tpu.memory_space<semaphore_mem>>) attributes {dimension_semantics = [#tpu.dimension_semantics<core_parallel>, #tpu.dimension_semantics<subcore_parallel>], iteration_bounds = array<i64: 2, 16>, scalar_prefetch = 0 : i64, scratch_operands = 12 : i64, tpu.core_type = #tpu.core_type<sc_vector_subcore>, window_params = [{transform_indices = #map}, {transform_indices = #map1}, {transform_indices = #map1}, {transform_indices = #map1}]} {
    %mul3A = arith.constant 2 : i32
    %mul3A_0 = arith.muli %arg1, %mul3A : i32
    %add3A = arith.addi %mul3A_0, %arg0 : i32
    %broadcast_in_dim3A = arith.constant 0.000000e+00 : f32
    %broadcast_in_dim3A_1 = vector.broadcast %broadcast_in_dim3A : f32 to vector<16xf32>
    %scan3A = arith.constant 0 : i32
    %scan3A_2 = arith.constant 0 : i32
    %scan3A_3 = arith.constant 128 : i32
    %scan3A_4 = arith.addi %scan3A_2, %scan3A_3 : i32
    %scan3A_5 = arith.constant 1 : i32
    %scan3A_6 = scf.for %scan3A_36 = %scan3A_2 to %scan3A_4 step %scan3A_5 iter_args(%scan3A_37 = %scan3A) -> (i32)  : i32 {
      %swap3A = arith.index_cast %scan3A_36 : i32 to index
      %swap3A_38 = arith.constant 0 : index
      %swap3A_39 = tpu.vector_load %arg8[%swap3A, %swap3A_38] {strides = array<i32>} : memref<128x128xf32, #tpu.memory_space<vmem>>, vector<1x16xf32>,
      %swap3A_40 = vector.shape_cast %swap3A_39 : vector<1x16xf32> to vector<16xf32>
      %swap3A_41 = vector.shape_cast %broadcast_in_dim3A_1 : vector<16xf32> to vector<1x16xf32>
      tpu.vector_store %arg8[%swap3A, %swap3A_38], %swap3A_41 {strides = array<i32>} : memref<128x128xf32, #tpu.memory_space<vmem>>, vector<1x16xf32>,
      %swap3A_42 = arith.index_cast %scan3A_36 : i32 to index
      %swap3A_43 = arith.constant 16 : index
      %swap3A_44 = tpu.vector_load %arg8[%swap3A_42, %swap3A_43] {strides = array<i32>} : memref<128x128xf32, #tpu.memory_space<vmem>>, vector<1x16xf32>,
      %swap3A_45 = vector.shape_cast %swap3A_44 : vector<1x16xf32> to vector<16xf32>
      %swap3A_46 = vector.shape_cast %broadcast_in_dim3A_1 : vector<16xf32> to vector<1x16xf32>
      tpu.vector_store %arg8[%swap3A_42, %swap3A_43], %swap3A_46 {strides = array<i32>} : memref<128x128xf32, #tpu.memory_space<vmem>>, vector<1x16xf32>,
      %swap3A_47 = arith.index_cast %scan3A_36 : i32 to index
      %swap3A_48 = arith.constant 32 : index
      %swap3A_49 = tpu.vector_load %arg8[%swap3A_47, %swap3A_48] {strides = array<i32>} : memref<128x128xf32, #tpu.memory_space<vmem>>, vector<1x16xf32>,
      %swap3A_50 = vector.shape_cast %swap3A_49 : vector<1x16xf32> to vector<16xf32>
      %swap3A_51 = vector.shape_cast %broadcast_in_dim3A_1 : vector<16xf32> to vector<1x16xf32>
      tpu.vector_store %arg8[%swap3A_47, %swap3A_48], %swap3A_51 {strides = array<i32>} : memref<128x128xf32, #tpu.memory_space<vmem>>, vector<1x16xf32>,
      %swap3A_52 = arith.index_cast %scan3A_36 : i32 to index
      %swap3A_53 = arith.constant 48 : index
      %swap3A_54 = tpu.vector_load %arg8[%swap3A_52, %swap3A_53] {strides = array<i32>} : memref<128x128xf32, #tpu.memory_space<vmem>>, vector<1x16xf32>,
      %swap3A_55 = vector.shape_cast %swap3A_54 : vector<1x16xf32> to vector<16xf32>
      %swap3A_56 = vector.shape_cast %broadcast_in_dim3A_1 : vector<16xf32> to vector<1x16xf32>
      tpu.vector_store %arg8[%swap3A_52, %swap3A_53], %swap3A_56 {strides = array<i32>} : memref<128x128xf32, #tpu.memory_space<vmem>>, vector<1x16xf32>,
      %swap3A_57 = arith.index_cast %scan3A_36 : i32 to index
      %swap3A_58 = arith.constant 64 : index
      %swap3A_59 = tpu.vector_load %arg8[%swap3A_57, %swap3A_58] {strides = array<i32>} : memref<128x128xf32, #tpu.memory_space<vmem>>, vector<1x16xf32>,
      %swap3A_60 = vector.shape_cast %swap3A_59 : vector<1x16xf32> to vector<16xf32>
      %swap3A_61 = vector.shape_cast %broadcast_in_dim3A_1 : vector<16xf32> to vector<1x16xf32>
      tpu.vector_store %arg8[%swap3A_57, %swap3A_58], %swap3A_61 {strides = array<i32>} : memref<128x128xf32, #tpu.memory_space<vmem>>, vector<1x16xf32>,
      %swap3A_62 = arith.index_cast %scan3A_36 : i32 to index
      %swap3A_63 = arith.constant 80 : index
      %swap3A_64 = tpu.vector_load %arg8[%swap3A_62, %swap3A_63] {strides = array<i32>} : memref<128x128xf32, #tpu.memory_space<vmem>>, vector<1x16xf32>,
      %swap3A_65 = vector.shape_cast %swap3A_64 : vector<1x16xf32> to vector<16xf32>
      %swap3A_66 = vector.shape_cast %broadcast_in_dim3A_1 : vector<16xf32> to vector<1x16xf32>
      tpu.vector_store %arg8[%swap3A_62, %swap3A_63], %swap3A_66 {strides = array<i32>} : memref<128x128xf32, #tpu.memory_space<vmem>>, vector<1x16xf32>,
      %swap3A_67 = arith.index_cast %scan3A_36 : i32 to index
      %swap3A_68 = arith.constant 96 : index
      %swap3A_69 = tpu.vector_load %arg8[%swap3A_67, %swap3A_68] {strides = array<i32>} : memref<128x128xf32, #tpu.memory_space<vmem>>, vector<1x16xf32>,
      %swap3A_70 = vector.shape_cast %swap3A_69 : vector<1x16xf32> to vector<16xf32>
      %swap3A_71 = vector.shape_cast %broadcast_in_dim3A_1 : vector<16xf32> to vector<1x16xf32>
      tpu.vector_store %arg8[%swap3A_67, %swap3A_68], %swap3A_71 {strides = array<i32>} : memref<128x128xf32, #tpu.memory_space<vmem>>, vector<1x16xf32>,
      %swap3A_72 = arith.index_cast %scan3A_36 : i32 to index
      %swap3A_73 = arith.constant 112 : index
      %swap3A_74 = tpu.vector_load %arg8[%swap3A_72, %swap3A_73] {strides = array<i32>} : memref<128x128xf32, #tpu.memory_space<vmem>>, vector<1x16xf32>,
      %swap3A_75 = vector.shape_cast %swap3A_74 : vector<1x16xf32> to vector<16xf32>
      %swap3A_76 = vector.shape_cast %broadcast_in_dim3A_1 : vector<16xf32> to vector<1x16xf32>
      tpu.vector_store %arg8[%swap3A_72, %swap3A_73], %swap3A_76 {strides = array<i32>} : memref<128x128xf32, #tpu.memory_space<vmem>>, vector<1x16xf32>,
      %scan3A_77 = arith.constant 0 : i32
      scf.yield %scan3A_77 : i32
    }
    %scan3A_7 = arith.constant 128 : i32
    %mul3A_8 = arith.constant 632 : i32
    %mul3A_9 = arith.muli %arg1, %mul3A_8 : i32
    %mul3A_10 = arith.constant 632 : i32
    %mul3A_11 = arith.muli %arg1, %mul3A_10 : i32
    %lt3A = arith.constant 15 : i32
    %lt3A_12 = arith.cmpi slt, %arg1, %lt3A : i32
    %convert_element_type3A = arith.extui %lt3A_12 : i1 to i32
    %cond3A = arith.constant 0 : i32
    %cond3A_13 = arith.cmpi ne, %convert_element_type3A, %cond3A : i32
    scf.if %cond3A_13 {
      %add3A_36 = arith.constant 0 : i32
      %add3A_37 = arith.addi %mul3A_11, %add3A_36 : i32
      "tpu.region"() ({
        %run_scoped3A = tpu.sem_alloc : memref<!tpu.dma_semaphore, #tpu.memory_space<semaphore_mem>>
        %dma_start3A = arith.constant 0 : i32
        %dma_start3A_46 = arith.constant 0 : i32
        %dma_start3A_47 = tpu.memref_slice %arg8[%dma_start3A, %dma_start3A_46] : memref<128x128xf32, #tpu.memory_space<vmem>> -> memref<128x128xf32, #tpu.memory_space<vmem>>
        %dma_start3A_48 = arith.constant 0 : i32
        %dma_start3A_49 = tpu.memref_slice %arg11[%add3A_37, %dma_start3A_48] : memref<10016x128xf32, #tpu.memory_space<vmem_shared>> -> memref<128x128xf32, #tpu.memory_space<vmem_shared>>
        %dma_start3A_50 = arith.constant 0 : i32
        %dma_start3A_51 = tpu.memref_slice %arg11[%add3A_37, %dma_start3A_50] : memref<10016x128xf32, #tpu.memory_space<vmem_shared>> -> memref<128x128xf32, #tpu.memory_space<vmem_shared>>
        %dma_start3A_52 = arith.constant 0 : i32
        %dma_start3A_53 = arith.constant 0 : i32
        %dma_start3A_54 = tpu.memref_slice %arg8[%dma_start3A_52, %dma_start3A_53] : memref<128x128xf32, #tpu.memory_space<vmem>> -> memref<128x128xf32, #tpu.memory_space<vmem>>
        tpu.enqueue_dma source(%dma_start3A_54 : memref<128x128xf32, #tpu.memory_space<vmem>>) target(%dma_start3A_51 : memref<128x128xf32, #tpu.memory_space<vmem_shared>>) target_semaphore(%run_scoped3A : memref<!tpu.dma_semaphore, #tpu.memory_space<semaphore_mem>>)
        %dma_wait3A = arith.constant 0 : i32
        %dma_wait3A_55 = arith.constant 0 : i32
        %dma_wait3A_56 = tpu.memref_slice %arg8[%dma_wait3A, %dma_wait3A_55] : memref<128x128xf32, #tpu.memory_space<vmem>> -> memref<128x128xf32, #tpu.memory_space<vmem>>
        %dma_wait3A_57 = arith.constant 0 : i32
        %dma_wait3A_58 = tpu.memref_slice %arg11[%add3A_37, %dma_wait3A_57] : memref<10016x128xf32, #tpu.memory_space<vmem_shared>> -> memref<128x128xf32, #tpu.memory_space<vmem_shared>>
        %dma_wait3A_59 = arith.constant 0 : i32
        %dma_wait3A_60 = tpu.memref_slice %arg11[%add3A_37, %dma_wait3A_59] : memref<10016x128xf32, #tpu.memory_space<vmem_shared>> -> memref<128x128xf32, #tpu.memory_space<vmem_shared>>
        %dma_wait3A_61 = arith.constant 0 : i32
        %dma_wait3A_62 = arith.constant 0 : i32
        %dma_wait3A_63 = tpu.memref_slice %arg8[%dma_wait3A_61, %dma_wait3A_62] : memref<128x128xf32, #tpu.memory_space<vmem>> -> memref<128x128xf32, #tpu.memory_space<vmem>>
        tpu.wait_dma2 semaphore(%run_scoped3A : memref<!tpu.dma_semaphore, #tpu.memory_space<semaphore_mem>>) src(%dma_wait3A_63 : memref<128x128xf32, #tpu.memory_space<vmem>>) dst(%dma_wait3A_60 : memref<128x128xf32, #tpu.memory_space<vmem_shared>>)
        tpu.yield
      }) : () -> ()
      %add3A_38 = arith.constant 128 : i32
      %add3A_39 = arith.addi %mul3A_11, %add3A_38 : i32
      "tpu.region"() ({
        %run_scoped3A = tpu.sem_alloc : memref<!tpu.dma_semaphore, #tpu.memory_space<semaphore_mem>>
        %dma_start3A = arith.constant 0 : i32
        %dma_start3A_46 = arith.constant 0 : i32
        %dma_start3A_47 = tpu.memref_slice %arg8[%dma_start3A, %dma_start3A_46] : memref<128x128xf32, #tpu.memory_space<vmem>> -> memref<128x128xf32, #tpu.memory_space<vmem>>
        %dma_start3A_48 = arith.constant 0 : i32
        %dma_start3A_49 = tpu.memref_slice %arg11[%add3A_39, %dma_start3A_48] : memref<10016x128xf32, #tpu.memory_space<vmem_shared>> -> memref<128x128xf32, #tpu.memory_space<vmem_shared>>
        %dma_start3A_50 = arith.constant 0 : i32
        %dma_start3A_51 = tpu.memref_slice %arg11[%add3A_39, %dma_start3A_50] : memref<10016x128xf32, #tpu.memory_space<vmem_shared>> -> memref<128x128xf32, #tpu.memory_space<vmem_shared>>
        %dma_start3A_52 = arith.constant 0 : i32
        %dma_start3A_53 = arith.constant 0 : i32
        %dma_start3A_54 = tpu.memref_slice %arg8[%dma_start3A_52, %dma_start3A_53] : memref<128x128xf32, #tpu.memory_space<vmem>> -> memref<128x128xf32, #tpu.memory_space<vmem>>
        tpu.enqueue_dma source(%dma_start3A_54 : memref<128x128xf32, #tpu.memory_space<vmem>>) target(%dma_start3A_51 : memref<128x128xf32, #tpu.memory_space<vmem_shared>>) target_semaphore(%run_scoped3A : memref<!tpu.dma_semaphore, #tpu.memory_space<semaphore_mem>>)
        %dma_wait3A = arith.constant 0 : i32
        %dma_wait3A_55 = arith.constant 0 : i32
        %dma_wait3A_56 = tpu.memref_slice %arg8[%dma_wait3A, %dma_wait3A_55] : memref<128x128xf32, #tpu.memory_space<vmem>> -> memref<128x128xf32, #tpu.memory_space<vmem>>
        %dma_wait3A_57 = arith.constant 0 : i32
        %dma_wait3A_58 = tpu.memref_slice %arg11[%add3A_39, %dma_wait3A_57] : memref<10016x128xf32, #tpu.memory_space<vmem_shared>> -> memref<128x128xf32, #tpu.memory_space<vmem_shared>>
        %dma_wait3A_59 = arith.constant 0 : i32
        %dma_wait3A_60 = tpu.memref_slice %arg11[%add3A_39, %dma_wait3A_59] : memref<10016x128xf32, #tpu.memory_space<vmem_shared>> -> memref<128x128xf32, #tpu.memory_space<vmem_shared>>
        %dma_wait3A_61 = arith.constant 0 : i32
        %dma_wait3A_62 = arith.constant 0 : i32
        %dma_wait3A_63 = tpu.memref_slice %arg8[%dma_wait3A_61, %dma_wait3A_62] : memref<128x128xf32, #tpu.memory_space<vmem>> -> memref<128x128xf32, #tpu.memory_space<vmem>>
        tpu.wait_dma2 semaphore(%run_scoped3A : memref<!tpu.dma_semaphore, #tpu.memory_space<semaphore_mem>>) src(%dma_wait3A_63 : memref<128x128xf32, #tpu.memory_space<vmem>>) dst(%dma_wait3A_60 : memref<128x128xf32, #tpu.memory_space<vmem_shared>>)
        tpu.yield
      }) : () -> ()
      %add3A_40 = arith.constant 256 : i32
      %add3A_41 = arith.addi %mul3A_11, %add3A_40 : i32
      "tpu.region"() ({
        %run_scoped3A = tpu.sem_alloc : memref<!tpu.dma_semaphore, #tpu.memory_space<semaphore_mem>>
        %dma_start3A = arith.constant 0 : i32
        %dma_start3A_46 = arith.constant 0 : i32
        %dma_start3A_47 = tpu.memref_slice %arg8[%dma_start3A, %dma_start3A_46] : memref<128x128xf32, #tpu.memory_space<vmem>> -> memref<128x128xf32, #tpu.memory_space<vmem>>
        %dma_start3A_48 = arith.constant 0 : i32
        %dma_start3A_49 = tpu.memref_slice %arg11[%add3A_41, %dma_start3A_48] : memref<10016x128xf32, #tpu.memory_space<vmem_shared>> -> memref<128x128xf32, #tpu.memory_space<vmem_shared>>
        %dma_start3A_50 = arith.constant 0 : i32
        %dma_start3A_51 = tpu.memref_slice %arg11[%add3A_41, %dma_start3A_50] : memref<10016x128xf32, #tpu.memory_space<vmem_shared>> -> memref<128x128xf32, #tpu.memory_space<vmem_shared>>
        %dma_start3A_52 = arith.constant 0 : i32
        %dma_start3A_53 = arith.constant 0 : i32
        %dma_start3A_54 = tpu.memref_slice %arg8[%dma_start3A_52, %dma_start3A_53] : memref<128x128xf32, #tpu.memory_space<vmem>> -> memref<128x128xf32, #tpu.memory_space<vmem>>
        tpu.enqueue_dma source(%dma_start3A_54 : memref<128x128xf32, #tpu.memory_space<vmem>>) target(%dma_start3A_51 : memref<128x128xf32, #tpu.memory_space<vmem_shared>>) target_semaphore(%run_scoped3A : memref<!tpu.dma_semaphore, #tpu.memory_space<semaphore_mem>>)
        %dma_wait3A = arith.constant 0 : i32
        %dma_wait3A_55 = arith.constant 0 : i32
        %dma_wait3A_56 = tpu.memref_slice %arg8[%dma_wait3A, %dma_wait3A_55] : memref<128x128xf32, #tpu.memory_space<vmem>> -> memref<128x128xf32, #tpu.memory_space<vmem>>
        %dma_wait3A_57 = arith.constant 0 : i32
        %dma_wait3A_58 = tpu.memref_slice %arg11[%add3A_41, %dma_wait3A_57] : memref<10016x128xf32, #tpu.memory_space<vmem_shared>> -> memref<128x128xf32, #tpu.memory_space<vmem_shared>>
        %dma_wait3A_59 = arith.constant 0 : i32
        %dma_wait3A_60 = tpu.memref_slice %arg11[%add3A_41, %dma_wait3A_59] : memref<10016x128xf32, #tpu.memory_space<vmem_shared>> -> memref<128x128xf32, #tpu.memory_space<vmem_shared>>
        %dma_wait3A_61 = arith.constant 0 : i32
        %dma_wait3A_62 = arith.constant 0 : i32
        %dma_wait3A_63 = tpu.memref_slice %arg8[%dma_wait3A_61, %dma_wait3A_62] : memref<128x128xf32, #tpu.memory_space<vmem>> -> memref<128x128xf32, #tpu.memory_space<vmem>>
        tpu.wait_dma2 semaphore(%run_scoped3A : memref<!tpu.dma_semaphore, #tpu.memory_space<semaphore_mem>>) src(%dma_wait3A_63 : memref<128x128xf32, #tpu.memory_space<vmem>>) dst(%dma_wait3A_60 : memref<128x128xf32, #tpu.memory_space<vmem_shared>>)
        tpu.yield
      }) : () -> ()
      %add3A_42 = arith.constant 384 : i32
      %add3A_43 = arith.addi %mul3A_11, %add3A_42 : i32
      "tpu.region"() ({
        %run_scoped3A = tpu.sem_alloc : memref<!tpu.dma_semaphore, #tpu.memory_space<semaphore_mem>>
        %dma_start3A = arith.constant 0 : i32
        %dma_start3A_46 = arith.constant 0 : i32
        %dma_start3A_47 = tpu.memref_slice %arg8[%dma_start3A, %dma_start3A_46] : memref<128x128xf32, #tpu.memory_space<vmem>> -> memref<128x128xf32, #tpu.memory_space<vmem>>
        %dma_start3A_48 = arith.constant 0 : i32
        %dma_start3A_49 = tpu.memref_slice %arg11[%add3A_43, %dma_start3A_48] : memref<10016x128xf32, #tpu.memory_space<vmem_shared>> -> memref<128x128xf32, #tpu.memory_space<vmem_shared>>
        %dma_start3A_50 = arith.constant 0 : i32
        %dma_start3A_51 = tpu.memref_slice %arg11[%add3A_43, %dma_start3A_50] : memref<10016x128xf32, #tpu.memory_space<vmem_shared>> -> memref<128x128xf32, #tpu.memory_space<vmem_shared>>
        %dma_start3A_52 = arith.constant 0 : i32
        %dma_start3A_53 = arith.constant 0 : i32
        %dma_start3A_54 = tpu.memref_slice %arg8[%dma_start3A_52, %dma_start3A_53] : memref<128x128xf32, #tpu.memory_space<vmem>> -> memref<128x128xf32, #tpu.memory_space<vmem>>
        tpu.enqueue_dma source(%dma_start3A_54 : memref<128x128xf32, #tpu.memory_space<vmem>>) target(%dma_start3A_51 : memref<128x128xf32, #tpu.memory_space<vmem_shared>>) target_semaphore(%run_scoped3A : memref<!tpu.dma_semaphore, #tpu.memory_space<semaphore_mem>>)
        %dma_wait3A = arith.constant 0 : i32
        %dma_wait3A_55 = arith.constant 0 : i32
        %dma_wait3A_56 = tpu.memref_slice %arg8[%dma_wait3A, %dma_wait3A_55] : memref<128x128xf32, #tpu.memory_space<vmem>> -> memref<128x128xf32, #tpu.memory_space<vmem>>
        %dma_wait3A_57 = arith.constant 0 : i32
        %dma_wait3A_58 = tpu.memref_slice %arg11[%add3A_43, %dma_wait3A_57] : memref<10016x128xf32, #tpu.memory_space<vmem_shared>> -> memref<128x128xf32, #tpu.memory_space<vmem_shared>>
        %dma_wait3A_59 = arith.constant 0 : i32
        %dma_wait3A_60 = tpu.memref_slice %arg11[%add3A_43, %dma_wait3A_59] : memref<10016x128xf32, #tpu.memory_space<vmem_shared>> -> memref<128x128xf32, #tpu.memory_space<vmem_shared>>
        %dma_wait3A_61 = arith.constant 0 : i32
        %dma_wait3A_62 = arith.constant 0 : i32
        %dma_wait3A_63 = tpu.memref_slice %arg8[%dma_wait3A_61, %dma_wait3A_62] : memref<128x128xf32, #tpu.memory_space<vmem>> -> memref<128x128xf32, #tpu.memory_space<vmem>>
        tpu.wait_dma2 semaphore(%run_scoped3A : memref<!tpu.dma_semaphore, #tpu.memory_space<semaphore_mem>>) src(%dma_wait3A_63 : memref<128x128xf32, #tpu.memory_space<vmem>>) dst(%dma_wait3A_60 : memref<128x128xf32, #tpu.memory_space<vmem_shared>>)
        tpu.yield
      }) : () -> ()
      %add3A_44 = arith.constant 512 : i32
      %add3A_45 = arith.addi %mul3A_11, %add3A_44 : i32
      "tpu.region"() ({
        %run_scoped3A = tpu.sem_alloc : memref<!tpu.dma_semaphore, #tpu.memory_space<semaphore_mem>>
        %dma_start3A = arith.constant 0 : i32
        %dma_start3A_46 = arith.constant 0 : i32
        %dma_start3A_47 = tpu.memref_slice %arg8[%dma_start3A, %dma_start3A_46] : memref<128x128xf32, #tpu.memory_space<vmem>> -> memref<120x128xf32, #tpu.memory_space<vmem>>
        %dma_start3A_48 = arith.constant 0 : i32
        %dma_start3A_49 = tpu.memref_slice %arg11[%add3A_45, %dma_start3A_48] : memref<10016x128xf32, #tpu.memory_space<vmem_shared>> -> memref<120x128xf32, #tpu.memory_space<vmem_shared>>
        %dma_start3A_50 = arith.constant 0 : i32
        %dma_start3A_51 = tpu.memref_slice %arg11[%add3A_45, %dma_start3A_50] : memref<10016x128xf32, #tpu.memory_space<vmem_shared>> -> memref<120x128xf32, #tpu.memory_space<vmem_shared>>
        %dma_start3A_52 = arith.constant 0 : i32
        %dma_start3A_53 = arith.constant 0 : i32
        %dma_start3A_54 = tpu.memref_slice %arg8[%dma_start3A_52, %dma_start3A_53] : memref<128x128xf32, #tpu.memory_space<vmem>> -> memref<120x128xf32, #tpu.memory_space<vmem>>
        tpu.enqueue_dma source(%dma_start3A_54 : memref<120x128xf32, #tpu.memory_space<vmem>>) target(%dma_start3A_51 : memref<120x128xf32, #tpu.memory_space<vmem_shared>>) target_semaphore(%run_scoped3A : memref<!tpu.dma_semaphore, #tpu.memory_space<semaphore_mem>>)
        %dma_wait3A = arith.constant 0 : i32
        %dma_wait3A_55 = arith.constant 0 : i32
        %dma_wait3A_56 = tpu.memref_slice %arg8[%dma_wait3A, %dma_wait3A_55] : memref<128x128xf32, #tpu.memory_space<vmem>> -> memref<120x128xf32, #tpu.memory_space<vmem>>
        %dma_wait3A_57 = arith.constant 0 : i32
        %dma_wait3A_58 = tpu.memref_slice %arg11[%add3A_45, %dma_wait3A_57] : memref<10016x128xf32, #tpu.memory_space<vmem_shared>> -> memref<120x128xf32, #tpu.memory_space<vmem_shared>>
        %dma_wait3A_59 = arith.constant 0 : i32
        %dma_wait3A_60 = tpu.memref_slice %arg11[%add3A_45, %dma_wait3A_59] : memref<10016x128xf32, #tpu.memory_space<vmem_shared>> -> memref<120x128xf32, #tpu.memory_space<vmem_shared>>
        %dma_wait3A_61 = arith.constant 0 : i32
        %dma_wait3A_62 = arith.constant 0 : i32
        %dma_wait3A_63 = tpu.memref_slice %arg8[%dma_wait3A_61, %dma_wait3A_62] : memref<128x128xf32, #tpu.memory_space<vmem>> -> memref<120x128xf32, #tpu.memory_space<vmem>>
        tpu.wait_dma2 semaphore(%run_scoped3A : memref<!tpu.dma_semaphore, #tpu.memory_space<semaphore_mem>>) src(%dma_wait3A_63 : memref<120x128xf32, #tpu.memory_space<vmem>>) dst(%dma_wait3A_60 : memref<120x128xf32, #tpu.memory_space<vmem_shared>>)
        tpu.yield
      }) : () -> ()
    } else {
    }
    %eq3A = arith.constant 15 : i32
    %eq3A_14 = arith.cmpi eq, %arg1, %eq3A : i32
    %convert_element_type3A_15 = arith.extui %eq3A_14 : i1 to i32
    %cond3A_16 = arith.constant 0 : i32
    %cond3A_17 = arith.cmpi ne, %convert_element_type3A_15, %cond3A_16 : i32
    scf.if %cond3A_17 {
      %add3A_36 = arith.constant 0 : i32
      %add3A_37 = arith.addi %mul3A_11, %add3A_36 : i32
      "tpu.region"() ({
        %run_scoped3A = tpu.sem_alloc : memref<!tpu.dma_semaphore, #tpu.memory_space<semaphore_mem>>
        %dma_start3A = arith.constant 0 : i32
        %dma_start3A_46 = arith.constant 0 : i32
        %dma_start3A_47 = tpu.memref_slice %arg8[%dma_start3A, %dma_start3A_46] : memref<128x128xf32, #tpu.memory_space<vmem>> -> memref<128x128xf32, #tpu.memory_space<vmem>>
        %dma_start3A_48 = arith.constant 0 : i32
        %dma_start3A_49 = tpu.memref_slice %arg11[%add3A_37, %dma_start3A_48] : memref<10016x128xf32, #tpu.memory_space<vmem_shared>> -> memref<128x128xf32, #tpu.memory_space<vmem_shared>>
        %dma_start3A_50 = arith.constant 0 : i32
        %dma_start3A_51 = tpu.memref_slice %arg11[%add3A_37, %dma_start3A_50] : memref<10016x128xf32, #tpu.memory_space<vmem_shared>> -> memref<128x128xf32, #tpu.memory_space<vmem_shared>>
        %dma_start3A_52 = arith.constant 0 : i32
        %dma_start3A_53 = arith.constant 0 : i32
        %dma_start3A_54 = tpu.memref_slice %arg8[%dma_start3A_52, %dma_start3A_53] : memref<128x128xf32, #tpu.memory_space<vmem>> -> memref<128x128xf32, #tpu.memory_space<vmem>>
        tpu.enqueue_dma source(%dma_start3A_54 : memref<128x128xf32, #tpu.memory_space<vmem>>) target(%dma_start3A_51 : memref<128x128xf32, #tpu.memory_space<vmem_shared>>) target_semaphore(%run_scoped3A : memref<!tpu.dma_semaphore, #tpu.memory_space<semaphore_mem>>)
        %dma_wait3A = arith.constant 0 : i32
        %dma_wait3A_55 = arith.constant 0 : i32
        %dma_wait3A_56 = tpu.memref_slice %arg8[%dma_wait3A, %dma_wait3A_55] : memref<128x128xf32, #tpu.memory_space<vmem>> -> memref<128x128xf32, #tpu.memory_space<vmem>>
        %dma_wait3A_57 = arith.constant 0 : i32
        %dma_wait3A_58 = tpu.memref_slice %arg11[%add3A_37, %dma_wait3A_57] : memref<10016x128xf32, #tpu.memory_space<vmem_shared>> -> memref<128x128xf32, #tpu.memory_space<vmem_shared>>
        %dma_wait3A_59 = arith.constant 0 : i32
        %dma_wait3A_60 = tpu.memref_slice %arg11[%add3A_37, %dma_wait3A_59] : memref<10016x128xf32, #tpu.memory_space<vmem_shared>> -> memref<128x128xf32, #tpu.memory_space<vmem_shared>>
        %dma_wait3A_61 = arith.constant 0 : i32
        %dma_wait3A_62 = arith.constant 0 : i32
        %dma_wait3A_63 = tpu.memref_slice %arg8[%dma_wait3A_61, %dma_wait3A_62] : memref<128x128xf32, #tpu.memory_space<vmem>> -> memref<128x128xf32, #tpu.memory_space<vmem>>
        tpu.wait_dma2 semaphore(%run_scoped3A : memref<!tpu.dma_semaphore, #tpu.memory_space<semaphore_mem>>) src(%dma_wait3A_63 : memref<128x128xf32, #tpu.memory_space<vmem>>) dst(%dma_wait3A_60 : memref<128x128xf32, #tpu.memory_space<vmem_shared>>)
        tpu.yield
      }) : () -> ()
      %add3A_38 = arith.constant 128 : i32
      %add3A_39 = arith.addi %mul3A_11, %add3A_38 : i32
      "tpu.region"() ({
        %run_scoped3A = tpu.sem_alloc : memref<!tpu.dma_semaphore, #tpu.memory_space<semaphore_mem>>
        %dma_start3A = arith.constant 0 : i32
        %dma_start3A_46 = arith.constant 0 : i32
        %dma_start3A_47 = tpu.memref_slice %arg8[%dma_start3A, %dma_start3A_46] : memref<128x128xf32, #tpu.memory_space<vmem>> -> memref<128x128xf32, #tpu.memory_space<vmem>>
        %dma_start3A_48 = arith.constant 0 : i32
        %dma_start3A_49 = tpu.memref_slice %arg11[%add3A_39, %dma_start3A_48] : memref<10016x128xf32, #tpu.memory_space<vmem_shared>> -> memref<128x128xf32, #tpu.memory_space<vmem_shared>>
        %dma_start3A_50 = arith.constant 0 : i32
        %dma_start3A_51 = tpu.memref_slice %arg11[%add3A_39, %dma_start3A_50] : memref<10016x128xf32, #tpu.memory_space<vmem_shared>> -> memref<128x128xf32, #tpu.memory_space<vmem_shared>>
        %dma_start3A_52 = arith.constant 0 : i32
        %dma_start3A_53 = arith.constant 0 : i32
        %dma_start3A_54 = tpu.memref_slice %arg8[%dma_start3A_52, %dma_start3A_53] : memref<128x128xf32, #tpu.memory_space<vmem>> -> memref<128x128xf32, #tpu.memory_space<vmem>>
        tpu.enqueue_dma source(%dma_start3A_54 : memref<128x128xf32, #tpu.memory_space<vmem>>) target(%dma_start3A_51 : memref<128x128xf32, #tpu.memory_space<vmem_shared>>) target_semaphore(%run_scoped3A : memref<!tpu.dma_semaphore, #tpu.memory_space<semaphore_mem>>)
        %dma_wait3A = arith.constant 0 : i32
        %dma_wait3A_55 = arith.constant 0 : i32
        %dma_wait3A_56 = tpu.memref_slice %arg8[%dma_wait3A, %dma_wait3A_55] : memref<128x128xf32, #tpu.memory_space<vmem>> -> memref<128x128xf32, #tpu.memory_space<vmem>>
        %dma_wait3A_57 = arith.constant 0 : i32
        %dma_wait3A_58 = tpu.memref_slice %arg11[%add3A_39, %dma_wait3A_57] : memref<10016x128xf32, #tpu.memory_space<vmem_shared>> -> memref<128x128xf32, #tpu.memory_space<vmem_shared>>
        %dma_wait3A_59 = arith.constant 0 : i32
        %dma_wait3A_60 = tpu.memref_slice %arg11[%add3A_39, %dma_wait3A_59] : memref<10016x128xf32, #tpu.memory_space<vmem_shared>> -> memref<128x128xf32, #tpu.memory_space<vmem_shared>>
        %dma_wait3A_61 = arith.constant 0 : i32
        %dma_wait3A_62 = arith.constant 0 : i32
        %dma_wait3A_63 = tpu.memref_slice %arg8[%dma_wait3A_61, %dma_wait3A_62] : memref<128x128xf32, #tpu.memory_space<vmem>> -> memref<128x128xf32, #tpu.memory_space<vmem>>
        tpu.wait_dma2 semaphore(%run_scoped3A : memref<!tpu.dma_semaphore, #tpu.memory_space<semaphore_mem>>) src(%dma_wait3A_63 : memref<128x128xf32, #tpu.memory_space<vmem>>) dst(%dma_wait3A_60 : memref<128x128xf32, #tpu.memory_space<vmem_shared>>)
        tpu.yield
      }) : () -> ()
      %add3A_40 = arith.constant 256 : i32
      %add3A_41 = arith.addi %mul3A_11, %add3A_40 : i32
      "tpu.region"() ({
        %run_scoped3A = tpu.sem_alloc : memref<!tpu.dma_semaphore, #tpu.memory_space<semaphore_mem>>
        %dma_start3A = arith.constant 0 : i32
        %dma_start3A_46 = arith.constant 0 : i32
        %dma_start3A_47 = tpu.memref_slice %arg8[%dma_start3A, %dma_start3A_46] : memref<128x128xf32, #tpu.memory_space<vmem>> -> memref<128x128xf32, #tpu.memory_space<vmem>>
        %dma_start3A_48 = arith.constant 0 : i32
        %dma_start3A_49 = tpu.memref_slice %arg11[%add3A_41, %dma_start3A_48] : memref<10016x128xf32, #tpu.memory_space<vmem_shared>> -> memref<128x128xf32, #tpu.memory_space<vmem_shared>>
        %dma_start3A_50 = arith.constant 0 : i32
        %dma_start3A_51 = tpu.memref_slice %arg11[%add3A_41, %dma_start3A_50] : memref<10016x128xf32, #tpu.memory_space<vmem_shared>> -> memref<128x128xf32, #tpu.memory_space<vmem_shared>>
        %dma_start3A_52 = arith.constant 0 : i32
        %dma_start3A_53 = arith.constant 0 : i32
        %dma_start3A_54 = tpu.memref_slice %arg8[%dma_start3A_52, %dma_start3A_53] : memref<128x128xf32, #tpu.memory_space<vmem>> -> memref<128x128xf32, #tpu.memory_space<vmem>>
        tpu.enqueue_dma source(%dma_start3A_54 : memref<128x128xf32, #tpu.memory_space<vmem>>) target(%dma_start3A_51 : memref<128x128xf32, #tpu.memory_space<vmem_shared>>) target_semaphore(%run_scoped3A : memref<!tpu.dma_semaphore, #tpu.memory_space<semaphore_mem>>)
        %dma_wait3A = arith.constant 0 : i32
        %dma_wait3A_55 = arith.constant 0 : i32
        %dma_wait3A_56 = tpu.memref_slice %arg8[%dma_wait3A, %dma_wait3A_55] : memref<128x128xf32, #tpu.memory_space<vmem>> -> memref<128x128xf32, #tpu.memory_space<vmem>>
        %dma_wait3A_57 = arith.constant 0 : i32
        %dma_wait3A_58 = tpu.memref_slice %arg11[%add3A_41, %dma_wait3A_57] : memref<10016x128xf32, #tpu.memory_space<vmem_shared>> -> memref<128x128xf32, #tpu.memory_space<vmem_shared>>
        %dma_wait3A_59 = arith.constant 0 : i32
        %dma_wait3A_60 = tpu.memref_slice %arg11[%add3A_41, %dma_wait3A_59] : memref<10016x128xf32, #tpu.memory_space<vmem_shared>> -> memref<128x128xf32, #tpu.memory_space<vmem_shared>>
        %dma_wait3A_61 = arith.constant 0 : i32
        %dma_wait3A_62 = arith.constant 0 : i32
        %dma_wait3A_63 = tpu.memref_slice %arg8[%dma_wait3A_61, %dma_wait3A_62] : memref<128x128xf32, #tpu.memory_space<vmem>> -> memref<128x128xf32, #tpu.memory_space<vmem>>
        tpu.wait_dma2 semaphore(%run_scoped3A : memref<!tpu.dma_semaphore, #tpu.memory_space<semaphore_mem>>) src(%dma_wait3A_63 : memref<128x128xf32, #tpu.memory_space<vmem>>) dst(%dma_wait3A_60 : memref<128x128xf32, #tpu.memory_space<vmem_shared>>)
        tpu.yield
      }) : () -> ()
      %add3A_42 = arith.constant 384 : i32
      %add3A_43 = arith.addi %mul3A_11, %add3A_42 : i32
      "tpu.region"() ({
        %run_scoped3A = tpu.sem_alloc : memref<!tpu.dma_semaphore, #tpu.memory_space<semaphore_mem>>
        %dma_start3A = arith.constant 0 : i32
        %dma_start3A_46 = arith.constant 0 : i32
        %dma_start3A_47 = tpu.memref_slice %arg8[%dma_start3A, %dma_start3A_46] : memref<128x128xf32, #tpu.memory_space<vmem>> -> memref<128x128xf32, #tpu.memory_space<vmem>>
        %dma_start3A_48 = arith.constant 0 : i32
        %dma_start3A_49 = tpu.memref_slice %arg11[%add3A_43, %dma_start3A_48] : memref<10016x128xf32, #tpu.memory_space<vmem_shared>> -> memref<128x128xf32, #tpu.memory_space<vmem_shared>>
        %dma_start3A_50 = arith.constant 0 : i32
        %dma_start3A_51 = tpu.memref_slice %arg11[%add3A_43, %dma_start3A_50] : memref<10016x128xf32, #tpu.memory_space<vmem_shared>> -> memref<128x128xf32, #tpu.memory_space<vmem_shared>>
        %dma_start3A_52 = arith.constant 0 : i32
        %dma_start3A_53 = arith.constant 0 : i32
        %dma_start3A_54 = tpu.memref_slice %arg8[%dma_start3A_52, %dma_start3A_53] : memref<128x128xf32, #tpu.memory_space<vmem>> -> memref<128x128xf32, #tpu.memory_space<vmem>>
        tpu.enqueue_dma source(%dma_start3A_54 : memref<128x128xf32, #tpu.memory_space<vmem>>) target(%dma_start3A_51 : memref<128x128xf32, #tpu.memory_space<vmem_shared>>) target_semaphore(%run_scoped3A : memref<!tpu.dma_semaphore, #tpu.memory_space<semaphore_mem>>)
        %dma_wait3A = arith.constant 0 : i32
        %dma_wait3A_55 = arith.constant 0 : i32
        %dma_wait3A_56 = tpu.memref_slice %arg8[%dma_wait3A, %dma_wait3A_55] : memref<128x128xf32, #tpu.memory_space<vmem>> -> memref<128x128xf32, #tpu.memory_space<vmem>>
        %dma_wait3A_57 = arith.constant 0 : i32
        %dma_wait3A_58 = tpu.memref_slice %arg11[%add3A_43, %dma_wait3A_57] : memref<10016x128xf32, #tpu.memory_space<vmem_shared>> -> memref<128x128xf32, #tpu.memory_space<vmem_shared>>
        %dma_wait3A_59 = arith.constant 0 : i32
        %dma_wait3A_60 = tpu.memref_slice %arg11[%add3A_43, %dma_wait3A_59] : memref<10016x128xf32, #tpu.memory_space<vmem_shared>> -> memref<128x128xf32, #tpu.memory_space<vmem_shared>>
        %dma_wait3A_61 = arith.constant 0 : i32
        %dma_wait3A_62 = arith.constant 0 : i32
        %dma_wait3A_63 = tpu.memref_slice %arg8[%dma_wait3A_61, %dma_wait3A_62] : memref<128x128xf32, #tpu.memory_space<vmem>> -> memref<128x128xf32, #tpu.memory_space<vmem>>
        tpu.wait_dma2 semaphore(%run_scoped3A : memref<!tpu.dma_semaphore, #tpu.memory_space<semaphore_mem>>) src(%dma_wait3A_63 : memref<128x128xf32, #tpu.memory_space<vmem>>) dst(%dma_wait3A_60 : memref<128x128xf32, #tpu.memory_space<vmem_shared>>)
        tpu.yield
      }) : () -> ()
      %add3A_44 = arith.constant 512 : i32
      %add3A_45 = arith.addi %mul3A_11, %add3A_44 : i32
      "tpu.region"() ({
        %run_scoped3A = tpu.sem_alloc : memref<!tpu.dma_semaphore, #tpu.memory_space<semaphore_mem>>
        %dma_start3A = arith.constant 0 : i32
        %dma_start3A_46 = arith.constant 0 : i32
        %dma_start3A_47 = tpu.memref_slice %arg8[%dma_start3A, %dma_start3A_46] : memref<128x128xf32, #tpu.memory_space<vmem>> -> memref<24x128xf32, #tpu.memory_space<vmem>>
        %dma_start3A_48 = arith.constant 0 : i32
        %dma_start3A_49 = tpu.memref_slice %arg11[%add3A_45, %dma_start3A_48] : memref<10016x128xf32, #tpu.memory_space<vmem_shared>> -> memref<24x128xf32, #tpu.memory_space<vmem_shared>>
        %dma_start3A_50 = arith.constant 0 : i32
        %dma_start3A_51 = tpu.memref_slice %arg11[%add3A_45, %dma_start3A_50] : memref<10016x128xf32, #tpu.memory_space<vmem_shared>> -> memref<24x128xf32, #tpu.memory_space<vmem_shared>>
        %dma_start3A_52 = arith.constant 0 : i32
        %dma_start3A_53 = arith.constant 0 : i32
        %dma_start3A_54 = tpu.memref_slice %arg8[%dma_start3A_52, %dma_start3A_53] : memref<128x128xf32, #tpu.memory_space<vmem>> -> memref<24x128xf32, #tpu.memory_space<vmem>>
        tpu.enqueue_dma source(%dma_start3A_54 : memref<24x128xf32, #tpu.memory_space<vmem>>) target(%dma_start3A_51 : memref<24x128xf32, #tpu.memory_space<vmem_shared>>) target_semaphore(%run_scoped3A : memref<!tpu.dma_semaphore, #tpu.memory_space<semaphore_mem>>)
        %dma_wait3A = arith.constant 0 : i32
        %dma_wait3A_55 = arith.constant 0 : i32
        %dma_wait3A_56 = tpu.memref_slice %arg8[%dma_wait3A, %dma_wait3A_55] : memref<128x128xf32, #tpu.memory_space<vmem>> -> memref<24x128xf32, #tpu.memory_space<vmem>>
        %dma_wait3A_57 = arith.constant 0 : i32
        %dma_wait3A_58 = tpu.memref_slice %arg11[%add3A_45, %dma_wait3A_57] : memref<10016x128xf32, #tpu.memory_space<vmem_shared>> -> memref<24x128xf32, #tpu.memory_space<vmem_shared>>
        %dma_wait3A_59 = arith.constant 0 : i32
        %dma_wait3A_60 = tpu.memref_slice %arg11[%add3A_45, %dma_wait3A_59] : memref<10016x128xf32, #tpu.memory_space<vmem_shared>> -> memref<24x128xf32, #tpu.memory_space<vmem_shared>>
        %dma_wait3A_61 = arith.constant 0 : i32
        %dma_wait3A_62 = arith.constant 0 : i32
        %dma_wait3A_63 = tpu.memref_slice %arg8[%dma_wait3A_61, %dma_wait3A_62] : memref<128x128xf32, #tpu.memory_space<vmem>> -> memref<24x128xf32, #tpu.memory_space<vmem>>
        tpu.wait_dma2 semaphore(%run_scoped3A : memref<!tpu.dma_semaphore, #tpu.memory_space<semaphore_mem>>) src(%dma_wait3A_63 : memref<24x128xf32, #tpu.memory_space<vmem>>) dst(%dma_wait3A_60 : memref<24x128xf32, #tpu.memory_space<vmem_shared>>)
        tpu.yield
      }) : () -> ()
    } else {
    }
    %barrier3A = arith.constant 0 : index
    tpu.barrier barrier_id(%barrier3A)
    %scan3A_18 = arith.constant 0 : i32
    %scan3A_19 = arith.constant 0 : i32
    %scan3A_20 = arith.constant 10 : i32
    %scan3A_21 = arith.addi %scan3A_19, %scan3A_20 : i32
    %scan3A_22 = arith.constant 1 : i32
    %scan3A_23 = scf.for %scan3A_36 = %scan3A_19 to %scan3A_21 step %scan3A_22 iter_args(%scan3A_37 = %scan3A_18) -> (i32)  : i32 {
      %mul3A_38 = arith.constant 8 : i32
      %mul3A_39 = arith.muli %scan3A_36, %mul3A_38 : i32
      "tpu.region"() ({
        %run_scoped3A = tpu.sem_alloc : memref<!tpu.dma_semaphore, #tpu.memory_space<semaphore_mem>>
        %dma_start3A_271 = arith.constant 0 : i32
        %dma_start3A_272 = tpu.memref_slice %arg3[%add3A, %mul3A_39, %dma_start3A_271] : memref<32x80x128xi32, #tpu.memory_space<hbm>> -> memref<1x8x128xi32, #tpu.memory_space<hbm>>
        %dma_start3A_273 = tpu.memref_squeeze %dma_start3A_272 : memref<1x8x128xi32, #tpu.memory_space<hbm>> -> memref<8x128xi32, #tpu.memory_space<hbm>>
        %dma_start3A_274 = arith.constant 0 : i32
        %dma_start3A_275 = tpu.memref_slice %arg3[%add3A, %mul3A_39, %dma_start3A_274] : memref<32x80x128xi32, #tpu.memory_space<hbm>> -> memref<1x8x128xi32, #tpu.memory_space<hbm>>
        %dma_start3A_276 = tpu.memref_squeeze %dma_start3A_275 : memref<1x8x128xi32, #tpu.memory_space<hbm>> -> memref<8x128xi32, #tpu.memory_space<hbm>>
        tpu.enqueue_dma source(%dma_start3A_276 : memref<8x128xi32, #tpu.memory_space<hbm>>) target(%arg6 : memref<8x128xi32, #tpu.memory_space<vmem>>) target_semaphore(%run_scoped3A : memref<!tpu.dma_semaphore, #tpu.memory_space<semaphore_mem>>)
        %dma_wait3A_277 = arith.constant 0 : i32
        %dma_wait3A_278 = tpu.memref_slice %arg3[%add3A, %mul3A_39, %dma_wait3A_277] : memref<32x80x128xi32, #tpu.memory_space<hbm>> -> memref<1x8x128xi32, #tpu.memory_space<hbm>>
        %dma_wait3A_279 = tpu.memref_squeeze %dma_wait3A_278 : memref<1x8x128xi32, #tpu.memory_space<hbm>> -> memref<8x128xi32, #tpu.memory_space<hbm>>
        %dma_wait3A_280 = arith.constant 0 : i32
        %dma_wait3A_281 = tpu.memref_slice %arg3[%add3A, %mul3A_39, %dma_wait3A_280] : memref<32x80x128xi32, #tpu.memory_space<hbm>> -> memref<1x8x128xi32, #tpu.memory_space<hbm>>
        %dma_wait3A_282 = tpu.memref_squeeze %dma_wait3A_281 : memref<1x8x128xi32, #tpu.memory_space<hbm>> -> memref<8x128xi32, #tpu.memory_space<hbm>>
        tpu.wait_dma2 semaphore(%run_scoped3A : memref<!tpu.dma_semaphore, #tpu.memory_space<semaphore_mem>>) src(%dma_wait3A_282 : memref<8x128xi32, #tpu.memory_space<hbm>>) dst(%arg6 : memref<8x128xi32, #tpu.memory_space<vmem>>)
        tpu.yield
      }) : () -> ()
      %dma_start3A = arith.constant 0 : i32
      %dma_start3A_40 = arith.constant 0 : i32
      %dma_start3A_41 = tpu.memref_slice %arg6[%dma_start3A, %dma_start3A_40] : memref<8x128xi32, #tpu.memory_space<vmem>> -> memref<1x128xi32, #tpu.memory_space<vmem>>
      %dma_start3A_42 = tpu.memref_squeeze %dma_start3A_41 : memref<1x128xi32, #tpu.memory_space<vmem>> -> memref<128xi32, #tpu.memory_space<vmem>>
      %dma_start3A_43 = arith.constant 0 : i32
      %dma_start3A_44 = arith.constant 0 : i32
      %dma_start3A_45 = tpu.memref_slice %arg2[%dma_start3A_43, %dma_start3A_44] : memref<10000x128xf32, #tpu.memory_space<hbm>> -> memref<10000x128xf32, #tpu.memory_space<hbm>>
      tpu.enqueue_indirect_dma source(%dma_start3A_45 : memref<10000x128xf32, #tpu.memory_space<hbm>>) target(%arg8 : memref<128x128xf32, #tpu.memory_space<vmem>>) offsets(%dma_start3A_42 : memref<128xi32, #tpu.memory_space<vmem>>) semaphore(%arg12 : memref<!tpu.dma_semaphore, #tpu.memory_space<semaphore_mem>>)
      %dma_start3A_46 = arith.constant 1 : i32
      %dma_start3A_47 = arith.constant 0 : i32
      %dma_start3A_48 = tpu.memref_slice %arg6[%dma_start3A_46, %dma_start3A_47] : memref<8x128xi32, #tpu.memory_space<vmem>> -> memref<1x128xi32, #tpu.memory_space<vmem>>
      %dma_start3A_49 = tpu.memref_squeeze %dma_start3A_48 : memref<1x128xi32, #tpu.memory_space<vmem>> -> memref<128xi32, #tpu.memory_space<vmem>>
      %dma_start3A_50 = arith.constant 0 : i32
      %dma_start3A_51 = arith.constant 0 : i32
      %dma_start3A_52 = tpu.memref_slice %arg2[%dma_start3A_50, %dma_start3A_51] : memref<10000x128xf32, #tpu.memory_space<hbm>> -> memref<10000x128xf32, #tpu.memory_space<hbm>>
      tpu.enqueue_indirect_dma source(%dma_start3A_52 : memref<10000x128xf32, #tpu.memory_space<hbm>>) target(%arg9 : memref<128x128xf32, #tpu.memory_space<vmem>>) offsets(%dma_start3A_49 : memref<128xi32, #tpu.memory_space<vmem>>) semaphore(%arg13 : memref<!tpu.dma_semaphore, #tpu.memory_space<semaphore_mem>>)
      %dma_start3A_53 = arith.constant 2 : i32
      %dma_start3A_54 = arith.constant 0 : i32
      %dma_start3A_55 = tpu.memref_slice %arg6[%dma_start3A_53, %dma_start3A_54] : memref<8x128xi32, #tpu.memory_space<vmem>> -> memref<1x128xi32, #tpu.memory_space<vmem>>
      %dma_start3A_56 = tpu.memref_squeeze %dma_start3A_55 : memref<1x128xi32, #tpu.memory_space<vmem>> -> memref<128xi32, #tpu.memory_space<vmem>>
      %dma_start3A_57 = arith.constant 0 : i32
      %dma_start3A_58 = arith.constant 0 : i32
      %dma_start3A_59 = tpu.memref_slice %arg2[%dma_start3A_57, %dma_start3A_58] : memref<10000x128xf32, #tpu.memory_space<hbm>> -> memref<10000x128xf32, #tpu.memory_space<hbm>>
      tpu.enqueue_indirect_dma source(%dma_start3A_59 : memref<10000x128xf32, #tpu.memory_space<hbm>>) target(%arg10 : memref<128x128xf32, #tpu.memory_space<vmem>>) offsets(%dma_start3A_56 : memref<128xi32, #tpu.memory_space<vmem>>) semaphore(%arg14 : memref<!tpu.dma_semaphore, #tpu.memory_space<semaphore_mem>>)
      %mul3A_60 = arith.constant 8 : i32
      %mul3A_61 = arith.muli %scan3A_36, %mul3A_60 : i32
      %add3A_62 = arith.constant 0 : i32
      %add3A_63 = arith.addi %mul3A_61, %add3A_62 : i32
      "tpu.region"() ({
        %run_scoped3A = tpu.sem_alloc : memref<!tpu.dma_semaphore, #tpu.memory_space<semaphore_mem>>
        %dma_start3A_271 = arith.constant 0 : i32
        %dma_start3A_272 = tpu.memref_slice %arg4[%add3A, %add3A_63, %dma_start3A_271] : memref<32x80x128xi32, #tpu.memory_space<hbm>> -> memref<1x4x128xi32, #tpu.memory_space<hbm>>
        %dma_start3A_273 = tpu.memref_squeeze %dma_start3A_272 : memref<1x4x128xi32, #tpu.memory_space<hbm>> -> memref<4x128xi32, #tpu.memory_space<hbm>>
        %dma_start3A_274 = arith.constant 0 : i32
        %dma_start3A_275 = tpu.memref_slice %arg4[%add3A, %add3A_63, %dma_start3A_274] : memref<32x80x128xi32, #tpu.memory_space<hbm>> -> memref<1x4x128xi32, #tpu.memory_space<hbm>>
        %dma_start3A_276 = tpu.memref_squeeze %dma_start3A_275 : memref<1x4x128xi32, #tpu.memory_space<hbm>> -> memref<4x128xi32, #tpu.memory_space<hbm>>
        tpu.enqueue_dma source(%dma_start3A_276 : memref<4x128xi32, #tpu.memory_space<hbm>>) target(%arg7 : memref<4x128xi32, #tpu.memory_space<vmem>>) target_semaphore(%run_scoped3A : memref<!tpu.dma_semaphore, #tpu.memory_space<semaphore_mem>>)
        %dma_wait3A_277 = arith.constant 0 : i32
        %dma_wait3A_278 = tpu.memref_slice %arg4[%add3A, %add3A_63, %dma_wait3A_277] : memref<32x80x128xi32, #tpu.memory_space<hbm>> -> memref<1x4x128xi32, #tpu.memory_space<hbm>>
        %dma_wait3A_279 = tpu.memref_squeeze %dma_wait3A_278 : memref<1x4x128xi32, #tpu.memory_space<hbm>> -> memref<4x128xi32, #tpu.memory_space<hbm>>
        %dma_wait3A_280 = arith.constant 0 : i32
        %dma_wait3A_281 = tpu.memref_slice %arg4[%add3A, %add3A_63, %dma_wait3A_280] : memref<32x80x128xi32, #tpu.memory_space<hbm>> -> memref<1x4x128xi32, #tpu.memory_space<hbm>>
        %dma_wait3A_282 = tpu.memref_squeeze %dma_wait3A_281 : memref<1x4x128xi32, #tpu.memory_space<hbm>> -> memref<4x128xi32, #tpu.memory_space<hbm>>
        tpu.wait_dma2 semaphore(%run_scoped3A : memref<!tpu.dma_semaphore, #tpu.memory_space<semaphore_mem>>) src(%dma_wait3A_282 : memref<4x128xi32, #tpu.memory_space<hbm>>) dst(%arg7 : memref<4x128xi32, #tpu.memory_space<vmem>>)
        tpu.yield
      }) : () -> ()
      %dma_wait3A = arith.constant 0 : i32
      %dma_wait3A_64 = arith.constant 0 : i32
      %dma_wait3A_65 = tpu.memref_slice %arg6[%dma_wait3A, %dma_wait3A_64] : memref<8x128xi32, #tpu.memory_space<vmem>> -> memref<1x128xi32, #tpu.memory_space<vmem>>
      %dma_wait3A_66 = tpu.memref_squeeze %dma_wait3A_65 : memref<1x128xi32, #tpu.memory_space<vmem>> -> memref<128xi32, #tpu.memory_space<vmem>>
      %dma_wait3A_67 = arith.constant 0 : i32
      %dma_wait3A_68 = arith.constant 0 : i32
      %dma_wait3A_69 = tpu.memref_slice %arg2[%dma_wait3A_67, %dma_wait3A_68] : memref<10000x128xf32, #tpu.memory_space<hbm>> -> memref<10000x128xf32, #tpu.memory_space<hbm>>
      tpu.wait_indirect_dma semaphore(%arg12 : memref<!tpu.dma_semaphore, #tpu.memory_space<semaphore_mem>>) src(%dma_wait3A_69 : memref<10000x128xf32, #tpu.memory_space<hbm>>) dst(%arg8 : memref<128x128xf32, #tpu.memory_space<vmem>>)
      %dma_start3A_70 = arith.constant 0 : i32
      %dma_start3A_71 = arith.constant 0 : i32
      %dma_start3A_72 = tpu.memref_slice %arg7[%dma_start3A_70, %dma_start3A_71] : memref<4x128xi32, #tpu.memory_space<vmem>> -> memref<1x128xi32, #tpu.memory_space<vmem>>
      %dma_start3A_73 = tpu.memref_squeeze %dma_start3A_72 : memref<1x128xi32, #tpu.memory_space<vmem>> -> memref<128xi32, #tpu.memory_space<vmem>>
      %dma_start3A_74 = arith.constant 0 : i32
      %dma_start3A_75 = arith.constant 0 : i32
      %dma_start3A_76 = tpu.memref_slice %arg11[%dma_start3A_74, %dma_start3A_75] : memref<10016x128xf32, #tpu.memory_space<vmem_shared>> -> memref<10016x128xf32, #tpu.memory_space<vmem_shared>>
      tpu.enqueue_indirect_dma source(%arg8 : memref<128x128xf32, #tpu.memory_space<vmem>>) target(%dma_start3A_76 : memref<10016x128xf32, #tpu.memory_space<vmem_shared>>) offsets(%dma_start3A_73 : memref<128xi32, #tpu.memory_space<vmem>>) semaphore(%arg15 : memref<!tpu.dma_semaphore, #tpu.memory_space<semaphore_mem>>) {add = true}
      %dma_wait3A_77 = arith.constant 0 : i32
      %dma_wait3A_78 = arith.constant 0 : i32
      %dma_wait3A_79 = tpu.memref_slice %arg7[%dma_wait3A_77, %dma_wait3A_78] : memref<4x128xi32, #tpu.memory_space<vmem>> -> memref<1x128xi32, #tpu.memory_space<vmem>>
      %dma_wait3A_80 = tpu.memref_squeeze %dma_wait3A_79 : memref<1x128xi32, #tpu.memory_space<vmem>> -> memref<128xi32, #tpu.memory_space<vmem>>
      %dma_wait3A_81 = arith.constant 0 : i32
      %dma_wait3A_82 = arith.constant 0 : i32
      %dma_wait3A_83 = tpu.memref_slice %arg11[%dma_wait3A_81, %dma_wait3A_82] : memref<10016x128xf32, #tpu.memory_space<vmem_shared>> -> memref<10016x128xf32, #tpu.memory_space<vmem_shared>>
      tpu.wait_indirect_dma semaphore(%arg15 : memref<!tpu.dma_semaphore, #tpu.memory_space<semaphore_mem>>) src(%arg8 : memref<128x128xf32, #tpu.memory_space<vmem>>) dst(%dma_wait3A_83 : memref<10016x128xf32, #tpu.memory_space<vmem_shared>>)
      %dma_start3A_84 = arith.constant 3 : i32
      %dma_start3A_85 = arith.constant 0 : i32
      %dma_start3A_86 = tpu.memref_slice %arg6[%dma_start3A_84, %dma_start3A_85] : memref<8x128xi32, #tpu.memory_space<vmem>> -> memref<1x128xi32, #tpu.memory_space<vmem>>
      %dma_start3A_87 = tpu.memref_squeeze %dma_start3A_86 : memref<1x128xi32, #tpu.memory_space<vmem>> -> memref<128xi32, #tpu.memory_space<vmem>>
      %dma_start3A_88 = arith.constant 0 : i32
      %dma_start3A_89 = arith.constant 0 : i32
      %dma_start3A_90 = tpu.memref_slice %arg2[%dma_start3A_88, %dma_start3A_89] : memref<10000x128xf32, #tpu.memory_space<hbm>> -> memref<10000x128xf32, #tpu.memory_space<hbm>>
      tpu.enqueue_indirect_dma source(%dma_start3A_90 : memref<10000x128xf32, #tpu.memory_space<hbm>>) target(%arg8 : memref<128x128xf32, #tpu.memory_space<vmem>>) offsets(%dma_start3A_87 : memref<128xi32, #tpu.memory_space<vmem>>) semaphore(%arg12 : memref<!tpu.dma_semaphore, #tpu.memory_space<semaphore_mem>>)
      %dma_wait3A_91 = arith.constant 1 : i32
      %dma_wait3A_92 = arith.constant 0 : i32
      %dma_wait3A_93 = tpu.memref_slice %arg6[%dma_wait3A_91, %dma_wait3A_92] : memref<8x128xi32, #tpu.memory_space<vmem>> -> memref<1x128xi32, #tpu.memory_space<vmem>>
      %dma_wait3A_94 = tpu.memref_squeeze %dma_wait3A_93 : memref<1x128xi32, #tpu.memory_space<vmem>> -> memref<128xi32, #tpu.memory_space<vmem>>
      %dma_wait3A_95 = arith.constant 0 : i32
      %dma_wait3A_96 = arith.constant 0 : i32
      %dma_wait3A_97 = tpu.memref_slice %arg2[%dma_wait3A_95, %dma_wait3A_96] : memref<10000x128xf32, #tpu.memory_space<hbm>> -> memref<10000x128xf32, #tpu.memory_space<hbm>>
      tpu.wait_indirect_dma semaphore(%arg13 : memref<!tpu.dma_semaphore, #tpu.memory_space<semaphore_mem>>) src(%dma_wait3A_97 : memref<10000x128xf32, #tpu.memory_space<hbm>>) dst(%arg9 : memref<128x128xf32, #tpu.memory_space<vmem>>)
      %dma_start3A_98 = arith.constant 1 : i32
      %dma_start3A_99 = arith.constant 0 : i32
      %dma_start3A_100 = tpu.memref_slice %arg7[%dma_start3A_98, %dma_start3A_99] : memref<4x128xi32, #tpu.memory_space<vmem>> -> memref<1x128xi32, #tpu.memory_space<vmem>>
      %dma_start3A_101 = tpu.memref_squeeze %dma_start3A_100 : memref<1x128xi32, #tpu.memory_space<vmem>> -> memref<128xi32, #tpu.memory_space<vmem>>
      %dma_start3A_102 = arith.constant 0 : i32
      %dma_start3A_103 = arith.constant 0 : i32
      %dma_start3A_104 = tpu.memref_slice %arg11[%dma_start3A_102, %dma_start3A_103] : memref<10016x128xf32, #tpu.memory_space<vmem_shared>> -> memref<10016x128xf32, #tpu.memory_space<vmem_shared>>
      tpu.enqueue_indirect_dma source(%arg9 : memref<128x128xf32, #tpu.memory_space<vmem>>) target(%dma_start3A_104 : memref<10016x128xf32, #tpu.memory_space<vmem_shared>>) offsets(%dma_start3A_101 : memref<128xi32, #tpu.memory_space<vmem>>) semaphore(%arg16 : memref<!tpu.dma_semaphore, #tpu.memory_space<semaphore_mem>>) {add = true}
      %dma_wait3A_105 = arith.constant 1 : i32
      %dma_wait3A_106 = arith.constant 0 : i32
      %dma_wait3A_107 = tpu.memref_slice %arg7[%dma_wait3A_105, %dma_wait3A_106] : memref<4x128xi32, #tpu.memory_space<vmem>> -> memref<1x128xi32, #tpu.memory_space<vmem>>
      %dma_wait3A_108 = tpu.memref_squeeze %dma_wait3A_107 : memref<1x128xi32, #tpu.memory_space<vmem>> -> memref<128xi32, #tpu.memory_space<vmem>>
      %dma_wait3A_109 = arith.constant 0 : i32
      %dma_wait3A_110 = arith.constant 0 : i32
      %dma_wait3A_111 = tpu.memref_slice %arg11[%dma_wait3A_109, %dma_wait3A_110] : memref<10016x128xf32, #tpu.memory_space<vmem_shared>> -> memref<10016x128xf32, #tpu.memory_space<vmem_shared>>
      tpu.wait_indirect_dma semaphore(%arg16 : memref<!tpu.dma_semaphore, #tpu.memory_space<semaphore_mem>>) src(%arg9 : memref<128x128xf32, #tpu.memory_space<vmem>>) dst(%dma_wait3A_111 : memref<10016x128xf32, #tpu.memory_space<vmem_shared>>)
      %dma_start3A_112 = arith.constant 4 : i32
      %dma_start3A_113 = arith.constant 0 : i32
      %dma_start3A_114 = tpu.memref_slice %arg6[%dma_start3A_112, %dma_start3A_113] : memref<8x128xi32, #tpu.memory_space<vmem>> -> memref<1x128xi32, #tpu.memory_space<vmem>>
      %dma_start3A_115 = tpu.memref_squeeze %dma_start3A_114 : memref<1x128xi32, #tpu.memory_space<vmem>> -> memref<128xi32, #tpu.memory_space<vmem>>
      %dma_start3A_116 = arith.constant 0 : i32
      %dma_start3A_117 = arith.constant 0 : i32
      %dma_start3A_118 = tpu.memref_slice %arg2[%dma_start3A_116, %dma_start3A_117] : memref<10000x128xf32, #tpu.memory_space<hbm>> -> memref<10000x128xf32, #tpu.memory_space<hbm>>
      tpu.enqueue_indirect_dma source(%dma_start3A_118 : memref<10000x128xf32, #tpu.memory_space<hbm>>) target(%arg9 : memref<128x128xf32, #tpu.memory_space<vmem>>) offsets(%dma_start3A_115 : memref<128xi32, #tpu.memory_space<vmem>>) semaphore(%arg13 : memref<!tpu.dma_semaphore, #tpu.memory_space<semaphore_mem>>)
      %dma_wait3A_119 = arith.constant 2 : i32
      %dma_wait3A_120 = arith.constant 0 : i32
      %dma_wait3A_121 = tpu.memref_slice %arg6[%dma_wait3A_119, %dma_wait3A_120] : memref<8x128xi32, #tpu.memory_space<vmem>> -> memref<1x128xi32, #tpu.memory_space<vmem>>
      %dma_wait3A_122 = tpu.memref_squeeze %dma_wait3A_121 : memref<1x128xi32, #tpu.memory_space<vmem>> -> memref<128xi32, #tpu.memory_space<vmem>>
      %dma_wait3A_123 = arith.constant 0 : i32
      %dma_wait3A_124 = arith.constant 0 : i32
      %dma_wait3A_125 = tpu.memref_slice %arg2[%dma_wait3A_123, %dma_wait3A_124] : memref<10000x128xf32, #tpu.memory_space<hbm>> -> memref<10000x128xf32, #tpu.memory_space<hbm>>
      tpu.wait_indirect_dma semaphore(%arg14 : memref<!tpu.dma_semaphore, #tpu.memory_space<semaphore_mem>>) src(%dma_wait3A_125 : memref<10000x128xf32, #tpu.memory_space<hbm>>) dst(%arg10 : memref<128x128xf32, #tpu.memory_space<vmem>>)
      %dma_start3A_126 = arith.constant 2 : i32
      %dma_start3A_127 = arith.constant 0 : i32
      %dma_start3A_128 = tpu.memref_slice %arg7[%dma_start3A_126, %dma_start3A_127] : memref<4x128xi32, #tpu.memory_space<vmem>> -> memref<1x128xi32, #tpu.memory_space<vmem>>
      %dma_start3A_129 = tpu.memref_squeeze %dma_start3A_128 : memref<1x128xi32, #tpu.memory_space<vmem>> -> memref<128xi32, #tpu.memory_space<vmem>>
      %dma_start3A_130 = arith.constant 0 : i32
      %dma_start3A_131 = arith.constant 0 : i32
      %dma_start3A_132 = tpu.memref_slice %arg11[%dma_start3A_130, %dma_start3A_131] : memref<10016x128xf32, #tpu.memory_space<vmem_shared>> -> memref<10016x128xf32, #tpu.memory_space<vmem_shared>>
      tpu.enqueue_indirect_dma source(%arg10 : memref<128x128xf32, #tpu.memory_space<vmem>>) target(%dma_start3A_132 : memref<10016x128xf32, #tpu.memory_space<vmem_shared>>) offsets(%dma_start3A_129 : memref<128xi32, #tpu.memory_space<vmem>>) semaphore(%arg17 : memref<!tpu.dma_semaphore, #tpu.memory_space<semaphore_mem>>) {add = true}
      %dma_wait3A_133 = arith.constant 2 : i32
      %dma_wait3A_134 = arith.constant 0 : i32
      %dma_wait3A_135 = tpu.memref_slice %arg7[%dma_wait3A_133, %dma_wait3A_134] : memref<4x128xi32, #tpu.memory_space<vmem>> -> memref<1x128xi32, #tpu.memory_space<vmem>>
      %dma_wait3A_136 = tpu.memref_squeeze %dma_wait3A_135 : memref<1x128xi32, #tpu.memory_space<vmem>> -> memref<128xi32, #tpu.memory_space<vmem>>
      %dma_wait3A_137 = arith.constant 0 : i32
      %dma_wait3A_138 = arith.constant 0 : i32
      %dma_wait3A_139 = tpu.memref_slice %arg11[%dma_wait3A_137, %dma_wait3A_138] : memref<10016x128xf32, #tpu.memory_space<vmem_shared>> -> memref<10016x128xf32, #tpu.memory_space<vmem_shared>>
      tpu.wait_indirect_dma semaphore(%arg17 : memref<!tpu.dma_semaphore, #tpu.memory_space<semaphore_mem>>) src(%arg10 : memref<128x128xf32, #tpu.memory_space<vmem>>) dst(%dma_wait3A_139 : memref<10016x128xf32, #tpu.memory_space<vmem_shared>>)
      %dma_start3A_140 = arith.constant 5 : i32
      %dma_start3A_141 = arith.constant 0 : i32
      %dma_start3A_142 = tpu.memref_slice %arg6[%dma_start3A_140, %dma_start3A_141] : memref<8x128xi32, #tpu.memory_space<vmem>> -> memref<1x128xi32, #tpu.memory_space<vmem>>
      %dma_start3A_143 = tpu.memref_squeeze %dma_start3A_142 : memref<1x128xi32, #tpu.memory_space<vmem>> -> memref<128xi32, #tpu.memory_space<vmem>>
      %dma_start3A_144 = arith.constant 0 : i32
      %dma_start3A_145 = arith.constant 0 : i32
      %dma_start3A_146 = tpu.memref_slice %arg2[%dma_start3A_144, %dma_start3A_145] : memref<10000x128xf32, #tpu.memory_space<hbm>> -> memref<10000x128xf32, #tpu.memory_space<hbm>>
      tpu.enqueue_indirect_dma source(%dma_start3A_146 : memref<10000x128xf32, #tpu.memory_space<hbm>>) target(%arg10 : memref<128x128xf32, #tpu.memory_space<vmem>>) offsets(%dma_start3A_143 : memref<128xi32, #tpu.memory_space<vmem>>) semaphore(%arg14 : memref<!tpu.dma_semaphore, #tpu.memory_space<semaphore_mem>>)
      %dma_wait3A_147 = arith.constant 3 : i32
      %dma_wait3A_148 = arith.constant 0 : i32
      %dma_wait3A_149 = tpu.memref_slice %arg6[%dma_wait3A_147, %dma_wait3A_148] : memref<8x128xi32, #tpu.memory_space<vmem>> -> memref<1x128xi32, #tpu.memory_space<vmem>>
      %dma_wait3A_150 = tpu.memref_squeeze %dma_wait3A_149 : memref<1x128xi32, #tpu.memory_space<vmem>> -> memref<128xi32, #tpu.memory_space<vmem>>
      %dma_wait3A_151 = arith.constant 0 : i32
      %dma_wait3A_152 = arith.constant 0 : i32
      %dma_wait3A_153 = tpu.memref_slice %arg2[%dma_wait3A_151, %dma_wait3A_152] : memref<10000x128xf32, #tpu.memory_space<hbm>> -> memref<10000x128xf32, #tpu.memory_space<hbm>>
      tpu.wait_indirect_dma semaphore(%arg12 : memref<!tpu.dma_semaphore, #tpu.memory_space<semaphore_mem>>) src(%dma_wait3A_153 : memref<10000x128xf32, #tpu.memory_space<hbm>>) dst(%arg8 : memref<128x128xf32, #tpu.memory_space<vmem>>)
      %dma_start3A_154 = arith.constant 3 : i32
      %dma_start3A_155 = arith.constant 0 : i32
      %dma_start3A_156 = tpu.memref_slice %arg7[%dma_start3A_154, %dma_start3A_155] : memref<4x128xi32, #tpu.memory_space<vmem>> -> memref<1x128xi32, #tpu.memory_space<vmem>>
      %dma_start3A_157 = tpu.memref_squeeze %dma_start3A_156 : memref<1x128xi32, #tpu.memory_space<vmem>> -> memref<128xi32, #tpu.memory_space<vmem>>
      %dma_start3A_158 = arith.constant 0 : i32
      %dma_start3A_159 = arith.constant 0 : i32
      %dma_start3A_160 = tpu.memref_slice %arg11[%dma_start3A_158, %dma_start3A_159] : memref<10016x128xf32, #tpu.memory_space<vmem_shared>> -> memref<10016x128xf32, #tpu.memory_space<vmem_shared>>
      tpu.enqueue_indirect_dma source(%arg8 : memref<128x128xf32, #tpu.memory_space<vmem>>) target(%dma_start3A_160 : memref<10016x128xf32, #tpu.memory_space<vmem_shared>>) offsets(%dma_start3A_157 : memref<128xi32, #tpu.memory_space<vmem>>) semaphore(%arg15 : memref<!tpu.dma_semaphore, #tpu.memory_space<semaphore_mem>>) {add = true}
      %dma_wait3A_161 = arith.constant 3 : i32
      %dma_wait3A_162 = arith.constant 0 : i32
      %dma_wait3A_163 = tpu.memref_slice %arg7[%dma_wait3A_161, %dma_wait3A_162] : memref<4x128xi32, #tpu.memory_space<vmem>> -> memref<1x128xi32, #tpu.memory_space<vmem>>
      %dma_wait3A_164 = tpu.memref_squeeze %dma_wait3A_163 : memref<1x128xi32, #tpu.memory_space<vmem>> -> memref<128xi32, #tpu.memory_space<vmem>>
      %dma_wait3A_165 = arith.constant 0 : i32
      %dma_wait3A_166 = arith.constant 0 : i32
      %dma_wait3A_167 = tpu.memref_slice %arg11[%dma_wait3A_165, %dma_wait3A_166] : memref<10016x128xf32, #tpu.memory_space<vmem_shared>> -> memref<10016x128xf32, #tpu.memory_space<vmem_shared>>
      tpu.wait_indirect_dma semaphore(%arg15 : memref<!tpu.dma_semaphore, #tpu.memory_space<semaphore_mem>>) src(%arg8 : memref<128x128xf32, #tpu.memory_space<vmem>>) dst(%dma_wait3A_167 : memref<10016x128xf32, #tpu.memory_space<vmem_shared>>)
      %dma_start3A_168 = arith.constant 6 : i32
      %dma_start3A_169 = arith.constant 0 : i32
      %dma_start3A_170 = tpu.memref_slice %arg6[%dma_start3A_168, %dma_start3A_169] : memref<8x128xi32, #tpu.memory_space<vmem>> -> memref<1x128xi32, #tpu.memory_space<vmem>>
      %dma_start3A_171 = tpu.memref_squeeze %dma_start3A_170 : memref<1x128xi32, #tpu.memory_space<vmem>> -> memref<128xi32, #tpu.memory_space<vmem>>
      %dma_start3A_172 = arith.constant 0 : i32
      %dma_start3A_173 = arith.constant 0 : i32
      %dma_start3A_174 = tpu.memref_slice %arg2[%dma_start3A_172, %dma_start3A_173] : memref<10000x128xf32, #tpu.memory_space<hbm>> -> memref<10000x128xf32, #tpu.memory_space<hbm>>
      tpu.enqueue_indirect_dma source(%dma_start3A_174 : memref<10000x128xf32, #tpu.memory_space<hbm>>) target(%arg8 : memref<128x128xf32, #tpu.memory_space<vmem>>) offsets(%dma_start3A_171 : memref<128xi32, #tpu.memory_space<vmem>>) semaphore(%arg12 : memref<!tpu.dma_semaphore, #tpu.memory_space<semaphore_mem>>)
      %mul3A_175 = arith.constant 8 : i32
      %mul3A_176 = arith.muli %scan3A_36, %mul3A_175 : i32
      %add3A_177 = arith.constant 4 : i32
      %add3A_178 = arith.addi %mul3A_176, %add3A_177 : i32
      "tpu.region"() ({
        %run_scoped3A = tpu.sem_alloc : memref<!tpu.dma_semaphore, #tpu.memory_space<semaphore_mem>>
        %dma_start3A_271 = arith.constant 0 : i32
        %dma_start3A_272 = tpu.memref_slice %arg4[%add3A, %add3A_178, %dma_start3A_271] : memref<32x80x128xi32, #tpu.memory_space<hbm>> -> memref<1x4x128xi32, #tpu.memory_space<hbm>>
        %dma_start3A_273 = tpu.memref_squeeze %dma_start3A_272 : memref<1x4x128xi32, #tpu.memory_space<hbm>> -> memref<4x128xi32, #tpu.memory_space<hbm>>
        %dma_start3A_274 = arith.constant 0 : i32
        %dma_start3A_275 = tpu.memref_slice %arg4[%add3A, %add3A_178, %dma_start3A_274] : memref<32x80x128xi32, #tpu.memory_space<hbm>> -> memref<1x4x128xi32, #tpu.memory_space<hbm>>
        %dma_start3A_276 = tpu.memref_squeeze %dma_start3A_275 : memref<1x4x128xi32, #tpu.memory_space<hbm>> -> memref<4x128xi32, #tpu.memory_space<hbm>>
        tpu.enqueue_dma source(%dma_start3A_276 : memref<4x128xi32, #tpu.memory_space<hbm>>) target(%arg7 : memref<4x128xi32, #tpu.memory_space<vmem>>) target_semaphore(%run_scoped3A : memref<!tpu.dma_semaphore, #tpu.memory_space<semaphore_mem>>)
        %dma_wait3A_277 = arith.constant 0 : i32
        %dma_wait3A_278 = tpu.memref_slice %arg4[%add3A, %add3A_178, %dma_wait3A_277] : memref<32x80x128xi32, #tpu.memory_space<hbm>> -> memref<1x4x128xi32, #tpu.memory_space<hbm>>
        %dma_wait3A_279 = tpu.memref_squeeze %dma_wait3A_278 : memref<1x4x128xi32, #tpu.memory_space<hbm>> -> memref<4x128xi32, #tpu.memory_space<hbm>>
        %dma_wait3A_280 = arith.constant 0 : i32
        %dma_wait3A_281 = tpu.memref_slice %arg4[%add3A, %add3A_178, %dma_wait3A_280] : memref<32x80x128xi32, #tpu.memory_space<hbm>> -> memref<1x4x128xi32, #tpu.memory_space<hbm>>
        %dma_wait3A_282 = tpu.memref_squeeze %dma_wait3A_281 : memref<1x4x128xi32, #tpu.memory_space<hbm>> -> memref<4x128xi32, #tpu.memory_space<hbm>>
        tpu.wait_dma2 semaphore(%run_scoped3A : memref<!tpu.dma_semaphore, #tpu.memory_space<semaphore_mem>>) src(%dma_wait3A_282 : memref<4x128xi32, #tpu.memory_space<hbm>>) dst(%arg7 : memref<4x128xi32, #tpu.memory_space<vmem>>)
        tpu.yield
      }) : () -> ()
      %dma_wait3A_179 = arith.constant 4 : i32
      %dma_wait3A_180 = arith.constant 0 : i32
      %dma_wait3A_181 = tpu.memref_slice %arg6[%dma_wait3A_179, %dma_wait3A_180] : memref<8x128xi32, #tpu.memory_space<vmem>> -> memref<1x128xi32, #tpu.memory_space<vmem>>
      %dma_wait3A_182 = tpu.memref_squeeze %dma_wait3A_181 : memref<1x128xi32, #tpu.memory_space<vmem>> -> memref<128xi32, #tpu.memory_space<vmem>>
      %dma_wait3A_183 = arith.constant 0 : i32
      %dma_wait3A_184 = arith.constant 0 : i32
      %dma_wait3A_185 = tpu.memref_slice %arg2[%dma_wait3A_183, %dma_wait3A_184] : memref<10000x128xf32, #tpu.memory_space<hbm>> -> memref<10000x128xf32, #tpu.memory_space<hbm>>
      tpu.wait_indirect_dma semaphore(%arg13 : memref<!tpu.dma_semaphore, #tpu.memory_space<semaphore_mem>>) src(%dma_wait3A_185 : memref<10000x128xf32, #tpu.memory_space<hbm>>) dst(%arg9 : memref<128x128xf32, #tpu.memory_space<vmem>>)
      %dma_start3A_186 = arith.constant 0 : i32
      %dma_start3A_187 = arith.constant 0 : i32
      %dma_start3A_188 = tpu.memref_slice %arg7[%dma_start3A_186, %dma_start3A_187] : memref<4x128xi32, #tpu.memory_space<vmem>> -> memref<1x128xi32, #tpu.memory_space<vmem>>
      %dma_start3A_189 = tpu.memref_squeeze %dma_start3A_188 : memref<1x128xi32, #tpu.memory_space<vmem>> -> memref<128xi32, #tpu.memory_space<vmem>>
      %dma_start3A_190 = arith.constant 0 : i32
      %dma_start3A_191 = arith.constant 0 : i32
      %dma_start3A_192 = tpu.memref_slice %arg11[%dma_start3A_190, %dma_start3A_191] : memref<10016x128xf32, #tpu.memory_space<vmem_shared>> -> memref<10016x128xf32, #tpu.memory_space<vmem_shared>>
      tpu.enqueue_indirect_dma source(%arg9 : memref<128x128xf32, #tpu.memory_space<vmem>>) target(%dma_start3A_192 : memref<10016x128xf32, #tpu.memory_space<vmem_shared>>) offsets(%dma_start3A_189 : memref<128xi32, #tpu.memory_space<vmem>>) semaphore(%arg16 : memref<!tpu.dma_semaphore, #tpu.memory_space<semaphore_mem>>) {add = true}
      %dma_wait3A_193 = arith.constant 0 : i32
      %dma_wait3A_194 = arith.constant 0 : i32
      %dma_wait3A_195 = tpu.memref_slice %arg7[%dma_wait3A_193, %dma_wait3A_194] : memref<4x128xi32, #tpu.memory_space<vmem>> -> memref<1x128xi32, #tpu.memory_space<vmem>>
      %dma_wait3A_196 = tpu.memref_squeeze %dma_wait3A_195 : memref<1x128xi32, #tpu.memory_space<vmem>> -> memref<128xi32, #tpu.memory_space<vmem>>
      %dma_wait3A_197 = arith.constant 0 : i32
      %dma_wait3A_198 = arith.constant 0 : i32
      %dma_wait3A_199 = tpu.memref_slice %arg11[%dma_wait3A_197, %dma_wait3A_198] : memref<10016x128xf32, #tpu.memory_space<vmem_shared>> -> memref<10016x128xf32, #tpu.memory_space<vmem_shared>>
      tpu.wait_indirect_dma semaphore(%arg16 : memref<!tpu.dma_semaphore, #tpu.memory_space<semaphore_mem>>) src(%arg9 : memref<128x128xf32, #tpu.memory_space<vmem>>) dst(%dma_wait3A_199 : memref<10016x128xf32, #tpu.memory_space<vmem_shared>>)
      %dma_start3A_200 = arith.constant 7 : i32
      %dma_start3A_201 = arith.constant 0 : i32
      %dma_start3A_202 = tpu.memref_slice %arg6[%dma_start3A_200, %dma_start3A_201] : memref<8x128xi32, #tpu.memory_space<vmem>> -> memref<1x128xi32, #tpu.memory_space<vmem>>
      %dma_start3A_203 = tpu.memref_squeeze %dma_start3A_202 : memref<1x128xi32, #tpu.memory_space<vmem>> -> memref<128xi32, #tpu.memory_space<vmem>>
      %dma_start3A_204 = arith.constant 0 : i32
      %dma_start3A_205 = arith.constant 0 : i32
      %dma_start3A_206 = tpu.memref_slice %arg2[%dma_start3A_204, %dma_start3A_205] : memref<10000x128xf32, #tpu.memory_space<hbm>> -> memref<10000x128xf32, #tpu.memory_space<hbm>>
      tpu.enqueue_indirect_dma source(%dma_start3A_206 : memref<10000x128xf32, #tpu.memory_space<hbm>>) target(%arg9 : memref<128x128xf32, #tpu.memory_space<vmem>>) offsets(%dma_start3A_203 : memref<128xi32, #tpu.memory_space<vmem>>) semaphore(%arg13 : memref<!tpu.dma_semaphore, #tpu.memory_space<semaphore_mem>>)
      %dma_wait3A_207 = arith.constant 5 : i32
      %dma_wait3A_208 = arith.constant 0 : i32
      %dma_wait3A_209 = tpu.memref_slice %arg6[%dma_wait3A_207, %dma_wait3A_208] : memref<8x128xi32, #tpu.memory_space<vmem>> -> memref<1x128xi32, #tpu.memory_space<vmem>>
      %dma_wait3A_210 = tpu.memref_squeeze %dma_wait3A_209 : memref<1x128xi32, #tpu.memory_space<vmem>> -> memref<128xi32, #tpu.memory_space<vmem>>
      %dma_wait3A_211 = arith.constant 0 : i32
      %dma_wait3A_212 = arith.constant 0 : i32
      %dma_wait3A_213 = tpu.memref_slice %arg2[%dma_wait3A_211, %dma_wait3A_212] : memref<10000x128xf32, #tpu.memory_space<hbm>> -> memref<10000x128xf32, #tpu.memory_space<hbm>>
      tpu.wait_indirect_dma semaphore(%arg14 : memref<!tpu.dma_semaphore, #tpu.memory_space<semaphore_mem>>) src(%dma_wait3A_213 : memref<10000x128xf32, #tpu.memory_space<hbm>>) dst(%arg10 : memref<128x128xf32, #tpu.memory_space<vmem>>)
      %dma_start3A_214 = arith.constant 1 : i32
      %dma_start3A_215 = arith.constant 0 : i32
      %dma_start3A_216 = tpu.memref_slice %arg7[%dma_start3A_214, %dma_start3A_215] : memref<4x128xi32, #tpu.memory_space<vmem>> -> memref<1x128xi32, #tpu.memory_space<vmem>>
      %dma_start3A_217 = tpu.memref_squeeze %dma_start3A_216 : memref<1x128xi32, #tpu.memory_space<vmem>> -> memref<128xi32, #tpu.memory_space<vmem>>
      %dma_start3A_218 = arith.constant 0 : i32
      %dma_start3A_219 = arith.constant 0 : i32
      %dma_start3A_220 = tpu.memref_slice %arg11[%dma_start3A_218, %dma_start3A_219] : memref<10016x128xf32, #tpu.memory_space<vmem_shared>> -> memref<10016x128xf32, #tpu.memory_space<vmem_shared>>
      tpu.enqueue_indirect_dma source(%arg10 : memref<128x128xf32, #tpu.memory_space<vmem>>) target(%dma_start3A_220 : memref<10016x128xf32, #tpu.memory_space<vmem_shared>>) offsets(%dma_start3A_217 : memref<128xi32, #tpu.memory_space<vmem>>) semaphore(%arg17 : memref<!tpu.dma_semaphore, #tpu.memory_space<semaphore_mem>>) {add = true}
      %dma_wait3A_221 = arith.constant 1 : i32
      %dma_wait3A_222 = arith.constant 0 : i32
      %dma_wait3A_223 = tpu.memref_slice %arg7[%dma_wait3A_221, %dma_wait3A_222] : memref<4x128xi32, #tpu.memory_space<vmem>> -> memref<1x128xi32, #tpu.memory_space<vmem>>
      %dma_wait3A_224 = tpu.memref_squeeze %dma_wait3A_223 : memref<1x128xi32, #tpu.memory_space<vmem>> -> memref<128xi32, #tpu.memory_space<vmem>>
      %dma_wait3A_225 = arith.constant 0 : i32
      %dma_wait3A_226 = arith.constant 0 : i32
      %dma_wait3A_227 = tpu.memref_slice %arg11[%dma_wait3A_225, %dma_wait3A_226] : memref<10016x128xf32, #tpu.memory_space<vmem_shared>> -> memref<10016x128xf32, #tpu.memory_space<vmem_shared>>
      tpu.wait_indirect_dma semaphore(%arg17 : memref<!tpu.dma_semaphore, #tpu.memory_space<semaphore_mem>>) src(%arg10 : memref<128x128xf32, #tpu.memory_space<vmem>>) dst(%dma_wait3A_227 : memref<10016x128xf32, #tpu.memory_space<vmem_shared>>)
      %dma_wait3A_228 = arith.constant 6 : i32
      %dma_wait3A_229 = arith.constant 0 : i32
      %dma_wait3A_230 = tpu.memref_slice %arg6[%dma_wait3A_228, %dma_wait3A_229] : memref<8x128xi32, #tpu.memory_space<vmem>> -> memref<1x128xi32, #tpu.memory_space<vmem>>
      %dma_wait3A_231 = tpu.memref_squeeze %dma_wait3A_230 : memref<1x128xi32, #tpu.memory_space<vmem>> -> memref<128xi32, #tpu.memory_space<vmem>>
      %dma_wait3A_232 = arith.constant 0 : i32
      %dma_wait3A_233 = arith.constant 0 : i32
      %dma_wait3A_234 = tpu.memref_slice %arg2[%dma_wait3A_232, %dma_wait3A_233] : memref<10000x128xf32, #tpu.memory_space<hbm>> -> memref<10000x128xf32, #tpu.memory_space<hbm>>
      tpu.wait_indirect_dma semaphore(%arg12 : memref<!tpu.dma_semaphore, #tpu.memory_space<semaphore_mem>>) src(%dma_wait3A_234 : memref<10000x128xf32, #tpu.memory_space<hbm>>) dst(%arg8 : memref<128x128xf32, #tpu.memory_space<vmem>>)
      %dma_start3A_235 = arith.constant 2 : i32
      %dma_start3A_236 = arith.constant 0 : i32
      %dma_start3A_237 = tpu.memref_slice %arg7[%dma_start3A_235, %dma_start3A_236] : memref<4x128xi32, #tpu.memory_space<vmem>> -> memref<1x128xi32, #tpu.memory_space<vmem>>
      %dma_start3A_238 = tpu.memref_squeeze %dma_start3A_237 : memref<1x128xi32, #tpu.memory_space<vmem>> -> memref<128xi32, #tpu.memory_space<vmem>>
      %dma_start3A_239 = arith.constant 0 : i32
      %dma_start3A_240 = arith.constant 0 : i32
      %dma_start3A_241 = tpu.memref_slice %arg11[%dma_start3A_239, %dma_start3A_240] : memref<10016x128xf32, #tpu.memory_space<vmem_shared>> -> memref<10016x128xf32, #tpu.memory_space<vmem_shared>>
      tpu.enqueue_indirect_dma source(%arg8 : memref<128x128xf32, #tpu.memory_space<vmem>>) target(%dma_start3A_241 : memref<10016x128xf32, #tpu.memory_space<vmem_shared>>) offsets(%dma_start3A_238 : memref<128xi32, #tpu.memory_space<vmem>>) semaphore(%arg15 : memref<!tpu.dma_semaphore, #tpu.memory_space<semaphore_mem>>) {add = true}
      %dma_wait3A_242 = arith.constant 2 : i32
      %dma_wait3A_243 = arith.constant 0 : i32
      %dma_wait3A_244 = tpu.memref_slice %arg7[%dma_wait3A_242, %dma_wait3A_243] : memref<4x128xi32, #tpu.memory_space<vmem>> -> memref<1x128xi32, #tpu.memory_space<vmem>>
      %dma_wait3A_245 = tpu.memref_squeeze %dma_wait3A_244 : memref<1x128xi32, #tpu.memory_space<vmem>> -> memref<128xi32, #tpu.memory_space<vmem>>
      %dma_wait3A_246 = arith.constant 0 : i32
      %dma_wait3A_247 = arith.constant 0 : i32
      %dma_wait3A_248 = tpu.memref_slice %arg11[%dma_wait3A_246, %dma_wait3A_247] : memref<10016x128xf32, #tpu.memory_space<vmem_shared>> -> memref<10016x128xf32, #tpu.memory_space<vmem_shared>>
      tpu.wait_indirect_dma semaphore(%arg15 : memref<!tpu.dma_semaphore, #tpu.memory_space<semaphore_mem>>) src(%arg8 : memref<128x128xf32, #tpu.memory_space<vmem>>) dst(%dma_wait3A_248 : memref<10016x128xf32, #tpu.memory_space<vmem_shared>>)
      %dma_wait3A_249 = arith.constant 7 : i32
      %dma_wait3A_250 = arith.constant 0 : i32
      %dma_wait3A_251 = tpu.memref_slice %arg6[%dma_wait3A_249, %dma_wait3A_250] : memref<8x128xi32, #tpu.memory_space<vmem>> -> memref<1x128xi32, #tpu.memory_space<vmem>>
      %dma_wait3A_252 = tpu.memref_squeeze %dma_wait3A_251 : memref<1x128xi32, #tpu.memory_space<vmem>> -> memref<128xi32, #tpu.memory_space<vmem>>
      %dma_wait3A_253 = arith.constant 0 : i32
      %dma_wait3A_254 = arith.constant 0 : i32
      %dma_wait3A_255 = tpu.memref_slice %arg2[%dma_wait3A_253, %dma_wait3A_254] : memref<10000x128xf32, #tpu.memory_space<hbm>> -> memref<10000x128xf32, #tpu.memory_space<hbm>>
      tpu.wait_indirect_dma semaphore(%arg13 : memref<!tpu.dma_semaphore, #tpu.memory_space<semaphore_mem>>) src(%dma_wait3A_255 : memref<10000x128xf32, #tpu.memory_space<hbm>>) dst(%arg9 : memref<128x128xf32, #tpu.memory_space<vmem>>)
      %dma_start3A_256 = arith.constant 3 : i32
      %dma_start3A_257 = arith.constant 0 : i32
      %dma_start3A_258 = tpu.memref_slice %arg7[%dma_start3A_256, %dma_start3A_257] : memref<4x128xi32, #tpu.memory_space<vmem>> -> memref<1x128xi32, #tpu.memory_space<vmem>>
      %dma_start3A_259 = tpu.memref_squeeze %dma_start3A_258 : memref<1x128xi32, #tpu.memory_space<vmem>> -> memref<128xi32, #tpu.memory_space<vmem>>
      %dma_start3A_260 = arith.constant 0 : i32
      %dma_start3A_261 = arith.constant 0 : i32
      %dma_start3A_262 = tpu.memref_slice %arg11[%dma_start3A_260, %dma_start3A_261] : memref<10016x128xf32, #tpu.memory_space<vmem_shared>> -> memref<10016x128xf32, #tpu.memory_space<vmem_shared>>
      tpu.enqueue_indirect_dma source(%arg9 : memref<128x128xf32, #tpu.memory_space<vmem>>) target(%dma_start3A_262 : memref<10016x128xf32, #tpu.memory_space<vmem_shared>>) offsets(%dma_start3A_259 : memref<128xi32, #tpu.memory_space<vmem>>) semaphore(%arg16 : memref<!tpu.dma_semaphore, #tpu.memory_space<semaphore_mem>>) {add = true}
      %dma_wait3A_263 = arith.constant 3 : i32
      %dma_wait3A_264 = arith.constant 0 : i32
      %dma_wait3A_265 = tpu.memref_slice %arg7[%dma_wait3A_263, %dma_wait3A_264] : memref<4x128xi32, #tpu.memory_space<vmem>> -> memref<1x128xi32, #tpu.memory_space<vmem>>
      %dma_wait3A_266 = tpu.memref_squeeze %dma_wait3A_265 : memref<1x128xi32, #tpu.memory_space<vmem>> -> memref<128xi32, #tpu.memory_space<vmem>>
      %dma_wait3A_267 = arith.constant 0 : i32
      %dma_wait3A_268 = arith.constant 0 : i32
      %dma_wait3A_269 = tpu.memref_slice %arg11[%dma_wait3A_267, %dma_wait3A_268] : memref<10016x128xf32, #tpu.memory_space<vmem_shared>> -> memref<10016x128xf32, #tpu.memory_space<vmem_shared>>
      tpu.wait_indirect_dma semaphore(%arg16 : memref<!tpu.dma_semaphore, #tpu.memory_space<semaphore_mem>>) src(%arg9 : memref<128x128xf32, #tpu.memory_space<vmem>>) dst(%dma_wait3A_269 : memref<10016x128xf32, #tpu.memory_space<vmem_shared>>)
      %scan3A_270 = arith.constant 0 : i32
      scf.yield %scan3A_270 : i32
    }
    %scan3A_24 = arith.constant 10 : i32
    %barrier3A_25 = arith.constant 0 : index
    tpu.barrier barrier_id(%barrier3A_25)
    %lt3A_26 = arith.constant 15 : i32
    %lt3A_27 = arith.cmpi slt, %arg1, %lt3A_26 : i32
    %convert_element_type3A_28 = arith.extui %lt3A_27 : i1 to i32
    %cond3A_29 = arith.constant 0 : i32
    %cond3A_30 = arith.cmpi ne, %convert_element_type3A_28, %cond3A_29 : i32
    scf.if %cond3A_30 {
      "tpu.region"() ({
        %run_scoped3A = tpu.sem_alloc : memref<!tpu.dma_semaphore, #tpu.memory_space<semaphore_mem>>
        %dma_start3A = arith.constant 0 : i32
        %dma_start3A_36 = tpu.memref_slice %arg5[%arg0, %mul3A_9, %dma_start3A] : memref<2x10016x128xf32, #tpu.memory_space<hbm>> -> memref<1x632x128xf32, #tpu.memory_space<hbm>>
        %dma_start3A_37 = tpu.memref_squeeze %dma_start3A_36 : memref<1x632x128xf32, #tpu.memory_space<hbm>> -> memref<632x128xf32, #tpu.memory_space<hbm>>
        %dma_start3A_38 = arith.constant 0 : i32
        %dma_start3A_39 = tpu.memref_slice %arg11[%mul3A_9, %dma_start3A_38] : memref<10016x128xf32, #tpu.memory_space<vmem_shared>> -> memref<632x128xf32, #tpu.memory_space<vmem_shared>>
        tpu.enqueue_dma source(%dma_start3A_39 : memref<632x128xf32, #tpu.memory_space<vmem_shared>>) target(%dma_start3A_37 : memref<632x128xf32, #tpu.memory_space<hbm>>) target_semaphore(%run_scoped3A : memref<!tpu.dma_semaphore, #tpu.memory_space<semaphore_mem>>)
        %dma_wait3A = arith.constant 0 : i32
        %dma_wait3A_40 = tpu.memref_slice %arg5[%arg0, %mul3A_9, %dma_wait3A] : memref<2x10016x128xf32, #tpu.memory_space<hbm>> -> memref<1x632x128xf32, #tpu.memory_space<hbm>>
        %dma_wait3A_41 = tpu.memref_squeeze %dma_wait3A_40 : memref<1x632x128xf32, #tpu.memory_space<hbm>> -> memref<632x128xf32, #tpu.memory_space<hbm>>
        %dma_wait3A_42 = arith.constant 0 : i32
        %dma_wait3A_43 = tpu.memref_slice %arg11[%mul3A_9, %dma_wait3A_42] : memref<10016x128xf32, #tpu.memory_space<vmem_shared>> -> memref<632x128xf32, #tpu.memory_space<vmem_shared>>
        tpu.wait_dma2 semaphore(%run_scoped3A : memref<!tpu.dma_semaphore, #tpu.memory_space<semaphore_mem>>) src(%dma_wait3A_43 : memref<632x128xf32, #tpu.memory_space<vmem_shared>>) dst(%dma_wait3A_41 : memref<632x128xf32, #tpu.memory_space<hbm>>)
        tpu.yield
      }) : () -> ()
    } else {
    }
    %eq3A_31 = arith.constant 15 : i32
    %eq3A_32 = arith.cmpi eq, %arg1, %eq3A_31 : i32
    %convert_element_type3A_33 = arith.extui %eq3A_32 : i1 to i32
    %cond3A_34 = arith.constant 0 : i32
    %cond3A_35 = arith.cmpi ne, %convert_element_type3A_33, %cond3A_34 : i32
    scf.if %cond3A_35 {
      "tpu.region"() ({
        %run_scoped3A = tpu.sem_alloc : memref<!tpu.dma_semaphore, #tpu.memory_space<semaphore_mem>>
        %dma_start3A = arith.constant 0 : i32
        %dma_start3A_36 = tpu.memref_slice %arg5[%arg0, %mul3A_9, %dma_start3A] : memref<2x10016x128xf32, #tpu.memory_space<hbm>> -> memref<1x536x128xf32, #tpu.memory_space<hbm>>
        %dma_start3A_37 = tpu.memref_squeeze %dma_start3A_36 : memref<1x536x128xf32, #tpu.memory_space<hbm>> -> memref<536x128xf32, #tpu.memory_space<hbm>>
        %dma_start3A_38 = arith.constant 0 : i32
        %dma_start3A_39 = tpu.memref_slice %arg11[%mul3A_9, %dma_start3A_38] : memref<10016x128xf32, #tpu.memory_space<vmem_shared>> -> memref<536x128xf32, #tpu.memory_space<vmem_shared>>
        tpu.enqueue_dma source(%dma_start3A_39 : memref<536x128xf32, #tpu.memory_space<vmem_shared>>) target(%dma_start3A_37 : memref<536x128xf32, #tpu.memory_space<hbm>>) target_semaphore(%run_scoped3A : memref<!tpu.dma_semaphore, #tpu.memory_space<semaphore_mem>>)
        %dma_wait3A = arith.constant 0 : i32
        %dma_wait3A_40 = tpu.memref_slice %arg5[%arg0, %mul3A_9, %dma_wait3A] : memref<2x10016x128xf32, #tpu.memory_space<hbm>> -> memref<1x536x128xf32, #tpu.memory_space<hbm>>
        %dma_wait3A_41 = tpu.memref_squeeze %dma_wait3A_40 : memref<1x536x128xf32, #tpu.memory_space<hbm>> -> memref<536x128xf32, #tpu.memory_space<hbm>>
        %dma_wait3A_42 = arith.constant 0 : i32
        %dma_wait3A_43 = tpu.memref_slice %arg11[%mul3A_9, %dma_wait3A_42] : memref<10016x128xf32, #tpu.memory_space<vmem_shared>> -> memref<536x128xf32, #tpu.memory_space<vmem_shared>>
        tpu.wait_dma2 semaphore(%run_scoped3A : memref<!tpu.dma_semaphore, #tpu.memory_space<semaphore_mem>>) src(%dma_wait3A_43 : memref<536x128xf32, #tpu.memory_space<vmem_shared>>) dst(%dma_wait3A_41 : memref<536x128xf32, #tpu.memory_space<hbm>>)
        tpu.yield
      }) : () -> ()
    } else {
    }
    return
  }
}

module attributes {stable_mosaic.version = 14 : i64} {
  func.func @body(%arg0: i32, %arg1: memref<2000x128xf32, #tpu.memory_space<vmem>>, %arg2: memref<2000x128xf32, #tpu.memory_space<vmem>>, %arg3: memref<2000x128xf32, #tpu.memory_space<vmem>>, %arg4: memref<2000x128xf32, #tpu.memory_space<vmem>>, %arg5: memref<2000x128xf32, #tpu.memory_space<vmem>>, %arg6: memref<128x128xf32, #tpu.memory_space<vmem>>, %arg7: memref<128x128xf32, #tpu.memory_space<vmem>>, %arg8: memref<1x128xf32, #tpu.memory_space<vmem>>, %arg9: memref<2000x128xf32, #tpu.memory_space<vmem>>) attributes {dimension_semantics = [#tpu.dimension_semantics<arbitrary>], iteration_bounds = array<i64: 5>, scalar_prefetch = 0 : i64, scratch_operands = 0 : i64, tpu.core_type = #tpu.core_type<tc>, window_params = [{transform_indices = @transform_0, window_bounds = array<i64: 2000, 128>}, {transform_indices = @transform_1, window_bounds = array<i64: 2000, 128>}, {transform_indices = @transform_2, window_bounds = array<i64: 2000, 128>}, {transform_indices = @transform_3, window_bounds = array<i64: 2000, 128>}, {transform_indices = @transform_4, window_bounds = array<i64: 2000, 128>}, {pipeline_mode = #tpu.pipeline_mode<synchronous>, transform_indices = @transform_5, window_bounds = array<i64: 128, 128>}, {pipeline_mode = #tpu.pipeline_mode<synchronous>, transform_indices = @transform_6, window_bounds = array<i64: 128, 128>}, {pipeline_mode = #tpu.pipeline_mode<synchronous>, transform_indices = @transform_7, window_bounds = array<i64: 1, 128>}, {transform_indices = @transform_8, window_bounds = array<i64: 2000, 128>}]} {
    %get3A = arith.constant 0 : index
    %get3A_0 = arith.constant 0 : index
    %get3A_1 = vector.load %arg1[%get3A, %get3A_0] : memref<2000x128xf32, #tpu.memory_space<vmem>>, vector<2000x128xf32>
    %get3A_2 = arith.constant 0 : index
    %get3A_3 = arith.constant 0 : index
    %get3A_4 = vector.load %arg4[%get3A_2, %get3A_3] : memref<2000x128xf32, #tpu.memory_space<vmem>>, vector<2000x1xf32>
    %get3A_5 = arith.constant 0 : index
    %get3A_6 = arith.constant 0 : index
    %get3A_7 = vector.load %arg5[%get3A_5, %get3A_6] : memref<2000x128xf32, #tpu.memory_space<vmem>>, vector<2000x1xf32>
    %add3A = arith.addf %get3A_4, %get3A_7 : vector<2000x1xf32>
    %add3A_8 = arith.constant 1.000000e+00 : f32
    %add3A_9 = vector.broadcast %add3A_8 : f32 to vector<2000x1xf32>
    %add3A_10 = arith.addf %add3A, %add3A_9 : vector<2000x1xf32>
    %get3A_11 = arith.constant 0 : index
    %get3A_12 = arith.constant 0 : index
    %get3A_13 = vector.load %arg2[%get3A_11, %get3A_12] : memref<2000x128xf32, #tpu.memory_space<vmem>>, vector<2000x128xf32>
    %get3A_14 = arith.constant 0 : index
    %get3A_15 = arith.constant 0 : index
    %get3A_16 = vector.load %arg3[%get3A_14, %get3A_15] : memref<2000x128xf32, #tpu.memory_space<vmem>>, vector<2000x128xf32>
    %add3A_17 = arith.addf %get3A_13, %get3A_16 : vector<2000x128xf32>
    %add3A_18 = arith.addf %add3A_17, %get3A_1 : vector<2000x128xf32>
    %div3A = vector.broadcast %add3A_10 : vector<2000x1xf32> to vector<2000x128xf32>
    %div3A_19 = arith.divf %add3A_18, %div3A : vector<2000x128xf32>
    %get3A_20 = arith.constant 0 : index
    %get3A_21 = arith.constant 0 : index
    %get3A_22 = vector.load %arg6[%get3A_20, %get3A_21] : memref<128x128xf32, #tpu.memory_space<vmem>>, vector<128x128xf32>
    %dot_general3A = arith.constant dense<0.000000e+00> : vector<2000x128xf32>
    %dot_general3A_23 = tpu.matmul %get3A_1, %get3A_22, %dot_general3A {dimension_numbers = #tpu.dot_dimension_numbers<[1], [0], [0], [1], [0, 0, 1, 1], [], []>, transpose_lhs_hint = false} : vector<2000x128xf32>, vector<128x128xf32>, vector<2000x128xf32> -> vector<2000x128xf32>
    %get3A_24 = arith.constant 0 : index
    %get3A_25 = arith.constant 0 : index
    %get3A_26 = vector.load %arg7[%get3A_24, %get3A_25] : memref<128x128xf32, #tpu.memory_space<vmem>>, vector<128x128xf32>
    %dot_general3A_27 = arith.constant dense<0.000000e+00> : vector<2000x128xf32>
    %dot_general3A_28 = tpu.matmul %div3A_19, %get3A_26, %dot_general3A_27 {dimension_numbers = #tpu.dot_dimension_numbers<[1], [0], [0], [1], [0, 0, 1, 1], [], []>, transpose_lhs_hint = false} : vector<2000x128xf32>, vector<128x128xf32>, vector<2000x128xf32> -> vector<2000x128xf32>
    %add3A_29 = arith.addf %dot_general3A_23, %dot_general3A_28 : vector<2000x128xf32>
    %get3A_30 = arith.constant 0 : index
    %get3A_31 = arith.constant 0 : index
    %get3A_32 = vector.load %arg8[%get3A_30, %get3A_31] : memref<1x128xf32, #tpu.memory_space<vmem>>, vector<1x128xf32>
    %add3A_33 = vector.broadcast %get3A_32 : vector<1x128xf32> to vector<2000x128xf32>
    %add3A_34 = arith.addf %add3A_29, %add3A_33 : vector<2000x128xf32>
    %max3A = arith.constant 0.000000e+00 : f32
    %max3A_35 = vector.broadcast %max3A : f32 to vector<2000x128xf32>
    %max3A_36 = arith.maximumf %add3A_34, %max3A_35 : vector<2000x128xf32>
    %swap3A = arith.constant 0 : index
    %swap3A_37 = arith.constant 0 : index
    %swap3A_38 = vector.load %arg9[%swap3A, %swap3A_37] : memref<2000x128xf32, #tpu.memory_space<vmem>>, vector<2000x128xf32>
    tpu.vector_store %arg9[%swap3A, %swap3A_37], %max3A_36 {strides = array<i32>} : memref<2000x128xf32, #tpu.memory_space<vmem>>, vector<2000x128xf32>,
    return
  }
  func.func @transform_0(%arg0: i32) -> (i32, i32) {
    %c0_i32 = arith.constant 0 : i32
    %c0_i32_0 = arith.constant 0 : i32
    return %arg0, %c0_i32 : i32, i32
  }
  func.func @transform_1(%arg0: i32) -> (i32, i32) {
    %c0_i32 = arith.constant 0 : i32
    %c0_i32_0 = arith.constant 0 : i32
    return %arg0, %c0_i32 : i32, i32
  }
  func.func @transform_2(%arg0: i32) -> (i32, i32) {
    %c0_i32 = arith.constant 0 : i32
    %c0_i32_0 = arith.constant 0 : i32
    return %arg0, %c0_i32 : i32, i32
  }
  func.func @transform_3(%arg0: i32) -> (i32, i32) {
    %c0_i32 = arith.constant 0 : i32
    %c0_i32_0 = arith.constant 0 : i32
    return %arg0, %c0_i32 : i32, i32
  }
  func.func @transform_4(%arg0: i32) -> (i32, i32) {
    %c0_i32 = arith.constant 0 : i32
    %c0_i32_0 = arith.constant 0 : i32
    return %arg0, %c0_i32 : i32, i32
  }
  func.func @transform_5(%arg0: i32) -> (i32, i32) {
    %c0_i32 = arith.constant 0 : i32
    %c0_i32_0 = arith.constant 0 : i32
    %c0_i32_1 = arith.constant 0 : i32
    return %c0_i32, %c0_i32_0 : i32, i32
  }
  func.func @transform_6(%arg0: i32) -> (i32, i32) {
    %c0_i32 = arith.constant 0 : i32
    %c0_i32_0 = arith.constant 0 : i32
    %c0_i32_1 = arith.constant 0 : i32
    return %c0_i32, %c0_i32_0 : i32, i32
  }
  func.func @transform_7(%arg0: i32) -> (i32, i32) {
    %c0_i32 = arith.constant 0 : i32
    %c0_i32_0 = arith.constant 0 : i32
    %c0_i32_1 = arith.constant 0 : i32
    return %c0_i32, %c0_i32_0 : i32, i32
  }
  func.func @transform_8(%arg0: i32) -> (i32, i32) {
    %c0_i32 = arith.constant 0 : i32
    %c0_i32_0 = arith.constant 0 : i32
    return %arg0, %c0_i32 : i32, i32
  }
}

module attributes {stable_mosaic.version = 14 : i64} {
  func.func @body(%arg0: i32, %arg1: memref<2000x128xf32, #tpu.memory_space<vmem>>, %arg2: memref<2000x128xf32, #tpu.memory_space<vmem>>, %arg3: memref<2000x128xf32, #tpu.memory_space<vmem>>, %arg4: memref<2000x128xf32, #tpu.memory_space<vmem>>, %arg5: memref<2000x128xf32, #tpu.memory_space<vmem>>, %arg6: memref<128x128xf32, #tpu.memory_space<vmem>>, %arg7: memref<128x128xf32, #tpu.memory_space<vmem>>, %arg8: memref<1x128xf32, #tpu.memory_space<vmem>>, %arg9: memref<2000x128xf32, #tpu.memory_space<vmem>>) attributes {dimension_semantics = [#tpu.dimension_semantics<arbitrary>], iteration_bounds = array<i64: 5>, scalar_prefetch = 0 : i64, scratch_operands = 0 : i64, tpu.core_type = #tpu.core_type<tc>, window_params = [{transform_indices = @transform_0, window_bounds = array<i64: 2000, 128>}, {transform_indices = @transform_1, window_bounds = array<i64: 2000, 128>}, {transform_indices = @transform_2, window_bounds = array<i64: 2000, 128>}, {transform_indices = @transform_3, window_bounds = array<i64: 2000, 128>}, {transform_indices = @transform_4, window_bounds = array<i64: 2000, 128>}, {pipeline_mode = #tpu.pipeline_mode<synchronous>, transform_indices = @transform_5, window_bounds = array<i64: 128, 128>}, {pipeline_mode = #tpu.pipeline_mode<synchronous>, transform_indices = @transform_6, window_bounds = array<i64: 128, 128>}, {pipeline_mode = #tpu.pipeline_mode<synchronous>, transform_indices = @transform_7, window_bounds = array<i64: 1, 128>}, {transform_indices = @transform_8, window_bounds = array<i64: 2000, 128>}]} {
    %get3A = arith.constant 0 : index
    %get3A_0 = arith.constant 0 : index
    %get3A_1 = vector.load %arg1[%get3A, %get3A_0] : memref<2000x128xf32, #tpu.memory_space<vmem>>, vector<2000x128xf32>
    %get3A_2 = arith.constant 0 : index
    %get3A_3 = arith.constant 0 : index
    %get3A_4 = vector.load %arg4[%get3A_2, %get3A_3] : memref<2000x128xf32, #tpu.memory_space<vmem>>, vector<2000x1xf32>
    %get3A_5 = arith.constant 0 : index
    %get3A_6 = arith.constant 0 : index
    %get3A_7 = vector.load %arg5[%get3A_5, %get3A_6] : memref<2000x128xf32, #tpu.memory_space<vmem>>, vector<2000x1xf32>
    %add3A = arith.addf %get3A_4, %get3A_7 : vector<2000x1xf32>
    %add3A_8 = arith.constant 1.000000e+00 : f32
    %add3A_9 = vector.broadcast %add3A_8 : f32 to vector<2000x1xf32>
    %add3A_10 = arith.addf %add3A, %add3A_9 : vector<2000x1xf32>
    %get3A_11 = arith.constant 0 : index
    %get3A_12 = arith.constant 0 : index
    %get3A_13 = vector.load %arg2[%get3A_11, %get3A_12] : memref<2000x128xf32, #tpu.memory_space<vmem>>, vector<2000x128xf32>
    %get3A_14 = arith.constant 0 : index
    %get3A_15 = arith.constant 0 : index
    %get3A_16 = vector.load %arg3[%get3A_14, %get3A_15] : memref<2000x128xf32, #tpu.memory_space<vmem>>, vector<2000x128xf32>
    %add3A_17 = arith.addf %get3A_13, %get3A_16 : vector<2000x128xf32>
    %add3A_18 = arith.addf %add3A_17, %get3A_1 : vector<2000x128xf32>
    %div3A = vector.broadcast %add3A_10 : vector<2000x1xf32> to vector<2000x128xf32>
    %div3A_19 = arith.divf %add3A_18, %div3A : vector<2000x128xf32>
    %get3A_20 = arith.constant 0 : index
    %get3A_21 = arith.constant 0 : index
    %get3A_22 = vector.load %arg6[%get3A_20, %get3A_21] : memref<128x128xf32, #tpu.memory_space<vmem>>, vector<128x128xf32>
    %dot_general3A = arith.constant dense<0.000000e+00> : vector<2000x128xf32>
    %dot_general3A_23 = tpu.matmul %get3A_1, %get3A_22, %dot_general3A {dimension_numbers = #tpu.dot_dimension_numbers<[1], [0], [0], [1], [0, 0, 1, 1], [], []>, transpose_lhs_hint = false} : vector<2000x128xf32>, vector<128x128xf32>, vector<2000x128xf32> -> vector<2000x128xf32>
    %get3A_24 = arith.constant 0 : index
    %get3A_25 = arith.constant 0 : index
    %get3A_26 = vector.load %arg7[%get3A_24, %get3A_25] : memref<128x128xf32, #tpu.memory_space<vmem>>, vector<128x128xf32>
    %dot_general3A_27 = arith.constant dense<0.000000e+00> : vector<2000x128xf32>
    %dot_general3A_28 = tpu.matmul %div3A_19, %get3A_26, %dot_general3A_27 {dimension_numbers = #tpu.dot_dimension_numbers<[1], [0], [0], [1], [0, 0, 1, 1], [], []>, transpose_lhs_hint = false} : vector<2000x128xf32>, vector<128x128xf32>, vector<2000x128xf32> -> vector<2000x128xf32>
    %add3A_29 = arith.addf %dot_general3A_23, %dot_general3A_28 : vector<2000x128xf32>
    %get3A_30 = arith.constant 0 : index
    %get3A_31 = arith.constant 0 : index
    %get3A_32 = vector.load %arg8[%get3A_30, %get3A_31] : memref<1x128xf32, #tpu.memory_space<vmem>>, vector<1x128xf32>
    %add3A_33 = vector.broadcast %get3A_32 : vector<1x128xf32> to vector<2000x128xf32>
    %add3A_34 = arith.addf %add3A_29, %add3A_33 : vector<2000x128xf32>
    %swap3A = arith.constant 0 : index
    %swap3A_35 = arith.constant 0 : index
    %swap3A_36 = vector.load %arg9[%swap3A, %swap3A_35] : memref<2000x128xf32, #tpu.memory_space<vmem>>, vector<2000x128xf32>
    tpu.vector_store %arg9[%swap3A, %swap3A_35], %add3A_34 {strides = array<i32>} : memref<2000x128xf32, #tpu.memory_space<vmem>>, vector<2000x128xf32>,
    return
  }
  func.func @transform_0(%arg0: i32) -> (i32, i32) {
    %c0_i32 = arith.constant 0 : i32
    %c0_i32_0 = arith.constant 0 : i32
    return %arg0, %c0_i32 : i32, i32
  }
  func.func @transform_1(%arg0: i32) -> (i32, i32) {
    %c0_i32 = arith.constant 0 : i32
    %c0_i32_0 = arith.constant 0 : i32
    return %arg0, %c0_i32 : i32, i32
  }
  func.func @transform_2(%arg0: i32) -> (i32, i32) {
    %c0_i32 = arith.constant 0 : i32
    %c0_i32_0 = arith.constant 0 : i32
    return %arg0, %c0_i32 : i32, i32
  }
  func.func @transform_3(%arg0: i32) -> (i32, i32) {
    %c0_i32 = arith.constant 0 : i32
    %c0_i32_0 = arith.constant 0 : i32
    return %arg0, %c0_i32 : i32, i32
  }
  func.func @transform_4(%arg0: i32) -> (i32, i32) {
    %c0_i32 = arith.constant 0 : i32
    %c0_i32_0 = arith.constant 0 : i32
    return %arg0, %c0_i32 : i32, i32
  }
  func.func @transform_5(%arg0: i32) -> (i32, i32) {
    %c0_i32 = arith.constant 0 : i32
    %c0_i32_0 = arith.constant 0 : i32
    %c0_i32_1 = arith.constant 0 : i32
    return %c0_i32, %c0_i32_0 : i32, i32
  }
  func.func @transform_6(%arg0: i32) -> (i32, i32) {
    %c0_i32 = arith.constant 0 : i32
    %c0_i32_0 = arith.constant 0 : i32
    %c0_i32_1 = arith.constant 0 : i32
    return %c0_i32, %c0_i32_0 : i32, i32
  }
  func.func @transform_7(%arg0: i32) -> (i32, i32) {
    %c0_i32 = arith.constant 0 : i32
    %c0_i32_0 = arith.constant 0 : i32
    %c0_i32_1 = arith.constant 0 : i32
    return %c0_i32, %c0_i32_0 : i32, i32
  }
  func.func @transform_8(%arg0: i32) -> (i32, i32) {
    %c0_i32 = arith.constant 0 : i32
    %c0_i32_0 = arith.constant 0 : i32
    return %arg0, %c0_i32 : i32, i32
  }
}

</mosaic_0001>

<sc_bundles>
// kernel: kernel.10.cloned.1.call-start
scs
__scs_entry_jumppad:
0x0: {  	(pc) =	sbr.rel $0x88, $3  }
0x1: {  	(tag) =	ssettag $0x0;
	lr =	simm.s32 $0x1  }
0x2: {  	[smem:$0x3F99] =	sst lr;
	_ =	strace $0xD0000000  }
0x3: {  	_ = 	snop  }
0x4: {  	_ = 	snop  }
0x5: {  	_ = 	snop  }
0x6: {  	_ = 	snop  }
0x7: {  	_ = 	snop  }
__scs_overlays_trampoline_lowered:
0x8: {  	[smem:$0x3FA8] =	sst s0  }
0x9: {  	[smem:$0x3FA9] =	sst s1  }
0xa: {  	[smem:$0x3FAA] =	sst s2  }
0xb: {  	[smem:$0x3FAB] =	sst s3  }
0xc: {  	[smem:$0x3FAC] =	sst s4  }
0xd: {  	[smem:$0x3FAD] =	sst s5  }
0xe: {  	[smem:$0x3FAE] =	sst s6  }
0xf: {  	[smem:$0x3FAF] =	sst s7  }
0x10: {  	[smem:$0x3FB0] =	sst s8  }
0x11: {  	[smem:$0x3FB1] =	sst s9;
	s0 =	simm.s32 @!p0 $0x0  }
0x12: {  	s1 =	sld [smem:$0x3F97];
	s0 =	simm.s32 @p0 $0x1  }
0x13: {  	[smem:$0x3FB2] =	sst s0;
	s0 =	simm.s32 @!p1 $0x0  }
0x14: {  	s2 =	sld [smem:$0x3F96];
	s0 =	simm.s32 @p1 $0x1  }
0x15: {  	[smem:$0x3FB3] =	sst s0;
	s0 =	simm.s32 @!p2 $0x0  }
0x16: {  	s3 =	sld [smem:$0x3FDB];
	s0 =	simm.s32 @p2 $0x1  }
0x17: {  	s4 =	simm.s32 $0x1BF5;
	[smem:$0x3FB5] =	sst s0  }
0x18: {  	s0 =	sld [smem:$0x3F98];
	_ =	swait.ge [sflag:s4], $0x0  }
0x19: {  	s7 =	sld [smem:$0x3F99]  }
0x1a: {  	s8 =	sadd.s32 $0xFFFFE003, lr  }
0x1b: {  	s9 =	sadd.s32 $0xFFFFFEF7, lr;
	s5 =	simm.s32 $0xFFFFFFFF;
	p2 =	slt.u32 s8, $0xFFFFF086  }
0x1c: {  	p1 =	slt.u32 s9, $0xF7A;
	s5 =	simm.s32 @!p2 $0x0  }
0x1d: {  	s5 =	simm.s32 @p1 $0x1;
	p0 =	seq.s32 s7, s2  }
0x1e: {  	s7 =	smul.u32 @!p0 $0xF7A, s2;
	p2 =	seq.s32 @!p0 s5, $0x0  }
0x1f: {  	s9 =	smul.u32 $0xF7A, s1;
	s8 =	simm.s32 @!p0 $0x1BF5;
	p2 =	por !p2, p0  }
0x20: {  	[sflag:s8] =	ssyncset.s32 @!p0 $0xFFFFF086;
	s6 =	sadd.s32 @!p0 s3, s7;
	s7 =	simm.s32 @!p0 $0x108  }
0x21: {  	s3 =	sadd.s32 s3, s9;
	s6 =	sadd.s32 @!p0 $0x88, s6;
	s7 =	simm.s32 @p2 $0x1082  }
0x22: {  	[simem:s7], [sflag:s8] =	dma.local @!p0 [hbm:s6], $0xF7A  }
0x23: {  	s9 =	sor.u32 $0xD0000000, s2;
	s6 =	simm.s32 $0x108;
	_ =	swait.ge @!p0 [sflag:s8], $0x0  }
0x24: {  	s3 =	sadd.s32 $0x88, s3;
	s6 =	simm.s32 @!p1 $0x1082;
	[sflag:s4] =	ssyncset.s32 $0xFFFFF086  }
0x25: {  	[simem:s6], [sflag:s4] =	dma.local [hbm:s3], $0xF7A  }
0x26: {  	[smem:$0x3F99] =	sst s1;
	(tag) =	ssettag s2;
	_ =	strace s9  }
0x27: {  	s1 =	sld [smem:$0x3FA9]  }
0x28: {  	s2 =	sld [smem:$0x3FAA]  }
0x29: {  	s4 =	sld [smem:$0x3FAC]  }
0x2a: {  	p0 =	seq.s32 s5, $0x0;
	s5 =	sld [smem:$0x3FAD]  }
0x2b: {  	s6 =	sld [smem:$0x3FAE]  }
0x2c: {  	s7 =	sld [smem:$0x3FAF]  }
0x2d: {  	s3 =	simm.s32 $0x108;
	s8 =	sld [smem:$0x3FB0]  }
0x2e: {  	s3 =	simm.s32 @!p0 $0x1082;
	s9 =	sld [smem:$0x3FB1]  }
0x2f: {  	lr =	sadd.s32 s0, s3;
	s0 =	sld [smem:$0x3FA8]  }
0x30: {  	s3 =	sld [smem:$0x3FAB]  }
0x31: {  	[smem:$0x3FB4] =	sst s10  }
0x32: {  	s10 =	sld [smem:$0x3FB2];
	_ =	sdelay $0x3  }
0x33: {  	p0 =	seq.s32 s10, $0x1;
	s10 =	sld [smem:$0x3FB4];
	_ =	sdelay $0x3  }
0x34: {  	[smem:$0x3FB4] =	sst s10  }
0x35: {  	s10 =	sld [smem:$0x3FB3];
	_ =	sdelay $0x3  }
0x36: {  	p1 =	seq.s32 s10, $0x1;
	s10 =	sld [smem:$0x3FB4];
	_ =	sdelay $0x3  }
0x37: {  	[smem:$0x3FB4] =	sst s10  }
0x38: {  	s10 =	sld [smem:$0x3FB5]  }
0x39: {  	_ = 	snop;
	(pc) =	sbr.ind lr, $3  }
0x3a: {  	_ = 	snop  }
0x3b: {  	_ = 	snop  }
0x3c: {  	p2 =	seq.s32 s10, $0x1;
	s10 =	sld [smem:$0x3FB4]  }
0x3d: {  	_ =	shalt  }
0x3e: {  	_ =	shalt  }
0x3f: {  	_ =	shalt  }
0x40: {  	_ =	shalt  }
0x41: {  	_ =	shalt  }
0x42: {  	_ =	shalt  }
0x43: {  	_ =	shalt  }
0x44: {  	_ =	shalt  }
0x45: {  	_ =	shalt  }
0x46: {  	_ =	shalt  }
0x47: {  	_ =	shalt  }
0x48: {  	_ =	shalt  }
0x49: {  	_ =	shalt  }
0x4a: {  	_ =	shalt  }
0x4b: {  	_ =	shalt  }
0x4c: {  	_ =	shalt  }
0x4d: {  	_ =	shalt  }
0x4e: {  	_ =	shalt  }
0x4f: {  	_ =	shalt  }
0x50: {  	_ =	shalt  }
0x51: {  	_ =	shalt  }
0x52: {  	_ =	shalt  }
0x53: {  	_ =	shalt  }
0x54: {  	_ =	shalt  }
0x55: {  	_ =	shalt  }
0x56: {  	_ =	shalt  }
0x57: {  	_ =	shalt  }
0x58: {  	_ =	shalt  }
0x59: {  	_ =	shalt  }
0x5a: {  	_ =	shalt  }
0x5b: {  	_ =	shalt  }
0x5c: {  	_ =	shalt  }
0x5d: {  	_ =	shalt  }
0x5e: {  	_ =	shalt  }
0x5f: {  	_ =	shalt  }
0x60: {  	_ =	shalt  }
0x61: {  	_ =	shalt  }
0x62: {  	_ =	shalt  }
0x63: {  	_ =	shalt  }
0x64: {  	_ =	shalt  }
0x65: {  	_ =	shalt  }
0x66: {  	_ =	shalt  }
0x67: {  	_ =	shalt  }
0x68: {  	_ =	shalt  }
0x69: {  	_ =	shalt  }
0x6a: {  	_ =	shalt  }
0x6b: {  	_ =	shalt  }
0x6c: {  	_ =	shalt  }
0x6d: {  	_ =	shalt  }
0x6e: {  	_ =	shalt  }
0x6f: {  	_ =	shalt  }
0x70: {  	_ =	shalt  }
0x71: {  	_ =	shalt  }
0x72: {  	_ =	shalt  }
0x73: {  	_ =	shalt  }
0x74: {  	_ =	shalt  }
0x75: {  	_ =	shalt  }
0x76: {  	_ =	shalt  }
0x77: {  	_ =	shalt  }
0x78: {  	_ =	shalt  }
0x79: {  	_ =	shalt  }
0x7a: {  	_ =	shalt  }
0x7b: {  	_ =	shalt  }
0x7c: {  	_ =	shalt  }
0x7d: {  	_ =	shalt  }
0x7e: {  	_ =	shalt  }
0x7f: {  	_ =	shalt  }
0x80: {  	_ =	shalt  }
0x81: {  	_ =	shalt  }
0x82: {  	_ =	shalt  }
0x83: {  	_ =	shalt  }
0x84: {  	_ =	shalt  }
0x85: {  	_ =	shalt  }
0x86: {  	_ =	shalt  }
0x87: {  	_ =	shalt  }
.Lfunc_end0:
.L_simem_size_0:
called_computation.1_lowered:
.L_overlay_start_0:
0x88: {  	s2 =	sld [smem:$0x3FD9]  }
0x89: {  	s3 =	sld [smem:$0x3FFE];
	_ =	sdelay $0x1  }
0x8a: {  	s1 =	srdreg.scid  }
0x8b: {  	s0 =	sand.u32 $0x1, s1  }
0x8c: {  	s17 =	sshll.u32 s0, $0xA;
	s2 =	sadd.s32 s3, s2  }
0x8d: {  	s2 =	sadd.s32 s2, s17  }
0x8e: {  	[smem:$0x3FC0] =	sst s2  }
0x8f: {  	_ = 	snop  }
0x90: {  	s2 =	sld [smem:$0x3FC9];
	(tm) =	ssettm $0x1  }
0x91: {  	s18 =	sld [smem:$0x3FFB];
	_ =	sdelay $0x3  }
0x92: {  	_ =	strace s18  }
0x93: {  	s3 =	sld [smem:$0x3FFC];
	_ =	sdelay $0x3  }
0x94: {  	_ =	strace s3  }
0x95: {  	s3 =	sld [smem:$0x3FFD];
	_ =	sdelay $0x3  }
0x96: {  	_ =	strace s3  }
0x97: {  	_ =	strace $0x8FFFFFFF  }
0x98: {  	s19 =	sld [smem:$0x3FDB];
	_ =	sdelay $0x1  }
0x99: {  	s4 =	simm.s32 $_scs_section_size  }
0x9a: {  	s5 =	simm.s32 $_size__tile_overlayer_lowered;
	s6 =	simm.s32 $_tile_overlayer_lowered  }
0x9b: {  	s22 =	simm.s32 $0x1BFF;
	s21 =	sshll.u32 s6, $0x1;
	s3 =	sadd.s32 s4, s19  }
0x9c: {  	s7 =	simm.s32 $0x0;
	s20 =	sshll.u32 s5, $0x1;
	s5 =	sadd.s32 s21, s3  }
0x9d: {  	[timem:s7], [sflag:s22] =	dma.local [hbm:s5], s20  }
0x9e: {  	_ =	swait.ge [sflag:s22], s20  }
0x9f: {  	s4 =	ssub.s32 $0x0, s20;
	[sflag:s22] =	ssyncset.done $0x0  }
0xa0: {  	[sflag:s22] =	ssyncadd.s32 s4;
	_ =	sdelay $0x1  }
0xa1: {  	s23 =	simm.s32 $0x1B8B  }
0xa2: {  	_ =	swait.ge [sflag:s23], $0x1  }
0xa3: {  	[sflag:s23] =	ssyncset.done $0x0  }
0xa4: {  	s25 =	simm.s32 $0x1B8E;
	s24 =	sld [smem:$0x3FFE];
	[sflag:s23] =	ssyncadd.s32 $0xFFFFFFFF  }
0xa5: {  	s26 =	simm.s32 $execute0_lowered;
	[smem:$0x3FD2] =	sst s25  }
0xa6: {  	s5 =	sshll.u32 s26, $0x1;
	_ =	strace $0x80000046;
	[dreg:$0x1] =	wrdreg $0xFFFFFFFF  }
0xa7: {  	s28 =	simm.s32 $_size_execute0_lowered;
	s3 =	sadd.s32 s3, s5;
	[dreg:$0x0] =	wrdreg $0x0  }
0xa8: {  	s5 =	sshll.u32 s28, $0x1;
	[dreg:$0x2] =	wrdreg s3  }
0xa9: {  	[dreg:$0x3] =	wrdreg s5  }
0xaa: {  	[dreg:$0x4] =	wrdreg $0xC0  }
0xab: {  	_ =	task [dreg:s7], $0x5FFFF  }
0xac: {  	[dreg:$0x1] =	wrdreg $0xFFFFFFFF  }
0xad: {  	[dreg:$0x0] =	wrdreg $0x60  }
0xae: {  	[dreg:$0x2] =	wrdreg s2  }
0xaf: {  	[dreg:$0x3] =	wrdreg s24  }
0xb0: {  	[dreg:$0x4] =	wrdreg $0xC6000  }
0xb1: {  	[dreg:$0x5] =	wrdreg $0xA  }
0xb2: {  	_ =	task.clear_ibuf [dreg:s7], $0x6FFFF;
	_ =	strace $0x90000046  }
0xb3: {  	s29 =	simm.s32 $0xA;
	_ =	strace $0x80000048  }
0xb4: {  	_ =	swait.ge [sflag:s29], $0x1  }
0xb5: {  	[sflag:s29] =	ssyncadd.s32 $0xFFFFFFFF  }
0xb6: {  	_ =	strace $0x90000048  }
0xb7: {  	_ =	sfence  }
0xb8: {  	s30 =	sld [smem:$0x0];
	_ =	sdelay $0x2  }
0xb9: {  	s31 =	sshll.u32 s1, $0xD;
	s1 =	sshrl.u32 s1, $0x2  }
0xba: {  	s3 =	sand.u32 $0x4000, s31;
	s1 =	sadd.s32 s1, s30  }
0xbb: {  	s0 =	sor.u32 s3, s0;
	s1 =	sshll.u32 s1, $0x11  }
0xbc: {  	s0 =	sor.u32 s1, s0  }
0xbd: {  	s0 =	sadd.s32 $0x8F2B, s0  }
0xbe: {  	[sflag:s0] =	ssyncadd.remote.s32 $0x1  }
0xbf: {  	_ =	sfence.sel $0xFFFF  }
0xc0: {  	[dreg:$0x0] =	wrdreg $0xFFFFFFFF;
	(pc) =	sbr.abs _section_cstart, $3  }
0xc1: {  	[dreg:$0x1] =	wrdreg $0xFFFFFFFF  }
0xc2: {  	_ =	task.clear_ibuf [dreg:s7], $0x2FFFF;
	_ =	strace $0x9FFFFFFF  }
0xc3: {  	(tm) =	ssettm $0x7FFFFFFF  }
tec
execute0_lowered:
.L_overlay_start_1:
0x0: {  	(tag) =	ssettag $0x1  }
0x1: {  	s1 =	rddreg [dreg:$0x0]  }
0x2: {  	s0 =	srdreg.scid;
	s2 =	rddreg [dreg:$0x1]  }
0x3: {  	s10 =	stileid.u32;
	s3 =	rddreg [dreg:$0x2];
	s4 =	simm.s32 $0x0  }
0x4: {  	s28 =	simm.s32 $0x4;
	s29 =	simm.s32 $0x180;
	s30 =	simm.s32 $0x2  }
0x5: {  	s31 =	simm.s32 $0x480;
	s0 =	sand.u32 $0x1, s0;
	s5 =	smul.u32 $0x5000, s10  }
0x6: {  	[smem:$0x7FF] =	sst s4;
	s11 =	smul.u32 $0x4F000, s10;
	s18 =	sadd.s32 $0x128400, s3  }
0x7: {  	s19 =	sadd.s32 $0x12C400, s3;
	_ =	strace $0x80000047;
	[dreg:$0xa] =	wrdreg s18  }
0x8: {  	s9 =	smul.u32 $0x13C00, s10;
	s20 =	sadd.s32 $0x130400, s3;
	[dreg:$0xb] =	wrdreg s19  }
0x9: {  	s21 =	sadd.s32 $0x134400, s3;
	s23 =	sadd.s32 $0x138400, s3;
	[dreg:$0xc] =	wrdreg s20  }
0xa: {  	p0 =	seq.s32 s10, $0xF;
	s6 =	smul.u32 $0x2800, s0;
	[dreg:$0xd] =	wrdreg s21  }
0xb: {  	s8 =	ssub.s32 $0x2, s0;
	s0 =	smul.u32 $0x139000, s0;
	[dreg:$0xe] =	wrdreg s23  }
0xc: {  	s19 =	simm.s32 $0x7;
	s20 =	simm.s32 $0x80;
	s21 =	simm.s32 $0x600  }
0xd: {  	s23 =	simm.s32 $0x100;
	s12 =	sshrl.u32 s11, $0x2;
	s13 =	sshrl.u32 s8, $0x1  }
0xe: {  	s11 =	simm.s32 $0x580;
	s5 =	sadd.s32 s6, s5;
	s17 =	sadd.s32 s12, s3  }
0xf: {  	s6 =	ssub.s32 s8, s13;
	s22 =	sadd.s32 s9, s0;
	s0 =	sshrl.u32 s0, $0x3  }
0x10: {  	s9 =	simm.s32 $0x280;
	s12 =	simm.s32 $0x300;
	s13 =	simm.s32 $0x380  }
0x11: {  	s5 =	sshrl.u32 s5, $0x3;
	s14 =	sadd.s32 $0x8000, s17;
	s15 =	sadd.s32 $0xC000, s17  }
0x12: {  	s16 =	sadd.s32 $0x10000, s17;
	s8 =	sshrl.u32 s22, $0x3;
	[dreg:$0x5] =	wrdreg s17  }
0x13: {  	s26 =	smax.u32 s6, $0x1;
	s22 =	simm.s32 $0x4600;
	[dreg:$0x7] =	wrdreg s14  }
0x14: {  	s6 =	simm.s32 $0x3;
	s7 =	sadd.s32 s5, s2;
	[dreg:$0x8] =	wrdreg s15  }
0x15: {  	s2 =	sadd.s32 $0x16C00, s2;
	s5 =	sadd.s32 $0x4000, s17;
	[dreg:$0x9] =	wrdreg s16  }
0x16: {  	[dreg:$0x11] =	wrdreg s26;
	s26 =	simm.s32 $0x1;
	s14 =	simm.s32 $0x0  }
0x17: {  	[dreg:$0x6] =	wrdreg s5;
	s24 =	sadd.s32 s2, s8;
	s0 =	sadd.s32 s2, s0  }
0x18: {  	s25 =	sadd.s32 $0xCC00, s7;
	s18 =	sadd.s32 $0x2C00, s7;
	s2 =	simm.s32 $0x5  }
0x19: {  	s7 =	simm.s32 $0x500;
	s8 =	simm.s32 $0x6;
	[dreg:$0xf] =	wrdreg s24  }
0x1a: {  	s0 =	sadd.s32 $0x25080, s0;
	[dreg:$0x4] =	wrdreg s25;
	s24 =	simm.s32 $0x8600  }
0x1b: {  	v0 =	vimm.f32 $0.0e+00;
	s25 =	simm.s32 $0x400;
	[dreg:$0x10] =	wrdreg s0;
	s0 =	simm.s32 $0x200  }
.LBB2_1:
0x1c: {  	s15 =	simm.s32 $0x0;
	s16 =	simm.s32 $0x200  }
.LBB2_2:
0x1d: {  	p1 =	sne.s32 s16, $0xFE00;
	[tilespmem:s15+$0x670] =	vst v0  }
0x1e: {  	[tilespmem:s15+$0x600] =	vst v0  }
0x1f: {  	[tilespmem:s15+$0x610] =	vst v0  }
.Ltmp0:
0x20: {  	[tilespmem:s15+$0x620] =	vst v0;
	(pc) =	sbr.rel @p1 .LBB2_2-.Ltmp0, $4  }
0x21: {  	[tilespmem:s15+$0x630] =	vst v0  }
0x22: {  	[tilespmem:s15+$0x640] =	vst v0  }
0x23: {  	[tilespmem:s15+$0x650] =	vst v0  }
0x24: {  	[tilespmem:s15+$0x660] =	vst v0;
	s15 =	sshra.s32 s16, $0x2;
	s16 =	sadd.s32 $0x200, s16  }
0x25: {  	[tilespmem:s15+$0x670] =	vst v0  }
0x26: {  	[tilespmem:s15+$0x600] =	vst v0  }
0x27: {  	[tilespmem:s15+$0x610] =	vst v0  }
0x28: {  	[tilespmem:s15+$0x620] =	vst v0  }
0x29: {  	[tilespmem:s15+$0x630] =	vst v0  }
0x2a: {  	[tilespmem:s15+$0x640] =	vst v0  }
0x2b: {  	[tilespmem:s15+$0x650] =	vst v0  }
0x2c: {  	[tilespmem:s15+$0x660] =	vst v0;
	s15 =	simm.s32 @p0 $0x600;
	s5 =	rddreg [dreg:$0xa];
	s16 =	simm.s32 @p0 $0x7  }
0x2d: {  	[spmem:s5] =	stream.linear.scatter @p0 [tilespmem:s15], [sflag:$0x7], $0x4000, $0x38;
	[tilespmem:$0x1FF00] =	vst v63  }
0x2e: {  	_ =	swait.ge @p0 [sflag:s16], $0x4000  }
0x2f: {  	[sflag:s16] =	ssyncset.done @p0 $0x0  }
0x30: {  	s5 =	rddreg [dreg:$0xb];
	[sflag:s16] =	ssyncadd.s32 @p0 $0xFFFFC000  }
0x31: {  	[spmem:s5] =	stream.linear.scatter @p0 [tilespmem:s15], [sflag:$0x7], $0x4000, $0x38;
	[tilespmem:$0x1FF00] =	vst v63  }
0x32: {  	_ =	swait.ge @p0 [sflag:s16], $0x4000  }
0x33: {  	[sflag:s16] =	ssyncset.done @p0 $0x0  }
0x34: {  	s5 =	rddreg [dreg:$0xc];
	[sflag:s16] =	ssyncadd.s32 @p0 $0xFFFFC000  }
0x35: {  	[spmem:s5] =	stream.linear.scatter @p0 [tilespmem:s15], [sflag:$0x7], $0x4000, $0x38;
	[tilespmem:$0x1FF00] =	vst v63  }
0x36: {  	_ =	swait.ge @p0 [sflag:s16], $0x4000  }
0x37: {  	[sflag:s16] =	ssyncset.done @p0 $0x0  }
0x38: {  	s5 =	rddreg [dreg:$0xd];
	[sflag:s16] =	ssyncadd.s32 @p0 $0xFFFFC000  }
0x39: {  	[spmem:s5] =	stream.linear.scatter @p0 [tilespmem:s15], [sflag:$0x7], $0x4000, $0x38;
	[tilespmem:$0x1FF00] =	vst v63  }
0x3a: {  	_ =	swait.ge @p0 [sflag:s16], $0x4000  }
0x3b: {  	[sflag:s16] =	ssyncset.done @p0 $0x0  }
0x3c: {  	s5 =	rddreg [dreg:$0xe];
	[sflag:s16] =	ssyncadd.s32 @p0 $0xFFFFC000  }
0x3d: {  	[spmem:s5] =	stream.linear.scatter @p0 [tilespmem:s15], [sflag:$0x7], $0xC00, $0x38;
	[tilespmem:$0x1FF00] =	vst v63  }
0x3e: {  	_ =	swait.ge @p0 [sflag:s16], $0xC00  }
0x3f: {  	[sflag:s16] =	ssyncset.done @p0 $0x0  }
0x40: {  	s15 =	simm.s32 @!p0 $0x600;
	[sflag:s16] =	ssyncadd.s32 @p0 $0xFFFFF400;
	s16 =	simm.s32 @!p0 $0x7  }
0x41: {  	[spmem:s17] =	stream.linear.scatter @!p0 [tilespmem:s15], [sflag:$0x7], $0x4000, $0x38;
	[tilespmem:$0x1FF00] =	vst v63  }
0x42: {  	_ =	swait.ge @!p0 [sflag:s16], $0x4000  }
0x43: {  	[sflag:s16] =	ssyncset.done @!p0 $0x0  }
0x44: {  	s5 =	rddreg [dreg:$0x6];
	[sflag:s16] =	ssyncadd.s32 @!p0 $0xFFFFC000  }
0x45: {  	[spmem:s5] =	stream.linear.scatter @!p0 [tilespmem:s15], [sflag:$0x7], $0x4000, $0x38;
	[tilespmem:$0x1FF00] =	vst v63  }
0x46: {  	_ =	swait.ge @!p0 [sflag:s16], $0x4000  }
0x47: {  	[sflag:s16] =	ssyncset.done @!p0 $0x0  }
0x48: {  	s5 =	rddreg [dreg:$0x7];
	[sflag:s16] =	ssyncadd.s32 @!p0 $0xFFFFC000  }
0x49: {  	[spmem:s5] =	stream.linear.scatter @!p0 [tilespmem:s15], [sflag:$0x7], $0x4000, $0x38;
	[tilespmem:$0x1FF00] =	vst v63  }
0x4a: {  	_ =	swait.ge @!p0 [sflag:s16], $0x4000  }
0x4b: {  	[sflag:s16] =	ssyncset.done @!p0 $0x0  }
0x4c: {  	s5 =	rddreg [dreg:$0x8];
	[sflag:s16] =	ssyncadd.s32 @!p0 $0xFFFFC000  }
0x4d: {  	[spmem:s5] =	stream.linear.scatter @!p0 [tilespmem:s15], [sflag:$0x7], $0x4000, $0x38;
	[tilespmem:$0x1FF00] =	vst v63  }
0x4e: {  	_ =	swait.ge @!p0 [sflag:s16], $0x4000  }
0x4f: {  	[sflag:s16] =	ssyncset.done @!p0 $0x0  }
0x50: {  	s5 =	rddreg [dreg:$0x9];
	[sflag:s16] =	ssyncadd.s32 @!p0 $0xFFFFC000  }
0x51: {  	[spmem:s5] =	stream.linear.scatter @!p0 [tilespmem:s15], [sflag:$0x7], $0x3C00, $0x38;
	[tilespmem:$0x1FF00] =	vst v63  }
0x52: {  	_ =	swait.ge @!p0 [sflag:s16], $0x3C00  }
0x53: {  	[sflag:s16] =	ssyncset.done @!p0 $0x0  }
0x54: {  	[sflag:s16] =	ssyncadd.s32 @!p0 $0xFFFFC400  }
0x55: {  	s16 =	sadd.s32 $0x0, s18;
	[bflag:$0x0] =	sbarrier.arrive $0xFFFF  }
0x56: {  	[tilespmem:s4], [sflag:$0x7] =	stream.linear.gather [hbm4b:s16+s4], $0x400, $0x38;
	[tilespmem:$0x1FF00] =	vst v63  }
0x57: {  	_ =	swait.ge [sflag:s19], $0x400  }
0x58: {  	[sflag:s19] =	ssyncset.done $0x0  }
0x59: {  	[sflag:s19] =	ssyncadd.s32 $0xFFFFFC00  }
0x5a: {  	[tilespmem:s21], [sflag:$0x1] =	stream.indirect.gather [hbm4b:s1+s20], $0x80, s4, s20, $0xb8;
	[tilespmem:$0x1FF00] =	vst v63  }
0x5b: {  	_ = 	snop  }
0x5c: {  	[tilespmem:s22], [sflag:$0x2] =	stream.indirect.gather [hbm4b:s1+s20], $0x80, s20, s20, $0xb8;
	[tilespmem:$0x1FF00] =	vst v63  }
0x5d: {  	s17 =	rddreg [dreg:$0x4]  }
0x5e: {  	[tilespmem:s24], [sflag:$0x3] =	stream.indirect.gather [hbm4b:s1+s20], $0x80, s23, s20, $0xb8;
	[tilespmem:$0x1FF00] =	vst v63  }
0x5f: {  	s15 =	sadd.s32 $0x0, s17  }
0x60: {  	[tilespmem:s25], [sflag:$0x7] =	stream.linear.gather [hbm4b:s15+s4], $0x200, $0x38;
	[tilespmem:$0x1FF00] =	vst v63  }
0x61: {  	_ =	swait.ge [sflag:s19], $0x200  }
0x62: {  	[sflag:s19] =	ssyncset.done $0x0  }
0x63: {  	[sflag:s19] =	ssyncadd.s32 $0xFFFFFE00  }
0x64: {  	_ =	swait.ge [sflag:s26], $0x4000  }
0x65: {  	[sflag:s26] =	ssyncset.done $0x0  }
0x66: {  	[sflag:s26] =	ssyncadd.s32 $0xFFFFC000  }
0x67: {  	[spmem:s3] =	stream.indirect.scatter.add.f32 [tilespmem:s21], [sflag:$0x4], $0x80, s25, s20, $0xb8;
	[tilespmem:$0x1FF00] =	vst v63  }
0x68: {  	_ =	swait.ge [sflag:s28], $0x4000  }
0x69: {  	[sflag:s28] =	ssyncset.done $0x0  }
0x6a: {  	[sflag:s28] =	ssyncadd.s32 $0xFFFFC000  }
0x6b: {  	[tilespmem:s21], [sflag:$0x1] =	stream.indirect.gather [hbm4b:s1+s20], $0x80, s29, s20, $0xb8;
	[tilespmem:$0x1FF00] =	vst v63  }
0x6c: {  	_ =	swait.ge [sflag:s30], $0x4000  }
0x6d: {  	[sflag:s30] =	ssyncset.done $0x0  }
0x6e: {  	[sflag:s30] =	ssyncadd.s32 $0xFFFFC000  }
0x6f: {  	[spmem:s3] =	stream.indirect.scatter.add.f32 [tilespmem:s22], [sflag:$0x5], $0x80, s31, s20, $0xb8;
	[tilespmem:$0x1FF00] =	vst v63  }
0x70: {  	_ =	swait.ge [sflag:s2], $0x4000  }
0x71: {  	[sflag:s2] =	ssyncset.done $0x0  }
0x72: {  	[sflag:s2] =	ssyncadd.s32 $0xFFFFC000  }
0x73: {  	[tilespmem:s22], [sflag:$0x2] =	stream.indirect.gather [hbm4b:s1+s20], $0x80, s0, s20, $0xb8;
	[tilespmem:$0x1FF00] =	vst v63  }
0x74: {  	_ =	swait.ge [sflag:s6], $0x4000  }
0x75: {  	[sflag:s6] =	ssyncset.done $0x0  }
0x76: {  	[sflag:s6] =	ssyncadd.s32 $0xFFFFC000  }
0x77: {  	[spmem:s3] =	stream.indirect.scatter.add.f32 [tilespmem:s24], [sflag:$0x6], $0x80, s7, s20, $0xb8;
	[tilespmem:$0x1FF00] =	vst v63  }
0x78: {  	_ =	swait.ge [sflag:s8], $0x4000  }
0x79: {  	[sflag:s8] =	ssyncset.done $0x0  }
0x7a: {  	[sflag:s8] =	ssyncadd.s32 $0xFFFFC000  }
0x7b: {  	[tilespmem:s24], [sflag:$0x3] =	stream.indirect.gather [hbm4b:s1+s20], $0x80, s9, s20, $0xb8;
	[tilespmem:$0x1FF00] =	vst v63  }
0x7c: {  	_ =	swait.ge [sflag:s26], $0x4000  }
0x7d: {  	[sflag:s26] =	ssyncset.done $0x0  }
0x7e: {  	[sflag:s26] =	ssyncadd.s32 $0xFFFFC000  }
0x7f: {  	[spmem:s3] =	stream.indirect.scatter.add.f32 [tilespmem:s21], [sflag:$0x4], $0x80, s11, s20, $0xb8;
	[tilespmem:$0x1FF00] =	vst v63  }
0x80: {  	_ =	swait.ge [sflag:s28], $0x4000  }
0x81: {  	[sflag:s28] =	ssyncset.done $0x0  }
0x82: {  	[sflag:s28] =	ssyncadd.s32 $0xFFFFC000  }
0x83: {  	[tilespmem:s21], [sflag:$0x1] =	stream.indirect.gather [hbm4b:s1+s20], $0x80, s12, s20, $0xb8;
	[tilespmem:$0x1FF00] =	vst v63  }
0x84: {  	s15 =	sadd.s32 $0x40, s15  }
0x85: {  	[tilespmem:s25], [sflag:$0x7] =	stream.linear.gather [hbm4b:s15+s4], $0x200, $0x38;
	[tilespmem:$0x1FF00] =	vst v63  }
0x86: {  	_ =	swait.ge [sflag:s19], $0x200  }
0x87: {  	[sflag:s19] =	ssyncset.done $0x0  }
0x88: {  	[sflag:s19] =	ssyncadd.s32 $0xFFFFFE00  }
0x89: {  	_ =	swait.ge [sflag:s30], $0x4000  }
0x8a: {  	[sflag:s30] =	ssyncset.done $0x0  }
0x8b: {  	[sflag:s30] =	ssyncadd.s32 $0xFFFFC000  }
0x8c: {  	[spmem:s3] =	stream.indirect.scatter.add.f32 [tilespmem:s22], [sflag:$0x5], $0x80, s25, s20, $0xb8;
	[tilespmem:$0x1FF00] =	vst v63  }
0x8d: {  	_ =	swait.ge [sflag:s2], $0x4000  }
0x8e: {  	[sflag:s2] =	ssyncset.done $0x0  }
0x8f: {  	[sflag:s2] =	ssyncadd.s32 $0xFFFFC000  }
0x90: {  	[tilespmem:s22], [sflag:$0x2] =	stream.indirect.gather [hbm4b:s1+s20], $0x80, s13, s20, $0xb8;
	[tilespmem:$0x1FF00] =	vst v63  }
0x91: {  	_ =	swait.ge [sflag:s6], $0x4000  }
0x92: {  	[sflag:s6] =	ssyncset.done $0x0  }
0x93: {  	[sflag:s6] =	ssyncadd.s32 $0xFFFFC000  }
0x94: {  	[spmem:s3] =	stream.indirect.scatter.add.f32 [tilespmem:s24], [sflag:$0x6], $0x80, s31, s20, $0xb8;
	[tilespmem:$0x1FF00] =	vst v63  }
0x95: {  	_ =	swait.ge [sflag:s8], $0x4000  }
0x96: {  	[sflag:s8] =	ssyncset.done $0x0  }
0x97: {  	[sflag:s8] =	ssyncadd.s32 $0xFFFFC000  }
0x98: {  	_ =	swait.ge [sflag:s26], $0x4000  }
0x99: {  	[sflag:s26] =	ssyncset.done $0x0  }
0x9a: {  	[sflag:s26] =	ssyncadd.s32 $0xFFFFC000  }
0x9b: {  	[spmem:s3] =	stream.indirect.scatter.add.f32 [tilespmem:s21], [sflag:$0x4], $0x80, s7, s20, $0xb8;
	[tilespmem:$0x1FF00] =	vst v63  }
0x9c: {  	_ =	swait.ge [sflag:s28], $0x4000  }
0x9d: {  	[sflag:s28] =	ssyncset.done $0x0  }
0x9e: {  	[sflag:s28] =	ssyncadd.s32 $0xFFFFC000  }
0x9f: {  	_ =	swait.ge [sflag:s30], $0x4000  }
0xa0: {  	[sflag:s30] =	ssyncset.done $0x0  }
0xa1: {  	[sflag:s30] =	ssyncadd.s32 $0xFFFFC000  }
0xa2: {  	[spmem:s3] =	stream.indirect.scatter.add.f32 [tilespmem:s22], [sflag:$0x5], $0x80, s11, s20, $0xb8;
	[tilespmem:$0x1FF00] =	vst v63  }
0xa3: {  	_ =	swait.ge [sflag:s2], $0x4000  }
0xa4: {  	s17 =	simm.s32 $0x100;
	s15 =	simm.s32 $0x80;
	[sflag:s2] =	ssyncset.done $0x0  }
.LBB2_4:
0xa5: {  	s10 =	sadd.s32 s15, s18;
	[sflag:s2] =	ssyncadd.s32 $0xFFFFC000  }
0xa6: {  	[tilespmem:s4], [sflag:$0x7] =	stream.linear.gather [hbm4b:s10+s4], $0x400, $0x38;
	[tilespmem:$0x1FF00] =	vst v63  }
0xa7: {  	_ =	swait.ge [sflag:s19], $0x400  }
0xa8: {  	[sflag:s19] =	ssyncset.done $0x0  }
0xa9: {  	[sflag:s19] =	ssyncadd.s32 $0xFFFFFC00  }
0xaa: {  	[tilespmem:s21], [sflag:$0x1] =	stream.indirect.gather [hbm4b:s1+s20], $0x80, s4, s20, $0xb8;
	[tilespmem:$0x1FF00] =	vst v63  }
0xab: {  	s5 =	smov.u32 s17  }
0xac: {  	[tilespmem:s22], [sflag:$0x2] =	stream.indirect.gather [hbm4b:s1+s20], $0x80, s20, s20, $0xb8;
	[tilespmem:$0x1FF00] =	vst v63  }
0xad: {  	s16 =	sadd.s32 $0x80, s17;
	p1 =	sne.s32 s17, $0x480;
	s17 =	rddreg [dreg:$0x4]  }
0xae: {  	[tilespmem:s24], [sflag:$0x3] =	stream.indirect.gather [hbm4b:s1+s20], $0x80, s23, s20, $0xb8;
	[tilespmem:$0x1FF00] =	vst v63  }
0xaf: {  	s10 =	sadd.s32 s15, s17  }
0xb0: {  	[tilespmem:s25], [sflag:$0x7] =	stream.linear.gather [hbm4b:s10+s4], $0x200, $0x38;
	[tilespmem:$0x1FF00] =	vst v63  }
0xb1: {  	_ =	swait.ge [sflag:s19], $0x200  }
0xb2: {  	[sflag:s19] =	ssyncset.done $0x0  }
0xb3: {  	[sflag:s19] =	ssyncadd.s32 $0xFFFFFE00  }
0xb4: {  	_ =	swait.ge [sflag:s26], $0x4000  }
0xb5: {  	[sflag:s26] =	ssyncset.done $0x0  }
0xb6: {  	[sflag:s26] =	ssyncadd.s32 $0xFFFFC000  }
0xb7: {  	[spmem:s3] =	stream.indirect.scatter.add.f32 [tilespmem:s21], [sflag:$0x4], $0x80, s25, s20, $0xb8;
	[tilespmem:$0x1FF00] =	vst v63  }
0xb8: {  	_ =	swait.ge [sflag:s28], $0x4000  }
0xb9: {  	[sflag:s28] =	ssyncset.done $0x0  }
0xba: {  	[sflag:s28] =	ssyncadd.s32 $0xFFFFC000  }
0xbb: {  	[tilespmem:s21], [sflag:$0x1] =	stream.indirect.gather [hbm4b:s1+s20], $0x80, s29, s20, $0xb8;
	[tilespmem:$0x1FF00] =	vst v63  }
0xbc: {  	_ =	swait.ge [sflag:s30], $0x4000  }
0xbd: {  	[sflag:s30] =	ssyncset.done $0x0  }
0xbe: {  	[sflag:s30] =	ssyncadd.s32 $0xFFFFC000  }
0xbf: {  	[spmem:s3] =	stream.indirect.scatter.add.f32 [tilespmem:s22], [sflag:$0x5], $0x80, s31, s20, $0xb8;
	[tilespmem:$0x1FF00] =	vst v63  }
0xc0: {  	_ =	swait.ge [sflag:s2], $0x4000  }
0xc1: {  	[sflag:s2] =	ssyncset.done $0x0  }
0xc2: {  	[sflag:s2] =	ssyncadd.s32 $0xFFFFC000  }
0xc3: {  	[tilespmem:s22], [sflag:$0x2] =	stream.indirect.gather [hbm4b:s1+s20], $0x80, s0, s20, $0xb8;
	[tilespmem:$0x1FF00] =	vst v63  }
0xc4: {  	_ =	swait.ge [sflag:s6], $0x4000  }
0xc5: {  	[sflag:s6] =	ssyncset.done $0x0  }
0xc6: {  	[sflag:s6] =	ssyncadd.s32 $0xFFFFC000  }
0xc7: {  	[spmem:s3] =	stream.indirect.scatter.add.f32 [tilespmem:s24], [sflag:$0x6], $0x80, s7, s20, $0xb8;
	[tilespmem:$0x1FF00] =	vst v63  }
0xc8: {  	_ =	swait.ge [sflag:s8], $0x4000  }
0xc9: {  	[sflag:s8] =	ssyncset.done $0x0  }
0xca: {  	[sflag:s8] =	ssyncadd.s32 $0xFFFFC000  }
0xcb: {  	[tilespmem:s24], [sflag:$0x3] =	stream.indirect.gather [hbm4b:s1+s20], $0x80, s9, s20, $0xb8;
	[tilespmem:$0x1FF00] =	vst v63  }
0xcc: {  	_ =	swait.ge [sflag:s26], $0x4000  }
0xcd: {  	[sflag:s26] =	ssyncset.done $0x0  }
0xce: {  	[sflag:s26] =	ssyncadd.s32 $0xFFFFC000  }
0xcf: {  	[spmem:s3] =	stream.indirect.scatter.add.f32 [tilespmem:s21], [sflag:$0x4], $0x80, s11, s20, $0xb8;
	[tilespmem:$0x1FF00] =	vst v63  }
0xd0: {  	_ =	swait.ge [sflag:s28], $0x4000  }
0xd1: {  	[sflag:s28] =	ssyncset.done $0x0  }
0xd2: {  	[sflag:s28] =	ssyncadd.s32 $0xFFFFC000  }
0xd3: {  	[tilespmem:s21], [sflag:$0x1] =	stream.indirect.gather [hbm4b:s1+s20], $0x80, s12, s20, $0xb8;
	[tilespmem:$0x1FF00] =	vst v63  }
0xd4: {  	s17 =	sadd.s32 $0x40, s10  }
0xd5: {  	[tilespmem:s25], [sflag:$0x7] =	stream.linear.gather [hbm4b:s17+s4], $0x200, $0x38;
	[tilespmem:$0x1FF00] =	vst v63  }
0xd6: {  	_ =	swait.ge [sflag:s19], $0x200  }
0xd7: {  	[sflag:s19] =	ssyncset.done $0x0  }
0xd8: {  	[sflag:s19] =	ssyncadd.s32 $0xFFFFFE00  }
0xd9: {  	_ =	swait.ge [sflag:s30], $0x4000  }
0xda: {  	[sflag:s30] =	ssyncset.done $0x0  }
0xdb: {  	[sflag:s30] =	ssyncadd.s32 $0xFFFFC000  }
0xdc: {  	[spmem:s3] =	stream.indirect.scatter.add.f32 [tilespmem:s22], [sflag:$0x5], $0x80, s25, s20, $0xb8;
	[tilespmem:$0x1FF00] =	vst v63  }
0xdd: {  	_ =	swait.ge [sflag:s2], $0x4000  }
0xde: {  	[sflag:s2] =	ssyncset.done $0x0  }
0xdf: {  	[sflag:s2] =	ssyncadd.s32 $0xFFFFC000  }
0xe0: {  	[tilespmem:s22], [sflag:$0x2] =	stream.indirect.gather [hbm4b:s1+s20], $0x80, s13, s20, $0xb8;
	[tilespmem:$0x1FF00] =	vst v63  }
0xe1: {  	_ =	swait.ge [sflag:s6], $0x4000  }
0xe2: {  	[sflag:s6] =	ssyncset.done $0x0  }
0xe3: {  	[sflag:s6] =	ssyncadd.s32 $0xFFFFC000  }
0xe4: {  	[spmem:s3] =	stream.indirect.scatter.add.f32 [tilespmem:s24], [sflag:$0x6], $0x80, s31, s20, $0xb8;
	[tilespmem:$0x1FF00] =	vst v63  }
0xe5: {  	_ =	swait.ge [sflag:s8], $0x4000  }
0xe6: {  	[sflag:s8] =	ssyncset.done $0x0  }
0xe7: {  	[sflag:s8] =	ssyncadd.s32 $0xFFFFC000  }
0xe8: {  	_ =	swait.ge [sflag:s26], $0x4000  }
0xe9: {  	[sflag:s26] =	ssyncset.done $0x0  }
0xea: {  	[sflag:s26] =	ssyncadd.s32 $0xFFFFC000  }
0xeb: {  	[spmem:s3] =	stream.indirect.scatter.add.f32 [tilespmem:s21], [sflag:$0x4], $0x80, s7, s20, $0xb8;
	[tilespmem:$0x1FF00] =	vst v63  }
0xec: {  	_ =	swait.ge [sflag:s28], $0x4000  }
0xed: {  	[sflag:s28] =	ssyncset.done $0x0  }
0xee: {  	[sflag:s28] =	ssyncadd.s32 $0xFFFFC000  }
0xef: {  	_ =	swait.ge [sflag:s30], $0x4000  }
.Ltmp1:
0xf0: {  	[sflag:s30] =	ssyncset.done $0x0;
	(pc) =	sbr.rel @p1 .LBB2_4-.Ltmp1, $4  }
0xf1: {  	[sflag:s30] =	ssyncadd.s32 $0xFFFFC000  }
0xf2: {  	[spmem:s3] =	stream.indirect.scatter.add.f32 [tilespmem:s22], [sflag:$0x5], $0x80, s11, s20, $0xb8;
	[tilespmem:$0x1FF00] =	vst v63  }
0xf3: {  	_ =	swait.ge [sflag:s2], $0x4000  }
0xf4: {  	s15 =	smov.u32 s5;
	s17 =	smov.u32 s16;
	[sflag:s2] =	ssyncset.done $0x0  }
0xf5: {  	s5 =	sadd.s32 s15, s18;
	[sflag:s2] =	ssyncadd.s32 $0xFFFFC000  }
0xf6: {  	[tilespmem:s4], [sflag:$0x7] =	stream.linear.gather [hbm4b:s5+s4], $0x400, $0x38;
	[tilespmem:$0x1FF00] =	vst v63  }
0xf7: {  	_ =	swait.ge [sflag:s19], $0x400  }
0xf8: {  	[sflag:s19] =	ssyncset.done $0x0  }
0xf9: {  	[sflag:s19] =	ssyncadd.s32 $0xFFFFFC00  }
0xfa: {  	[tilespmem:s21], [sflag:$0x1] =	stream.indirect.gather [hbm4b:s1+s20], $0x80, s4, s20, $0xb8;
	[tilespmem:$0x1FF00] =	vst v63  }
0xfb: {  	_ = 	snop  }
0xfc: {  	[tilespmem:s22], [sflag:$0x2] =	stream.indirect.gather [hbm4b:s1+s20], $0x80, s20, s20, $0xb8;
	[tilespmem:$0x1FF00] =	vst v63  }
0xfd: {  	s10 =	rddreg [dreg:$0x4]  }
0xfe: {  	[tilespmem:s24], [sflag:$0x3] =	stream.indirect.gather [hbm4b:s1+s20], $0x80, s23, s20, $0xb8;
	[tilespmem:$0x1FF00] =	vst v63  }
0xff: {  	s5 =	sadd.s32 s15, s10  }
0x100: {  	[tilespmem:s25], [sflag:$0x7] =	stream.linear.gather [hbm4b:s5+s4], $0x200, $0x38;
	[tilespmem:$0x1FF00] =	vst v63  }
0x101: {  	_ =	swait.ge [sflag:s19], $0x200  }
0x102: {  	[sflag:s19] =	ssyncset.done $0x0  }
0x103: {  	[sflag:s19] =	ssyncadd.s32 $0xFFFFFE00  }
0x104: {  	_ =	swait.ge [sflag:s26], $0x4000  }
0x105: {  	[sflag:s26] =	ssyncset.done $0x0  }
0x106: {  	[sflag:s26] =	ssyncadd.s32 $0xFFFFC000  }
0x107: {  	[spmem:s3] =	stream.indirect.scatter.add.f32 [tilespmem:s21], [sflag:$0x4], $0x80, s25, s20, $0xb8;
	[tilespmem:$0x1FF00] =	vst v63  }
0x108: {  	_ =	swait.ge [sflag:s28], $0x4000  }
0x109: {  	[sflag:s28] =	ssyncset.done $0x0  }
0x10a: {  	[sflag:s28] =	ssyncadd.s32 $0xFFFFC000  }
0x10b: {  	[tilespmem:s21], [sflag:$0x1] =	stream.indirect.gather [hbm4b:s1+s20], $0x80, s29, s20, $0xb8;
	[tilespmem:$0x1FF00] =	vst v63  }
0x10c: {  	_ =	swait.ge [sflag:s30], $0x4000  }
0x10d: {  	[sflag:s30] =	ssyncset.done $0x0  }
0x10e: {  	[sflag:s30] =	ssyncadd.s32 $0xFFFFC000  }
0x10f: {  	[spmem:s3] =	stream.indirect.scatter.add.f32 [tilespmem:s22], [sflag:$0x5], $0x80, s31, s20, $0xb8;
	[tilespmem:$0x1FF00] =	vst v63  }
0x110: {  	_ =	swait.ge [sflag:s2], $0x4000  }
0x111: {  	[sflag:s2] =	ssyncset.done $0x0  }
0x112: {  	[sflag:s2] =	ssyncadd.s32 $0xFFFFC000  }
0x113: {  	[tilespmem:s22], [sflag:$0x2] =	stream.indirect.gather [hbm4b:s1+s20], $0x80, s0, s20, $0xb8;
	[tilespmem:$0x1FF00] =	vst v63  }
0x114: {  	_ =	swait.ge [sflag:s6], $0x4000  }
0x115: {  	[sflag:s6] =	ssyncset.done $0x0  }
0x116: {  	[sflag:s6] =	ssyncadd.s32 $0xFFFFC000  }
0x117: {  	[spmem:s3] =	stream.indirect.scatter.add.f32 [tilespmem:s24], [sflag:$0x6], $0x80, s7, s20, $0xb8;
	[tilespmem:$0x1FF00] =	vst v63  }
0x118: {  	_ =	swait.ge [sflag:s8], $0x4000  }
0x119: {  	[sflag:s8] =	ssyncset.done $0x0  }
0x11a: {  	[sflag:s8] =	ssyncadd.s32 $0xFFFFC000  }
0x11b: {  	[tilespmem:s24], [sflag:$0x3] =	stream.indirect.gather [hbm4b:s1+s20], $0x80, s9, s20, $0xb8;
	[tilespmem:$0x1FF00] =	vst v63  }
0x11c: {  	_ =	swait.ge [sflag:s26], $0x4000  }
0x11d: {  	[sflag:s26] =	ssyncset.done $0x0  }
0x11e: {  	[sflag:s26] =	ssyncadd.s32 $0xFFFFC000  }
0x11f: {  	[spmem:s3] =	stream.indirect.scatter.add.f32 [tilespmem:s21], [sflag:$0x4], $0x80, s11, s20, $0xb8;
	[tilespmem:$0x1FF00] =	vst v63  }
0x120: {  	_ =	swait.ge [sflag:s28], $0x4000  }
0x121: {  	[sflag:s28] =	ssyncset.done $0x0  }
0x122: {  	[sflag:s28] =	ssyncadd.s32 $0xFFFFC000  }
0x123: {  	[tilespmem:s21], [sflag:$0x1] =	stream.indirect.gather [hbm4b:s1+s20], $0x80, s12, s20, $0xb8;
	[tilespmem:$0x1FF00] =	vst v63  }
0x124: {  	s5 =	sadd.s32 $0x40, s5  }
0x125: {  	[tilespmem:s25], [sflag:$0x7] =	stream.linear.gather [hbm4b:s5+s4], $0x200, $0x38;
	[tilespmem:$0x1FF00] =	vst v63  }
0x126: {  	_ =	swait.ge [sflag:s19], $0x200  }
0x127: {  	[sflag:s19] =	ssyncset.done $0x0  }
0x128: {  	[sflag:s19] =	ssyncadd.s32 $0xFFFFFE00  }
0x129: {  	_ =	swait.ge [sflag:s30], $0x4000  }
0x12a: {  	[sflag:s30] =	ssyncset.done $0x0  }
0x12b: {  	[sflag:s30] =	ssyncadd.s32 $0xFFFFC000  }
0x12c: {  	[spmem:s3] =	stream.indirect.scatter.add.f32 [tilespmem:s22], [sflag:$0x5], $0x80, s25, s20, $0xb8;
	[tilespmem:$0x1FF00] =	vst v63  }
0x12d: {  	_ =	swait.ge [sflag:s2], $0x4000  }
0x12e: {  	[sflag:s2] =	ssyncset.done $0x0  }
0x12f: {  	[sflag:s2] =	ssyncadd.s32 $0xFFFFC000  }
0x130: {  	[tilespmem:s22], [sflag:$0x2] =	stream.indirect.gather [hbm4b:s1+s20], $0x80, s13, s20, $0xb8;
	[tilespmem:$0x1FF00] =	vst v63  }
0x131: {  	_ =	swait.ge [sflag:s6], $0x4000  }
0x132: {  	[sflag:s6] =	ssyncset.done $0x0  }
0x133: {  	[sflag:s6] =	ssyncadd.s32 $0xFFFFC000  }
0x134: {  	[spmem:s3] =	stream.indirect.scatter.add.f32 [tilespmem:s24], [sflag:$0x6], $0x80, s31, s20, $0xb8;
	[tilespmem:$0x1FF00] =	vst v63  }
0x135: {  	_ =	swait.ge [sflag:s8], $0x4000  }
0x136: {  	[sflag:s8] =	ssyncset.done $0x0  }
0x137: {  	[sflag:s8] =	ssyncadd.s32 $0xFFFFC000  }
0x138: {  	_ =	swait.ge [sflag:s26], $0x4000  }
0x139: {  	[sflag:s26] =	ssyncset.done $0x0  }
0x13a: {  	[sflag:s26] =	ssyncadd.s32 $0xFFFFC000  }
0x13b: {  	[spmem:s3] =	stream.indirect.scatter.add.f32 [tilespmem:s21], [sflag:$0x4], $0x80, s7, s20, $0xb8;
	[tilespmem:$0x1FF00] =	vst v63  }
0x13c: {  	_ =	swait.ge [sflag:s28], $0x4000  }
0x13d: {  	[sflag:s28] =	ssyncset.done $0x0  }
0x13e: {  	[sflag:s28] =	ssyncadd.s32 $0xFFFFC000  }
0x13f: {  	_ =	swait.ge [sflag:s30], $0x4000  }
0x140: {  	[sflag:s30] =	ssyncset.done $0x0  }
0x141: {  	[sflag:s30] =	ssyncadd.s32 $0xFFFFC000  }
0x142: {  	[spmem:s3] =	stream.indirect.scatter.add.f32 [tilespmem:s22], [sflag:$0x5], $0x80, s11, s20, $0xb8;
	[tilespmem:$0x1FF00] =	vst v63  }
0x143: {  	_ =	swait.ge [sflag:s2], $0x4000  }
0x144: {  	[sflag:s2] =	ssyncset.done $0x0  }
0x145: {  	[sflag:s2] =	ssyncadd.s32 $0xFFFFC000  }
0x146: {  	[bflag:$0x0] =	sbarrier.arrive $0xFFFF  }
0x147: {  	s5 =	rddreg [dreg:$0xa]  }
0x148: {  	s10 =	simm.s32 @p0 $0x1FC7;
	s15 =	rddreg [dreg:$0x10];
	s5 =	sshrl.u32 @p0 s5, $0x3  }
0x149: {  	[hbm:s15], [sflag:s10] =	dma.local @p0 [spmem:s5], $0x2180  }
0x14a: {  	s5 =	simm.s32 @p0 $0x7  }
0x14b: {  	_ =	swait.ge @p0 [sflag:s5], $0x2180  }
0x14c: {  	s10 =	stileid.u32;
	s17 =	rddreg [dreg:$0x5]  }
0x14d: {  	s10 =	sshll.u32 @!p0 s10, $0x6;
	[sflag:s5] =	ssyncset.done @p0 $0x0;
	s15 =	rddreg [dreg:$0xf]  }
0x14e: {  	[sflag:s5] =	ssyncadd.s32 @p0 $0xFFFFDE80;
	s5 =	sor.u32 @!p0 $0x1C07, s10;
	s10 =	sshrl.u32 @!p0 s17, $0x3  }
0x14f: {  	[hbm:s15], [sflag:s5] =	dma.local @!p0 [spmem:s10], $0x2780  }
0x150: {  	s5 =	simm.s32 @!p0 $0x7  }
0x151: {  	_ =	swait.ge @!p0 [sflag:s5], $0x2780  }
0x152: {  	s14 =	sadd.s32 $0x1, s14;
	s16 =	rddreg [dreg:$0x11]  }
0x153: {  	p1 =	sne.s32 s14, s16  }
.Ltmp2:
0x154: {  	_ = 	snop;
	(pc) =	sbr.rel @p1 .LBB2_1-.Ltmp2, $3  }
0x155: {  	_ =	sdelay $0x1  }
0x156: {  	[sflag:s5] =	ssyncset.done @!p0 $0x0  }
0x157: {  	[sflag:s5] =	ssyncadd.s32 @!p0 $0xFFFFD880  }
0x158: {  	_ =	sfence.sel $0x180000  }
0x159: {  	[bflag:$0x0] =	sbarrier.arrive $0xFFFF  }
0x15a: {  	_ =	strace $0x90000047  }
0x15b: {  	s0 =	stileid.u32;
	[bflag:$0x2] =	sbarrier.arrive $0xFFFF  }
0x15c: {  	p0 =	sne.s32 s0, $0x0;
	s0 =	rddreg [dreg:$0x3]  }
0x15d: {  	s0 =	sadd.s32 @!p0 $0x100000, s0  }
0x15e: {  	[sflag:s0] =	ssyncadd.tile.s32 @!p0 $0x1;
	_ =	shalt  }
.Lfunc_end2:
_tile_overlayer_lowered:
.L_overlay_start_2:
0x15f: {  	(tag) =	ssettag $0x2  }
0x160: {  	s0 =	rddreg [dreg:$0x0];
	s2 =	stileid.u32  }
0x161: {  	s1 =	rddreg [dreg:$0x1];
	p0 =	sne.s32 s2, $0x0  }
0x162: {  	s3 =	rddreg [dreg:$0x2];
	[bflag:$0x3] =	sbarrier.arrive $0xFFFF;
	s2 =	simm.s32 @!p0 $0x1C07  }
0x163: {  	[timem:s3], [sflag:s2] =	dma.local @!p0 [hbm:s0], s1  }
0x164: {  	s0 =	simm.s32 @!p0 $0x7  }
0x165: {  	_ =	swait.ge @!p0 [sflag:s0], s1  }
0x166: {  	s1 =	ssub.s32 @!p0 $0x0, s1;
	[sflag:s0] =	ssyncset.done @!p0 $0x0  }
0x167: {  	[sflag:s0] =	ssyncadd.s32 @!p0 s1  }
0x168: {  	[bflag:$0x3] =	sbarrier.arrive $0xFFFF  }
0x169: {  	_ =	shalt  }

// kernel: kernel.13.cloned.1.call-start
scs
__scs_entry_jumppad:
0x0: {  	(pc) =	sbr.rel $0x88, $3  }
0x1: {  	(tag) =	ssettag $0x0;
	lr =	simm.s32 $0x1  }
0x2: {  	[smem:$0x3F99] =	sst lr;
	_ =	strace $0xD0000000  }
0x3: {  	_ = 	snop  }
0x4: {  	_ = 	snop  }
0x5: {  	_ = 	snop  }
0x6: {  	_ = 	snop  }
0x7: {  	_ = 	snop  }
__scs_overlays_trampoline_lowered:
0x8: {  	[smem:$0x3FA8] =	sst s0  }
0x9: {  	[smem:$0x3FA9] =	sst s1  }
0xa: {  	[smem:$0x3FAA] =	sst s2  }
0xb: {  	[smem:$0x3FAB] =	sst s3  }
0xc: {  	[smem:$0x3FAC] =	sst s4  }
0xd: {  	[smem:$0x3FAD] =	sst s5  }
0xe: {  	[smem:$0x3FAE] =	sst s6  }
0xf: {  	[smem:$0x3FAF] =	sst s7  }
0x10: {  	[smem:$0x3FB0] =	sst s8  }
0x11: {  	[smem:$0x3FB1] =	sst s9;
	s0 =	simm.s32 @!p0 $0x0  }
0x12: {  	s1 =	sld [smem:$0x3F97];
	s0 =	simm.s32 @p0 $0x1  }
0x13: {  	[smem:$0x3FB2] =	sst s0;
	s0 =	simm.s32 @!p1 $0x0  }
0x14: {  	s2 =	sld [smem:$0x3F96];
	s0 =	simm.s32 @p1 $0x1  }
0x15: {  	[smem:$0x3FB3] =	sst s0;
	s0 =	simm.s32 @!p2 $0x0  }
0x16: {  	s3 =	sld [smem:$0x3FDB];
	s0 =	simm.s32 @p2 $0x1  }
0x17: {  	s4 =	simm.s32 $0x1BF5;
	[smem:$0x3FB5] =	sst s0  }
0x18: {  	s0 =	sld [smem:$0x3F98];
	_ =	swait.ge [sflag:s4], $0x0  }
0x19: {  	s7 =	sld [smem:$0x3F99]  }
0x1a: {  	s8 =	sadd.s32 $0xFFFFE003, lr  }
0x1b: {  	s9 =	sadd.s32 $0xFFFFFEF7, lr;
	s5 =	simm.s32 $0xFFFFFFFF;
	p2 =	slt.u32 s8, $0xFFFFF086  }
0x1c: {  	p1 =	slt.u32 s9, $0xF7A;
	s5 =	simm.s32 @!p2 $0x0  }
0x1d: {  	s5 =	simm.s32 @p1 $0x1;
	p0 =	seq.s32 s7, s2  }
0x1e: {  	s7 =	smul.u32 @!p0 $0xF7A, s2;
	p2 =	seq.s32 @!p0 s5, $0x0  }
0x1f: {  	s9 =	smul.u32 $0xF7A, s1;
	s8 =	simm.s32 @!p0 $0x1BF5;
	p2 =	por !p2, p0  }
0x20: {  	[sflag:s8] =	ssyncset.s32 @!p0 $0xFFFFF086;
	s6 =	sadd.s32 @!p0 s3, s7;
	s7 =	simm.s32 @!p0 $0x108  }
0x21: {  	s3 =	sadd.s32 s3, s9;
	s6 =	sadd.s32 @!p0 $0x88, s6;
	s7 =	simm.s32 @p2 $0x1082  }
0x22: {  	[simem:s7], [sflag:s8] =	dma.local @!p0 [hbm:s6], $0xF7A  }
0x23: {  	s9 =	sor.u32 $0xD0000000, s2;
	s6 =	simm.s32 $0x108;
	_ =	swait.ge @!p0 [sflag:s8], $0x0  }
0x24: {  	s3 =	sadd.s32 $0x88, s3;
	s6 =	simm.s32 @!p1 $0x1082;
	[sflag:s4] =	ssyncset.s32 $0xFFFFF086  }
0x25: {  	[simem:s6], [sflag:s4] =	dma.local [hbm:s3], $0xF7A  }
0x26: {  	[smem:$0x3F99] =	sst s1;
	(tag) =	ssettag s2;
	_ =	strace s9  }
0x27: {  	s1 =	sld [smem:$0x3FA9]  }
0x28: {  	s2 =	sld [smem:$0x3FAA]  }
0x29: {  	s4 =	sld [smem:$0x3FAC]  }
0x2a: {  	p0 =	seq.s32 s5, $0x0;
	s5 =	sld [smem:$0x3FAD]  }
0x2b: {  	s6 =	sld [smem:$0x3FAE]  }
0x2c: {  	s7 =	sld [smem:$0x3FAF]  }
0x2d: {  	s3 =	simm.s32 $0x108;
	s8 =	sld [smem:$0x3FB0]  }
0x2e: {  	s3 =	simm.s32 @!p0 $0x1082;
	s9 =	sld [smem:$0x3FB1]  }
0x2f: {  	lr =	sadd.s32 s0, s3;
	s0 =	sld [smem:$0x3FA8]  }
0x30: {  	s3 =	sld [smem:$0x3FAB]  }
0x31: {  	[smem:$0x3FB4] =	sst s10  }
0x32: {  	s10 =	sld [smem:$0x3FB2];
	_ =	sdelay $0x3  }
0x33: {  	p0 =	seq.s32 s10, $0x1;
	s10 =	sld [smem:$0x3FB4];
	_ =	sdelay $0x3  }
0x34: {  	[smem:$0x3FB4] =	sst s10  }
0x35: {  	s10 =	sld [smem:$0x3FB3];
	_ =	sdelay $0x3  }
0x36: {  	p1 =	seq.s32 s10, $0x1;
	s10 =	sld [smem:$0x3FB4];
	_ =	sdelay $0x3  }
0x37: {  	[smem:$0x3FB4] =	sst s10  }
0x38: {  	s10 =	sld [smem:$0x3FB5]  }
0x39: {  	_ = 	snop;
	(pc) =	sbr.ind lr, $3  }
0x3a: {  	_ = 	snop  }
0x3b: {  	_ = 	snop  }
0x3c: {  	p2 =	seq.s32 s10, $0x1;
	s10 =	sld [smem:$0x3FB4]  }
0x3d: {  	_ =	shalt  }
0x3e: {  	_ =	shalt  }
0x3f: {  	_ =	shalt  }
0x40: {  	_ =	shalt  }
0x41: {  	_ =	shalt  }
0x42: {  	_ =	shalt  }
0x43: {  	_ =	shalt  }
0x44: {  	_ =	shalt  }
0x45: {  	_ =	shalt  }
0x46: {  	_ =	shalt  }
0x47: {  	_ =	shalt  }
0x48: {  	_ =	shalt  }
0x49: {  	_ =	shalt  }
0x4a: {  	_ =	shalt  }
0x4b: {  	_ =	shalt  }
0x4c: {  	_ =	shalt  }
0x4d: {  	_ =	shalt  }
0x4e: {  	_ =	shalt  }
0x4f: {  	_ =	shalt  }
0x50: {  	_ =	shalt  }
0x51: {  	_ =	shalt  }
0x52: {  	_ =	shalt  }
0x53: {  	_ =	shalt  }
0x54: {  	_ =	shalt  }
0x55: {  	_ =	shalt  }
0x56: {  	_ =	shalt  }
0x57: {  	_ =	shalt  }
0x58: {  	_ =	shalt  }
0x59: {  	_ =	shalt  }
0x5a: {  	_ =	shalt  }
0x5b: {  	_ =	shalt  }
0x5c: {  	_ =	shalt  }
0x5d: {  	_ =	shalt  }
0x5e: {  	_ =	shalt  }
0x5f: {  	_ =	shalt  }
0x60: {  	_ =	shalt  }
0x61: {  	_ =	shalt  }
0x62: {  	_ =	shalt  }
0x63: {  	_ =	shalt  }
0x64: {  	_ =	shalt  }
0x65: {  	_ =	shalt  }
0x66: {  	_ =	shalt  }
0x67: {  	_ =	shalt  }
0x68: {  	_ =	shalt  }
0x69: {  	_ =	shalt  }
0x6a: {  	_ =	shalt  }
0x6b: {  	_ =	shalt  }
0x6c: {  	_ =	shalt  }
0x6d: {  	_ =	shalt  }
0x6e: {  	_ =	shalt  }
0x6f: {  	_ =	shalt  }
0x70: {  	_ =	shalt  }
0x71: {  	_ =	shalt  }
0x72: {  	_ =	shalt  }
0x73: {  	_ =	shalt  }
0x74: {  	_ =	shalt  }
0x75: {  	_ =	shalt  }
0x76: {  	_ =	shalt  }
0x77: {  	_ =	shalt  }
0x78: {  	_ =	shalt  }
0x79: {  	_ =	shalt  }
0x7a: {  	_ =	shalt  }
0x7b: {  	_ =	shalt  }
0x7c: {  	_ =	shalt  }
0x7d: {  	_ =	shalt  }
0x7e: {  	_ =	shalt  }
0x7f: {  	_ =	shalt  }
0x80: {  	_ =	shalt  }
0x81: {  	_ =	shalt  }
0x82: {  	_ =	shalt  }
0x83: {  	_ =	shalt  }
0x84: {  	_ =	shalt  }
0x85: {  	_ =	shalt  }
0x86: {  	_ =	shalt  }
0x87: {  	_ =	shalt  }
.Lfunc_end0:
.L_simem_size_0:
called_computation.2_lowered:
.L_overlay_start_0:
0x88: {  	s2 =	sld [smem:$0x3FD9]  }
0x89: {  	s3 =	sld [smem:$0x3FFE];
	_ =	sdelay $0x1  }
0x8a: {  	s1 =	srdreg.scid  }
0x8b: {  	s0 =	sand.u32 $0x1, s1  }
0x8c: {  	s17 =	sshll.u32 s0, $0xA;
	s2 =	sadd.s32 s3, s2  }
0x8d: {  	s2 =	sadd.s32 s2, s17  }
0x8e: {  	[smem:$0x3FC0] =	sst s2  }
0x8f: {  	_ = 	snop  }
0x90: {  	s2 =	sld [smem:$0x3FD0];
	(tm) =	ssettm $0x1  }
0x91: {  	s18 =	sld [smem:$0x3FFB];
	_ =	sdelay $0x3  }
0x92: {  	_ =	strace s18  }
0x93: {  	s3 =	sld [smem:$0x3FFC];
	_ =	sdelay $0x3  }
0x94: {  	_ =	strace s3  }
0x95: {  	s3 =	sld [smem:$0x3FFD];
	_ =	sdelay $0x3  }
0x96: {  	_ =	strace s3  }
0x97: {  	_ =	strace $0x8FFFFFFF  }
0x98: {  	s19 =	sld [smem:$0x3FDB];
	_ =	sdelay $0x1  }
0x99: {  	s4 =	simm.s32 $_scs_section_size  }
0x9a: {  	s5 =	simm.s32 $_size__tile_overlayer_lowered;
	s6 =	simm.s32 $_tile_overlayer_lowered  }
0x9b: {  	s22 =	simm.s32 $0x1BFF;
	s21 =	sshll.u32 s6, $0x1;
	s3 =	sadd.s32 s4, s19  }
0x9c: {  	s7 =	simm.s32 $0x0;
	s20 =	sshll.u32 s5, $0x1;
	s5 =	sadd.s32 s21, s3  }
0x9d: {  	[timem:s7], [sflag:s22] =	dma.local [hbm:s5], s20  }
0x9e: {  	_ =	swait.ge [sflag:s22], s20  }
0x9f: {  	s4 =	ssub.s32 $0x0, s20;
	[sflag:s22] =	ssyncset.done $0x0  }
0xa0: {  	[sflag:s22] =	ssyncadd.s32 s4;
	_ =	sdelay $0x1  }
0xa1: {  	s23 =	simm.s32 $0x1B8B  }
0xa2: {  	_ =	swait.ge [sflag:s23], $0x1  }
0xa3: {  	[sflag:s23] =	ssyncset.done $0x0  }
0xa4: {  	s25 =	simm.s32 $0x1B8E;
	s24 =	sld [smem:$0x3FFE];
	[sflag:s23] =	ssyncadd.s32 $0xFFFFFFFF  }
0xa5: {  	s26 =	simm.s32 $execute0_lowered;
	[smem:$0x3FD2] =	sst s25  }
0xa6: {  	s5 =	sshll.u32 s26, $0x1;
	_ =	strace $0x8000004C;
	[dreg:$0x1] =	wrdreg $0xFFFFFFFF  }
0xa7: {  	s28 =	simm.s32 $_size_execute0_lowered;
	s3 =	sadd.s32 s3, s5;
	[dreg:$0x0] =	wrdreg $0x0  }
0xa8: {  	s5 =	sshll.u32 s28, $0x1;
	[dreg:$0x2] =	wrdreg s3  }
0xa9: {  	[dreg:$0x3] =	wrdreg s5  }
0xaa: {  	[dreg:$0x4] =	wrdreg $0xC0  }
0xab: {  	_ =	task [dreg:s7], $0x5FFFF  }
0xac: {  	[dreg:$0x1] =	wrdreg $0xFFFFFFFF  }
0xad: {  	[dreg:$0x0] =	wrdreg $0x60  }
0xae: {  	[dreg:$0x2] =	wrdreg s2  }
0xaf: {  	[dreg:$0x3] =	wrdreg s24  }
0xb0: {  	[dreg:$0x4] =	wrdreg $0xC6000  }
0xb1: {  	[dreg:$0x5] =	wrdreg $0x9  }
0xb2: {  	_ =	task.clear_ibuf [dreg:s7], $0x6FFFF;
	_ =	strace $0x9000004C  }
0xb3: {  	s29 =	simm.s32 $0x9;
	_ =	strace $0x8000004E  }
0xb4: {  	_ =	swait.ge [sflag:s29], $0x1  }
0xb5: {  	[sflag:s29] =	ssyncadd.s32 $0xFFFFFFFF  }
0xb6: {  	_ =	strace $0x9000004E  }
0xb7: {  	_ =	sfence  }
0xb8: {  	s30 =	sld [smem:$0x0];
	_ =	sdelay $0x2  }
0xb9: {  	s31 =	sshll.u32 s1, $0xD;
	s1 =	sshrl.u32 s1, $0x2  }
0xba: {  	s3 =	sand.u32 $0x4000, s31;
	s1 =	sadd.s32 s1, s30  }
0xbb: {  	s0 =	sor.u32 s3, s0;
	s1 =	sshll.u32 s1, $0x11  }
0xbc: {  	s0 =	sor.u32 s1, s0  }
0xbd: {  	s0 =	sadd.s32 $0x8F2B, s0  }
0xbe: {  	[sflag:s0] =	ssyncadd.remote.s32 $0x1  }
0xbf: {  	_ =	sfence.sel $0xFFFF  }
0xc0: {  	[dreg:$0x0] =	wrdreg $0xFFFFFFFF;
	(pc) =	sbr.abs _section_cstart, $3  }
0xc1: {  	[dreg:$0x1] =	wrdreg $0xFFFFFFFF  }
0xc2: {  	_ =	task.clear_ibuf [dreg:s7], $0x2FFFF;
	_ =	strace $0x9FFFFFFF  }
0xc3: {  	(tm) =	ssettm $0x7FFFFFFF  }
tec
execute0_lowered:
.L_overlay_start_1:
0x0: {  	(tag) =	ssettag $0x1  }
0x1: {  	s1 =	rddreg [dreg:$0x0]  }
0x2: {  	s0 =	srdreg.scid;
	s2 =	rddreg [dreg:$0x1]  }
0x3: {  	s10 =	stileid.u32;
	s3 =	rddreg [dreg:$0x2];
	s4 =	simm.s32 $0x0  }
0x4: {  	s28 =	simm.s32 $0x4;
	s29 =	simm.s32 $0x180;
	s30 =	simm.s32 $0x2  }
0x5: {  	s31 =	simm.s32 $0x480;
	s0 =	sand.u32 $0x1, s0;
	s5 =	smul.u32 $0x5000, s10  }
0x6: {  	[smem:$0x7FF] =	sst s4;
	s11 =	smul.u32 $0x4F000, s10;
	s18 =	sadd.s32 $0x128400, s3  }
0x7: {  	s19 =	sadd.s32 $0x12C400, s3;
	_ =	strace $0x8000004D;
	[dreg:$0xa] =	wrdreg s18  }
0x8: {  	s9 =	smul.u32 $0x13C00, s10;
	s20 =	sadd.s32 $0x130400, s3;
	[dreg:$0xb] =	wrdreg s19  }
0x9: {  	s21 =	sadd.s32 $0x134400, s3;
	s23 =	sadd.s32 $0x138400, s3;
	[dreg:$0xc] =	wrdreg s20  }
0xa: {  	p0 =	seq.s32 s10, $0xF;
	s6 =	smul.u32 $0x2800, s0;
	[dreg:$0xd] =	wrdreg s21  }
0xb: {  	s8 =	ssub.s32 $0x2, s0;
	s0 =	smul.u32 $0x139000, s0;
	[dreg:$0xe] =	wrdreg s23  }
0xc: {  	s19 =	simm.s32 $0x7;
	s20 =	simm.s32 $0x80;
	s21 =	simm.s32 $0x600  }
0xd: {  	s23 =	simm.s32 $0x100;
	s12 =	sshrl.u32 s11, $0x2;
	s13 =	sshrl.u32 s8, $0x1  }
0xe: {  	s11 =	simm.s32 $0x580;
	s5 =	sadd.s32 s6, s5;
	s17 =	sadd.s32 s12, s3  }
0xf: {  	s6 =	ssub.s32 s8, s13;
	s22 =	sadd.s32 s9, s0;
	s0 =	sshrl.u32 s0, $0x3  }
0x10: {  	s9 =	simm.s32 $0x280;
	s12 =	simm.s32 $0x300;
	s13 =	simm.s32 $0x380  }
0x11: {  	s5 =	sshrl.u32 s5, $0x3;
	s14 =	sadd.s32 $0x8000, s17;
	s15 =	sadd.s32 $0xC000, s17  }
0x12: {  	s16 =	sadd.s32 $0x10000, s17;
	s8 =	sshrl.u32 s22, $0x3;
	[dreg:$0x5] =	wrdreg s17  }
0x13: {  	s26 =	smax.u32 s6, $0x1;
	s22 =	simm.s32 $0x4600;
	[dreg:$0x7] =	wrdreg s14  }
0x14: {  	s6 =	simm.s32 $0x3;
	s7 =	sadd.s32 s5, s2;
	[dreg:$0x8] =	wrdreg s15  }
0x15: {  	s2 =	sadd.s32 $0x65000, s2;
	s5 =	sadd.s32 $0x4000, s17;
	[dreg:$0x9] =	wrdreg s16  }
0x16: {  	[dreg:$0x11] =	wrdreg s26;
	s26 =	simm.s32 $0x1;
	s14 =	simm.s32 $0x0  }
0x17: {  	[dreg:$0x6] =	wrdreg s5;
	s24 =	sadd.s32 s2, s8;
	s0 =	sadd.s32 s2, s0  }
0x18: {  	s25 =	sadd.s32 $0xCC00, s7;
	s18 =	sadd.s32 $0x2C00, s7;
	s2 =	simm.s32 $0x5  }
0x19: {  	s7 =	simm.s32 $0x500;
	s8 =	simm.s32 $0x6;
	[dreg:$0xf] =	wrdreg s24  }
0x1a: {  	s0 =	sadd.s32 $0x25080, s0;
	[dreg:$0x4] =	wrdreg s25;
	s24 =	simm.s32 $0x8600  }
0x1b: {  	v0 =	vimm.f32 $0.0e+00;
	s25 =	simm.s32 $0x400;
	[dreg:$0x10] =	wrdreg s0;
	s0 =	simm.s32 $0x200  }
.LBB2_1:
0x1c: {  	s15 =	simm.s32 $0x0;
	s16 =	simm.s32 $0x200  }
.LBB2_2:
0x1d: {  	p1 =	sne.s32 s16, $0xFE00;
	[tilespmem:s15+$0x670] =	vst v0  }
0x1e: {  	[tilespmem:s15+$0x600] =	vst v0  }
0x1f: {  	[tilespmem:s15+$0x610] =	vst v0  }
.Ltmp0:
0x20: {  	[tilespmem:s15+$0x620] =	vst v0;
	(pc) =	sbr.rel @p1 .LBB2_2-.Ltmp0, $4  }
0x21: {  	[tilespmem:s15+$0x630] =	vst v0  }
0x22: {  	[tilespmem:s15+$0x640] =	vst v0  }
0x23: {  	[tilespmem:s15+$0x650] =	vst v0  }
0x24: {  	[tilespmem:s15+$0x660] =	vst v0;
	s15 =	sshra.s32 s16, $0x2;
	s16 =	sadd.s32 $0x200, s16  }
0x25: {  	[tilespmem:s15+$0x670] =	vst v0  }
0x26: {  	[tilespmem:s15+$0x600] =	vst v0  }
0x27: {  	[tilespmem:s15+$0x610] =	vst v0  }
0x28: {  	[tilespmem:s15+$0x620] =	vst v0  }
0x29: {  	[tilespmem:s15+$0x630] =	vst v0  }
0x2a: {  	[tilespmem:s15+$0x640] =	vst v0  }
0x2b: {  	[tilespmem:s15+$0x650] =	vst v0  }
0x2c: {  	[tilespmem:s15+$0x660] =	vst v0;
	s15 =	simm.s32 @p0 $0x600;
	s5 =	rddreg [dreg:$0xa];
	s16 =	simm.s32 @p0 $0x7  }
0x2d: {  	[spmem:s5] =	stream.linear.scatter @p0 [tilespmem:s15], [sflag:$0x7], $0x4000, $0x38;
	[tilespmem:$0x1FF00] =	vst v63  }
0x2e: {  	_ =	swait.ge @p0 [sflag:s16], $0x4000  }
0x2f: {  	[sflag:s16] =	ssyncset.done @p0 $0x0  }
0x30: {  	s5 =	rddreg [dreg:$0xb];
	[sflag:s16] =	ssyncadd.s32 @p0 $0xFFFFC000  }
0x31: {  	[spmem:s5] =	stream.linear.scatter @p0 [tilespmem:s15], [sflag:$0x7], $0x4000, $0x38;
	[tilespmem:$0x1FF00] =	vst v63  }
0x32: {  	_ =	swait.ge @p0 [sflag:s16], $0x4000  }
0x33: {  	[sflag:s16] =	ssyncset.done @p0 $0x0  }
0x34: {  	s5 =	rddreg [dreg:$0xc];
	[sflag:s16] =	ssyncadd.s32 @p0 $0xFFFFC000  }
0x35: {  	[spmem:s5] =	stream.linear.scatter @p0 [tilespmem:s15], [sflag:$0x7], $0x4000, $0x38;
	[tilespmem:$0x1FF00] =	vst v63  }
0x36: {  	_ =	swait.ge @p0 [sflag:s16], $0x4000  }
0x37: {  	[sflag:s16] =	ssyncset.done @p0 $0x0  }
0x38: {  	s5 =	rddreg [dreg:$0xd];
	[sflag:s16] =	ssyncadd.s32 @p0 $0xFFFFC000  }
0x39: {  	[spmem:s5] =	stream.linear.scatter @p0 [tilespmem:s15], [sflag:$0x7], $0x4000, $0x38;
	[tilespmem:$0x1FF00] =	vst v63  }
0x3a: {  	_ =	swait.ge @p0 [sflag:s16], $0x4000  }
0x3b: {  	[sflag:s16] =	ssyncset.done @p0 $0x0  }
0x3c: {  	s5 =	rddreg [dreg:$0xe];
	[sflag:s16] =	ssyncadd.s32 @p0 $0xFFFFC000  }
0x3d: {  	[spmem:s5] =	stream.linear.scatter @p0 [tilespmem:s15], [sflag:$0x7], $0xC00, $0x38;
	[tilespmem:$0x1FF00] =	vst v63  }
0x3e: {  	_ =	swait.ge @p0 [sflag:s16], $0xC00  }
0x3f: {  	[sflag:s16] =	ssyncset.done @p0 $0x0  }
0x40: {  	s15 =	simm.s32 @!p0 $0x600;
	[sflag:s16] =	ssyncadd.s32 @p0 $0xFFFFF400;
	s16 =	simm.s32 @!p0 $0x7  }
0x41: {  	[spmem:s17] =	stream.linear.scatter @!p0 [tilespmem:s15], [sflag:$0x7], $0x4000, $0x38;
	[tilespmem:$0x1FF00] =	vst v63  }
0x42: {  	_ =	swait.ge @!p0 [sflag:s16], $0x4000  }
0x43: {  	[sflag:s16] =	ssyncset.done @!p0 $0x0  }
0x44: {  	s5 =	rddreg [dreg:$0x6];
	[sflag:s16] =	ssyncadd.s32 @!p0 $0xFFFFC000  }
0x45: {  	[spmem:s5] =	stream.linear.scatter @!p0 [tilespmem:s15], [sflag:$0x7], $0x4000, $0x38;
	[tilespmem:$0x1FF00] =	vst v63  }
0x46: {  	_ =	swait.ge @!p0 [sflag:s16], $0x4000  }
0x47: {  	[sflag:s16] =	ssyncset.done @!p0 $0x0  }
0x48: {  	s5 =	rddreg [dreg:$0x7];
	[sflag:s16] =	ssyncadd.s32 @!p0 $0xFFFFC000  }
0x49: {  	[spmem:s5] =	stream.linear.scatter @!p0 [tilespmem:s15], [sflag:$0x7], $0x4000, $0x38;
	[tilespmem:$0x1FF00] =	vst v63  }
0x4a: {  	_ =	swait.ge @!p0 [sflag:s16], $0x4000  }
0x4b: {  	[sflag:s16] =	ssyncset.done @!p0 $0x0  }
0x4c: {  	s5 =	rddreg [dreg:$0x8];
	[sflag:s16] =	ssyncadd.s32 @!p0 $0xFFFFC000  }
0x4d: {  	[spmem:s5] =	stream.linear.scatter @!p0 [tilespmem:s15], [sflag:$0x7], $0x4000, $0x38;
	[tilespmem:$0x1FF00] =	vst v63  }
0x4e: {  	_ =	swait.ge @!p0 [sflag:s16], $0x4000  }
0x4f: {  	[sflag:s16] =	ssyncset.done @!p0 $0x0  }
0x50: {  	s5 =	rddreg [dreg:$0x9];
	[sflag:s16] =	ssyncadd.s32 @!p0 $0xFFFFC000  }
0x51: {  	[spmem:s5] =	stream.linear.scatter @!p0 [tilespmem:s15], [sflag:$0x7], $0x3C00, $0x38;
	[tilespmem:$0x1FF00] =	vst v63  }
0x52: {  	_ =	swait.ge @!p0 [sflag:s16], $0x3C00  }
0x53: {  	[sflag:s16] =	ssyncset.done @!p0 $0x0  }
0x54: {  	[sflag:s16] =	ssyncadd.s32 @!p0 $0xFFFFC400  }
0x55: {  	s16 =	sadd.s32 $0x0, s18;
	[bflag:$0x0] =	sbarrier.arrive $0xFFFF  }
0x56: {  	[tilespmem:s4], [sflag:$0x7] =	stream.linear.gather [hbm4b:s16+s4], $0x400, $0x38;
	[tilespmem:$0x1FF00] =	vst v63  }
0x57: {  	_ =	swait.ge [sflag:s19], $0x400  }
0x58: {  	[sflag:s19] =	ssyncset.done $0x0  }
0x59: {  	[sflag:s19] =	ssyncadd.s32 $0xFFFFFC00  }
0x5a: {  	[tilespmem:s21], [sflag:$0x1] =	stream.indirect.gather [hbm4b:s1+s20], $0x80, s4, s20, $0xb8;
	[tilespmem:$0x1FF00] =	vst v63  }
0x5b: {  	_ = 	snop  }
0x5c: {  	[tilespmem:s22], [sflag:$0x2] =	stream.indirect.gather [hbm4b:s1+s20], $0x80, s20, s20, $0xb8;
	[tilespmem:$0x1FF00] =	vst v63  }
0x5d: {  	s17 =	rddreg [dreg:$0x4]  }
0x5e: {  	[tilespmem:s24], [sflag:$0x3] =	stream.indirect.gather [hbm4b:s1+s20], $0x80, s23, s20, $0xb8;
	[tilespmem:$0x1FF00] =	vst v63  }
0x5f: {  	s15 =	sadd.s32 $0x0, s17  }
0x60: {  	[tilespmem:s25], [sflag:$0x7] =	stream.linear.gather [hbm4b:s15+s4], $0x200, $0x38;
	[tilespmem:$0x1FF00] =	vst v63  }
0x61: {  	_ =	swait.ge [sflag:s19], $0x200  }
0x62: {  	[sflag:s19] =	ssyncset.done $0x0  }
0x63: {  	[sflag:s19] =	ssyncadd.s32 $0xFFFFFE00  }
0x64: {  	_ =	swait.ge [sflag:s26], $0x4000  }
0x65: {  	[sflag:s26] =	ssyncset.done $0x0  }
0x66: {  	[sflag:s26] =	ssyncadd.s32 $0xFFFFC000  }
0x67: {  	[spmem:s3] =	stream.indirect.scatter.add.f32 [tilespmem:s21], [sflag:$0x4], $0x80, s25, s20, $0xb8;
	[tilespmem:$0x1FF00] =	vst v63  }
0x68: {  	_ =	swait.ge [sflag:s28], $0x4000  }
0x69: {  	[sflag:s28] =	ssyncset.done $0x0  }
0x6a: {  	[sflag:s28] =	ssyncadd.s32 $0xFFFFC000  }
0x6b: {  	[tilespmem:s21], [sflag:$0x1] =	stream.indirect.gather [hbm4b:s1+s20], $0x80, s29, s20, $0xb8;
	[tilespmem:$0x1FF00] =	vst v63  }
0x6c: {  	_ =	swait.ge [sflag:s30], $0x4000  }
0x6d: {  	[sflag:s30] =	ssyncset.done $0x0  }
0x6e: {  	[sflag:s30] =	ssyncadd.s32 $0xFFFFC000  }
0x6f: {  	[spmem:s3] =	stream.indirect.scatter.add.f32 [tilespmem:s22], [sflag:$0x5], $0x80, s31, s20, $0xb8;
	[tilespmem:$0x1FF00] =	vst v63  }
0x70: {  	_ =	swait.ge [sflag:s2], $0x4000  }
0x71: {  	[sflag:s2] =	ssyncset.done $0x0  }
0x72: {  	[sflag:s2] =	ssyncadd.s32 $0xFFFFC000  }
0x73: {  	[tilespmem:s22], [sflag:$0x2] =	stream.indirect.gather [hbm4b:s1+s20], $0x80, s0, s20, $0xb8;
	[tilespmem:$0x1FF00] =	vst v63  }
0x74: {  	_ =	swait.ge [sflag:s6], $0x4000  }
0x75: {  	[sflag:s6] =	ssyncset.done $0x0  }
0x76: {  	[sflag:s6] =	ssyncadd.s32 $0xFFFFC000  }
0x77: {  	[spmem:s3] =	stream.indirect.scatter.add.f32 [tilespmem:s24], [sflag:$0x6], $0x80, s7, s20, $0xb8;
	[tilespmem:$0x1FF00] =	vst v63  }
0x78: {  	_ =	swait.ge [sflag:s8], $0x4000  }
0x79: {  	[sflag:s8] =	ssyncset.done $0x0  }
0x7a: {  	[sflag:s8] =	ssyncadd.s32 $0xFFFFC000  }
0x7b: {  	[tilespmem:s24], [sflag:$0x3] =	stream.indirect.gather [hbm4b:s1+s20], $0x80, s9, s20, $0xb8;
	[tilespmem:$0x1FF00] =	vst v63  }
0x7c: {  	_ =	swait.ge [sflag:s26], $0x4000  }
0x7d: {  	[sflag:s26] =	ssyncset.done $0x0  }
0x7e: {  	[sflag:s26] =	ssyncadd.s32 $0xFFFFC000  }
0x7f: {  	[spmem:s3] =	stream.indirect.scatter.add.f32 [tilespmem:s21], [sflag:$0x4], $0x80, s11, s20, $0xb8;
	[tilespmem:$0x1FF00] =	vst v63  }
0x80: {  	_ =	swait.ge [sflag:s28], $0x4000  }
0x81: {  	[sflag:s28] =	ssyncset.done $0x0  }
0x82: {  	[sflag:s28] =	ssyncadd.s32 $0xFFFFC000  }
0x83: {  	[tilespmem:s21], [sflag:$0x1] =	stream.indirect.gather [hbm4b:s1+s20], $0x80, s12, s20, $0xb8;
	[tilespmem:$0x1FF00] =	vst v63  }
0x84: {  	s15 =	sadd.s32 $0x40, s15  }
0x85: {  	[tilespmem:s25], [sflag:$0x7] =	stream.linear.gather [hbm4b:s15+s4], $0x200, $0x38;
	[tilespmem:$0x1FF00] =	vst v63  }
0x86: {  	_ =	swait.ge [sflag:s19], $0x200  }
0x87: {  	[sflag:s19] =	ssyncset.done $0x0  }
0x88: {  	[sflag:s19] =	ssyncadd.s32 $0xFFFFFE00  }
0x89: {  	_ =	swait.ge [sflag:s30], $0x4000  }
0x8a: {  	[sflag:s30] =	ssyncset.done $0x0  }
0x8b: {  	[sflag:s30] =	ssyncadd.s32 $0xFFFFC000  }
0x8c: {  	[spmem:s3] =	stream.indirect.scatter.add.f32 [tilespmem:s22], [sflag:$0x5], $0x80, s25, s20, $0xb8;
	[tilespmem:$0x1FF00] =	vst v63  }
0x8d: {  	_ =	swait.ge [sflag:s2], $0x4000  }
0x8e: {  	[sflag:s2] =	ssyncset.done $0x0  }
0x8f: {  	[sflag:s2] =	ssyncadd.s32 $0xFFFFC000  }
0x90: {  	[tilespmem:s22], [sflag:$0x2] =	stream.indirect.gather [hbm4b:s1+s20], $0x80, s13, s20, $0xb8;
	[tilespmem:$0x1FF00] =	vst v63  }
0x91: {  	_ =	swait.ge [sflag:s6], $0x4000  }
0x92: {  	[sflag:s6] =	ssyncset.done $0x0  }
0x93: {  	[sflag:s6] =	ssyncadd.s32 $0xFFFFC000  }
0x94: {  	[spmem:s3] =	stream.indirect.scatter.add.f32 [tilespmem:s24], [sflag:$0x6], $0x80, s31, s20, $0xb8;
	[tilespmem:$0x1FF00] =	vst v63  }
0x95: {  	_ =	swait.ge [sflag:s8], $0x4000  }
0x96: {  	[sflag:s8] =	ssyncset.done $0x0  }
0x97: {  	[sflag:s8] =	ssyncadd.s32 $0xFFFFC000  }
0x98: {  	_ =	swait.ge [sflag:s26], $0x4000  }
0x99: {  	[sflag:s26] =	ssyncset.done $0x0  }
0x9a: {  	[sflag:s26] =	ssyncadd.s32 $0xFFFFC000  }
0x9b: {  	[spmem:s3] =	stream.indirect.scatter.add.f32 [tilespmem:s21], [sflag:$0x4], $0x80, s7, s20, $0xb8;
	[tilespmem:$0x1FF00] =	vst v63  }
0x9c: {  	_ =	swait.ge [sflag:s28], $0x4000  }
0x9d: {  	[sflag:s28] =	ssyncset.done $0x0  }
0x9e: {  	[sflag:s28] =	ssyncadd.s32 $0xFFFFC000  }
0x9f: {  	_ =	swait.ge [sflag:s30], $0x4000  }
0xa0: {  	[sflag:s30] =	ssyncset.done $0x0  }
0xa1: {  	[sflag:s30] =	ssyncadd.s32 $0xFFFFC000  }
0xa2: {  	[spmem:s3] =	stream.indirect.scatter.add.f32 [tilespmem:s22], [sflag:$0x5], $0x80, s11, s20, $0xb8;
	[tilespmem:$0x1FF00] =	vst v63  }
0xa3: {  	_ =	swait.ge [sflag:s2], $0x4000  }
0xa4: {  	s17 =	simm.s32 $0x100;
	s15 =	simm.s32 $0x80;
	[sflag:s2] =	ssyncset.done $0x0  }
.LBB2_4:
0xa5: {  	s10 =	sadd.s32 s15, s18;
	[sflag:s2] =	ssyncadd.s32 $0xFFFFC000  }
0xa6: {  	[tilespmem:s4], [sflag:$0x7] =	stream.linear.gather [hbm4b:s10+s4], $0x400, $0x38;
	[tilespmem:$0x1FF00] =	vst v63  }
0xa7: {  	_ =	swait.ge [sflag:s19], $0x400  }
0xa8: {  	[sflag:s19] =	ssyncset.done $0x0  }
0xa9: {  	[sflag:s19] =	ssyncadd.s32 $0xFFFFFC00  }
0xaa: {  	[tilespmem:s21], [sflag:$0x1] =	stream.indirect.gather [hbm4b:s1+s20], $0x80, s4, s20, $0xb8;
	[tilespmem:$0x1FF00] =	vst v63  }
0xab: {  	s5 =	smov.u32 s17  }
0xac: {  	[tilespmem:s22], [sflag:$0x2] =	stream.indirect.gather [hbm4b:s1+s20], $0x80, s20, s20, $0xb8;
	[tilespmem:$0x1FF00] =	vst v63  }
0xad: {  	s16 =	sadd.s32 $0x80, s17;
	p1 =	sne.s32 s17, $0x480;
	s17 =	rddreg [dreg:$0x4]  }
0xae: {  	[tilespmem:s24], [sflag:$0x3] =	stream.indirect.gather [hbm4b:s1+s20], $0x80, s23, s20, $0xb8;
	[tilespmem:$0x1FF00] =	vst v63  }
0xaf: {  	s10 =	sadd.s32 s15, s17  }
0xb0: {  	[tilespmem:s25], [sflag:$0x7] =	stream.linear.gather [hbm4b:s10+s4], $0x200, $0x38;
	[tilespmem:$0x1FF00] =	vst v63  }
0xb1: {  	_ =	swait.ge [sflag:s19], $0x200  }
0xb2: {  	[sflag:s19] =	ssyncset.done $0x0  }
0xb3: {  	[sflag:s19] =	ssyncadd.s32 $0xFFFFFE00  }
0xb4: {  	_ =	swait.ge [sflag:s26], $0x4000  }
0xb5: {  	[sflag:s26] =	ssyncset.done $0x0  }
0xb6: {  	[sflag:s26] =	ssyncadd.s32 $0xFFFFC000  }
0xb7: {  	[spmem:s3] =	stream.indirect.scatter.add.f32 [tilespmem:s21], [sflag:$0x4], $0x80, s25, s20, $0xb8;
	[tilespmem:$0x1FF00] =	vst v63  }
0xb8: {  	_ =	swait.ge [sflag:s28], $0x4000  }
0xb9: {  	[sflag:s28] =	ssyncset.done $0x0  }
0xba: {  	[sflag:s28] =	ssyncadd.s32 $0xFFFFC000  }
0xbb: {  	[tilespmem:s21], [sflag:$0x1] =	stream.indirect.gather [hbm4b:s1+s20], $0x80, s29, s20, $0xb8;
	[tilespmem:$0x1FF00] =	vst v63  }
0xbc: {  	_ =	swait.ge [sflag:s30], $0x4000  }
0xbd: {  	[sflag:s30] =	ssyncset.done $0x0  }
0xbe: {  	[sflag:s30] =	ssyncadd.s32 $0xFFFFC000  }
0xbf: {  	[spmem:s3] =	stream.indirect.scatter.add.f32 [tilespmem:s22], [sflag:$0x5], $0x80, s31, s20, $0xb8;
	[tilespmem:$0x1FF00] =	vst v63  }
0xc0: {  	_ =	swait.ge [sflag:s2], $0x4000  }
0xc1: {  	[sflag:s2] =	ssyncset.done $0x0  }
0xc2: {  	[sflag:s2] =	ssyncadd.s32 $0xFFFFC000  }
0xc3: {  	[tilespmem:s22], [sflag:$0x2] =	stream.indirect.gather [hbm4b:s1+s20], $0x80, s0, s20, $0xb8;
	[tilespmem:$0x1FF00] =	vst v63  }
0xc4: {  	_ =	swait.ge [sflag:s6], $0x4000  }
0xc5: {  	[sflag:s6] =	ssyncset.done $0x0  }
0xc6: {  	[sflag:s6] =	ssyncadd.s32 $0xFFFFC000  }
0xc7: {  	[spmem:s3] =	stream.indirect.scatter.add.f32 [tilespmem:s24], [sflag:$0x6], $0x80, s7, s20, $0xb8;
	[tilespmem:$0x1FF00] =	vst v63  }
0xc8: {  	_ =	swait.ge [sflag:s8], $0x4000  }
0xc9: {  	[sflag:s8] =	ssyncset.done $0x0  }
0xca: {  	[sflag:s8] =	ssyncadd.s32 $0xFFFFC000  }
0xcb: {  	[tilespmem:s24], [sflag:$0x3] =	stream.indirect.gather [hbm4b:s1+s20], $0x80, s9, s20, $0xb8;
	[tilespmem:$0x1FF00] =	vst v63  }
0xcc: {  	_ =	swait.ge [sflag:s26], $0x4000  }
0xcd: {  	[sflag:s26] =	ssyncset.done $0x0  }
0xce: {  	[sflag:s26] =	ssyncadd.s32 $0xFFFFC000  }
0xcf: {  	[spmem:s3] =	stream.indirect.scatter.add.f32 [tilespmem:s21], [sflag:$0x4], $0x80, s11, s20, $0xb8;
	[tilespmem:$0x1FF00] =	vst v63  }
0xd0: {  	_ =	swait.ge [sflag:s28], $0x4000  }
0xd1: {  	[sflag:s28] =	ssyncset.done $0x0  }
0xd2: {  	[sflag:s28] =	ssyncadd.s32 $0xFFFFC000  }
0xd3: {  	[tilespmem:s21], [sflag:$0x1] =	stream.indirect.gather [hbm4b:s1+s20], $0x80, s12, s20, $0xb8;
	[tilespmem:$0x1FF00] =	vst v63  }
0xd4: {  	s17 =	sadd.s32 $0x40, s10  }
0xd5: {  	[tilespmem:s25], [sflag:$0x7] =	stream.linear.gather [hbm4b:s17+s4], $0x200, $0x38;
	[tilespmem:$0x1FF00] =	vst v63  }
0xd6: {  	_ =	swait.ge [sflag:s19], $0x200  }
0xd7: {  	[sflag:s19] =	ssyncset.done $0x0  }
0xd8: {  	[sflag:s19] =	ssyncadd.s32 $0xFFFFFE00  }
0xd9: {  	_ =	swait.ge [sflag:s30], $0x4000  }
0xda: {  	[sflag:s30] =	ssyncset.done $0x0  }
0xdb: {  	[sflag:s30] =	ssyncadd.s32 $0xFFFFC000  }
0xdc: {  	[spmem:s3] =	stream.indirect.scatter.add.f32 [tilespmem:s22], [sflag:$0x5], $0x80, s25, s20, $0xb8;
	[tilespmem:$0x1FF00] =	vst v63  }
0xdd: {  	_ =	swait.ge [sflag:s2], $0x4000  }
0xde: {  	[sflag:s2] =	ssyncset.done $0x0  }
0xdf: {  	[sflag:s2] =	ssyncadd.s32 $0xFFFFC000  }
0xe0: {  	[tilespmem:s22], [sflag:$0x2] =	stream.indirect.gather [hbm4b:s1+s20], $0x80, s13, s20, $0xb8;
	[tilespmem:$0x1FF00] =	vst v63  }
0xe1: {  	_ =	swait.ge [sflag:s6], $0x4000  }
0xe2: {  	[sflag:s6] =	ssyncset.done $0x0  }
0xe3: {  	[sflag:s6] =	ssyncadd.s32 $0xFFFFC000  }
0xe4: {  	[spmem:s3] =	stream.indirect.scatter.add.f32 [tilespmem:s24], [sflag:$0x6], $0x80, s31, s20, $0xb8;
	[tilespmem:$0x1FF00] =	vst v63  }
0xe5: {  	_ =	swait.ge [sflag:s8], $0x4000  }
0xe6: {  	[sflag:s8] =	ssyncset.done $0x0  }
0xe7: {  	[sflag:s8] =	ssyncadd.s32 $0xFFFFC000  }
0xe8: {  	_ =	swait.ge [sflag:s26], $0x4000  }
0xe9: {  	[sflag:s26] =	ssyncset.done $0x0  }
0xea: {  	[sflag:s26] =	ssyncadd.s32 $0xFFFFC000  }
0xeb: {  	[spmem:s3] =	stream.indirect.scatter.add.f32 [tilespmem:s21], [sflag:$0x4], $0x80, s7, s20, $0xb8;
	[tilespmem:$0x1FF00] =	vst v63  }
0xec: {  	_ =	swait.ge [sflag:s28], $0x4000  }
0xed: {  	[sflag:s28] =	ssyncset.done $0x0  }
0xee: {  	[sflag:s28] =	ssyncadd.s32 $0xFFFFC000  }
0xef: {  	_ =	swait.ge [sflag:s30], $0x4000  }
.Ltmp1:
0xf0: {  	[sflag:s30] =	ssyncset.done $0x0;
	(pc) =	sbr.rel @p1 .LBB2_4-.Ltmp1, $4  }
0xf1: {  	[sflag:s30] =	ssyncadd.s32 $0xFFFFC000  }
0xf2: {  	[spmem:s3] =	stream.indirect.scatter.add.f32 [tilespmem:s22], [sflag:$0x5], $0x80, s11, s20, $0xb8;
	[tilespmem:$0x1FF00] =	vst v63  }
0xf3: {  	_ =	swait.ge [sflag:s2], $0x4000  }
0xf4: {  	s15 =	smov.u32 s5;
	s17 =	smov.u32 s16;
	[sflag:s2] =	ssyncset.done $0x0  }
0xf5: {  	s5 =	sadd.s32 s15, s18;
	[sflag:s2] =	ssyncadd.s32 $0xFFFFC000  }
0xf6: {  	[tilespmem:s4], [sflag:$0x7] =	stream.linear.gather [hbm4b:s5+s4], $0x400, $0x38;
	[tilespmem:$0x1FF00] =	vst v63  }
0xf7: {  	_ =	swait.ge [sflag:s19], $0x400  }
0xf8: {  	[sflag:s19] =	ssyncset.done $0x0  }
0xf9: {  	[sflag:s19] =	ssyncadd.s32 $0xFFFFFC00  }
0xfa: {  	[tilespmem:s21], [sflag:$0x1] =	stream.indirect.gather [hbm4b:s1+s20], $0x80, s4, s20, $0xb8;
	[tilespmem:$0x1FF00] =	vst v63  }
0xfb: {  	_ = 	snop  }
0xfc: {  	[tilespmem:s22], [sflag:$0x2] =	stream.indirect.gather [hbm4b:s1+s20], $0x80, s20, s20, $0xb8;
	[tilespmem:$0x1FF00] =	vst v63  }
0xfd: {  	s10 =	rddreg [dreg:$0x4]  }
0xfe: {  	[tilespmem:s24], [sflag:$0x3] =	stream.indirect.gather [hbm4b:s1+s20], $0x80, s23, s20, $0xb8;
	[tilespmem:$0x1FF00] =	vst v63  }
0xff: {  	s5 =	sadd.s32 s15, s10  }
0x100: {  	[tilespmem:s25], [sflag:$0x7] =	stream.linear.gather [hbm4b:s5+s4], $0x200, $0x38;
	[tilespmem:$0x1FF00] =	vst v63  }
0x101: {  	_ =	swait.ge [sflag:s19], $0x200  }
0x102: {  	[sflag:s19] =	ssyncset.done $0x0  }
0x103: {  	[sflag:s19] =	ssyncadd.s32 $0xFFFFFE00  }
0x104: {  	_ =	swait.ge [sflag:s26], $0x4000  }
0x105: {  	[sflag:s26] =	ssyncset.done $0x0  }
0x106: {  	[sflag:s26] =	ssyncadd.s32 $0xFFFFC000  }
0x107: {  	[spmem:s3] =	stream.indirect.scatter.add.f32 [tilespmem:s21], [sflag:$0x4], $0x80, s25, s20, $0xb8;
	[tilespmem:$0x1FF00] =	vst v63  }
0x108: {  	_ =	swait.ge [sflag:s28], $0x4000  }
0x109: {  	[sflag:s28] =	ssyncset.done $0x0  }
0x10a: {  	[sflag:s28] =	ssyncadd.s32 $0xFFFFC000  }
0x10b: {  	[tilespmem:s21], [sflag:$0x1] =	stream.indirect.gather [hbm4b:s1+s20], $0x80, s29, s20, $0xb8;
	[tilespmem:$0x1FF00] =	vst v63  }
0x10c: {  	_ =	swait.ge [sflag:s30], $0x4000  }
0x10d: {  	[sflag:s30] =	ssyncset.done $0x0  }
0x10e: {  	[sflag:s30] =	ssyncadd.s32 $0xFFFFC000  }
0x10f: {  	[spmem:s3] =	stream.indirect.scatter.add.f32 [tilespmem:s22], [sflag:$0x5], $0x80, s31, s20, $0xb8;
	[tilespmem:$0x1FF00] =	vst v63  }
0x110: {  	_ =	swait.ge [sflag:s2], $0x4000  }
0x111: {  	[sflag:s2] =	ssyncset.done $0x0  }
0x112: {  	[sflag:s2] =	ssyncadd.s32 $0xFFFFC000  }
0x113: {  	[tilespmem:s22], [sflag:$0x2] =	stream.indirect.gather [hbm4b:s1+s20], $0x80, s0, s20, $0xb8;
	[tilespmem:$0x1FF00] =	vst v63  }
0x114: {  	_ =	swait.ge [sflag:s6], $0x4000  }
0x115: {  	[sflag:s6] =	ssyncset.done $0x0  }
0x116: {  	[sflag:s6] =	ssyncadd.s32 $0xFFFFC000  }
0x117: {  	[spmem:s3] =	stream.indirect.scatter.add.f32 [tilespmem:s24], [sflag:$0x6], $0x80, s7, s20, $0xb8;
	[tilespmem:$0x1FF00] =	vst v63  }
0x118: {  	_ =	swait.ge [sflag:s8], $0x4000  }
0x119: {  	[sflag:s8] =	ssyncset.done $0x0  }
0x11a: {  	[sflag:s8] =	ssyncadd.s32 $0xFFFFC000  }
0x11b: {  	[tilespmem:s24], [sflag:$0x3] =	stream.indirect.gather [hbm4b:s1+s20], $0x80, s9, s20, $0xb8;
	[tilespmem:$0x1FF00] =	vst v63  }
0x11c: {  	_ =	swait.ge [sflag:s26], $0x4000  }
0x11d: {  	[sflag:s26] =	ssyncset.done $0x0  }
0x11e: {  	[sflag:s26] =	ssyncadd.s32 $0xFFFFC000  }
0x11f: {  	[spmem:s3] =	stream.indirect.scatter.add.f32 [tilespmem:s21], [sflag:$0x4], $0x80, s11, s20, $0xb8;
	[tilespmem:$0x1FF00] =	vst v63  }
0x120: {  	_ =	swait.ge [sflag:s28], $0x4000  }
0x121: {  	[sflag:s28] =	ssyncset.done $0x0  }
0x122: {  	[sflag:s28] =	ssyncadd.s32 $0xFFFFC000  }
0x123: {  	[tilespmem:s21], [sflag:$0x1] =	stream.indirect.gather [hbm4b:s1+s20], $0x80, s12, s20, $0xb8;
	[tilespmem:$0x1FF00] =	vst v63  }
0x124: {  	s5 =	sadd.s32 $0x40, s5  }
0x125: {  	[tilespmem:s25], [sflag:$0x7] =	stream.linear.gather [hbm4b:s5+s4], $0x200, $0x38;
	[tilespmem:$0x1FF00] =	vst v63  }
0x126: {  	_ =	swait.ge [sflag:s19], $0x200  }
0x127: {  	[sflag:s19] =	ssyncset.done $0x0  }
0x128: {  	[sflag:s19] =	ssyncadd.s32 $0xFFFFFE00  }
0x129: {  	_ =	swait.ge [sflag:s30], $0x4000  }
0x12a: {  	[sflag:s30] =	ssyncset.done $0x0  }
0x12b: {  	[sflag:s30] =	ssyncadd.s32 $0xFFFFC000  }
0x12c: {  	[spmem:s3] =	stream.indirect.scatter.add.f32 [tilespmem:s22], [sflag:$0x5], $0x80, s25, s20, $0xb8;
	[tilespmem:$0x1FF00] =	vst v63  }
0x12d: {  	_ =	swait.ge [sflag:s2], $0x4000  }
0x12e: {  	[sflag:s2] =	ssyncset.done $0x0  }
0x12f: {  	[sflag:s2] =	ssyncadd.s32 $0xFFFFC000  }
0x130: {  	[tilespmem:s22], [sflag:$0x2] =	stream.indirect.gather [hbm4b:s1+s20], $0x80, s13, s20, $0xb8;
	[tilespmem:$0x1FF00] =	vst v63  }
0x131: {  	_ =	swait.ge [sflag:s6], $0x4000  }
0x132: {  	[sflag:s6] =	ssyncset.done $0x0  }
0x133: {  	[sflag:s6] =	ssyncadd.s32 $0xFFFFC000  }
0x134: {  	[spmem:s3] =	stream.indirect.scatter.add.f32 [tilespmem:s24], [sflag:$0x6], $0x80, s31, s20, $0xb8;
	[tilespmem:$0x1FF00] =	vst v63  }
0x135: {  	_ =	swait.ge [sflag:s8], $0x4000  }
0x136: {  	[sflag:s8] =	ssyncset.done $0x0  }
0x137: {  	[sflag:s8] =	ssyncadd.s32 $0xFFFFC000  }
0x138: {  	_ =	swait.ge [sflag:s26], $0x4000  }
0x139: {  	[sflag:s26] =	ssyncset.done $0x0  }
0x13a: {  	[sflag:s26] =	ssyncadd.s32 $0xFFFFC000  }
0x13b: {  	[spmem:s3] =	stream.indirect.scatter.add.f32 [tilespmem:s21], [sflag:$0x4], $0x80, s7, s20, $0xb8;
	[tilespmem:$0x1FF00] =	vst v63  }
0x13c: {  	_ =	swait.ge [sflag:s28], $0x4000  }
0x13d: {  	[sflag:s28] =	ssyncset.done $0x0  }
0x13e: {  	[sflag:s28] =	ssyncadd.s32 $0xFFFFC000  }
0x13f: {  	_ =	swait.ge [sflag:s30], $0x4000  }
0x140: {  	[sflag:s30] =	ssyncset.done $0x0  }
0x141: {  	[sflag:s30] =	ssyncadd.s32 $0xFFFFC000  }
0x142: {  	[spmem:s3] =	stream.indirect.scatter.add.f32 [tilespmem:s22], [sflag:$0x5], $0x80, s11, s20, $0xb8;
	[tilespmem:$0x1FF00] =	vst v63  }
0x143: {  	_ =	swait.ge [sflag:s2], $0x4000  }
0x144: {  	[sflag:s2] =	ssyncset.done $0x0  }
0x145: {  	[sflag:s2] =	ssyncadd.s32 $0xFFFFC000  }
0x146: {  	[bflag:$0x0] =	sbarrier.arrive $0xFFFF  }
0x147: {  	s5 =	rddreg [dreg:$0xa]  }
0x148: {  	s10 =	simm.s32 @p0 $0x1FC7;
	s15 =	rddreg [dreg:$0x10];
	s5 =	sshrl.u32 @p0 s5, $0x3  }
0x149: {  	[hbm:s15], [sflag:s10] =	dma.local @p0 [spmem:s5], $0x2180  }
0x14a: {  	s5 =	simm.s32 @p0 $0x7  }
0x14b: {  	_ =	swait.ge @p0 [sflag:s5], $0x2180  }
0x14c: {  	s10 =	stileid.u32;
	s17 =	rddreg [dreg:$0x5]  }
0x14d: {  	s10 =	sshll.u32 @!p0 s10, $0x6;
	[sflag:s5] =	ssyncset.done @p0 $0x0;
	s15 =	rddreg [dreg:$0xf]  }
0x14e: {  	[sflag:s5] =	ssyncadd.s32 @p0 $0xFFFFDE80;
	s5 =	sor.u32 @!p0 $0x1C07, s10;
	s10 =	sshrl.u32 @!p0 s17, $0x3  }
0x14f: {  	[hbm:s15], [sflag:s5] =	dma.local @!p0 [spmem:s10], $0x2780  }
0x150: {  	s5 =	simm.s32 @!p0 $0x7  }
0x151: {  	_ =	swait.ge @!p0 [sflag:s5], $0x2780  }
0x152: {  	s14 =	sadd.s32 $0x1, s14;
	s16 =	rddreg [dreg:$0x11]  }
0x153: {  	p1 =	sne.s32 s14, s16  }
.Ltmp2:
0x154: {  	_ = 	snop;
	(pc) =	sbr.rel @p1 .LBB2_1-.Ltmp2, $3  }
0x155: {  	_ =	sdelay $0x1  }
0x156: {  	[sflag:s5] =	ssyncset.done @!p0 $0x0  }
0x157: {  	[sflag:s5] =	ssyncadd.s32 @!p0 $0xFFFFD880  }
0x158: {  	_ =	sfence.sel $0x180000  }
0x159: {  	[bflag:$0x0] =	sbarrier.arrive $0xFFFF  }
0x15a: {  	_ =	strace $0x9000004D  }
0x15b: {  	s0 =	stileid.u32;
	[bflag:$0x2] =	sbarrier.arrive $0xFFFF  }
0x15c: {  	p0 =	sne.s32 s0, $0x0;
	s0 =	rddreg [dreg:$0x3]  }
0x15d: {  	s0 =	sadd.s32 @!p0 $0x100000, s0  }
0x15e: {  	[sflag:s0] =	ssyncadd.tile.s32 @!p0 $0x1;
	_ =	shalt  }
.Lfunc_end2:
_tile_overlayer_lowered:
.L_overlay_start_2:
0x15f: {  	(tag) =	ssettag $0x2  }
0x160: {  	s0 =	rddreg [dreg:$0x0];
	s2 =	stileid.u32  }
0x161: {  	s1 =	rddreg [dreg:$0x1];
	p0 =	sne.s32 s2, $0x0  }
0x162: {  	s3 =	rddreg [dreg:$0x2];
	[bflag:$0x3] =	sbarrier.arrive $0xFFFF;
	s2 =	simm.s32 @!p0 $0x1C07  }
0x163: {  	[timem:s3], [sflag:s2] =	dma.local @!p0 [hbm:s0], s1  }
0x164: {  	s0 =	simm.s32 @!p0 $0x7  }
0x165: {  	_ =	swait.ge @!p0 [sflag:s0], s1  }
0x166: {  	s1 =	ssub.s32 @!p0 $0x0, s1;
	[sflag:s0] =	ssyncset.done @!p0 $0x0  }
0x167: {  	[sflag:s0] =	ssyncadd.s32 @!p0 s1  }
0x168: {  	[bflag:$0x3] =	sbarrier.arrive $0xFFFF  }
0x169: {  	_ =	shalt  }

// kernel: kernel.7.cloned.1.call-start
scs
__scs_entry_jumppad:
0x0: {  	(pc) =	sbr.rel $0x88, $3  }
0x1: {  	(tag) =	ssettag $0x0;
	lr =	simm.s32 $0x1  }
0x2: {  	[smem:$0x3F99] =	sst lr;
	_ =	strace $0xD0000000  }
0x3: {  	_ = 	snop  }
0x4: {  	_ = 	snop  }
0x5: {  	_ = 	snop  }
0x6: {  	_ = 	snop  }
0x7: {  	_ = 	snop  }
__scs_overlays_trampoline_lowered:
0x8: {  	[smem:$0x3FA8] =	sst s0  }
0x9: {  	[smem:$0x3FA9] =	sst s1  }
0xa: {  	[smem:$0x3FAA] =	sst s2  }
0xb: {  	[smem:$0x3FAB] =	sst s3  }
0xc: {  	[smem:$0x3FAC] =	sst s4  }
0xd: {  	[smem:$0x3FAD] =	sst s5  }
0xe: {  	[smem:$0x3FAE] =	sst s6  }
0xf: {  	[smem:$0x3FAF] =	sst s7  }
0x10: {  	[smem:$0x3FB0] =	sst s8  }
0x11: {  	[smem:$0x3FB1] =	sst s9;
	s0 =	simm.s32 @!p0 $0x0  }
0x12: {  	s1 =	sld [smem:$0x3F97];
	s0 =	simm.s32 @p0 $0x1  }
0x13: {  	[smem:$0x3FB2] =	sst s0;
	s0 =	simm.s32 @!p1 $0x0  }
0x14: {  	s2 =	sld [smem:$0x3F96];
	s0 =	simm.s32 @p1 $0x1  }
0x15: {  	[smem:$0x3FB3] =	sst s0;
	s0 =	simm.s32 @!p2 $0x0  }
0x16: {  	s3 =	sld [smem:$0x3FDB];
	s0 =	simm.s32 @p2 $0x1  }
0x17: {  	s4 =	simm.s32 $0x1BF5;
	[smem:$0x3FB5] =	sst s0  }
0x18: {  	s0 =	sld [smem:$0x3F98];
	_ =	swait.ge [sflag:s4], $0x0  }
0x19: {  	s7 =	sld [smem:$0x3F99]  }
0x1a: {  	s8 =	sadd.s32 $0xFFFFE003, lr  }
0x1b: {  	s9 =	sadd.s32 $0xFFFFFEF7, lr;
	s5 =	simm.s32 $0xFFFFFFFF;
	p2 =	slt.u32 s8, $0xFFFFF086  }
0x1c: {  	p1 =	slt.u32 s9, $0xF7A;
	s5 =	simm.s32 @!p2 $0x0  }
0x1d: {  	s5 =	simm.s32 @p1 $0x1;
	p0 =	seq.s32 s7, s2  }
0x1e: {  	s7 =	smul.u32 @!p0 $0xF7A, s2;
	p2 =	seq.s32 @!p0 s5, $0x0  }
0x1f: {  	s9 =	smul.u32 $0xF7A, s1;
	s8 =	simm.s32 @!p0 $0x1BF5;
	p2 =	por !p2, p0  }
0x20: {  	[sflag:s8] =	ssyncset.s32 @!p0 $0xFFFFF086;
	s6 =	sadd.s32 @!p0 s3, s7;
	s7 =	simm.s32 @!p0 $0x108  }
0x21: {  	s3 =	sadd.s32 s3, s9;
	s6 =	sadd.s32 @!p0 $0x88, s6;
	s7 =	simm.s32 @p2 $0x1082  }
0x22: {  	[simem:s7], [sflag:s8] =	dma.local @!p0 [hbm:s6], $0xF7A  }
0x23: {  	s9 =	sor.u32 $0xD0000000, s2;
	s6 =	simm.s32 $0x108;
	_ =	swait.ge @!p0 [sflag:s8], $0x0  }
0x24: {  	s3 =	sadd.s32 $0x88, s3;
	s6 =	simm.s32 @!p1 $0x1082;
	[sflag:s4] =	ssyncset.s32 $0xFFFFF086  }
0x25: {  	[simem:s6], [sflag:s4] =	dma.local [hbm:s3], $0xF7A  }
0x26: {  	[smem:$0x3F99] =	sst s1;
	(tag) =	ssettag s2;
	_ =	strace s9  }
0x27: {  	s1 =	sld [smem:$0x3FA9]  }
0x28: {  	s2 =	sld [smem:$0x3FAA]  }
0x29: {  	s4 =	sld [smem:$0x3FAC]  }
0x2a: {  	p0 =	seq.s32 s5, $0x0;
	s5 =	sld [smem:$0x3FAD]  }
0x2b: {  	s6 =	sld [smem:$0x3FAE]  }
0x2c: {  	s7 =	sld [smem:$0x3FAF]  }
0x2d: {  	s3 =	simm.s32 $0x108;
	s8 =	sld [smem:$0x3FB0]  }
0x2e: {  	s3 =	simm.s32 @!p0 $0x1082;
	s9 =	sld [smem:$0x3FB1]  }
0x2f: {  	lr =	sadd.s32 s0, s3;
	s0 =	sld [smem:$0x3FA8]  }
0x30: {  	s3 =	sld [smem:$0x3FAB]  }
0x31: {  	[smem:$0x3FB4] =	sst s10  }
0x32: {  	s10 =	sld [smem:$0x3FB2];
	_ =	sdelay $0x3  }
0x33: {  	p0 =	seq.s32 s10, $0x1;
	s10 =	sld [smem:$0x3FB4];
	_ =	sdelay $0x3  }
0x34: {  	[smem:$0x3FB4] =	sst s10  }
0x35: {  	s10 =	sld [smem:$0x3FB3];
	_ =	sdelay $0x3  }
0x36: {  	p1 =	seq.s32 s10, $0x1;
	s10 =	sld [smem:$0x3FB4];
	_ =	sdelay $0x3  }
0x37: {  	[smem:$0x3FB4] =	sst s10  }
0x38: {  	s10 =	sld [smem:$0x3FB5]  }
0x39: {  	_ = 	snop;
	(pc) =	sbr.ind lr, $3  }
0x3a: {  	_ = 	snop  }
0x3b: {  	_ = 	snop  }
0x3c: {  	p2 =	seq.s32 s10, $0x1;
	s10 =	sld [smem:$0x3FB4]  }
0x3d: {  	_ =	shalt  }
0x3e: {  	_ =	shalt  }
0x3f: {  	_ =	shalt  }
0x40: {  	_ =	shalt  }
0x41: {  	_ =	shalt  }
0x42: {  	_ =	shalt  }
0x43: {  	_ =	shalt  }
0x44: {  	_ =	shalt  }
0x45: {  	_ =	shalt  }
0x46: {  	_ =	shalt  }
0x47: {  	_ =	shalt  }
0x48: {  	_ =	shalt  }
0x49: {  	_ =	shalt  }
0x4a: {  	_ =	shalt  }
0x4b: {  	_ =	shalt  }
0x4c: {  	_ =	shalt  }
0x4d: {  	_ =	shalt  }
0x4e: {  	_ =	shalt  }
0x4f: {  	_ =	shalt  }
0x50: {  	_ =	shalt  }
0x51: {  	_ =	shalt  }
0x52: {  	_ =	shalt  }
0x53: {  	_ =	shalt  }
0x54: {  	_ =	shalt  }
0x55: {  	_ =	shalt  }
0x56: {  	_ =	shalt  }
0x57: {  	_ =	shalt  }
0x58: {  	_ =	shalt  }
0x59: {  	_ =	shalt  }
0x5a: {  	_ =	shalt  }
0x5b: {  	_ =	shalt  }
0x5c: {  	_ =	shalt  }
0x5d: {  	_ =	shalt  }
0x5e: {  	_ =	shalt  }
0x5f: {  	_ =	shalt  }
0x60: {  	_ =	shalt  }
0x61: {  	_ =	shalt  }
0x62: {  	_ =	shalt  }
0x63: {  	_ =	shalt  }
0x64: {  	_ =	shalt  }
0x65: {  	_ =	shalt  }
0x66: {  	_ =	shalt  }
0x67: {  	_ =	shalt  }
0x68: {  	_ =	shalt  }
0x69: {  	_ =	shalt  }
0x6a: {  	_ =	shalt  }
0x6b: {  	_ =	shalt  }
0x6c: {  	_ =	shalt  }
0x6d: {  	_ =	shalt  }
0x6e: {  	_ =	shalt  }
0x6f: {  	_ =	shalt  }
0x70: {  	_ =	shalt  }
0x71: {  	_ =	shalt  }
0x72: {  	_ =	shalt  }
0x73: {  	_ =	shalt  }
0x74: {  	_ =	shalt  }
0x75: {  	_ =	shalt  }
0x76: {  	_ =	shalt  }
0x77: {  	_ =	shalt  }
0x78: {  	_ =	shalt  }
0x79: {  	_ =	shalt  }
0x7a: {  	_ =	shalt  }
0x7b: {  	_ =	shalt  }
0x7c: {  	_ =	shalt  }
0x7d: {  	_ =	shalt  }
0x7e: {  	_ =	shalt  }
0x7f: {  	_ =	shalt  }
0x80: {  	_ =	shalt  }
0x81: {  	_ =	shalt  }
0x82: {  	_ =	shalt  }
0x83: {  	_ =	shalt  }
0x84: {  	_ =	shalt  }
0x85: {  	_ =	shalt  }
0x86: {  	_ =	shalt  }
0x87: {  	_ =	shalt  }
.Lfunc_end0:
.L_simem_size_0:
called_computation_lowered:
.L_overlay_start_0:
0x88: {  	s2 =	sld [smem:$0x3FD9]  }
0x89: {  	s3 =	sld [smem:$0x3FFE];
	_ =	sdelay $0x1  }
0x8a: {  	s1 =	srdreg.scid  }
0x8b: {  	s0 =	sand.u32 $0x1, s1  }
0x8c: {  	s17 =	sshll.u32 s0, $0xA;
	s2 =	sadd.s32 s3, s2  }
0x8d: {  	s2 =	sadd.s32 s2, s17  }
0x8e: {  	[smem:$0x3FC0] =	sst s2  }
0x8f: {  	_ = 	snop  }
0x90: {  	(tm) =	ssettm $0x1  }
0x91: {  	s18 =	sld [smem:$0x3FFB];
	_ =	sdelay $0x3  }
0x92: {  	_ =	strace s18  }
0x93: {  	s2 =	sld [smem:$0x3FFC];
	_ =	sdelay $0x3  }
0x94: {  	_ =	strace s2  }
0x95: {  	s2 =	sld [smem:$0x3FFD];
	_ =	sdelay $0x3  }
0x96: {  	_ =	strace s2  }
0x97: {  	_ =	strace $0x8FFFFFFF  }
0x98: {  	s19 =	sld [smem:$0x3FDB];
	_ =	sdelay $0x1  }
0x99: {  	s20 =	simm.s32 $_scs_section_size  }
0x9a: {  	s4 =	simm.s32 $_size__tile_overlayer_lowered;
	s5 =	simm.s32 $_tile_overlayer_lowered  }
0x9b: {  	s6 =	simm.s32 $0x1BFF;
	s21 =	sshll.u32 s5, $0x1;
	s3 =	sadd.s32 s20, s19  }
0x9c: {  	s22 =	simm.s32 $0x0;
	s4 =	sshll.u32 s4, $0x1;
	s5 =	sadd.s32 s21, s3  }
0x9d: {  	[timem:s22], [sflag:s6] =	dma.local [hbm:s5], s4  }
0x9e: {  	_ =	swait.ge [sflag:s6], s4  }
0x9f: {  	s4 =	ssub.s32 $0x0, s4;
	[sflag:s6] =	ssyncset.done $0x0  }
0xa0: {  	[sflag:s6] =	ssyncadd.s32 s4;
	_ =	sdelay $0x1  }
0xa1: {  	s23 =	simm.s32 $0x1B8B  }
0xa2: {  	_ =	swait.ge [sflag:s23], $0x1  }
0xa3: {  	[sflag:s23] =	ssyncset.done $0x0  }
0xa4: {  	[sflag:s23] =	ssyncadd.s32 $0xFFFFFFFF  }
0xa5: {  	s4 =	sld [smem:$0x0]  }
0xa6: {  	s5 =	sand.u32 $0xFFFFFFFE, s1  }
0xa7: {  	p0 =	sne.s32 s1, s5  }
0xa8: {  	s5 =	sshll.u32 @p0 s5, $0xE  }
0xa9: {  	s5 =	sadd.s32 @p0 $0x11B8D, s5;
	s6 =	sshll.u32 @p0 s4, $0x11  }
0xaa: {  	s5 =	sor.u32 @p0 s6, s5  }
0xab: {  	[sflag:s5] =	ssyncadd.remote.s32 @p0 $0x1;
	_ =	sdelay $0x1  }
0xac: {  	s5 =	simm.s32 @p0 $0x1B8D  }
0xad: {  	_ =	swait.eq @p0 [sflag:s5], $0x1  }
0xae: {  	[sflag:s5] =	ssyncadd.s32 @p0 $0xFFFFFFFF  }
0xaf: {  	s6 =	sshll.u32 @!p0 s1, $0xE  }
0xb0: {  	s6 =	sor.u32 @!p0 $0x4000, s6;
	s5 =	simm.s32 @!p0 $0x1B8D  }
0xb1: {  	s4 =	sshll.u32 @!p0 s4, $0x11;
	s6 =	sadd.s32 @!p0 $0x11B8D, s6;
	_ =	swait.eq @!p0 [sflag:s5], $0x1  }
0xb2: {  	s4 =	sor.u32 @!p0 s4, s6;
	[sflag:s5] =	ssyncadd.s32 @!p0 $0xFFFFFFFF  }
0xb3: {  	s25 =	simm.s32 $0x1B8E;
	s24 =	sld [smem:$0x3FFE];
	[sflag:s4] =	ssyncadd.remote.s32 @!p0 $0x1  }
0xb4: {  	s26 =	simm.s32 $execute0_lowered;
	[smem:$0x3FD2] =	sst s25  }
0xb5: {  	s5 =	sshll.u32 s26, $0x1;
	_ =	strace $0x80000049;
	[dreg:$0x1] =	wrdreg $0xFFFFFFFF  }
0xb6: {  	s28 =	simm.s32 $_size_execute0_lowered;
	s3 =	sadd.s32 s3, s5;
	[dreg:$0x0] =	wrdreg $0x0  }
0xb7: {  	s5 =	sshll.u32 s28, $0x1;
	[dreg:$0x2] =	wrdreg s3  }
0xb8: {  	[dreg:$0x3] =	wrdreg s5  }
0xb9: {  	[dreg:$0x4] =	wrdreg $0xC0  }
0xba: {  	_ =	task [dreg:s22], $0x5FFFF  }
0xbb: {  	[dreg:$0x1] =	wrdreg $0xFFFFFFFF  }
0xbc: {  	[dreg:$0x0] =	wrdreg $0x60  }
0xbd: {  	[dreg:$0x2] =	wrdreg s24  }
0xbe: {  	[dreg:$0x3] =	wrdreg $0x44000  }
0xbf: {  	[dreg:$0x4] =	wrdreg $0x9  }
0xc0: {  	_ =	task.clear_ibuf [dreg:s22], $0x5FFFF;
	_ =	strace $0x90000049  }
0xc1: {  	s29 =	simm.s32 $0x9;
	_ =	strace $0x8000004B  }
0xc2: {  	_ =	swait.ge [sflag:s29], $0x1  }
0xc3: {  	[sflag:s29] =	ssyncadd.s32 $0xFFFFFFFF  }
0xc4: {  	_ =	strace $0x9000004B  }
0xc5: {  	_ =	sfence  }
0xc6: {  	s30 =	sld [smem:$0x0];
	_ =	sdelay $0x2  }
0xc7: {  	s31 =	sshll.u32 s1, $0xD;
	s1 =	sshrl.u32 s1, $0x2  }
0xc8: {  	s4 =	sand.u32 $0x4000, s31;
	s1 =	sadd.s32 s1, s30  }
0xc9: {  	s0 =	sor.u32 s4, s0;
	s1 =	sshll.u32 s1, $0x11  }
0xca: {  	s0 =	sor.u32 s1, s0  }
0xcb: {  	s0 =	sadd.s32 $0x8F2B, s0  }
0xcc: {  	[sflag:s0] =	ssyncadd.remote.s32 $0x1  }
0xcd: {  	_ =	sfence.sel $0xFFFF  }
0xce: {  	[dreg:$0x0] =	wrdreg $0xFFFFFFFF;
	(pc) =	sbr.abs _section_cstart, $3  }
0xcf: {  	[dreg:$0x1] =	wrdreg $0xFFFFFFFF  }
0xd0: {  	_ =	task.clear_ibuf [dreg:s22], $0x2FFFF;
	_ =	strace $0x9FFFFFFF  }
0xd1: {  	(tm) =	ssettm $0x7FFFFFFF  }
tec
execute0_lowered:
.L_overlay_start_1:
0x0: {  	(tag) =	ssettag $0x1  }
0x1: {  	s1 =	srdreg.scid;
	s5 =	rddreg [dreg:$0x0]  }
0x2: {  	s0 =	stileid.u32;
	s2 =	rddreg [dreg:$0x1];
	s3 =	simm.s32 $0x0  }
0x3: {  	s19 =	simm.s32 $0x80;
	s20 =	simm.s32 $0x400;
	s21 =	simm.s32 $0x100  }
0x4: {  	s22 =	simm.s32 $0x180;
	s23 =	simm.s32 $0x200;
	s24 =	simm.s32 $0x280  }
0x5: {  	s25 =	simm.s32 $0x300;
	s26 =	simm.s32 $0x380;
	s4 =	smul.u32 $0x5000, s0  }
0x6: {  	s28 =	simm.s32 $0x0;
	s8 =	sand.u32 $0x1, s1;
	s7 =	smul.u32 $0x4F000, s0  }
0x7: {  	[smem:$0x7FF] =	sst s3;
	s14 =	sadd.s32 $0x65000, s5;
	s9 =	sadd.s32 $0x128400, s2  }
0x8: {  	s15 =	smul.u32 $0x13C00, s0;
	s12 =	sadd.s32 $0x134400, s2;
	p0 =	seq.s32 s0, $0xF  }
0x9: {  	s6 =	smul.u32 $0x2800, s8;
	_ =	strace $0x8000004A;
	s10 =	ssub.s32 $0x2, s8  }
0xa: {  	s13 =	smul.u32 $0x139000, s8;
	s31 =	sshrl.u32 s7, $0x2;
	s11 =	sshrl.u32 s10, $0x1  }
0xb: {  	s4 =	sadd.s32 s6, s4;
	s16 =	ssub.s32 s10, s11;
	s10 =	sadd.s32 $0x12C400, s2  }
0xc: {  	s11 =	sadd.s32 $0x130400, s2;
	s15 =	sadd.s32 s15, s13;
	s18 =	sshrl.u32 s13, $0x3  }
0xd: {  	s13 =	sadd.s32 $0x138400, s2;
	s4 =	sshrl.u32 s4, $0x3;
	s15 =	sshrl.u32 s15, $0x3  }
0xe: {  	s18 =	sadd.s32 s14, s18;
	s16 =	smax.u32 s16, $0x1;
	s17 =	sadd.s32 s4, s5  }
0xf: {  	s4 =	sadd.s32 s31, s2;
	s14 =	sadd.s32 s14, s15;
	s15 =	sadd.s32 $0x25080, s18  }
0x10: {  	s18 =	simm.s32 $0x1;
	s5 =	sadd.s32 $0x4000, s4;
	s6 =	sadd.s32 $0x8000, s4  }
0x11: {  	v0 =	vimm.f32 $0.0e+00;
	v1 =	vimm.f32 $1.000000000e+00;
	s7 =	sadd.s32 $0xC000, s4;
	s8 =	sadd.s32 $0x10000, s4;
	s17 =	sadd.s32 $0xCC00, s17  }
.LBB2_1:
0x12: {  	s29 =	simm.s32 $0x0;
	s30 =	simm.s32 $0x200  }
.LBB2_2:
0x13: {  	p1 =	sne.s32 s30, $0xFE00;
	[tilespmem:s29+$0x470] =	vst v0  }
0x14: {  	[tilespmem:s29+$0x400] =	vst v0  }
0x15: {  	[tilespmem:s29+$0x410] =	vst v0  }
.Ltmp0:
0x16: {  	[tilespmem:s29+$0x420] =	vst v0;
	(pc) =	sbr.rel @p1 .LBB2_2-.Ltmp0, $4  }
0x17: {  	[tilespmem:s29+$0x430] =	vst v0  }
0x18: {  	[tilespmem:s29+$0x440] =	vst v0  }
0x19: {  	[tilespmem:s29+$0x450] =	vst v0  }
0x1a: {  	[tilespmem:s29+$0x460] =	vst v0;
	s29 =	sshra.s32 s30, $0x2;
	s30 =	sadd.s32 $0x200, s30  }
0x1b: {  	[tilespmem:s29+$0x470] =	vst v0  }
0x1c: {  	[tilespmem:s29+$0x400] =	vst v0  }
0x1d: {  	[tilespmem:s29+$0x410] =	vst v0  }
0x1e: {  	[tilespmem:s29+$0x420] =	vst v0  }
0x1f: {  	[tilespmem:s29+$0x430] =	vst v0  }
0x20: {  	[tilespmem:s29+$0x440] =	vst v0  }
0x21: {  	[tilespmem:s29+$0x450] =	vst v0  }
0x22: {  	[tilespmem:s29+$0x460] =	vst v0;
	s29 =	simm.s32 @p0 $0x400;
	s30 =	simm.s32 @p0 $0x1  }
0x23: {  	[spmem:s9] =	stream.linear.scatter @p0 [tilespmem:s29], [sflag:$0x1], $0x4000, $0x38;
	[tilespmem:$0x17D00] =	vst v63  }
0x24: {  	_ =	swait.ge @p0 [sflag:s30], $0x4000  }
0x25: {  	[sflag:s30] =	ssyncset.done @p0 $0x0  }
0x26: {  	[sflag:s30] =	ssyncadd.s32 @p0 $0xFFFFC000  }
0x27: {  	[spmem:s10] =	stream.linear.scatter @p0 [tilespmem:s29], [sflag:$0x1], $0x4000, $0x38;
	[tilespmem:$0x17D00] =	vst v63  }
0x28: {  	_ =	swait.ge @p0 [sflag:s30], $0x4000  }
0x29: {  	[sflag:s30] =	ssyncset.done @p0 $0x0  }
0x2a: {  	[sflag:s30] =	ssyncadd.s32 @p0 $0xFFFFC000  }
0x2b: {  	[spmem:s11] =	stream.linear.scatter @p0 [tilespmem:s29], [sflag:$0x1], $0x4000, $0x38;
	[tilespmem:$0x17D00] =	vst v63  }
0x2c: {  	_ =	swait.ge @p0 [sflag:s30], $0x4000  }
0x2d: {  	[sflag:s30] =	ssyncset.done @p0 $0x0  }
0x2e: {  	[sflag:s30] =	ssyncadd.s32 @p0 $0xFFFFC000  }
0x2f: {  	[spmem:s12] =	stream.linear.scatter @p0 [tilespmem:s29], [sflag:$0x1], $0x4000, $0x38;
	[tilespmem:$0x17D00] =	vst v63  }
0x30: {  	_ =	swait.ge @p0 [sflag:s30], $0x4000  }
0x31: {  	[sflag:s30] =	ssyncset.done @p0 $0x0  }
0x32: {  	[sflag:s30] =	ssyncadd.s32 @p0 $0xFFFFC000  }
0x33: {  	[spmem:s13] =	stream.linear.scatter @p0 [tilespmem:s29], [sflag:$0x1], $0xC00, $0x38;
	[tilespmem:$0x17D00] =	vst v63  }
0x34: {  	_ =	swait.ge @p0 [sflag:s30], $0xC00  }
0x35: {  	[sflag:s30] =	ssyncset.done @p0 $0x0  }
0x36: {  	s29 =	simm.s32 @!p0 $0x400;
	[sflag:s30] =	ssyncadd.s32 @p0 $0xFFFFF400;
	s30 =	simm.s32 @!p0 $0x1  }
0x37: {  	[spmem:s4] =	stream.linear.scatter @!p0 [tilespmem:s29], [sflag:$0x1], $0x4000, $0x38;
	[tilespmem:$0x17D00] =	vst v63  }
0x38: {  	_ =	swait.ge @!p0 [sflag:s30], $0x4000  }
0x39: {  	[sflag:s30] =	ssyncset.done @!p0 $0x0  }
0x3a: {  	[sflag:s30] =	ssyncadd.s32 @!p0 $0xFFFFC000  }
0x3b: {  	[spmem:s5] =	stream.linear.scatter @!p0 [tilespmem:s29], [sflag:$0x1], $0x4000, $0x38;
	[tilespmem:$0x17D00] =	vst v63  }
0x3c: {  	_ =	swait.ge @!p0 [sflag:s30], $0x4000  }
0x3d: {  	[sflag:s30] =	ssyncset.done @!p0 $0x0  }
0x3e: {  	[sflag:s30] =	ssyncadd.s32 @!p0 $0xFFFFC000  }
0x3f: {  	[spmem:s6] =	stream.linear.scatter @!p0 [tilespmem:s29], [sflag:$0x1], $0x4000, $0x38;
	[tilespmem:$0x17D00] =	vst v63  }
0x40: {  	_ =	swait.ge @!p0 [sflag:s30], $0x4000  }
0x41: {  	[sflag:s30] =	ssyncset.done @!p0 $0x0  }
0x42: {  	[sflag:s30] =	ssyncadd.s32 @!p0 $0xFFFFC000  }
0x43: {  	[spmem:s7] =	stream.linear.scatter @!p0 [tilespmem:s29], [sflag:$0x1], $0x4000, $0x38;
	[tilespmem:$0x17D00] =	vst v63  }
0x44: {  	_ =	swait.ge @!p0 [sflag:s30], $0x4000  }
0x45: {  	[sflag:s30] =	ssyncset.done @!p0 $0x0  }
0x46: {  	[sflag:s30] =	ssyncadd.s32 @!p0 $0xFFFFC000  }
0x47: {  	[spmem:s8] =	stream.linear.scatter @!p0 [tilespmem:s29], [sflag:$0x1], $0x3C00, $0x38;
	[tilespmem:$0x17D00] =	vst v63  }
0x48: {  	_ =	swait.ge @!p0 [sflag:s30], $0x3C00  }
0x49: {  	[sflag:s30] =	ssyncset.done @!p0 $0x0  }
0x4a: {  	s29 =	simm.s32 $0x0;
	[sflag:s30] =	ssyncadd.s32 @!p0 $0xFFFFC400;
	s30 =	simm.s32 $0x200  }
.LBB2_4:
0x4b: {  	p1 =	sne.s32 s30, $0xFE00;
	[tilespmem:s29+$0x470] =	vst v1  }
0x4c: {  	[tilespmem:s29+$0x400] =	vst v1  }
0x4d: {  	[tilespmem:s29+$0x410] =	vst v1  }
.Ltmp1:
0x4e: {  	[tilespmem:s29+$0x420] =	vst v1;
	(pc) =	sbr.rel @p1 .LBB2_4-.Ltmp1, $4  }
0x4f: {  	[tilespmem:s29+$0x430] =	vst v1  }
0x50: {  	[tilespmem:s29+$0x440] =	vst v1  }
0x51: {  	[tilespmem:s29+$0x450] =	vst v1  }
0x52: {  	[tilespmem:s29+$0x460] =	vst v1;
	s29 =	sshra.s32 s30, $0x2;
	s30 =	sadd.s32 $0x200, s30  }
0x53: {  	[tilespmem:s29+$0x470] =	vst v1  }
0x54: {  	[tilespmem:s29+$0x400] =	vst v1  }
0x55: {  	[tilespmem:s29+$0x410] =	vst v1  }
0x56: {  	[tilespmem:s29+$0x420] =	vst v1  }
0x57: {  	[tilespmem:s29+$0x430] =	vst v1  }
0x58: {  	[tilespmem:s29+$0x440] =	vst v1  }
0x59: {  	[tilespmem:s29+$0x450] =	vst v1  }
0x5a: {  	[tilespmem:s29+$0x460] =	vst v1  }
0x5b: {  	s29 =	sadd.s32 $0x0, s17;
	[bflag:$0x0] =	sbarrier.arrive $0xFFFF  }
0x5c: {  	[tilespmem:s3], [sflag:$0x1] =	stream.linear.gather [hbm4b:s29+s3], $0x400, $0x38;
	[tilespmem:$0x17D00] =	vst v63  }
0x5d: {  	_ =	swait.ge [sflag:s18], $0x400  }
0x5e: {  	[sflag:s18] =	ssyncset.done $0x0  }
0x5f: {  	[sflag:s18] =	ssyncadd.s32 $0xFFFFFC00  }
0x60: {  	[spmem:s2] =	stream.indirect.scatter.add.f32 [tilespmem:s20], [sflag:$0x1], $0x80, s3, s19, $0xb8;
	[tilespmem:$0x17D00] =	vst v63  }
0x61: {  	_ =	swait.ge [sflag:s18], $0x4000  }
0x62: {  	[sflag:s18] =	ssyncset.done $0x0  }
0x63: {  	[sflag:s18] =	ssyncadd.s32 $0xFFFFC000  }
0x64: {  	[spmem:s2] =	stream.indirect.scatter.add.f32 [tilespmem:s20], [sflag:$0x1], $0x80, s19, s19, $0xb8;
	[tilespmem:$0x17D00] =	vst v63  }
0x65: {  	_ =	swait.ge [sflag:s18], $0x4000  }
0x66: {  	[sflag:s18] =	ssyncset.done $0x0  }
0x67: {  	[sflag:s18] =	ssyncadd.s32 $0xFFFFC000  }
0x68: {  	[spmem:s2] =	stream.indirect.scatter.add.f32 [tilespmem:s20], [sflag:$0x1], $0x80, s21, s19, $0xb8;
	[tilespmem:$0x17D00] =	vst v63  }
0x69: {  	_ =	swait.ge [sflag:s18], $0x4000  }
0x6a: {  	[sflag:s18] =	ssyncset.done $0x0  }
0x6b: {  	[sflag:s18] =	ssyncadd.s32 $0xFFFFC000  }
0x6c: {  	[spmem:s2] =	stream.indirect.scatter.add.f32 [tilespmem:s20], [sflag:$0x1], $0x80, s22, s19, $0xb8;
	[tilespmem:$0x17D00] =	vst v63  }
0x6d: {  	_ =	swait.ge [sflag:s18], $0x4000  }
0x6e: {  	[sflag:s18] =	ssyncset.done $0x0  }
0x6f: {  	[sflag:s18] =	ssyncadd.s32 $0xFFFFC000  }
0x70: {  	[spmem:s2] =	stream.indirect.scatter.add.f32 [tilespmem:s20], [sflag:$0x1], $0x80, s23, s19, $0xb8;
	[tilespmem:$0x17D00] =	vst v63  }
0x71: {  	_ =	swait.ge [sflag:s18], $0x4000  }
0x72: {  	[sflag:s18] =	ssyncset.done $0x0  }
0x73: {  	[sflag:s18] =	ssyncadd.s32 $0xFFFFC000  }
0x74: {  	[spmem:s2] =	stream.indirect.scatter.add.f32 [tilespmem:s20], [sflag:$0x1], $0x80, s24, s19, $0xb8;
	[tilespmem:$0x17D00] =	vst v63  }
0x75: {  	_ =	swait.ge [sflag:s18], $0x4000  }
0x76: {  	[sflag:s18] =	ssyncset.done $0x0  }
0x77: {  	[sflag:s18] =	ssyncadd.s32 $0xFFFFC000  }
0x78: {  	[spmem:s2] =	stream.indirect.scatter.add.f32 [tilespmem:s20], [sflag:$0x1], $0x80, s25, s19, $0xb8;
	[tilespmem:$0x17D00] =	vst v63  }
0x79: {  	_ =	swait.ge [sflag:s18], $0x4000  }
0x7a: {  	[sflag:s18] =	ssyncset.done $0x0  }
0x7b: {  	[sflag:s18] =	ssyncadd.s32 $0xFFFFC000  }
0x7c: {  	[spmem:s2] =	stream.indirect.scatter.add.f32 [tilespmem:s20], [sflag:$0x1], $0x80, s26, s19, $0xb8;
	[tilespmem:$0x17D00] =	vst v63  }
0x7d: {  	_ =	swait.ge [sflag:s18], $0x4000  }
0x7e: {  	s31 =	simm.s32 $0x100;
	s29 =	simm.s32 $0x80;
	[sflag:s18] =	ssyncset.done $0x0  }
.LBB2_6:
0x7f: {  	s1 =	sadd.s32 s29, s17  }
0x80: {  	[sflag:s18] =	ssyncadd.s32 $0xFFFFC000;
	s29 =	smov.u32 s31;
	s30 =	sadd.s32 $0x80, s31  }
0x81: {  	[tilespmem:s3], [sflag:$0x1] =	stream.linear.gather [hbm4b:s1+s3], $0x400, $0x38;
	[tilespmem:$0x17D00] =	vst v63  }
0x82: {  	p1 =	sne.s32 s31, $0x480;
	_ =	swait.ge [sflag:s18], $0x400  }
0x83: {  	[sflag:s18] =	ssyncset.done $0x0  }
0x84: {  	[sflag:s18] =	ssyncadd.s32 $0xFFFFFC00  }
0x85: {  	[spmem:s2] =	stream.indirect.scatter.add.f32 [tilespmem:s20], [sflag:$0x1], $0x80, s3, s19, $0xb8;
	[tilespmem:$0x17D00] =	vst v63  }
0x86: {  	_ =	swait.ge [sflag:s18], $0x4000  }
0x87: {  	[sflag:s18] =	ssyncset.done $0x0  }
0x88: {  	[sflag:s18] =	ssyncadd.s32 $0xFFFFC000  }
0x89: {  	[spmem:s2] =	stream.indirect.scatter.add.f32 [tilespmem:s20], [sflag:$0x1], $0x80, s19, s19, $0xb8;
	[tilespmem:$0x17D00] =	vst v63  }
0x8a: {  	_ =	swait.ge [sflag:s18], $0x4000  }
0x8b: {  	[sflag:s18] =	ssyncset.done $0x0  }
0x8c: {  	[sflag:s18] =	ssyncadd.s32 $0xFFFFC000  }
0x8d: {  	[spmem:s2] =	stream.indirect.scatter.add.f32 [tilespmem:s20], [sflag:$0x1], $0x80, s21, s19, $0xb8;
	[tilespmem:$0x17D00] =	vst v63  }
0x8e: {  	_ =	swait.ge [sflag:s18], $0x4000  }
0x8f: {  	[sflag:s18] =	ssyncset.done $0x0  }
0x90: {  	[sflag:s18] =	ssyncadd.s32 $0xFFFFC000  }
0x91: {  	[spmem:s2] =	stream.indirect.scatter.add.f32 [tilespmem:s20], [sflag:$0x1], $0x80, s22, s19, $0xb8;
	[tilespmem:$0x17D00] =	vst v63  }
0x92: {  	_ =	swait.ge [sflag:s18], $0x4000  }
0x93: {  	[sflag:s18] =	ssyncset.done $0x0  }
0x94: {  	[sflag:s18] =	ssyncadd.s32 $0xFFFFC000  }
0x95: {  	[spmem:s2] =	stream.indirect.scatter.add.f32 [tilespmem:s20], [sflag:$0x1], $0x80, s23, s19, $0xb8;
	[tilespmem:$0x17D00] =	vst v63  }
0x96: {  	_ =	swait.ge [sflag:s18], $0x4000  }
0x97: {  	[sflag:s18] =	ssyncset.done $0x0  }
0x98: {  	[sflag:s18] =	ssyncadd.s32 $0xFFFFC000  }
0x99: {  	[spmem:s2] =	stream.indirect.scatter.add.f32 [tilespmem:s20], [sflag:$0x1], $0x80, s24, s19, $0xb8;
	[tilespmem:$0x17D00] =	vst v63  }
0x9a: {  	_ =	swait.ge [sflag:s18], $0x4000  }
0x9b: {  	[sflag:s18] =	ssyncset.done $0x0  }
0x9c: {  	[sflag:s18] =	ssyncadd.s32 $0xFFFFC000  }
0x9d: {  	[spmem:s2] =	stream.indirect.scatter.add.f32 [tilespmem:s20], [sflag:$0x1], $0x80, s25, s19, $0xb8;
	[tilespmem:$0x17D00] =	vst v63  }
0x9e: {  	_ =	swait.ge [sflag:s18], $0x4000  }
.Ltmp2:
0x9f: {  	[sflag:s18] =	ssyncset.done $0x0;
	(pc) =	sbr.rel @p1 .LBB2_6-.Ltmp2, $4  }
0xa0: {  	[sflag:s18] =	ssyncadd.s32 $0xFFFFC000  }
0xa1: {  	[spmem:s2] =	stream.indirect.scatter.add.f32 [tilespmem:s20], [sflag:$0x1], $0x80, s26, s19, $0xb8;
	[tilespmem:$0x17D00] =	vst v63  }
0xa2: {  	_ =	swait.ge [sflag:s18], $0x4000  }
0xa3: {  	s31 =	smov.u32 s30;
	[sflag:s18] =	ssyncset.done $0x0  }
0xa4: {  	s1 =	sadd.s32 s29, s17;
	[sflag:s18] =	ssyncadd.s32 $0xFFFFC000  }
0xa5: {  	[tilespmem:s3], [sflag:$0x1] =	stream.linear.gather [hbm4b:s1+s3], $0x400, $0x38;
	[tilespmem:$0x17D00] =	vst v63  }
0xa6: {  	_ =	swait.ge [sflag:s18], $0x400  }
0xa7: {  	[sflag:s18] =	ssyncset.done $0x0  }
0xa8: {  	[sflag:s18] =	ssyncadd.s32 $0xFFFFFC00  }
0xa9: {  	[spmem:s2] =	stream.indirect.scatter.add.f32 [tilespmem:s20], [sflag:$0x1], $0x80, s3, s19, $0xb8;
	[tilespmem:$0x17D00] =	vst v63  }
0xaa: {  	_ =	swait.ge [sflag:s18], $0x4000  }
0xab: {  	[sflag:s18] =	ssyncset.done $0x0  }
0xac: {  	[sflag:s18] =	ssyncadd.s32 $0xFFFFC000  }
0xad: {  	[spmem:s2] =	stream.indirect.scatter.add.f32 [tilespmem:s20], [sflag:$0x1], $0x80, s19, s19, $0xb8;
	[tilespmem:$0x17D00] =	vst v63  }
0xae: {  	_ =	swait.ge [sflag:s18], $0x4000  }
0xaf: {  	[sflag:s18] =	ssyncset.done $0x0  }
0xb0: {  	[sflag:s18] =	ssyncadd.s32 $0xFFFFC000  }
0xb1: {  	[spmem:s2] =	stream.indirect.scatter.add.f32 [tilespmem:s20], [sflag:$0x1], $0x80, s21, s19, $0xb8;
	[tilespmem:$0x17D00] =	vst v63  }
0xb2: {  	_ =	swait.ge [sflag:s18], $0x4000  }
0xb3: {  	[sflag:s18] =	ssyncset.done $0x0  }
0xb4: {  	[sflag:s18] =	ssyncadd.s32 $0xFFFFC000  }
0xb5: {  	[spmem:s2] =	stream.indirect.scatter.add.f32 [tilespmem:s20], [sflag:$0x1], $0x80, s22, s19, $0xb8;
	[tilespmem:$0x17D00] =	vst v63  }
0xb6: {  	_ =	swait.ge [sflag:s18], $0x4000  }
0xb7: {  	[sflag:s18] =	ssyncset.done $0x0  }
0xb8: {  	[sflag:s18] =	ssyncadd.s32 $0xFFFFC000  }
0xb9: {  	[spmem:s2] =	stream.indirect.scatter.add.f32 [tilespmem:s20], [sflag:$0x1], $0x80, s23, s19, $0xb8;
	[tilespmem:$0x17D00] =	vst v63  }
0xba: {  	_ =	swait.ge [sflag:s18], $0x4000  }
0xbb: {  	[sflag:s18] =	ssyncset.done $0x0  }
0xbc: {  	[sflag:s18] =	ssyncadd.s32 $0xFFFFC000  }
0xbd: {  	[spmem:s2] =	stream.indirect.scatter.add.f32 [tilespmem:s20], [sflag:$0x1], $0x80, s24, s19, $0xb8;
	[tilespmem:$0x17D00] =	vst v63  }
0xbe: {  	_ =	swait.ge [sflag:s18], $0x4000  }
0xbf: {  	[sflag:s18] =	ssyncset.done $0x0  }
0xc0: {  	[sflag:s18] =	ssyncadd.s32 $0xFFFFC000  }
0xc1: {  	[spmem:s2] =	stream.indirect.scatter.add.f32 [tilespmem:s20], [sflag:$0x1], $0x80, s25, s19, $0xb8;
	[tilespmem:$0x17D00] =	vst v63  }
0xc2: {  	_ =	swait.ge [sflag:s18], $0x4000  }
0xc3: {  	[sflag:s18] =	ssyncset.done $0x0  }
0xc4: {  	[sflag:s18] =	ssyncadd.s32 $0xFFFFC000  }
0xc5: {  	[spmem:s2] =	stream.indirect.scatter.add.f32 [tilespmem:s20], [sflag:$0x1], $0x80, s26, s19, $0xb8;
	[tilespmem:$0x17D00] =	vst v63  }
0xc6: {  	_ =	swait.ge [sflag:s18], $0x4000  }
0xc7: {  	[sflag:s18] =	ssyncset.done $0x0  }
0xc8: {  	[sflag:s18] =	ssyncadd.s32 $0xFFFFC000  }
0xc9: {  	s29 =	simm.s32 @p0 $0x1FC1;
	s1 =	sshrl.u32 @p0 s9, $0x3;
	[bflag:$0x0] =	sbarrier.arrive $0xFFFF  }
0xca: {  	[hbm:s15], [sflag:s29] =	dma.local @p0 [spmem:s1], $0x2180  }
0xcb: {  	s1 =	simm.s32 @p0 $0x1  }
0xcc: {  	s28 =	sadd.s32 $0x1, s28;
	_ =	swait.ge @p0 [sflag:s1], $0x2180  }
0xcd: {  	p1 =	sne.s32 s28, s16;
	s29 =	sshll.u32 @!p0 s0, $0x6;
	[sflag:s1] =	ssyncset.done @p0 $0x0  }
0xce: {  	[sflag:s1] =	ssyncadd.s32 @p0 $0xFFFFDE80;
	s1 =	sor.u32 @!p0 $0x1C01, s29;
	s29 =	sshrl.u32 @!p0 s4, $0x3  }
0xcf: {  	[hbm:s14], [sflag:s1] =	dma.local @!p0 [spmem:s29], $0x2780  }
.Ltmp3:
0xd0: {  	_ = 	snop;
	(pc) =	sbr.rel @p1 .LBB2_1-.Ltmp3, $4  }
0xd1: {  	s1 =	simm.s32 @!p0 $0x1  }
0xd2: {  	_ =	swait.ge @!p0 [sflag:s1], $0x2780  }
0xd3: {  	[sflag:s1] =	ssyncset.done @!p0 $0x0  }
0xd4: {  	[sflag:s1] =	ssyncadd.s32 @!p0 $0xFFFFD880  }
0xd5: {  	_ =	sfence.sel $0x180000  }
0xd6: {  	[bflag:$0x0] =	sbarrier.arrive $0xFFFF  }
0xd7: {  	_ =	strace $0x9000004A  }
0xd8: {  	[bflag:$0x2] =	sbarrier.arrive $0xFFFF  }
0xd9: {  	p0 =	sne.s32 s0, $0x0;
	s0 =	rddreg [dreg:$0x2]  }
0xda: {  	s0 =	sadd.s32 @!p0 $0x100000, s0  }
0xdb: {  	[sflag:s0] =	ssyncadd.tile.s32 @!p0 $0x1;
	_ =	shalt  }
.Lfunc_end2:
_tile_overlayer_lowered:
.L_overlay_start_2:
0xdc: {  	(tag) =	ssettag $0x2  }
0xdd: {  	s0 =	rddreg [dreg:$0x0];
	s2 =	stileid.u32  }
0xde: {  	s1 =	rddreg [dreg:$0x1];
	p0 =	sne.s32 s2, $0x0  }
0xdf: {  	s3 =	rddreg [dreg:$0x2];
	[bflag:$0x3] =	sbarrier.arrive $0xFFFF;
	s2 =	simm.s32 @!p0 $0x1C01  }
0xe0: {  	[timem:s3], [sflag:s2] =	dma.local @!p0 [hbm:s0], s1  }
0xe1: {  	s0 =	simm.s32 @!p0 $0x1  }
0xe2: {  	_ =	swait.ge @!p0 [sflag:s0], s1  }
0xe3: {  	s1 =	ssub.s32 @!p0 $0x0, s1;
	[sflag:s0] =	ssyncset.done @!p0 $0x0  }
0xe4: {  	[sflag:s0] =	ssyncadd.s32 @!p0 s1  }
0xe5: {  	[bflag:$0x3] =	sbarrier.arrive $0xFFFF  }
0xe6: {  	_ =	shalt  }

</sc_bundles>
